<compile_context>
chip_gen: v7x
topology: tpu7x:2x2x1
jax: 0.10.2.dev20260603
libtpu: 0.0.44.dev20260713+nightly
codegen_flags: <defaults>
</compile_context>

<pallas_src>
import jax
import jax.numpy as jnp
from jax import lax
from jax.experimental import pallas as pl
from jax.experimental.pallas import tpu as pltpu
from jax.experimental.pallas import tpu_sc as plsc

D_MODEL = 2048
N_GROUPS = 4
KEEP_RATE = 0.9
TOPK = 8
B_SZ, S_SZ = 2, 2048
T_TOKENS = B_SZ * S_SZ
TOK_TILE = 512

NUM_WORKERS = 32
T_PER_W = T_TOKENS // NUM_WORKERS
W_PER_B = S_SZ // T_PER_W
L = 16



def _gates_body(x_ref, wa_ref, ba_ref, wk_ref, bk_ref, wta_ref, bta_ref,
                wtk_ref, btk_ref, emb_ref, eg_ref, embn_ref, wcat_ref):
    @pl.when(pl.program_id(0) == 0)
    def _():
        emb = emb_ref[...]
        nrm = jnp.sqrt(jnp.sum(emb * emb, axis=1, keepdims=True))
        embn_ref[...] = emb / (nrm + 1e-8)
        wcat_ref[:, 0:384] = wa_ref[...]
        wcat_ref[:, 384:512] = wk_ref[...]
        wcat_ref[:, 512:640] = jnp.concatenate(
            [wta_ref[...], wtk_ref[...],
             jnp.zeros((D_MODEL, 124), jnp.float32)], axis=1)

    emb_n = embn_ref[...]
    bt = jnp.concatenate([bta_ref[...], btk_ref[...]])

    x = x_ref[0]
    h = jnp.dot(x, wcat_ref[...], preferred_element_type=jnp.float32)
    h_attn = (h[:, 0:384] + ba_ref[...]) / KEEP_RATE
    h_know = (h[:, 384:512] + bk_ref[...]) / KEEP_RATE
    tau = h[:, 512:516] + bt

    outs = []
    for g in range(N_GROUPS):
        h_g = h_know if g == 3 else h_attn[:, 128 * g:128 * (g + 1)]
        if g <= 1:
            emb_g = emb_n[0:64]
        elif g == 2:
            emb_g = emb_n[64:128]
        else:
            emb_g = emb_n[128:192]
        scores = lax.dot_general(
            h_g, emb_g, (((1,), (1,)), ((), ())),
            preferred_element_type=jnp.float32)
        raw = scores - tau[:, g:g + 1]
        gate = jnp.where(raw > 0, raw, 1e-8 * jnp.exp(raw))
        outs.append(jnp.exp(gate) - 1.0)
    eg_ref[...] = jnp.concatenate(outs, axis=1)


def _compute_gates(x, W_attn, b_attn, W_know, b_know,
                   W_tau_attn, b_tau_attn, W_tau_know, b_tau_know, emb):
    steps = S_SZ // TOK_TILE
    full = lambda shape: pl.BlockSpec(shape, lambda i: tuple(0 for _ in shape))
    return pl.pallas_call(
        _gates_body,
        grid=(B_SZ * steps,),
        in_specs=[
            pl.BlockSpec((1, TOK_TILE, D_MODEL),
                         lambda i: (i // steps, i % steps, 0)),
            full((D_MODEL, 384)), full((384,)),
            full((D_MODEL, 128)), full((128,)),
            full((D_MODEL, 3)), full((3,)),
            full((D_MODEL, 1)), full((1,)),
            full((192, 128)),
        ],
        out_specs=pl.BlockSpec((TOK_TILE, 256), lambda i: (i, 0)),
        out_shape=jax.ShapeDtypeStruct((T_TOKENS, 256), jnp.float32),
        scratch_shapes=[pltpu.VMEM((192, 128), jnp.float32),
                        pltpu.VMEM((D_MODEL, 640), jnp.float32)],
    )(x, W_attn, b_attn, W_know, b_know,
      W_tau_attn, b_tau_attn, W_tau_know, b_tau_know, emb)



def _gather16(x, idx):
    dn = lax.GatherDimensionNumbers(
        offset_dims=(), collapsed_slice_dims=(0,), start_index_map=(0,))
    return lax.gather(x, idx.reshape(L, 1), dn, (1,),
                      mode=lax.GatherScatterMode.PROMISE_IN_BOUNDS)


def _router_body(eg_hbm, v0, i0, v1, i1, v2, i2, v3, i3, part_hbm,
                 eg_v, sv_v, si_v, acc_v):
    wid = lax.axis_index("s") * 2 + lax.axis_index("c")
    base = wid * T_PER_W

    pltpu.sync_copy(eg_hbm.at[pl.ds(base, T_PER_W)], eg_v)

    zero16 = jnp.zeros((L,), jnp.float32)
    for i in range(256 // L):
        acc_v[pl.ds(L * i, L)] = zero16

    iota = lax.iota(jnp.int32, L)
    vidx = [iota + L * j for j in range(4)]
    nidx = [-1.0 - (iota + L * j).astype(jnp.float32) for j in range(4)]
    idx7 = jnp.full((L,), TOPK - 1, jnp.int32)
    idx0 = jnp.zeros((L,), jnp.int32)
    row8 = iota % 8
    lo8 = iota < 8

    def one_token(t, g):
        col0 = 64 * g
        e = [eg_v[t, pl.ds(col0 + L * j, L)] for j in range(4)]
        srt = [
            plsc.sort_key_val(jnp.where(e[j] > 0, e[j], nidx[j]), vidx[j],
                              descending=(j % 2 == 0))
            for j in range(4)
        ]

        def max_merge(a, b, descending):
            m = a[0] >= b[0]
            return plsc.sort_key_val(jnp.where(m, a[0], b[0]),
                                     jnp.where(m, a[1], b[1]),
                                     descending=descending)

        k01 = max_merge(srt[0], srt[1], True)
        k23 = max_merge(srt[2], srt[3], False)
        kt, vt = max_merge(k01, k23, True)

        thr = jnp.maximum(_gather16(kt, idx7), 0.0)
        mxv = jnp.maximum(_gather16(kt, idx0), 0.0)
        kept = [jnp.where(e[j] >= thr, e[j], 0.0) for j in range(4)]
        tot = lax.reduce_sum_p.bind(
            kept[0] + kept[1] + kept[2] + kept[3], axes=(0,))
        tot_b = lax.broadcast_in_dim(tot, (L,), ())
        ex = jnp.exp(2.0 * jnp.minimum(mxv, 20.0))
        strength = (ex - 1.0) / (ex + 1.0)
        scale = strength / (tot_b + 1e-8)

        for j in range(4):
            plsc.addupdate(acc_v.at[pl.ds(col0 + L * j, L)], kept[j] * scale)
        return jnp.maximum(kt, 0.0) * scale, vt

    @plsc.parallel_loop(0, T_PER_W, 1, unroll=2)
    def token_body(t):
        col = lax.broadcast_in_dim(t, (L,), ()).astype(jnp.int32)
        for g in range(N_GROUPS):
            va, ia = one_token(t, g)
            plsc.store_scatter(sv_v.at[g], [row8, col], va, mask=lo8)
            plsc.store_scatter(si_v.at[g], [row8, col], ia, mask=lo8)

    b = wid // W_PER_B
    scol = (wid % W_PER_B) * T_PER_W
    for g, ref in enumerate([v0, v1, v2, v3]):
        pltpu.sync_copy(sv_v.at[g], ref.at[b, :, pl.ds(scol, T_PER_W)])
    for g, ref in enumerate([i0, i1, i2, i3]):
        pltpu.sync_copy(si_v.at[g], ref.at[b, :, pl.ds(scol, T_PER_W)])
    pltpu.sync_copy(acc_v, part_hbm.at[wid])


def _route(eg):
    mesh = plsc.VectorSubcoreMesh(core_axis_name="c", subcore_axis_name="s")
    tv = jax.ShapeDtypeStruct((B_SZ, TOPK, S_SZ), jnp.float32)
    ti = jax.ShapeDtypeStruct((B_SZ, TOPK, S_SZ), jnp.int32)
    return pl.kernel(
        _router_body,
        out_type=[tv, ti, tv, ti, tv, ti, tv, ti,
                  jax.ShapeDtypeStruct((NUM_WORKERS, 256), jnp.float32)],
        mesh=mesh,
        scratch_types=[
            pltpu.VMEM((T_PER_W, 256), jnp.float32),
            pltpu.VMEM((N_GROUPS, TOPK, T_PER_W), jnp.float32),
            pltpu.VMEM((N_GROUPS, TOPK, T_PER_W), jnp.int32),
            pltpu.VMEM((256,), jnp.float32),
        ],
        compiler_params=pltpu.CompilerParams(needs_layout_passes=False),
    )(eg)



def _aux_body(part_ref, attn_ref, know_ref):
    p = part_ref[...]
    mean = jnp.sum(p, axis=0, keepdims=True) / T_TOKENS
    d = mean - (1.0 / 64.0)
    d2 = d * d
    attn_ref[...] = jnp.sum(d2[:, :192], keepdims=True) * 64.0
    know_ref[...] = jnp.sum(d2[:, 192:], keepdims=True) * 64.0


def _aux(partials):
    return pl.pallas_call(
        _aux_body,
        out_shape=[jax.ShapeDtypeStruct((1, 1), jnp.float32),
                   jax.ShapeDtypeStruct((1, 1), jnp.float32)],
    )(partials)



def kernel(x, neuron_emb, W_attn, b_attn, W_know, b_know,
           W_tau_attn, b_tau_attn, W_tau_know, b_tau_know):
    eg = _compute_gates(x, W_attn, b_attn, W_know, b_know,
                        W_tau_attn, b_tau_attn, W_tau_know, b_tau_know,
                        neuron_emb)
    (v0, i0, v1, i1, v2, i2, v3, i3, partials) = _route(eg)
    aux_attn, aux_know = _aux(partials)

    def tp(a):
        return jnp.transpose(a, (0, 2, 1))

    return (tp(v0), tp(i0), tp(v1), tp(i1), tp(v2), tp(i2), aux_attn[0, 0],
            tp(v3), tp(i3), aux_know[0, 0])

# --- scband reference (transcript-rebuilt; emitter-appended) ---
"""Pipeline reference for scband-router-34213709480498 (READ-ONLY COPY).

The authoritative reference and input builder live on the scoring server;
editing this copy changes nothing except your own understanding.
"""

import jax, jax.numpy as jnp
import numpy as np

D_MODEL = 2048
D_SPACE = 128
N_QK = 64
N_V = 64
N_KNOW = 64
MAX_K_QK = 8
MAX_K_V = 8
MAX_K_KNOW = 8
DROP = 0.1
B, S = 2, 2048


def threshold_gate(scores, tau, max_k):
    raw_gate = scores - tau
    gate = jnp.where(raw_gate > 0, raw_gate, 1e-08 * jnp.exp(raw_gate))
    exp_gate = jnp.exp(gate) - 1.0
    effective_k = min(max_k, scores.shape[-1])
    topk_vals, _ = jax.lax.top_k(exp_gate, effective_k)
    threshold = topk_vals[:, :, -1:]
    exp_gate = jnp.where(exp_gate >= threshold, exp_gate, 0.0)
    gate_sum = exp_gate.sum(axis=-1, keepdims=True) + 1e-08
    gate_strength = jnp.tanh(exp_gate.max(axis=-1, keepdims=True))
    return exp_gate / gate_sum * gate_strength


def setup_inputs(seed: int = 0):
    key = jax.random.key(seed)
    ks = jax.random.split(key, 8)
    total = N_QK + N_V + N_KNOW
    x = jax.random.normal(ks[0], (B, S, D_MODEL), jnp.float32)
    neuron_emb = jax.random.normal(ks[1], (total, D_SPACE), jnp.float32) * 0.02
    W_attn = jax.random.normal(ks[2], (D_MODEL, D_SPACE * 3), jnp.float32) * 0.02
    b_attn = jnp.zeros((D_SPACE * 3,), jnp.float32)
    W_know = jax.random.normal(ks[3], (D_MODEL, D_SPACE), jnp.float32) * 0.02
    b_know = jnp.zeros((D_SPACE,), jnp.float32)
    W_tau_attn = jax.random.normal(ks[4], (D_MODEL, 3), jnp.float32) * 0.02
    b_tau_attn = jnp.zeros((3,), jnp.float32)
    W_tau_know = jax.random.normal(ks[5], (D_MODEL, 1), jnp.float32) * 0.02
    b_tau_know = jnp.zeros((1,), jnp.float32)
    return {"x": x, "neuron_emb": neuron_emb, "W_attn": W_attn, "b_attn": b_attn,
            "W_know": W_know, "b_know": b_know, "W_tau_attn": W_tau_attn,
            "b_tau_attn": b_tau_attn, "W_tau_know": W_tau_know, "b_tau_know": b_tau_know}


def reference(x, neuron_emb, W_attn, b_attn, W_know, b_know, W_tau_attn, b_tau_attn, W_tau_know, b_tau_know):
    keep_rate = 1.0 - DROP
    emb_norm = neuron_emb / (jnp.linalg.norm(neuron_emb, axis=-1, keepdims=True) + 1e-08)
    qk_emb_low = emb_norm[:N_QK]
    v_emb_low = emb_norm[N_QK:N_QK + N_V]
    know_emb_low = emb_norm[N_QK + N_V:]

    # attention gates (deterministic=True -> safe_dropout still divides by keep_rate)
    h_all = (x @ W_attn + b_attn) / keep_rate
    h_Q, h_K, h_V = jnp.split(h_all, 3, axis=-1)
    scores_Q = h_Q @ qk_emb_low.T
    scores_K = h_K @ qk_emb_low.T
    scores_V = h_V @ v_emb_low.T
    tau_all = x @ W_tau_attn + b_tau_attn
    g_Q = threshold_gate(scores_Q, tau_all[:, :, 0:1], MAX_K_QK)
    g_K = threshold_gate(scores_K, tau_all[:, :, 1:2], MAX_K_QK)
    g_V = threshold_gate(scores_V, tau_all[:, :, 2:3], MAX_K_V)
    tk_g_Q, tk_i_Q = jax.lax.top_k(g_Q, MAX_K_QK)
    tk_g_K, tk_i_K = jax.lax.top_k(g_K, MAX_K_QK)
    tk_g_V, tk_i_V = jax.lax.top_k(g_V, MAX_K_V)
    t_qk = 1.0 / N_QK
    t_v = 1.0 / N_V
    aux_attn = (((g_Q.mean(axis=(0, 1)) - t_qk) ** 2).sum() * N_QK
                + ((g_K.mean(axis=(0, 1)) - t_qk) ** 2).sum() * N_QK
                + ((g_V.mean(axis=(0, 1)) - t_v) ** 2).sum() * N_V)

    # knowledge gates
    h = (x @ W_know + b_know) / keep_rate
    scores = h @ know_emb_low.T
    tau = x @ W_tau_know + b_tau_know
    gate = threshold_gate(scores, tau, MAX_K_KNOW)
    tk_gate, tk_idx = jax.lax.top_k(gate, MAX_K_KNOW)
    t = 1.0 / N_KNOW
    aux_know = ((gate.mean(axis=(0, 1)) - t) ** 2).sum() * N_KNOW

    return (tk_g_Q, tk_i_Q, tk_g_K, tk_i_K, tk_g_V, tk_i_V, aux_attn, tk_gate, tk_idx, aux_know)

if __name__ == "__main__":
    import jax
    _d = setup_inputs()
    print(jax.jit(kernel)(*tuple(_d.values())))

</pallas_src>

<mosaic_0001>
#map = affine_map<(d0, d1) -> (0, 0)>
#map1 = affine_map<(d0, d1) -> (0, 0, 0)>
module attributes {stable_mosaic.version = 14 : i64} {
  func.func @_router_body(%arg0: i32, %arg1: i32, %arg2: memref<4096x256xf32, #tpu.memory_space<hbm>>, %arg3: memref<2x8x2048xf32, #tpu.memory_space<hbm>>, %arg4: memref<2x8x2048xi32, #tpu.memory_space<hbm>>, %arg5: memref<2x8x2048xf32, #tpu.memory_space<hbm>>, %arg6: memref<2x8x2048xi32, #tpu.memory_space<hbm>>, %arg7: memref<2x8x2048xf32, #tpu.memory_space<hbm>>, %arg8: memref<2x8x2048xi32, #tpu.memory_space<hbm>>, %arg9: memref<2x8x2048xf32, #tpu.memory_space<hbm>>, %arg10: memref<2x8x2048xi32, #tpu.memory_space<hbm>>, %arg11: memref<32x256xf32, #tpu.memory_space<hbm>>, %arg12: memref<128x256xf32, #tpu.memory_space<vmem>>, %arg13: memref<4x8x128xf32, #tpu.memory_space<vmem>>, %arg14: memref<4x8x128xi32, #tpu.memory_space<vmem>>, %arg15: memref<256xf32, #tpu.memory_space<vmem>>) attributes {dimension_semantics = [#tpu.dimension_semantics<core_parallel>, #tpu.dimension_semantics<subcore_parallel>], iteration_bounds = array<i64: 2, 16>, scalar_prefetch = 0 : i64, scratch_operands = 4 : i64, tpu.core_type = #tpu.core_type<sc_vector_subcore>, window_params = [{transform_indices = #map}, {transform_indices = #map1}, {transform_indices = #map1}, {transform_indices = #map1}, {transform_indices = #map1}, {transform_indices = #map1}, {transform_indices = #map1}, {transform_indices = #map1}, {transform_indices = #map1}, {transform_indices = #map}]} {
    %mul3A = arith.constant 2 : i32
    %mul3A_0 = arith.muli %arg1, %mul3A : i32
    %add3A = arith.addi %mul3A_0, %arg0 : i32
    %mul3A_1 = arith.constant 128 : i32
    %mul3A_2 = arith.muli %add3A, %mul3A_1 : i32
    "tpu.region"() ({
      %run_scoped3A_144 = tpu.sem_alloc : memref<!tpu.dma_semaphore, #tpu.memory_space<semaphore_mem>>
      %dma_start3A = arith.constant 0 : i32
      %dma_start3A_145 = tpu.memref_slice %arg2[%mul3A_2, %dma_start3A] : memref<4096x256xf32, #tpu.memory_space<hbm>> -> memref<128x256xf32, #tpu.memory_space<hbm>>
      %dma_start3A_146 = arith.constant 0 : i32
      %dma_start3A_147 = tpu.memref_slice %arg2[%mul3A_2, %dma_start3A_146] : memref<4096x256xf32, #tpu.memory_space<hbm>> -> memref<128x256xf32, #tpu.memory_space<hbm>>
      tpu.enqueue_dma source(%dma_start3A_147 : memref<128x256xf32, #tpu.memory_space<hbm>>) target(%arg12 : memref<128x256xf32, #tpu.memory_space<vmem>>) target_semaphore(%run_scoped3A_144 : memref<!tpu.dma_semaphore, #tpu.memory_space<semaphore_mem>>)
      %dma_wait3A = arith.constant 0 : i32
      %dma_wait3A_148 = tpu.memref_slice %arg2[%mul3A_2, %dma_wait3A] : memref<4096x256xf32, #tpu.memory_space<hbm>> -> memref<128x256xf32, #tpu.memory_space<hbm>>
      %dma_wait3A_149 = arith.constant 0 : i32
      %dma_wait3A_150 = tpu.memref_slice %arg2[%mul3A_2, %dma_wait3A_149] : memref<4096x256xf32, #tpu.memory_space<hbm>> -> memref<128x256xf32, #tpu.memory_space<hbm>>
      tpu.wait_dma2 semaphore(%run_scoped3A_144 : memref<!tpu.dma_semaphore, #tpu.memory_space<semaphore_mem>>) src(%dma_wait3A_150 : memref<128x256xf32, #tpu.memory_space<hbm>>) dst(%arg12 : memref<128x256xf32, #tpu.memory_space<vmem>>)
      tpu.yield
    }) : () -> ()
    %broadcast_in_dim3A = arith.constant 0.000000e+00 : f32
    %broadcast_in_dim3A_3 = vector.broadcast %broadcast_in_dim3A : f32 to vector<16xf32>
    %swap3A = arith.constant 0 : index
    %swap3A_4 = tpu.vector_load %arg15[%swap3A] {strides = array<i32>} : memref<256xf32, #tpu.memory_space<vmem>>, vector<16xf32>,
    tpu.vector_store %arg15[%swap3A], %broadcast_in_dim3A_3 {strides = array<i32>} : memref<256xf32, #tpu.memory_space<vmem>>, vector<16xf32>,
    %swap3A_5 = arith.constant 16 : index
    %swap3A_6 = tpu.vector_load %arg15[%swap3A_5] {strides = array<i32>} : memref<256xf32, #tpu.memory_space<vmem>>, vector<16xf32>,
    tpu.vector_store %arg15[%swap3A_5], %broadcast_in_dim3A_3 {strides = array<i32>} : memref<256xf32, #tpu.memory_space<vmem>>, vector<16xf32>,
    %swap3A_7 = arith.constant 32 : index
    %swap3A_8 = tpu.vector_load %arg15[%swap3A_7] {strides = array<i32>} : memref<256xf32, #tpu.memory_space<vmem>>, vector<16xf32>,
    tpu.vector_store %arg15[%swap3A_7], %broadcast_in_dim3A_3 {strides = array<i32>} : memref<256xf32, #tpu.memory_space<vmem>>, vector<16xf32>,
    %swap3A_9 = arith.constant 48 : index
    %swap3A_10 = tpu.vector_load %arg15[%swap3A_9] {strides = array<i32>} : memref<256xf32, #tpu.memory_space<vmem>>, vector<16xf32>,
    tpu.vector_store %arg15[%swap3A_9], %broadcast_in_dim3A_3 {strides = array<i32>} : memref<256xf32, #tpu.memory_space<vmem>>, vector<16xf32>,
    %swap3A_11 = arith.constant 64 : index
    %swap3A_12 = tpu.vector_load %arg15[%swap3A_11] {strides = array<i32>} : memref<256xf32, #tpu.memory_space<vmem>>, vector<16xf32>,
    tpu.vector_store %arg15[%swap3A_11], %broadcast_in_dim3A_3 {strides = array<i32>} : memref<256xf32, #tpu.memory_space<vmem>>, vector<16xf32>,
    %swap3A_13 = arith.constant 80 : index
    %swap3A_14 = tpu.vector_load %arg15[%swap3A_13] {strides = array<i32>} : memref<256xf32, #tpu.memory_space<vmem>>, vector<16xf32>,
    tpu.vector_store %arg15[%swap3A_13], %broadcast_in_dim3A_3 {strides = array<i32>} : memref<256xf32, #tpu.memory_space<vmem>>, vector<16xf32>,
    %swap3A_15 = arith.constant 96 : index
    %swap3A_16 = tpu.vector_load %arg15[%swap3A_15] {strides = array<i32>} : memref<256xf32, #tpu.memory_space<vmem>>, vector<16xf32>,
    tpu.vector_store %arg15[%swap3A_15], %broadcast_in_dim3A_3 {strides = array<i32>} : memref<256xf32, #tpu.memory_space<vmem>>, vector<16xf32>,
    %swap3A_17 = arith.constant 112 : index
    %swap3A_18 = tpu.vector_load %arg15[%swap3A_17] {strides = array<i32>} : memref<256xf32, #tpu.memory_space<vmem>>, vector<16xf32>,
    tpu.vector_store %arg15[%swap3A_17], %broadcast_in_dim3A_3 {strides = array<i32>} : memref<256xf32, #tpu.memory_space<vmem>>, vector<16xf32>,
    %swap3A_19 = arith.constant 128 : index
    %swap3A_20 = tpu.vector_load %arg15[%swap3A_19] {strides = array<i32>} : memref<256xf32, #tpu.memory_space<vmem>>, vector<16xf32>,
    tpu.vector_store %arg15[%swap3A_19], %broadcast_in_dim3A_3 {strides = array<i32>} : memref<256xf32, #tpu.memory_space<vmem>>, vector<16xf32>,
    %swap3A_21 = arith.constant 144 : index
    %swap3A_22 = tpu.vector_load %arg15[%swap3A_21] {strides = array<i32>} : memref<256xf32, #tpu.memory_space<vmem>>, vector<16xf32>,
    tpu.vector_store %arg15[%swap3A_21], %broadcast_in_dim3A_3 {strides = array<i32>} : memref<256xf32, #tpu.memory_space<vmem>>, vector<16xf32>,
    %swap3A_23 = arith.constant 160 : index
    %swap3A_24 = tpu.vector_load %arg15[%swap3A_23] {strides = array<i32>} : memref<256xf32, #tpu.memory_space<vmem>>, vector<16xf32>,
    tpu.vector_store %arg15[%swap3A_23], %broadcast_in_dim3A_3 {strides = array<i32>} : memref<256xf32, #tpu.memory_space<vmem>>, vector<16xf32>,
    %swap3A_25 = arith.constant 176 : index
    %swap3A_26 = tpu.vector_load %arg15[%swap3A_25] {strides = array<i32>} : memref<256xf32, #tpu.memory_space<vmem>>, vector<16xf32>,
    tpu.vector_store %arg15[%swap3A_25], %broadcast_in_dim3A_3 {strides = array<i32>} : memref<256xf32, #tpu.memory_space<vmem>>, vector<16xf32>,
    %swap3A_27 = arith.constant 192 : index
    %swap3A_28 = tpu.vector_load %arg15[%swap3A_27] {strides = array<i32>} : memref<256xf32, #tpu.memory_space<vmem>>, vector<16xf32>,
    tpu.vector_store %arg15[%swap3A_27], %broadcast_in_dim3A_3 {strides = array<i32>} : memref<256xf32, #tpu.memory_space<vmem>>, vector<16xf32>,
    %swap3A_29 = arith.constant 208 : index
    %swap3A_30 = tpu.vector_load %arg15[%swap3A_29] {strides = array<i32>} : memref<256xf32, #tpu.memory_space<vmem>>, vector<16xf32>,
    tpu.vector_store %arg15[%swap3A_29], %broadcast_in_dim3A_3 {strides = array<i32>} : memref<256xf32, #tpu.memory_space<vmem>>, vector<16xf32>,
    %swap3A_31 = arith.constant 224 : index
    %swap3A_32 = tpu.vector_load %arg15[%swap3A_31] {strides = array<i32>} : memref<256xf32, #tpu.memory_space<vmem>>, vector<16xf32>,
    tpu.vector_store %arg15[%swap3A_31], %broadcast_in_dim3A_3 {strides = array<i32>} : memref<256xf32, #tpu.memory_space<vmem>>, vector<16xf32>,
    %swap3A_33 = arith.constant 240 : index
    %swap3A_34 = tpu.vector_load %arg15[%swap3A_33] {strides = array<i32>} : memref<256xf32, #tpu.memory_space<vmem>>, vector<16xf32>,
    tpu.vector_store %arg15[%swap3A_33], %broadcast_in_dim3A_3 {strides = array<i32>} : memref<256xf32, #tpu.memory_space<vmem>>, vector<16xf32>,
    %iota3A = tpu.iota {dimensions = array<i32: 0>} : vector<16xi32>
    %add3A_35 = arith.constant 0 : i32
    %add3A_36 = vector.broadcast %add3A_35 : i32 to vector<16xi32>
    %add3A_37 = arith.addi %iota3A, %add3A_36 : vector<16xi32>
    %add3A_38 = arith.constant 16 : i32
    %add3A_39 = vector.broadcast %add3A_38 : i32 to vector<16xi32>
    %add3A_40 = arith.addi %iota3A, %add3A_39 : vector<16xi32>
    %add3A_41 = arith.constant 32 : i32
    %add3A_42 = vector.broadcast %add3A_41 : i32 to vector<16xi32>
    %add3A_43 = arith.addi %iota3A, %add3A_42 : vector<16xi32>
    %add3A_44 = arith.constant 48 : i32
    %add3A_45 = vector.broadcast %add3A_44 : i32 to vector<16xi32>
    %add3A_46 = arith.addi %iota3A, %add3A_45 : vector<16xi32>
    %add3A_47 = arith.constant 0 : i32
    %add3A_48 = vector.broadcast %add3A_47 : i32 to vector<16xi32>
    %add3A_49 = arith.addi %iota3A, %add3A_48 : vector<16xi32>
    %convert_element_type3A = arith.sitofp %add3A_49 : vector<16xi32> to vector<16xf32>
    %sub3A = arith.constant -1.000000e+00 : f32
    %sub3A_50 = vector.broadcast %sub3A : f32 to vector<16xf32>
    %sub3A_51 = arith.subf %sub3A_50, %convert_element_type3A : vector<16xf32>
    %add3A_52 = arith.constant 16 : i32
    %add3A_53 = vector.broadcast %add3A_52 : i32 to vector<16xi32>
    %add3A_54 = arith.addi %iota3A, %add3A_53 : vector<16xi32>
    %convert_element_type3A_55 = arith.sitofp %add3A_54 : vector<16xi32> to vector<16xf32>
    %sub3A_56 = arith.constant -1.000000e+00 : f32
    %sub3A_57 = vector.broadcast %sub3A_56 : f32 to vector<16xf32>
    %sub3A_58 = arith.subf %sub3A_57, %convert_element_type3A_55 : vector<16xf32>
    %add3A_59 = arith.constant 32 : i32
    %add3A_60 = vector.broadcast %add3A_59 : i32 to vector<16xi32>
    %add3A_61 = arith.addi %iota3A, %add3A_60 : vector<16xi32>
    %convert_element_type3A_62 = arith.sitofp %add3A_61 : vector<16xi32> to vector<16xf32>
    %sub3A_63 = arith.constant -1.000000e+00 : f32
    %sub3A_64 = vector.broadcast %sub3A_63 : f32 to vector<16xf32>
    %sub3A_65 = arith.subf %sub3A_64, %convert_element_type3A_62 : vector<16xf32>
    %add3A_66 = arith.constant 48 : i32
    %add3A_67 = vector.broadcast %add3A_66 : i32 to vector<16xi32>
    %add3A_68 = arith.addi %iota3A, %add3A_67 : vector<16xi32>
    %convert_element_type3A_69 = arith.sitofp %add3A_68 : vector<16xi32> to vector<16xf32>
    %sub3A_70 = arith.constant -1.000000e+00 : f32
    %sub3A_71 = vector.broadcast %sub3A_70 : f32 to vector<16xf32>
    %sub3A_72 = arith.subf %sub3A_71, %convert_element_type3A_69 : vector<16xf32>
    %broadcast_in_dim3A_73 = arith.constant 7 : i32
    %broadcast_in_dim3A_74 = vector.broadcast %broadcast_in_dim3A_73 : i32 to vector<16xi32>
    %broadcast_in_dim3A_75 = arith.constant 0 : i32
    %broadcast_in_dim3A_76 = vector.broadcast %broadcast_in_dim3A_75 : i32 to vector<16xi32>
    %jit3A = arith.constant 8 : i32
    %eq3A = arith.constant 0 : i32
    %eq3A_77 = arith.cmpi eq, %jit3A, %eq3A : i32
    %jit3A_78 = arith.constant 1 : i32
    %select_n3A = arith.select %eq3A_77, %jit3A_78, %jit3A : i32
    %rem3A = vector.broadcast %select_n3A : i32 to vector<16xi32>
    %rem3A_79 = arith.remsi %iota3A, %rem3A : vector<16xi32>
    %ne3A = arith.constant 0 : i32
    %ne3A_80 = vector.broadcast %ne3A : i32 to vector<16xi32>
    %ne3A_81 = arith.cmpi ne, %rem3A_79, %ne3A_80 : vector<16xi32>
    %lt3A = arith.constant 0 : i32
    %lt3A_82 = vector.broadcast %lt3A : i32 to vector<16xi32>
    %lt3A_83 = arith.cmpi slt, %rem3A_79, %lt3A_82 : vector<16xi32>
    %lt3A_84 = arith.constant 0 : i32
    %lt3A_85 = arith.cmpi slt, %select_n3A, %lt3A_84 : i32
    %ne3A_86 = vector.broadcast %lt3A_85 : i1 to vector<16xi1>
    %ne3A_87 = vector.broadcast %ne3A_86 : vector<16xi1> to vector<16xi1>
    %ne3A_88 = arith.xori %lt3A_83, %ne3A_87 : vector<16xi1>
    %and3A = arith.andi %ne3A_88, %ne3A_81 : vector<16xi1>
    %add3A_89 = vector.broadcast %select_n3A : i32 to vector<16xi32>
    %add3A_90 = arith.addi %rem3A_79, %add3A_89 : vector<16xi32>
    %select_n3A_91 = arith.select %and3A, %add3A_90, %rem3A_79 : vector<16xi1>, vector<16xi32>
    %lt3A_92 = arith.constant 8 : i32
    %lt3A_93 = vector.broadcast %lt3A_92 : i32 to vector<16xi32>
    %lt3A_94 = arith.cmpi slt, %iota3A, %lt3A_93 : vector<16xi32>
    %parallel_loop3A = arith.constant 0 : i32
    %parallel_loop3A_95 = arith.constant 128 : i32
    %parallel_loop3A_96 = arith.constant 1 : i32
    scf.for %parallel_loop3A_144 = %parallel_loop3A to %parallel_loop3A_95 step %parallel_loop3A_96  : i32 {
      %parallel_loop3A_145 = vector.broadcast %parallel_loop3A_144 : i32 to vector<16xi32>
      %parallel_loop3A_146 = arith.index_cast %parallel_loop3A_144 : i32 to index
      %parallel_loop3A_147 = arith.constant 0 : index
      %parallel_loop3A_148 = tpu.vector_load %arg12[%parallel_loop3A_146, %parallel_loop3A_147] {strides = array<i32>} : memref<128x256xf32, #tpu.memory_space<vmem>>, vector<16xf32>,
      %parallel_loop3A_149 = arith.index_cast %parallel_loop3A_144 : i32 to index
      %parallel_loop3A_150 = arith.constant 16 : index
      %parallel_loop3A_151 = tpu.vector_load %arg12[%parallel_loop3A_149, %parallel_loop3A_150] {strides = array<i32>} : memref<128x256xf32, #tpu.memory_space<vmem>>, vector<16xf32>,
      %parallel_loop3A_152 = arith.index_cast %parallel_loop3A_144 : i32 to index
      %parallel_loop3A_153 = arith.constant 32 : index
      %parallel_loop3A_154 = tpu.vector_load %arg12[%parallel_loop3A_152, %parallel_loop3A_153] {strides = array<i32>} : memref<128x256xf32, #tpu.memory_space<vmem>>, vector<16xf32>,
      %parallel_loop3A_155 = arith.index_cast %parallel_loop3A_144 : i32 to index
      %parallel_loop3A_156 = arith.constant 48 : index
      %parallel_loop3A_157 = tpu.vector_load %arg12[%parallel_loop3A_155, %parallel_loop3A_156] {strides = array<i32>} : memref<128x256xf32, #tpu.memory_space<vmem>>, vector<16xf32>,
      %parallel_loop3A_158 = arith.constant 0.000000e+00 : f32
      %parallel_loop3A_159 = vector.broadcast %parallel_loop3A_158 : f32 to vector<16xf32>
      %parallel_loop3A_160 = arith.cmpf ogt, %parallel_loop3A_148, %parallel_loop3A_159 : vector<16xf32>
      %parallel_loop3A_161 = arith.select %parallel_loop3A_160, %parallel_loop3A_148, %sub3A_51 : vector<16xi1>, vector<16xf32>
      %parallel_loop3A_162 = arith.constant dense<true> : vector<16xi1>
      %parallel_loop3A_163, %parallel_loop3A_164, %parallel_loop3A_165 = tpu.sort %parallel_loop3A_161, %add3A_37 masked %parallel_loop3A_162 {descending = true} : (vector<16xf32>, vector<16xi32>, vector<16xi1>) -> (vector<16xi1>, vector<16xf32>, vector<16xi32>)
      %parallel_loop3A_166 = arith.constant 0.000000e+00 : f32
      %parallel_loop3A_167 = vector.broadcast %parallel_loop3A_166 : f32 to vector<16xf32>
      %parallel_loop3A_168 = arith.cmpf ogt, %parallel_loop3A_151, %parallel_loop3A_167 : vector<16xf32>
      %parallel_loop3A_169 = arith.select %parallel_loop3A_168, %parallel_loop3A_151, %sub3A_58 : vector<16xi1>, vector<16xf32>
      %parallel_loop3A_170 = arith.constant dense<true> : vector<16xi1>
      %parallel_loop3A_171, %parallel_loop3A_172, %parallel_loop3A_173 = tpu.sort %parallel_loop3A_169, %add3A_40 masked %parallel_loop3A_170 : (vector<16xf32>, vector<16xi32>, vector<16xi1>) -> (vector<16xi1>, vector<16xf32>, vector<16xi32>)
      %parallel_loop3A_174 = arith.constant 0.000000e+00 : f32
      %parallel_loop3A_175 = vector.broadcast %parallel_loop3A_174 : f32 to vector<16xf32>
      %parallel_loop3A_176 = arith.cmpf ogt, %parallel_loop3A_154, %parallel_loop3A_175 : vector<16xf32>
      %parallel_loop3A_177 = arith.select %parallel_loop3A_176, %parallel_loop3A_154, %sub3A_65 : vector<16xi1>, vector<16xf32>
      %parallel_loop3A_178 = arith.constant dense<true> : vector<16xi1>
      %parallel_loop3A_179, %parallel_loop3A_180, %parallel_loop3A_181 = tpu.sort %parallel_loop3A_177, %add3A_43 masked %parallel_loop3A_178 {descending = true} : (vector<16xf32>, vector<16xi32>, vector<16xi1>) -> (vector<16xi1>, vector<16xf32>, vector<16xi32>)
      %parallel_loop3A_182 = arith.constant 0.000000e+00 : f32
      %parallel_loop3A_183 = vector.broadcast %parallel_loop3A_182 : f32 to vector<16xf32>
      %parallel_loop3A_184 = arith.cmpf ogt, %parallel_loop3A_157, %parallel_loop3A_183 : vector<16xf32>
      %parallel_loop3A_185 = arith.select %parallel_loop3A_184, %parallel_loop3A_157, %sub3A_72 : vector<16xi1>, vector<16xf32>
      %parallel_loop3A_186 = arith.constant dense<true> : vector<16xi1>
      %parallel_loop3A_187, %parallel_loop3A_188, %parallel_loop3A_189 = tpu.sort %parallel_loop3A_185, %add3A_46 masked %parallel_loop3A_186 : (vector<16xf32>, vector<16xi32>, vector<16xi1>) -> (vector<16xi1>, vector<16xf32>, vector<16xi32>)
      %parallel_loop3A_190 = arith.cmpf oge, %parallel_loop3A_164, %parallel_loop3A_172 : vector<16xf32>
      %parallel_loop3A_191 = arith.select %parallel_loop3A_190, %parallel_loop3A_164, %parallel_loop3A_172 : vector<16xi1>, vector<16xf32>
      %parallel_loop3A_192 = arith.select %parallel_loop3A_190, %parallel_loop3A_165, %parallel_loop3A_173 : vector<16xi1>, vector<16xi32>
      %parallel_loop3A_193 = arith.constant dense<true> : vector<16xi1>
      %parallel_loop3A_194, %parallel_loop3A_195, %parallel_loop3A_196 = tpu.sort %parallel_loop3A_191, %parallel_loop3A_192 masked %parallel_loop3A_193 {descending = true} : (vector<16xf32>, vector<16xi32>, vector<16xi1>) -> (vector<16xi1>, vector<16xf32>, vector<16xi32>)
      %parallel_loop3A_197 = arith.cmpf oge, %parallel_loop3A_180, %parallel_loop3A_188 : vector<16xf32>
      %parallel_loop3A_198 = arith.select %parallel_loop3A_197, %parallel_loop3A_180, %parallel_loop3A_188 : vector<16xi1>, vector<16xf32>
      %parallel_loop3A_199 = arith.select %parallel_loop3A_197, %parallel_loop3A_181, %parallel_loop3A_189 : vector<16xi1>, vector<16xi32>
      %parallel_loop3A_200 = arith.constant dense<true> : vector<16xi1>
      %parallel_loop3A_201, %parallel_loop3A_202, %parallel_loop3A_203 = tpu.sort %parallel_loop3A_198, %parallel_loop3A_199 masked %parallel_loop3A_200 : (vector<16xf32>, vector<16xi32>, vector<16xi1>) -> (vector<16xi1>, vector<16xf32>, vector<16xi32>)
      %parallel_loop3A_204 = arith.cmpf oge, %parallel_loop3A_195, %parallel_loop3A_202 : vector<16xf32>
      %parallel_loop3A_205 = arith.select %parallel_loop3A_204, %parallel_loop3A_195, %parallel_loop3A_202 : vector<16xi1>, vector<16xf32>
      %parallel_loop3A_206 = arith.select %parallel_loop3A_204, %parallel_loop3A_196, %parallel_loop3A_203 : vector<16xi1>, vector<16xi32>
      %parallel_loop3A_207 = arith.constant dense<true> : vector<16xi1>
      %parallel_loop3A_208, %parallel_loop3A_209, %parallel_loop3A_210 = tpu.sort %parallel_loop3A_205, %parallel_loop3A_206 masked %parallel_loop3A_207 {descending = true} : (vector<16xf32>, vector<16xi32>, vector<16xi1>) -> (vector<16xi1>, vector<16xf32>, vector<16xi32>)
      %parallel_loop3A_211 = vector.shape_cast %broadcast_in_dim3A_74 : vector<16xi32> to vector<16x1xi32>
      %parallel_loop3A_212 = vector.shape_cast %parallel_loop3A_211 : vector<16x1xi32> to vector<16xi32>
      %parallel_loop3A_213 = tpu.dynamic_gather %parallel_loop3A_209[%parallel_loop3A_212] in [0] : vector<16xf32>, vector<16xi32> -> vector<16xf32>
      %parallel_loop3A_214 = arith.constant 0.000000e+00 : f32
      %parallel_loop3A_215 = vector.broadcast %parallel_loop3A_214 : f32 to vector<16xf32>
      %parallel_loop3A_216 = arith.maximumf %parallel_loop3A_213, %parallel_loop3A_215 : vector<16xf32>
      %parallel_loop3A_217 = vector.shape_cast %broadcast_in_dim3A_76 : vector<16xi32> to vector<16x1xi32>
      %parallel_loop3A_218 = vector.shape_cast %parallel_loop3A_217 : vector<16x1xi32> to vector<16xi32>
      %parallel_loop3A_219 = tpu.dynamic_gather %parallel_loop3A_209[%parallel_loop3A_218] in [0] : vector<16xf32>, vector<16xi32> -> vector<16xf32>
      %parallel_loop3A_220 = arith.constant 0.000000e+00 : f32
      %parallel_loop3A_221 = vector.broadcast %parallel_loop3A_220 : f32 to vector<16xf32>
      %parallel_loop3A_222 = arith.maximumf %parallel_loop3A_219, %parallel_loop3A_221 : vector<16xf32>
      %parallel_loop3A_223 = arith.cmpf oge, %parallel_loop3A_148, %parallel_loop3A_216 : vector<16xf32>
      %parallel_loop3A_224 = arith.constant 0.000000e+00 : f32
      %parallel_loop3A_225 = vector.broadcast %parallel_loop3A_224 : f32 to vector<16xf32>
      %parallel_loop3A_226 = arith.select %parallel_loop3A_223, %parallel_loop3A_148, %parallel_loop3A_225 : vector<16xi1>, vector<16xf32>
      %parallel_loop3A_227 = arith.cmpf oge, %parallel_loop3A_151, %parallel_loop3A_216 : vector<16xf32>
      %parallel_loop3A_228 = arith.constant 0.000000e+00 : f32
      %parallel_loop3A_229 = vector.broadcast %parallel_loop3A_228 : f32 to vector<16xf32>
      %parallel_loop3A_230 = arith.select %parallel_loop3A_227, %parallel_loop3A_151, %parallel_loop3A_229 : vector<16xi1>, vector<16xf32>
      %parallel_loop3A_231 = arith.cmpf oge, %parallel_loop3A_154, %parallel_loop3A_216 : vector<16xf32>
      %parallel_loop3A_232 = arith.constant 0.000000e+00 : f32
      %parallel_loop3A_233 = vector.broadcast %parallel_loop3A_232 : f32 to vector<16xf32>
      %parallel_loop3A_234 = arith.select %parallel_loop3A_231, %parallel_loop3A_154, %parallel_loop3A_233 : vector<16xi1>, vector<16xf32>
      %parallel_loop3A_235 = arith.cmpf oge, %parallel_loop3A_157, %parallel_loop3A_216 : vector<16xf32>
      %parallel_loop3A_236 = arith.constant 0.000000e+00 : f32
      %parallel_loop3A_237 = vector.broadcast %parallel_loop3A_236 : f32 to vector<16xf32>
      %parallel_loop3A_238 = arith.select %parallel_loop3A_235, %parallel_loop3A_157, %parallel_loop3A_237 : vector<16xi1>, vector<16xf32>
      %parallel_loop3A_239 = arith.addf %parallel_loop3A_226, %parallel_loop3A_230 : vector<16xf32>
      %parallel_loop3A_240 = arith.addf %parallel_loop3A_239, %parallel_loop3A_234 : vector<16xf32>
      %parallel_loop3A_241 = arith.addf %parallel_loop3A_240, %parallel_loop3A_238 : vector<16xf32>
      %parallel_loop3A_242 = arith.constant true
      %parallel_loop3A_243 = vector.broadcast %parallel_loop3A_242 : i1 to vector<16xi1>
      %parallel_loop3A_244 = tpu.scan <sum>, %parallel_loop3A_241 masked %parallel_loop3A_243 : vector<16xf32>, vector<16xi1> -> vector<16xf32>
      %parallel_loop3A_245 = vector.extract %parallel_loop3A_244[15] : f32 from vector<16xf32>
      %parallel_loop3A_246 = vector.broadcast %parallel_loop3A_245 : f32 to vector<16xf32>
      %parallel_loop3A_247 = arith.constant 2.000000e+01 : f32
      %parallel_loop3A_248 = vector.broadcast %parallel_loop3A_247 : f32 to vector<16xf32>
      %parallel_loop3A_249 = arith.minimumf %parallel_loop3A_222, %parallel_loop3A_248 : vector<16xf32>
      %parallel_loop3A_250 = arith.constant 2.000000e+00 : f32
      %parallel_loop3A_251 = vector.broadcast %parallel_loop3A_250 : f32 to vector<16xf32>
      %parallel_loop3A_252 = arith.mulf %parallel_loop3A_251, %parallel_loop3A_249 : vector<16xf32>
      %parallel_loop3A_253 = math.exp %parallel_loop3A_252 : vector<16xf32>
      %parallel_loop3A_254 = arith.constant 1.000000e+00 : f32
      %parallel_loop3A_255 = vector.broadcast %parallel_loop3A_254 : f32 to vector<16xf32>
      %parallel_loop3A_256 = arith.subf %parallel_loop3A_253, %parallel_loop3A_255 : vector<16xf32>
      %parallel_loop3A_257 = arith.constant 1.000000e+00 : f32
      %parallel_loop3A_258 = vector.broadcast %parallel_loop3A_257 : f32 to vector<16xf32>
      %parallel_loop3A_259 = arith.addf %parallel_loop3A_253, %parallel_loop3A_258 : vector<16xf32>
      %parallel_loop3A_260 = arith.divf %parallel_loop3A_256, %parallel_loop3A_259 : vector<16xf32>
      %parallel_loop3A_261 = arith.constant 9.99999993E-9 : f32
      %parallel_loop3A_262 = vector.broadcast %parallel_loop3A_261 : f32 to vector<16xf32>
      %parallel_loop3A_263 = arith.addf %parallel_loop3A_246, %parallel_loop3A_262 : vector<16xf32>
      %parallel_loop3A_264 = arith.divf %parallel_loop3A_260, %parallel_loop3A_263 : vector<16xf32>
      %parallel_loop3A_265 = arith.mulf %parallel_loop3A_226, %parallel_loop3A_264 : vector<16xf32>
      %parallel_loop3A_266 = arith.constant 0 : index
      %parallel_loop3A_267 = tpu.vector_load %arg15[%parallel_loop3A_266] {strides = array<i32>} : memref<256xf32, #tpu.memory_space<vmem>>, vector<16xf32>,
      tpu.vector_store %arg15[%parallel_loop3A_266], %parallel_loop3A_265 {add = true, strides = array<i32>} : memref<256xf32, #tpu.memory_space<vmem>>, vector<16xf32>,
      %parallel_loop3A_268 = arith.mulf %parallel_loop3A_230, %parallel_loop3A_264 : vector<16xf32>
      %parallel_loop3A_269 = arith.constant 16 : index
      %parallel_loop3A_270 = tpu.vector_load %arg15[%parallel_loop3A_269] {strides = array<i32>} : memref<256xf32, #tpu.memory_space<vmem>>, vector<16xf32>,
      tpu.vector_store %arg15[%parallel_loop3A_269], %parallel_loop3A_268 {add = true, strides = array<i32>} : memref<256xf32, #tpu.memory_space<vmem>>, vector<16xf32>,
      %parallel_loop3A_271 = arith.mulf %parallel_loop3A_234, %parallel_loop3A_264 : vector<16xf32>
      %parallel_loop3A_272 = arith.constant 32 : index
      %parallel_loop3A_273 = tpu.vector_load %arg15[%parallel_loop3A_272] {strides = array<i32>} : memref<256xf32, #tpu.memory_space<vmem>>, vector<16xf32>,
      tpu.vector_store %arg15[%parallel_loop3A_272], %parallel_loop3A_271 {add = true, strides = array<i32>} : memref<256xf32, #tpu.memory_space<vmem>>, vector<16xf32>,
      %parallel_loop3A_274 = arith.mulf %parallel_loop3A_238, %parallel_loop3A_264 : vector<16xf32>
      %parallel_loop3A_275 = arith.constant 48 : index
      %parallel_loop3A_276 = tpu.vector_load %arg15[%parallel_loop3A_275] {strides = array<i32>} : memref<256xf32, #tpu.memory_space<vmem>>, vector<16xf32>,
      tpu.vector_store %arg15[%parallel_loop3A_275], %parallel_loop3A_274 {add = true, strides = array<i32>} : memref<256xf32, #tpu.memory_space<vmem>>, vector<16xf32>,
      %parallel_loop3A_277 = arith.constant 0.000000e+00 : f32
      %parallel_loop3A_278 = vector.broadcast %parallel_loop3A_277 : f32 to vector<16xf32>
      %parallel_loop3A_279 = arith.maximumf %parallel_loop3A_209, %parallel_loop3A_278 : vector<16xf32>
      %parallel_loop3A_280 = arith.mulf %parallel_loop3A_279, %parallel_loop3A_264 : vector<16xf32>
      %parallel_loop3A_281 = arith.constant 0 : i32
      %parallel_loop3A_282 = arith.constant 0 : i32
      %parallel_loop3A_283 = arith.constant 0 : i32
      %parallel_loop3A_284 = tpu.memref_slice %arg13[%parallel_loop3A_281, %parallel_loop3A_282, %parallel_loop3A_283] : memref<4x8x128xf32, #tpu.memory_space<vmem>> -> memref<1x8x128xf32, #tpu.memory_space<vmem>>
      %parallel_loop3A_285 = tpu.memref_squeeze %parallel_loop3A_284 : memref<1x8x128xf32, #tpu.memory_space<vmem>> -> memref<8x128xf32, #tpu.memory_space<vmem>>
      tpu.vector_store_idx %parallel_loop3A_285[%select_n3A_91, %parallel_loop3A_145], %parallel_loop3A_280 masked %lt3A_94 : memref<8x128xf32, #tpu.memory_space<vmem>>[vector<16xi32>, vector<16xi32>], vector<16xf32>, vector<16xi1>
      %parallel_loop3A_286 = arith.constant 0 : i32
      %parallel_loop3A_287 = arith.constant 0 : i32
      %parallel_loop3A_288 = arith.constant 0 : i32
      %parallel_loop3A_289 = tpu.memref_slice %arg14[%parallel_loop3A_286, %parallel_loop3A_287, %parallel_loop3A_288] : memref<4x8x128xi32, #tpu.memory_space<vmem>> -> memref<1x8x128xi32, #tpu.memory_space<vmem>>
      %parallel_loop3A_290 = tpu.memref_squeeze %parallel_loop3A_289 : memref<1x8x128xi32, #tpu.memory_space<vmem>> -> memref<8x128xi32, #tpu.memory_space<vmem>>
      tpu.vector_store_idx %parallel_loop3A_290[%select_n3A_91, %parallel_loop3A_145], %parallel_loop3A_210 masked %lt3A_94 : memref<8x128xi32, #tpu.memory_space<vmem>>[vector<16xi32>, vector<16xi32>], vector<16xi32>, vector<16xi1>
      %parallel_loop3A_291 = arith.index_cast %parallel_loop3A_144 : i32 to index
      %parallel_loop3A_292 = arith.constant 64 : index
      %parallel_loop3A_293 = tpu.vector_load %arg12[%parallel_loop3A_291, %parallel_loop3A_292] {strides = array<i32>} : memref<128x256xf32, #tpu.memory_space<vmem>>, vector<16xf32>,
      %parallel_loop3A_294 = arith.index_cast %parallel_loop3A_144 : i32 to index
      %parallel_loop3A_295 = arith.constant 80 : index
      %parallel_loop3A_296 = tpu.vector_load %arg12[%parallel_loop3A_294, %parallel_loop3A_295] {strides = array<i32>} : memref<128x256xf32, #tpu.memory_space<vmem>>, vector<16xf32>,
      %parallel_loop3A_297 = arith.index_cast %parallel_loop3A_144 : i32 to index
      %parallel_loop3A_298 = arith.constant 96 : index
      %parallel_loop3A_299 = tpu.vector_load %arg12[%parallel_loop3A_297, %parallel_loop3A_298] {strides = array<i32>} : memref<128x256xf32, #tpu.memory_space<vmem>>, vector<16xf32>,
      %parallel_loop3A_300 = arith.index_cast %parallel_loop3A_144 : i32 to index
      %parallel_loop3A_301 = arith.constant 112 : index
      %parallel_loop3A_302 = tpu.vector_load %arg12[%parallel_loop3A_300, %parallel_loop3A_301] {strides = array<i32>} : memref<128x256xf32, #tpu.memory_space<vmem>>, vector<16xf32>,
      %parallel_loop3A_303 = arith.constant 0.000000e+00 : f32
      %parallel_loop3A_304 = vector.broadcast %parallel_loop3A_303 : f32 to vector<16xf32>
      %parallel_loop3A_305 = arith.cmpf ogt, %parallel_loop3A_293, %parallel_loop3A_304 : vector<16xf32>
      %parallel_loop3A_306 = arith.select %parallel_loop3A_305, %parallel_loop3A_293, %sub3A_51 : vector<16xi1>, vector<16xf32>
      %parallel_loop3A_307 = arith.constant dense<true> : vector<16xi1>
      %parallel_loop3A_308, %parallel_loop3A_309, %parallel_loop3A_310 = tpu.sort %parallel_loop3A_306, %add3A_37 masked %parallel_loop3A_307 {descending = true} : (vector<16xf32>, vector<16xi32>, vector<16xi1>) -> (vector<16xi1>, vector<16xf32>, vector<16xi32>)
      %parallel_loop3A_311 = arith.constant 0.000000e+00 : f32
      %parallel_loop3A_312 = vector.broadcast %parallel_loop3A_311 : f32 to vector<16xf32>
      %parallel_loop3A_313 = arith.cmpf ogt, %parallel_loop3A_296, %parallel_loop3A_312 : vector<16xf32>
      %parallel_loop3A_314 = arith.select %parallel_loop3A_313, %parallel_loop3A_296, %sub3A_58 : vector<16xi1>, vector<16xf32>
      %parallel_loop3A_315 = arith.constant dense<true> : vector<16xi1>
      %parallel_loop3A_316, %parallel_loop3A_317, %parallel_loop3A_318 = tpu.sort %parallel_loop3A_314, %add3A_40 masked %parallel_loop3A_315 : (vector<16xf32>, vector<16xi32>, vector<16xi1>) -> (vector<16xi1>, vector<16xf32>, vector<16xi32>)
      %parallel_loop3A_319 = arith.constant 0.000000e+00 : f32
      %parallel_loop3A_320 = vector.broadcast %parallel_loop3A_319 : f32 to vector<16xf32>
      %parallel_loop3A_321 = arith.cmpf ogt, %parallel_loop3A_299, %parallel_loop3A_320 : vector<16xf32>
      %parallel_loop3A_322 = arith.select %parallel_loop3A_321, %parallel_loop3A_299, %sub3A_65 : vector<16xi1>, vector<16xf32>
      %parallel_loop3A_323 = arith.constant dense<true> : vector<16xi1>
      %parallel_loop3A_324, %parallel_loop3A_325, %parallel_loop3A_326 = tpu.sort %parallel_loop3A_322, %add3A_43 masked %parallel_loop3A_323 {descending = true} : (vector<16xf32>, vector<16xi32>, vector<16xi1>) -> (vector<16xi1>, vector<16xf32>, vector<16xi32>)
      %parallel_loop3A_327 = arith.constant 0.000000e+00 : f32
      %parallel_loop3A_328 = vector.broadcast %parallel_loop3A_327 : f32 to vector<16xf32>
      %parallel_loop3A_329 = arith.cmpf ogt, %parallel_loop3A_302, %parallel_loop3A_328 : vector<16xf32>
      %parallel_loop3A_330 = arith.select %parallel_loop3A_329, %parallel_loop3A_302, %sub3A_72 : vector<16xi1>, vector<16xf32>
      %parallel_loop3A_331 = arith.constant dense<true> : vector<16xi1>
      %parallel_loop3A_332, %parallel_loop3A_333, %parallel_loop3A_334 = tpu.sort %parallel_loop3A_330, %add3A_46 masked %parallel_loop3A_331 : (vector<16xf32>, vector<16xi32>, vector<16xi1>) -> (vector<16xi1>, vector<16xf32>, vector<16xi32>)
      %parallel_loop3A_335 = arith.cmpf oge, %parallel_loop3A_309, %parallel_loop3A_317 : vector<16xf32>
      %parallel_loop3A_336 = arith.select %parallel_loop3A_335, %parallel_loop3A_309, %parallel_loop3A_317 : vector<16xi1>, vector<16xf32>
      %parallel_loop3A_337 = arith.select %parallel_loop3A_335, %parallel_loop3A_310, %parallel_loop3A_318 : vector<16xi1>, vector<16xi32>
      %parallel_loop3A_338 = arith.constant dense<true> : vector<16xi1>
      %parallel_loop3A_339, %parallel_loop3A_340, %parallel_loop3A_341 = tpu.sort %parallel_loop3A_336, %parallel_loop3A_337 masked %parallel_loop3A_338 {descending = true} : (vector<16xf32>, vector<16xi32>, vector<16xi1>) -> (vector<16xi1>, vector<16xf32>, vector<16xi32>)
      %parallel_loop3A_342 = arith.cmpf oge, %parallel_loop3A_325, %parallel_loop3A_333 : vector<16xf32>
      %parallel_loop3A_343 = arith.select %parallel_loop3A_342, %parallel_loop3A_325, %parallel_loop3A_333 : vector<16xi1>, vector<16xf32>
      %parallel_loop3A_344 = arith.select %parallel_loop3A_342, %parallel_loop3A_326, %parallel_loop3A_334 : vector<16xi1>, vector<16xi32>
      %parallel_loop3A_345 = arith.constant dense<true> : vector<16xi1>
      %parallel_loop3A_346, %parallel_loop3A_347, %parallel_loop3A_348 = tpu.sort %parallel_loop3A_343, %parallel_loop3A_344 masked %parallel_loop3A_345 : (vector<16xf32>, vector<16xi32>, vector<16xi1>) -> (vector<16xi1>, vector<16xf32>, vector<16xi32>)
      %parallel_loop3A_349 = arith.cmpf oge, %parallel_loop3A_340, %parallel_loop3A_347 : vector<16xf32>
      %parallel_loop3A_350 = arith.select %parallel_loop3A_349, %parallel_loop3A_340, %parallel_loop3A_347 : vector<16xi1>, vector<16xf32>
      %parallel_loop3A_351 = arith.select %parallel_loop3A_349, %parallel_loop3A_341, %parallel_loop3A_348 : vector<16xi1>, vector<16xi32>
      %parallel_loop3A_352 = arith.constant dense<true> : vector<16xi1>
      %parallel_loop3A_353, %parallel_loop3A_354, %parallel_loop3A_355 = tpu.sort %parallel_loop3A_350, %parallel_loop3A_351 masked %parallel_loop3A_352 {descending = true} : (vector<16xf32>, vector<16xi32>, vector<16xi1>) -> (vector<16xi1>, vector<16xf32>, vector<16xi32>)
      %parallel_loop3A_356 = vector.shape_cast %broadcast_in_dim3A_74 : vector<16xi32> to vector<16x1xi32>
      %parallel_loop3A_357 = vector.shape_cast %parallel_loop3A_356 : vector<16x1xi32> to vector<16xi32>
      %parallel_loop3A_358 = tpu.dynamic_gather %parallel_loop3A_354[%parallel_loop3A_357] in [0] : vector<16xf32>, vector<16xi32> -> vector<16xf32>
      %parallel_loop3A_359 = arith.constant 0.000000e+00 : f32
      %parallel_loop3A_360 = vector.broadcast %parallel_loop3A_359 : f32 to vector<16xf32>
      %parallel_loop3A_361 = arith.maximumf %parallel_loop3A_358, %parallel_loop3A_360 : vector<16xf32>
      %parallel_loop3A_362 = vector.shape_cast %broadcast_in_dim3A_76 : vector<16xi32> to vector<16x1xi32>
      %parallel_loop3A_363 = vector.shape_cast %parallel_loop3A_362 : vector<16x1xi32> to vector<16xi32>
      %parallel_loop3A_364 = tpu.dynamic_gather %parallel_loop3A_354[%parallel_loop3A_363] in [0] : vector<16xf32>, vector<16xi32> -> vector<16xf32>
      %parallel_loop3A_365 = arith.constant 0.000000e+00 : f32
      %parallel_loop3A_366 = vector.broadcast %parallel_loop3A_365 : f32 to vector<16xf32>
      %parallel_loop3A_367 = arith.maximumf %parallel_loop3A_364, %parallel_loop3A_366 : vector<16xf32>
      %parallel_loop3A_368 = arith.cmpf oge, %parallel_loop3A_293, %parallel_loop3A_361 : vector<16xf32>
      %parallel_loop3A_369 = arith.constant 0.000000e+00 : f32
      %parallel_loop3A_370 = vector.broadcast %parallel_loop3A_369 : f32 to vector<16xf32>
      %parallel_loop3A_371 = arith.select %parallel_loop3A_368, %parallel_loop3A_293, %parallel_loop3A_370 : vector<16xi1>, vector<16xf32>
      %parallel_loop3A_372 = arith.cmpf oge, %parallel_loop3A_296, %parallel_loop3A_361 : vector<16xf32>
      %parallel_loop3A_373 = arith.constant 0.000000e+00 : f32
      %parallel_loop3A_374 = vector.broadcast %parallel_loop3A_373 : f32 to vector<16xf32>
      %parallel_loop3A_375 = arith.select %parallel_loop3A_372, %parallel_loop3A_296, %parallel_loop3A_374 : vector<16xi1>, vector<16xf32>
      %parallel_loop3A_376 = arith.cmpf oge, %parallel_loop3A_299, %parallel_loop3A_361 : vector<16xf32>
      %parallel_loop3A_377 = arith.constant 0.000000e+00 : f32
      %parallel_loop3A_378 = vector.broadcast %parallel_loop3A_377 : f32 to vector<16xf32>
      %parallel_loop3A_379 = arith.select %parallel_loop3A_376, %parallel_loop3A_299, %parallel_loop3A_378 : vector<16xi1>, vector<16xf32>
      %parallel_loop3A_380 = arith.cmpf oge, %parallel_loop3A_302, %parallel_loop3A_361 : vector<16xf32>
      %parallel_loop3A_381 = arith.constant 0.000000e+00 : f32
      %parallel_loop3A_382 = vector.broadcast %parallel_loop3A_381 : f32 to vector<16xf32>
      %parallel_loop3A_383 = arith.select %parallel_loop3A_380, %parallel_loop3A_302, %parallel_loop3A_382 : vector<16xi1>, vector<16xf32>
      %parallel_loop3A_384 = arith.addf %parallel_loop3A_371, %parallel_loop3A_375 : vector<16xf32>
      %parallel_loop3A_385 = arith.addf %parallel_loop3A_384, %parallel_loop3A_379 : vector<16xf32>
      %parallel_loop3A_386 = arith.addf %parallel_loop3A_385, %parallel_loop3A_383 : vector<16xf32>
      %parallel_loop3A_387 = arith.constant true
      %parallel_loop3A_388 = vector.broadcast %parallel_loop3A_387 : i1 to vector<16xi1>
      %parallel_loop3A_389 = tpu.scan <sum>, %parallel_loop3A_386 masked %parallel_loop3A_388 : vector<16xf32>, vector<16xi1> -> vector<16xf32>
      %parallel_loop3A_390 = vector.extract %parallel_loop3A_389[15] : f32 from vector<16xf32>
      %parallel_loop3A_391 = vector.broadcast %parallel_loop3A_390 : f32 to vector<16xf32>
      %parallel_loop3A_392 = arith.constant 2.000000e+01 : f32
      %parallel_loop3A_393 = vector.broadcast %parallel_loop3A_392 : f32 to vector<16xf32>
      %parallel_loop3A_394 = arith.minimumf %parallel_loop3A_367, %parallel_loop3A_393 : vector<16xf32>
      %parallel_loop3A_395 = arith.constant 2.000000e+00 : f32
      %parallel_loop3A_396 = vector.broadcast %parallel_loop3A_395 : f32 to vector<16xf32>
      %parallel_loop3A_397 = arith.mulf %parallel_loop3A_396, %parallel_loop3A_394 : vector<16xf32>
      %parallel_loop3A_398 = math.exp %parallel_loop3A_397 : vector<16xf32>
      %parallel_loop3A_399 = arith.constant 1.000000e+00 : f32
      %parallel_loop3A_400 = vector.broadcast %parallel_loop3A_399 : f32 to vector<16xf32>
      %parallel_loop3A_401 = arith.subf %parallel_loop3A_398, %parallel_loop3A_400 : vector<16xf32>
      %parallel_loop3A_402 = arith.constant 1.000000e+00 : f32
      %parallel_loop3A_403 = vector.broadcast %parallel_loop3A_402 : f32 to vector<16xf32>
      %parallel_loop3A_404 = arith.addf %parallel_loop3A_398, %parallel_loop3A_403 : vector<16xf32>
      %parallel_loop3A_405 = arith.divf %parallel_loop3A_401, %parallel_loop3A_404 : vector<16xf32>
      %parallel_loop3A_406 = arith.constant 9.99999993E-9 : f32
      %parallel_loop3A_407 = vector.broadcast %parallel_loop3A_406 : f32 to vector<16xf32>
      %parallel_loop3A_408 = arith.addf %parallel_loop3A_391, %parallel_loop3A_407 : vector<16xf32>
      %parallel_loop3A_409 = arith.divf %parallel_loop3A_405, %parallel_loop3A_408 : vector<16xf32>
      %parallel_loop3A_410 = arith.mulf %parallel_loop3A_371, %parallel_loop3A_409 : vector<16xf32>
      %parallel_loop3A_411 = arith.constant 64 : index
      %parallel_loop3A_412 = tpu.vector_load %arg15[%parallel_loop3A_411] {strides = array<i32>} : memref<256xf32, #tpu.memory_space<vmem>>, vector<16xf32>,
      tpu.vector_store %arg15[%parallel_loop3A_411], %parallel_loop3A_410 {add = true, strides = array<i32>} : memref<256xf32, #tpu.memory_space<vmem>>, vector<16xf32>,
      %parallel_loop3A_413 = arith.mulf %parallel_loop3A_375, %parallel_loop3A_409 : vector<16xf32>
      %parallel_loop3A_414 = arith.constant 80 : index
      %parallel_loop3A_415 = tpu.vector_load %arg15[%parallel_loop3A_414] {strides = array<i32>} : memref<256xf32, #tpu.memory_space<vmem>>, vector<16xf32>,
      tpu.vector_store %arg15[%parallel_loop3A_414], %parallel_loop3A_413 {add = true, strides = array<i32>} : memref<256xf32, #tpu.memory_space<vmem>>, vector<16xf32>,
      %parallel_loop3A_416 = arith.mulf %parallel_loop3A_379, %parallel_loop3A_409 : vector<16xf32>
      %parallel_loop3A_417 = arith.constant 96 : index
      %parallel_loop3A_418 = tpu.vector_load %arg15[%parallel_loop3A_417] {strides = array<i32>} : memref<256xf32, #tpu.memory_space<vmem>>, vector<16xf32>,
      tpu.vector_store %arg15[%parallel_loop3A_417], %parallel_loop3A_416 {add = true, strides = array<i32>} : memref<256xf32, #tpu.memory_space<vmem>>, vector<16xf32>,
      %parallel_loop3A_419 = arith.mulf %parallel_loop3A_383, %parallel_loop3A_409 : vector<16xf32>
      %parallel_loop3A_420 = arith.constant 112 : index
      %parallel_loop3A_421 = tpu.vector_load %arg15[%parallel_loop3A_420] {strides = array<i32>} : memref<256xf32, #tpu.memory_space<vmem>>, vector<16xf32>,
      tpu.vector_store %arg15[%parallel_loop3A_420], %parallel_loop3A_419 {add = true, strides = array<i32>} : memref<256xf32, #tpu.memory_space<vmem>>, vector<16xf32>,
      %parallel_loop3A_422 = arith.constant 0.000000e+00 : f32
      %parallel_loop3A_423 = vector.broadcast %parallel_loop3A_422 : f32 to vector<16xf32>
      %parallel_loop3A_424 = arith.maximumf %parallel_loop3A_354, %parallel_loop3A_423 : vector<16xf32>
      %parallel_loop3A_425 = arith.mulf %parallel_loop3A_424, %parallel_loop3A_409 : vector<16xf32>
      %parallel_loop3A_426 = arith.constant 1 : i32
      %parallel_loop3A_427 = arith.constant 0 : i32
      %parallel_loop3A_428 = arith.constant 0 : i32
      %parallel_loop3A_429 = tpu.memref_slice %arg13[%parallel_loop3A_426, %parallel_loop3A_427, %parallel_loop3A_428] : memref<4x8x128xf32, #tpu.memory_space<vmem>> -> memref<1x8x128xf32, #tpu.memory_space<vmem>>
      %parallel_loop3A_430 = tpu.memref_squeeze %parallel_loop3A_429 : memref<1x8x128xf32, #tpu.memory_space<vmem>> -> memref<8x128xf32, #tpu.memory_space<vmem>>
      tpu.vector_store_idx %parallel_loop3A_430[%select_n3A_91, %parallel_loop3A_145], %parallel_loop3A_425 masked %lt3A_94 : memref<8x128xf32, #tpu.memory_space<vmem>>[vector<16xi32>, vector<16xi32>], vector<16xf32>, vector<16xi1>
      %parallel_loop3A_431 = arith.constant 1 : i32
      %parallel_loop3A_432 = arith.constant 0 : i32
      %parallel_loop3A_433 = arith.constant 0 : i32
      %parallel_loop3A_434 = tpu.memref_slice %arg14[%parallel_loop3A_431, %parallel_loop3A_432, %parallel_loop3A_433] : memref<4x8x128xi32, #tpu.memory_space<vmem>> -> memref<1x8x128xi32, #tpu.memory_space<vmem>>
      %parallel_loop3A_435 = tpu.memref_squeeze %parallel_loop3A_434 : memref<1x8x128xi32, #tpu.memory_space<vmem>> -> memref<8x128xi32, #tpu.memory_space<vmem>>
      tpu.vector_store_idx %parallel_loop3A_435[%select_n3A_91, %parallel_loop3A_145], %parallel_loop3A_355 masked %lt3A_94 : memref<8x128xi32, #tpu.memory_space<vmem>>[vector<16xi32>, vector<16xi32>], vector<16xi32>, vector<16xi1>
      %parallel_loop3A_436 = arith.index_cast %parallel_loop3A_144 : i32 to index
      %parallel_loop3A_437 = arith.constant 128 : index
      %parallel_loop3A_438 = tpu.vector_load %arg12[%parallel_loop3A_436, %parallel_loop3A_437] {strides = array<i32>} : memref<128x256xf32, #tpu.memory_space<vmem>>, vector<16xf32>,
      %parallel_loop3A_439 = arith.index_cast %parallel_loop3A_144 : i32 to index
      %parallel_loop3A_440 = arith.constant 144 : index
      %parallel_loop3A_441 = tpu.vector_load %arg12[%parallel_loop3A_439, %parallel_loop3A_440] {strides = array<i32>} : memref<128x256xf32, #tpu.memory_space<vmem>>, vector<16xf32>,
      %parallel_loop3A_442 = arith.index_cast %parallel_loop3A_144 : i32 to index
      %parallel_loop3A_443 = arith.constant 160 : index
      %parallel_loop3A_444 = tpu.vector_load %arg12[%parallel_loop3A_442, %parallel_loop3A_443] {strides = array<i32>} : memref<128x256xf32, #tpu.memory_space<vmem>>, vector<16xf32>,
      %parallel_loop3A_445 = arith.index_cast %parallel_loop3A_144 : i32 to index
      %parallel_loop3A_446 = arith.constant 176 : index
      %parallel_loop3A_447 = tpu.vector_load %arg12[%parallel_loop3A_445, %parallel_loop3A_446] {strides = array<i32>} : memref<128x256xf32, #tpu.memory_space<vmem>>, vector<16xf32>,
      %parallel_loop3A_448 = arith.constant 0.000000e+00 : f32
      %parallel_loop3A_449 = vector.broadcast %parallel_loop3A_448 : f32 to vector<16xf32>
      %parallel_loop3A_450 = arith.cmpf ogt, %parallel_loop3A_438, %parallel_loop3A_449 : vector<16xf32>
      %parallel_loop3A_451 = arith.select %parallel_loop3A_450, %parallel_loop3A_438, %sub3A_51 : vector<16xi1>, vector<16xf32>
      %parallel_loop3A_452 = arith.constant dense<true> : vector<16xi1>
      %parallel_loop3A_453, %parallel_loop3A_454, %parallel_loop3A_455 = tpu.sort %parallel_loop3A_451, %add3A_37 masked %parallel_loop3A_452 {descending = true} : (vector<16xf32>, vector<16xi32>, vector<16xi1>) -> (vector<16xi1>, vector<16xf32>, vector<16xi32>)
      %parallel_loop3A_456 = arith.constant 0.000000e+00 : f32
      %parallel_loop3A_457 = vector.broadcast %parallel_loop3A_456 : f32 to vector<16xf32>
      %parallel_loop3A_458 = arith.cmpf ogt, %parallel_loop3A_441, %parallel_loop3A_457 : vector<16xf32>
      %parallel_loop3A_459 = arith.select %parallel_loop3A_458, %parallel_loop3A_441, %sub3A_58 : vector<16xi1>, vector<16xf32>
      %parallel_loop3A_460 = arith.constant dense<true> : vector<16xi1>
      %parallel_loop3A_461, %parallel_loop3A_462, %parallel_loop3A_463 = tpu.sort %parallel_loop3A_459, %add3A_40 masked %parallel_loop3A_460 : (vector<16xf32>, vector<16xi32>, vector<16xi1>) -> (vector<16xi1>, vector<16xf32>, vector<16xi32>)
      %parallel_loop3A_464 = arith.constant 0.000000e+00 : f32
      %parallel_loop3A_465 = vector.broadcast %parallel_loop3A_464 : f32 to vector<16xf32>
      %parallel_loop3A_466 = arith.cmpf ogt, %parallel_loop3A_444, %parallel_loop3A_465 : vector<16xf32>
      %parallel_loop3A_467 = arith.select %parallel_loop3A_466, %parallel_loop3A_444, %sub3A_65 : vector<16xi1>, vector<16xf32>
      %parallel_loop3A_468 = arith.constant dense<true> : vector<16xi1>
      %parallel_loop3A_469, %parallel_loop3A_470, %parallel_loop3A_471 = tpu.sort %parallel_loop3A_467, %add3A_43 masked %parallel_loop3A_468 {descending = true} : (vector<16xf32>, vector<16xi32>, vector<16xi1>) -> (vector<16xi1>, vector<16xf32>, vector<16xi32>)
      %parallel_loop3A_472 = arith.constant 0.000000e+00 : f32
      %parallel_loop3A_473 = vector.broadcast %parallel_loop3A_472 : f32 to vector<16xf32>
      %parallel_loop3A_474 = arith.cmpf ogt, %parallel_loop3A_447, %parallel_loop3A_473 : vector<16xf32>
      %parallel_loop3A_475 = arith.select %parallel_loop3A_474, %parallel_loop3A_447, %sub3A_72 : vector<16xi1>, vector<16xf32>
      %parallel_loop3A_476 = arith.constant dense<true> : vector<16xi1>
      %parallel_loop3A_477, %parallel_loop3A_478, %parallel_loop3A_479 = tpu.sort %parallel_loop3A_475, %add3A_46 masked %parallel_loop3A_476 : (vector<16xf32>, vector<16xi32>, vector<16xi1>) -> (vector<16xi1>, vector<16xf32>, vector<16xi32>)
      %parallel_loop3A_480 = arith.cmpf oge, %parallel_loop3A_454, %parallel_loop3A_462 : vector<16xf32>
      %parallel_loop3A_481 = arith.select %parallel_loop3A_480, %parallel_loop3A_454, %parallel_loop3A_462 : vector<16xi1>, vector<16xf32>
      %parallel_loop3A_482 = arith.select %parallel_loop3A_480, %parallel_loop3A_455, %parallel_loop3A_463 : vector<16xi1>, vector<16xi32>
      %parallel_loop3A_483 = arith.constant dense<true> : vector<16xi1>
      %parallel_loop3A_484, %parallel_loop3A_485, %parallel_loop3A_486 = tpu.sort %parallel_loop3A_481, %parallel_loop3A_482 masked %parallel_loop3A_483 {descending = true} : (vector<16xf32>, vector<16xi32>, vector<16xi1>) -> (vector<16xi1>, vector<16xf32>, vector<16xi32>)
      %parallel_loop3A_487 = arith.cmpf oge, %parallel_loop3A_470, %parallel_loop3A_478 : vector<16xf32>
      %parallel_loop3A_488 = arith.select %parallel_loop3A_487, %parallel_loop3A_470, %parallel_loop3A_478 : vector<16xi1>, vector<16xf32>
      %parallel_loop3A_489 = arith.select %parallel_loop3A_487, %parallel_loop3A_471, %parallel_loop3A_479 : vector<16xi1>, vector<16xi32>
      %parallel_loop3A_490 = arith.constant dense<true> : vector<16xi1>
      %parallel_loop3A_491, %parallel_loop3A_492, %parallel_loop3A_493 = tpu.sort %parallel_loop3A_488, %parallel_loop3A_489 masked %parallel_loop3A_490 : (vector<16xf32>, vector<16xi32>, vector<16xi1>) -> (vector<16xi1>, vector<16xf32>, vector<16xi32>)
      %parallel_loop3A_494 = arith.cmpf oge, %parallel_loop3A_485, %parallel_loop3A_492 : vector<16xf32>
      %parallel_loop3A_495 = arith.select %parallel_loop3A_494, %parallel_loop3A_485, %parallel_loop3A_492 : vector<16xi1>, vector<16xf32>
      %parallel_loop3A_496 = arith.select %parallel_loop3A_494, %parallel_loop3A_486, %parallel_loop3A_493 : vector<16xi1>, vector<16xi32>
      %parallel_loop3A_497 = arith.constant dense<true> : vector<16xi1>
      %parallel_loop3A_498, %parallel_loop3A_499, %parallel_loop3A_500 = tpu.sort %parallel_loop3A_495, %parallel_loop3A_496 masked %parallel_loop3A_497 {descending = true} : (vector<16xf32>, vector<16xi32>, vector<16xi1>) -> (vector<16xi1>, vector<16xf32>, vector<16xi32>)
      %parallel_loop3A_501 = vector.shape_cast %broadcast_in_dim3A_74 : vector<16xi32> to vector<16x1xi32>
      %parallel_loop3A_502 = vector.shape_cast %parallel_loop3A_501 : vector<16x1xi32> to vector<16xi32>
      %parallel_loop3A_503 = tpu.dynamic_gather %parallel_loop3A_499[%parallel_loop3A_502] in [0] : vector<16xf32>, vector<16xi32> -> vector<16xf32>
      %parallel_loop3A_504 = arith.constant 0.000000e+00 : f32
      %parallel_loop3A_505 = vector.broadcast %parallel_loop3A_504 : f32 to vector<16xf32>
      %parallel_loop3A_506 = arith.maximumf %parallel_loop3A_503, %parallel_loop3A_505 : vector<16xf32>
      %parallel_loop3A_507 = vector.shape_cast %broadcast_in_dim3A_76 : vector<16xi32> to vector<16x1xi32>
      %parallel_loop3A_508 = vector.shape_cast %parallel_loop3A_507 : vector<16x1xi32> to vector<16xi32>
      %parallel_loop3A_509 = tpu.dynamic_gather %parallel_loop3A_499[%parallel_loop3A_508] in [0] : vector<16xf32>, vector<16xi32> -> vector<16xf32>
      %parallel_loop3A_510 = arith.constant 0.000000e+00 : f32
      %parallel_loop3A_511 = vector.broadcast %parallel_loop3A_510 : f32 to vector<16xf32>
      %parallel_loop3A_512 = arith.maximumf %parallel_loop3A_509, %parallel_loop3A_511 : vector<16xf32>
      %parallel_loop3A_513 = arith.cmpf oge, %parallel_loop3A_438, %parallel_loop3A_506 : vector<16xf32>
      %parallel_loop3A_514 = arith.constant 0.000000e+00 : f32
      %parallel_loop3A_515 = vector.broadcast %parallel_loop3A_514 : f32 to vector<16xf32>
      %parallel_loop3A_516 = arith.select %parallel_loop3A_513, %parallel_loop3A_438, %parallel_loop3A_515 : vector<16xi1>, vector<16xf32>
      %parallel_loop3A_517 = arith.cmpf oge, %parallel_loop3A_441, %parallel_loop3A_506 : vector<16xf32>
      %parallel_loop3A_518 = arith.constant 0.000000e+00 : f32
      %parallel_loop3A_519 = vector.broadcast %parallel_loop3A_518 : f32 to vector<16xf32>
      %parallel_loop3A_520 = arith.select %parallel_loop3A_517, %parallel_loop3A_441, %parallel_loop3A_519 : vector<16xi1>, vector<16xf32>
      %parallel_loop3A_521 = arith.cmpf oge, %parallel_loop3A_444, %parallel_loop3A_506 : vector<16xf32>
      %parallel_loop3A_522 = arith.constant 0.000000e+00 : f32
      %parallel_loop3A_523 = vector.broadcast %parallel_loop3A_522 : f32 to vector<16xf32>
      %parallel_loop3A_524 = arith.select %parallel_loop3A_521, %parallel_loop3A_444, %parallel_loop3A_523 : vector<16xi1>, vector<16xf32>
      %parallel_loop3A_525 = arith.cmpf oge, %parallel_loop3A_447, %parallel_loop3A_506 : vector<16xf32>
      %parallel_loop3A_526 = arith.constant 0.000000e+00 : f32
      %parallel_loop3A_527 = vector.broadcast %parallel_loop3A_526 : f32 to vector<16xf32>
      %parallel_loop3A_528 = arith.select %parallel_loop3A_525, %parallel_loop3A_447, %parallel_loop3A_527 : vector<16xi1>, vector<16xf32>
      %parallel_loop3A_529 = arith.addf %parallel_loop3A_516, %parallel_loop3A_520 : vector<16xf32>
      %parallel_loop3A_530 = arith.addf %parallel_loop3A_529, %parallel_loop3A_524 : vector<16xf32>
      %parallel_loop3A_531 = arith.addf %parallel_loop3A_530, %parallel_loop3A_528 : vector<16xf32>
      %parallel_loop3A_532 = arith.constant true
      %parallel_loop3A_533 = vector.broadcast %parallel_loop3A_532 : i1 to vector<16xi1>
      %parallel_loop3A_534 = tpu.scan <sum>, %parallel_loop3A_531 masked %parallel_loop3A_533 : vector<16xf32>, vector<16xi1> -> vector<16xf32>
      %parallel_loop3A_535 = vector.extract %parallel_loop3A_534[15] : f32 from vector<16xf32>
      %parallel_loop3A_536 = vector.broadcast %parallel_loop3A_535 : f32 to vector<16xf32>
      %parallel_loop3A_537 = arith.constant 2.000000e+01 : f32
      %parallel_loop3A_538 = vector.broadcast %parallel_loop3A_537 : f32 to vector<16xf32>
      %parallel_loop3A_539 = arith.minimumf %parallel_loop3A_512, %parallel_loop3A_538 : vector<16xf32>
      %parallel_loop3A_540 = arith.constant 2.000000e+00 : f32
      %parallel_loop3A_541 = vector.broadcast %parallel_loop3A_540 : f32 to vector<16xf32>
      %parallel_loop3A_542 = arith.mulf %parallel_loop3A_541, %parallel_loop3A_539 : vector<16xf32>
      %parallel_loop3A_543 = math.exp %parallel_loop3A_542 : vector<16xf32>
      %parallel_loop3A_544 = arith.constant 1.000000e+00 : f32
      %parallel_loop3A_545 = vector.broadcast %parallel_loop3A_544 : f32 to vector<16xf32>
      %parallel_loop3A_546 = arith.subf %parallel_loop3A_543, %parallel_loop3A_545 : vector<16xf32>
      %parallel_loop3A_547 = arith.constant 1.000000e+00 : f32
      %parallel_loop3A_548 = vector.broadcast %parallel_loop3A_547 : f32 to vector<16xf32>
      %parallel_loop3A_549 = arith.addf %parallel_loop3A_543, %parallel_loop3A_548 : vector<16xf32>
      %parallel_loop3A_550 = arith.divf %parallel_loop3A_546, %parallel_loop3A_549 : vector<16xf32>
      %parallel_loop3A_551 = arith.constant 9.99999993E-9 : f32
      %parallel_loop3A_552 = vector.broadcast %parallel_loop3A_551 : f32 to vector<16xf32>
      %parallel_loop3A_553 = arith.addf %parallel_loop3A_536, %parallel_loop3A_552 : vector<16xf32>
      %parallel_loop3A_554 = arith.divf %parallel_loop3A_550, %parallel_loop3A_553 : vector<16xf32>
      %parallel_loop3A_555 = arith.mulf %parallel_loop3A_516, %parallel_loop3A_554 : vector<16xf32>
      %parallel_loop3A_556 = arith.constant 128 : index
      %parallel_loop3A_557 = tpu.vector_load %arg15[%parallel_loop3A_556] {strides = array<i32>} : memref<256xf32, #tpu.memory_space<vmem>>, vector<16xf32>,
      tpu.vector_store %arg15[%parallel_loop3A_556], %parallel_loop3A_555 {add = true, strides = array<i32>} : memref<256xf32, #tpu.memory_space<vmem>>, vector<16xf32>,
      %parallel_loop3A_558 = arith.mulf %parallel_loop3A_520, %parallel_loop3A_554 : vector<16xf32>
      %parallel_loop3A_559 = arith.constant 144 : index
      %parallel_loop3A_560 = tpu.vector_load %arg15[%parallel_loop3A_559] {strides = array<i32>} : memref<256xf32, #tpu.memory_space<vmem>>, vector<16xf32>,
      tpu.vector_store %arg15[%parallel_loop3A_559], %parallel_loop3A_558 {add = true, strides = array<i32>} : memref<256xf32, #tpu.memory_space<vmem>>, vector<16xf32>,
      %parallel_loop3A_561 = arith.mulf %parallel_loop3A_524, %parallel_loop3A_554 : vector<16xf32>
      %parallel_loop3A_562 = arith.constant 160 : index
      %parallel_loop3A_563 = tpu.vector_load %arg15[%parallel_loop3A_562] {strides = array<i32>} : memref<256xf32, #tpu.memory_space<vmem>>, vector<16xf32>,
      tpu.vector_store %arg15[%parallel_loop3A_562], %parallel_loop3A_561 {add = true, strides = array<i32>} : memref<256xf32, #tpu.memory_space<vmem>>, vector<16xf32>,
      %parallel_loop3A_564 = arith.mulf %parallel_loop3A_528, %parallel_loop3A_554 : vector<16xf32>
      %parallel_loop3A_565 = arith.constant 176 : index
      %parallel_loop3A_566 = tpu.vector_load %arg15[%parallel_loop3A_565] {strides = array<i32>} : memref<256xf32, #tpu.memory_space<vmem>>, vector<16xf32>,
      tpu.vector_store %arg15[%parallel_loop3A_565], %parallel_loop3A_564 {add = true, strides = array<i32>} : memref<256xf32, #tpu.memory_space<vmem>>, vector<16xf32>,
      %parallel_loop3A_567 = arith.constant 0.000000e+00 : f32
      %parallel_loop3A_568 = vector.broadcast %parallel_loop3A_567 : f32 to vector<16xf32>
      %parallel_loop3A_569 = arith.maximumf %parallel_loop3A_499, %parallel_loop3A_568 : vector<16xf32>
      %parallel_loop3A_570 = arith.mulf %parallel_loop3A_569, %parallel_loop3A_554 : vector<16xf32>
      %parallel_loop3A_571 = arith.constant 2 : i32
      %parallel_loop3A_572 = arith.constant 0 : i32
      %parallel_loop3A_573 = arith.constant 0 : i32
      %parallel_loop3A_574 = tpu.memref_slice %arg13[%parallel_loop3A_571, %parallel_loop3A_572, %parallel_loop3A_573] : memref<4x8x128xf32, #tpu.memory_space<vmem>> -> memref<1x8x128xf32, #tpu.memory_space<vmem>>
      %parallel_loop3A_575 = tpu.memref_squeeze %parallel_loop3A_574 : memref<1x8x128xf32, #tpu.memory_space<vmem>> -> memref<8x128xf32, #tpu.memory_space<vmem>>
      tpu.vector_store_idx %parallel_loop3A_575[%select_n3A_91, %parallel_loop3A_145], %parallel_loop3A_570 masked %lt3A_94 : memref<8x128xf32, #tpu.memory_space<vmem>>[vector<16xi32>, vector<16xi32>], vector<16xf32>, vector<16xi1>
      %parallel_loop3A_576 = arith.constant 2 : i32
      %parallel_loop3A_577 = arith.constant 0 : i32
      %parallel_loop3A_578 = arith.constant 0 : i32
      %parallel_loop3A_579 = tpu.memref_slice %arg14[%parallel_loop3A_576, %parallel_loop3A_577, %parallel_loop3A_578] : memref<4x8x128xi32, #tpu.memory_space<vmem>> -> memref<1x8x128xi32, #tpu.memory_space<vmem>>
      %parallel_loop3A_580 = tpu.memref_squeeze %parallel_loop3A_579 : memref<1x8x128xi32, #tpu.memory_space<vmem>> -> memref<8x128xi32, #tpu.memory_space<vmem>>
      tpu.vector_store_idx %parallel_loop3A_580[%select_n3A_91, %parallel_loop3A_145], %parallel_loop3A_500 masked %lt3A_94 : memref<8x128xi32, #tpu.memory_space<vmem>>[vector<16xi32>, vector<16xi32>], vector<16xi32>, vector<16xi1>
      %parallel_loop3A_581 = arith.index_cast %parallel_loop3A_144 : i32 to index
      %parallel_loop3A_582 = arith.constant 192 : index
      %parallel_loop3A_583 = tpu.vector_load %arg12[%parallel_loop3A_581, %parallel_loop3A_582] {strides = array<i32>} : memref<128x256xf32, #tpu.memory_space<vmem>>, vector<16xf32>,
      %parallel_loop3A_584 = arith.index_cast %parallel_loop3A_144 : i32 to index
      %parallel_loop3A_585 = arith.constant 208 : index
      %parallel_loop3A_586 = tpu.vector_load %arg12[%parallel_loop3A_584, %parallel_loop3A_585] {strides = array<i32>} : memref<128x256xf32, #tpu.memory_space<vmem>>, vector<16xf32>,
      %parallel_loop3A_587 = arith.index_cast %parallel_loop3A_144 : i32 to index
      %parallel_loop3A_588 = arith.constant 224 : index
      %parallel_loop3A_589 = tpu.vector_load %arg12[%parallel_loop3A_587, %parallel_loop3A_588] {strides = array<i32>} : memref<128x256xf32, #tpu.memory_space<vmem>>, vector<16xf32>,
      %parallel_loop3A_590 = arith.index_cast %parallel_loop3A_144 : i32 to index
      %parallel_loop3A_591 = arith.constant 240 : index
      %parallel_loop3A_592 = tpu.vector_load %arg12[%parallel_loop3A_590, %parallel_loop3A_591] {strides = array<i32>} : memref<128x256xf32, #tpu.memory_space<vmem>>, vector<16xf32>,
      %parallel_loop3A_593 = arith.constant 0.000000e+00 : f32
      %parallel_loop3A_594 = vector.broadcast %parallel_loop3A_593 : f32 to vector<16xf32>
      %parallel_loop3A_595 = arith.cmpf ogt, %parallel_loop3A_583, %parallel_loop3A_594 : vector<16xf32>
      %parallel_loop3A_596 = arith.select %parallel_loop3A_595, %parallel_loop3A_583, %sub3A_51 : vector<16xi1>, vector<16xf32>
      %parallel_loop3A_597 = arith.constant dense<true> : vector<16xi1>
      %parallel_loop3A_598, %parallel_loop3A_599, %parallel_loop3A_600 = tpu.sort %parallel_loop3A_596, %add3A_37 masked %parallel_loop3A_597 {descending = true} : (vector<16xf32>, vector<16xi32>, vector<16xi1>) -> (vector<16xi1>, vector<16xf32>, vector<16xi32>)
      %parallel_loop3A_601 = arith.constant 0.000000e+00 : f32
      %parallel_loop3A_602 = vector.broadcast %parallel_loop3A_601 : f32 to vector<16xf32>
      %parallel_loop3A_603 = arith.cmpf ogt, %parallel_loop3A_586, %parallel_loop3A_602 : vector<16xf32>
      %parallel_loop3A_604 = arith.select %parallel_loop3A_603, %parallel_loop3A_586, %sub3A_58 : vector<16xi1>, vector<16xf32>
      %parallel_loop3A_605 = arith.constant dense<true> : vector<16xi1>
      %parallel_loop3A_606, %parallel_loop3A_607, %parallel_loop3A_608 = tpu.sort %parallel_loop3A_604, %add3A_40 masked %parallel_loop3A_605 : (vector<16xf32>, vector<16xi32>, vector<16xi1>) -> (vector<16xi1>, vector<16xf32>, vector<16xi32>)
      %parallel_loop3A_609 = arith.constant 0.000000e+00 : f32
      %parallel_loop3A_610 = vector.broadcast %parallel_loop3A_609 : f32 to vector<16xf32>
      %parallel_loop3A_611 = arith.cmpf ogt, %parallel_loop3A_589, %parallel_loop3A_610 : vector<16xf32>
      %parallel_loop3A_612 = arith.select %parallel_loop3A_611, %parallel_loop3A_589, %sub3A_65 : vector<16xi1>, vector<16xf32>
      %parallel_loop3A_613 = arith.constant dense<true> : vector<16xi1>
      %parallel_loop3A_614, %parallel_loop3A_615, %parallel_loop3A_616 = tpu.sort %parallel_loop3A_612, %add3A_43 masked %parallel_loop3A_613 {descending = true} : (vector<16xf32>, vector<16xi32>, vector<16xi1>) -> (vector<16xi1>, vector<16xf32>, vector<16xi32>)
      %parallel_loop3A_617 = arith.constant 0.000000e+00 : f32
      %parallel_loop3A_618 = vector.broadcast %parallel_loop3A_617 : f32 to vector<16xf32>
      %parallel_loop3A_619 = arith.cmpf ogt, %parallel_loop3A_592, %parallel_loop3A_618 : vector<16xf32>
      %parallel_loop3A_620 = arith.select %parallel_loop3A_619, %parallel_loop3A_592, %sub3A_72 : vector<16xi1>, vector<16xf32>
      %parallel_loop3A_621 = arith.constant dense<true> : vector<16xi1>
      %parallel_loop3A_622, %parallel_loop3A_623, %parallel_loop3A_624 = tpu.sort %parallel_loop3A_620, %add3A_46 masked %parallel_loop3A_621 : (vector<16xf32>, vector<16xi32>, vector<16xi1>) -> (vector<16xi1>, vector<16xf32>, vector<16xi32>)
      %parallel_loop3A_625 = arith.cmpf oge, %parallel_loop3A_599, %parallel_loop3A_607 : vector<16xf32>
      %parallel_loop3A_626 = arith.select %parallel_loop3A_625, %parallel_loop3A_599, %parallel_loop3A_607 : vector<16xi1>, vector<16xf32>
      %parallel_loop3A_627 = arith.select %parallel_loop3A_625, %parallel_loop3A_600, %parallel_loop3A_608 : vector<16xi1>, vector<16xi32>
      %parallel_loop3A_628 = arith.constant dense<true> : vector<16xi1>
      %parallel_loop3A_629, %parallel_loop3A_630, %parallel_loop3A_631 = tpu.sort %parallel_loop3A_626, %parallel_loop3A_627 masked %parallel_loop3A_628 {descending = true} : (vector<16xf32>, vector<16xi32>, vector<16xi1>) -> (vector<16xi1>, vector<16xf32>, vector<16xi32>)
      %parallel_loop3A_632 = arith.cmpf oge, %parallel_loop3A_615, %parallel_loop3A_623 : vector<16xf32>
      %parallel_loop3A_633 = arith.select %parallel_loop3A_632, %parallel_loop3A_615, %parallel_loop3A_623 : vector<16xi1>, vector<16xf32>
      %parallel_loop3A_634 = arith.select %parallel_loop3A_632, %parallel_loop3A_616, %parallel_loop3A_624 : vector<16xi1>, vector<16xi32>
      %parallel_loop3A_635 = arith.constant dense<true> : vector<16xi1>
      %parallel_loop3A_636, %parallel_loop3A_637, %parallel_loop3A_638 = tpu.sort %parallel_loop3A_633, %parallel_loop3A_634 masked %parallel_loop3A_635 : (vector<16xf32>, vector<16xi32>, vector<16xi1>) -> (vector<16xi1>, vector<16xf32>, vector<16xi32>)
      %parallel_loop3A_639 = arith.cmpf oge, %parallel_loop3A_630, %parallel_loop3A_637 : vector<16xf32>
      %parallel_loop3A_640 = arith.select %parallel_loop3A_639, %parallel_loop3A_630, %parallel_loop3A_637 : vector<16xi1>, vector<16xf32>
      %parallel_loop3A_641 = arith.select %parallel_loop3A_639, %parallel_loop3A_631, %parallel_loop3A_638 : vector<16xi1>, vector<16xi32>
      %parallel_loop3A_642 = arith.constant dense<true> : vector<16xi1>
      %parallel_loop3A_643, %parallel_loop3A_644, %parallel_loop3A_645 = tpu.sort %parallel_loop3A_640, %parallel_loop3A_641 masked %parallel_loop3A_642 {descending = true} : (vector<16xf32>, vector<16xi32>, vector<16xi1>) -> (vector<16xi1>, vector<16xf32>, vector<16xi32>)
      %parallel_loop3A_646 = vector.shape_cast %broadcast_in_dim3A_74 : vector<16xi32> to vector<16x1xi32>
      %parallel_loop3A_647 = vector.shape_cast %parallel_loop3A_646 : vector<16x1xi32> to vector<16xi32>
      %parallel_loop3A_648 = tpu.dynamic_gather %parallel_loop3A_644[%parallel_loop3A_647] in [0] : vector<16xf32>, vector<16xi32> -> vector<16xf32>
      %parallel_loop3A_649 = arith.constant 0.000000e+00 : f32
      %parallel_loop3A_650 = vector.broadcast %parallel_loop3A_649 : f32 to vector<16xf32>
      %parallel_loop3A_651 = arith.maximumf %parallel_loop3A_648, %parallel_loop3A_650 : vector<16xf32>
      %parallel_loop3A_652 = vector.shape_cast %broadcast_in_dim3A_76 : vector<16xi32> to vector<16x1xi32>
      %parallel_loop3A_653 = vector.shape_cast %parallel_loop3A_652 : vector<16x1xi32> to vector<16xi32>
      %parallel_loop3A_654 = tpu.dynamic_gather %parallel_loop3A_644[%parallel_loop3A_653] in [0] : vector<16xf32>, vector<16xi32> -> vector<16xf32>
      %parallel_loop3A_655 = arith.constant 0.000000e+00 : f32
      %parallel_loop3A_656 = vector.broadcast %parallel_loop3A_655 : f32 to vector<16xf32>
      %parallel_loop3A_657 = arith.maximumf %parallel_loop3A_654, %parallel_loop3A_656 : vector<16xf32>
      %parallel_loop3A_658 = arith.cmpf oge, %parallel_loop3A_583, %parallel_loop3A_651 : vector<16xf32>
      %parallel_loop3A_659 = arith.constant 0.000000e+00 : f32
      %parallel_loop3A_660 = vector.broadcast %parallel_loop3A_659 : f32 to vector<16xf32>
      %parallel_loop3A_661 = arith.select %parallel_loop3A_658, %parallel_loop3A_583, %parallel_loop3A_660 : vector<16xi1>, vector<16xf32>
      %parallel_loop3A_662 = arith.cmpf oge, %parallel_loop3A_586, %parallel_loop3A_651 : vector<16xf32>
      %parallel_loop3A_663 = arith.constant 0.000000e+00 : f32
      %parallel_loop3A_664 = vector.broadcast %parallel_loop3A_663 : f32 to vector<16xf32>
      %parallel_loop3A_665 = arith.select %parallel_loop3A_662, %parallel_loop3A_586, %parallel_loop3A_664 : vector<16xi1>, vector<16xf32>
      %parallel_loop3A_666 = arith.cmpf oge, %parallel_loop3A_589, %parallel_loop3A_651 : vector<16xf32>
      %parallel_loop3A_667 = arith.constant 0.000000e+00 : f32
      %parallel_loop3A_668 = vector.broadcast %parallel_loop3A_667 : f32 to vector<16xf32>
      %parallel_loop3A_669 = arith.select %parallel_loop3A_666, %parallel_loop3A_589, %parallel_loop3A_668 : vector<16xi1>, vector<16xf32>
      %parallel_loop3A_670 = arith.cmpf oge, %parallel_loop3A_592, %parallel_loop3A_651 : vector<16xf32>
      %parallel_loop3A_671 = arith.constant 0.000000e+00 : f32
      %parallel_loop3A_672 = vector.broadcast %parallel_loop3A_671 : f32 to vector<16xf32>
      %parallel_loop3A_673 = arith.select %parallel_loop3A_670, %parallel_loop3A_592, %parallel_loop3A_672 : vector<16xi1>, vector<16xf32>
      %parallel_loop3A_674 = arith.addf %parallel_loop3A_661, %parallel_loop3A_665 : vector<16xf32>
      %parallel_loop3A_675 = arith.addf %parallel_loop3A_674, %parallel_loop3A_669 : vector<16xf32>
      %parallel_loop3A_676 = arith.addf %parallel_loop3A_675, %parallel_loop3A_673 : vector<16xf32>
      %parallel_loop3A_677 = arith.constant true
      %parallel_loop3A_678 = vector.broadcast %parallel_loop3A_677 : i1 to vector<16xi1>
      %parallel_loop3A_679 = tpu.scan <sum>, %parallel_loop3A_676 masked %parallel_loop3A_678 : vector<16xf32>, vector<16xi1> -> vector<16xf32>
      %parallel_loop3A_680 = vector.extract %parallel_loop3A_679[15] : f32 from vector<16xf32>
      %parallel_loop3A_681 = vector.broadcast %parallel_loop3A_680 : f32 to vector<16xf32>
      %parallel_loop3A_682 = arith.constant 2.000000e+01 : f32
      %parallel_loop3A_683 = vector.broadcast %parallel_loop3A_682 : f32 to vector<16xf32>
      %parallel_loop3A_684 = arith.minimumf %parallel_loop3A_657, %parallel_loop3A_683 : vector<16xf32>
      %parallel_loop3A_685 = arith.constant 2.000000e+00 : f32
      %parallel_loop3A_686 = vector.broadcast %parallel_loop3A_685 : f32 to vector<16xf32>
      %parallel_loop3A_687 = arith.mulf %parallel_loop3A_686, %parallel_loop3A_684 : vector<16xf32>
      %parallel_loop3A_688 = math.exp %parallel_loop3A_687 : vector<16xf32>
      %parallel_loop3A_689 = arith.constant 1.000000e+00 : f32
      %parallel_loop3A_690 = vector.broadcast %parallel_loop3A_689 : f32 to vector<16xf32>
      %parallel_loop3A_691 = arith.subf %parallel_loop3A_688, %parallel_loop3A_690 : vector<16xf32>
      %parallel_loop3A_692 = arith.constant 1.000000e+00 : f32
      %parallel_loop3A_693 = vector.broadcast %parallel_loop3A_692 : f32 to vector<16xf32>
      %parallel_loop3A_694 = arith.addf %parallel_loop3A_688, %parallel_loop3A_693 : vector<16xf32>
      %parallel_loop3A_695 = arith.divf %parallel_loop3A_691, %parallel_loop3A_694 : vector<16xf32>
      %parallel_loop3A_696 = arith.constant 9.99999993E-9 : f32
      %parallel_loop3A_697 = vector.broadcast %parallel_loop3A_696 : f32 to vector<16xf32>
      %parallel_loop3A_698 = arith.addf %parallel_loop3A_681, %parallel_loop3A_697 : vector<16xf32>
      %parallel_loop3A_699 = arith.divf %parallel_loop3A_695, %parallel_loop3A_698 : vector<16xf32>
      %parallel_loop3A_700 = arith.mulf %parallel_loop3A_661, %parallel_loop3A_699 : vector<16xf32>
      %parallel_loop3A_701 = arith.constant 192 : index
      %parallel_loop3A_702 = tpu.vector_load %arg15[%parallel_loop3A_701] {strides = array<i32>} : memref<256xf32, #tpu.memory_space<vmem>>, vector<16xf32>,
      tpu.vector_store %arg15[%parallel_loop3A_701], %parallel_loop3A_700 {add = true, strides = array<i32>} : memref<256xf32, #tpu.memory_space<vmem>>, vector<16xf32>,
      %parallel_loop3A_703 = arith.mulf %parallel_loop3A_665, %parallel_loop3A_699 : vector<16xf32>
      %parallel_loop3A_704 = arith.constant 208 : index
      %parallel_loop3A_705 = tpu.vector_load %arg15[%parallel_loop3A_704] {strides = array<i32>} : memref<256xf32, #tpu.memory_space<vmem>>, vector<16xf32>,
      tpu.vector_store %arg15[%parallel_loop3A_704], %parallel_loop3A_703 {add = true, strides = array<i32>} : memref<256xf32, #tpu.memory_space<vmem>>, vector<16xf32>,
      %parallel_loop3A_706 = arith.mulf %parallel_loop3A_669, %parallel_loop3A_699 : vector<16xf32>
      %parallel_loop3A_707 = arith.constant 224 : index
      %parallel_loop3A_708 = tpu.vector_load %arg15[%parallel_loop3A_707] {strides = array<i32>} : memref<256xf32, #tpu.memory_space<vmem>>, vector<16xf32>,
      tpu.vector_store %arg15[%parallel_loop3A_707], %parallel_loop3A_706 {add = true, strides = array<i32>} : memref<256xf32, #tpu.memory_space<vmem>>, vector<16xf32>,
      %parallel_loop3A_709 = arith.mulf %parallel_loop3A_673, %parallel_loop3A_699 : vector<16xf32>
      %parallel_loop3A_710 = arith.constant 240 : index
      %parallel_loop3A_711 = tpu.vector_load %arg15[%parallel_loop3A_710] {strides = array<i32>} : memref<256xf32, #tpu.memory_space<vmem>>, vector<16xf32>,
      tpu.vector_store %arg15[%parallel_loop3A_710], %parallel_loop3A_709 {add = true, strides = array<i32>} : memref<256xf32, #tpu.memory_space<vmem>>, vector<16xf32>,
      %parallel_loop3A_712 = arith.constant 0.000000e+00 : f32
      %parallel_loop3A_713 = vector.broadcast %parallel_loop3A_712 : f32 to vector<16xf32>
      %parallel_loop3A_714 = arith.maximumf %parallel_loop3A_644, %parallel_loop3A_713 : vector<16xf32>
      %parallel_loop3A_715 = arith.mulf %parallel_loop3A_714, %parallel_loop3A_699 : vector<16xf32>
      %parallel_loop3A_716 = arith.constant 3 : i32
      %parallel_loop3A_717 = arith.constant 0 : i32
      %parallel_loop3A_718 = arith.constant 0 : i32
      %parallel_loop3A_719 = tpu.memref_slice %arg13[%parallel_loop3A_716, %parallel_loop3A_717, %parallel_loop3A_718] : memref<4x8x128xf32, #tpu.memory_space<vmem>> -> memref<1x8x128xf32, #tpu.memory_space<vmem>>
      %parallel_loop3A_720 = tpu.memref_squeeze %parallel_loop3A_719 : memref<1x8x128xf32, #tpu.memory_space<vmem>> -> memref<8x128xf32, #tpu.memory_space<vmem>>
      tpu.vector_store_idx %parallel_loop3A_720[%select_n3A_91, %parallel_loop3A_145], %parallel_loop3A_715 masked %lt3A_94 : memref<8x128xf32, #tpu.memory_space<vmem>>[vector<16xi32>, vector<16xi32>], vector<16xf32>, vector<16xi1>
      %parallel_loop3A_721 = arith.constant 3 : i32
      %parallel_loop3A_722 = arith.constant 0 : i32
      %parallel_loop3A_723 = arith.constant 0 : i32
      %parallel_loop3A_724 = tpu.memref_slice %arg14[%parallel_loop3A_721, %parallel_loop3A_722, %parallel_loop3A_723] : memref<4x8x128xi32, #tpu.memory_space<vmem>> -> memref<1x8x128xi32, #tpu.memory_space<vmem>>
      %parallel_loop3A_725 = tpu.memref_squeeze %parallel_loop3A_724 : memref<1x8x128xi32, #tpu.memory_space<vmem>> -> memref<8x128xi32, #tpu.memory_space<vmem>>
      tpu.vector_store_idx %parallel_loop3A_725[%select_n3A_91, %parallel_loop3A_145], %parallel_loop3A_645 masked %lt3A_94 : memref<8x128xi32, #tpu.memory_space<vmem>>[vector<16xi32>, vector<16xi32>], vector<16xi32>, vector<16xi1>
    } {sc.loop_unroll_factor = 2 : i64, sc.parallel_access}
    %jit3A_97 = arith.constant 16 : i32
    %div3A = arith.divsi %add3A, %jit3A_97 : i32
    %sign3A = arith.constant 0 : i32
    %sign3A_98 = arith.cmpi sgt, %add3A, %sign3A : i32
    %sign3A_99 = arith.extui %sign3A_98 : i1 to i32
    %sign3A_100 = arith.constant 0 : i32
    %sign3A_101 = arith.cmpi slt, %add3A, %sign3A_100 : i32
    %sign3A_102 = arith.extui %sign3A_101 : i1 to i32
    %sign3A_103 = arith.subi %sign3A_99, %sign3A_102 : i32
    %sign3A_104 = arith.constant 0 : i32
    %sign3A_105 = arith.cmpi sgt, %jit3A_97, %sign3A_104 : i32
    %sign3A_106 = arith.extui %sign3A_105 : i1 to i32
    %sign3A_107 = arith.constant 0 : i32
    %sign3A_108 = arith.cmpi slt, %jit3A_97, %sign3A_107 : i32
    %sign3A_109 = arith.extui %sign3A_108 : i1 to i32
    %sign3A_110 = arith.subi %sign3A_106, %sign3A_109 : i32
    %ne3A_111 = arith.cmpi ne, %sign3A_103, %sign3A_110 : i32
    %rem3A_112 = arith.remsi %add3A, %jit3A_97 : i32
    %ne3A_113 = arith.constant 0 : i32
    %ne3A_114 = arith.cmpi ne, %rem3A_112, %ne3A_113 : i32
    %and3A_115 = arith.andi %ne3A_111, %ne3A_114 : i1
    %sub3A_116 = arith.constant 1 : i32
    %sub3A_117 = arith.subi %div3A, %sub3A_116 : i32
    %select_n3A_118 = arith.select %and3A_115, %sub3A_117, %div3A : i32
    %jit3A_119 = arith.constant 16 : i32
    %eq3A_120 = arith.constant 0 : i32
    %eq3A_121 = arith.cmpi eq, %jit3A_119, %eq3A_120 : i32
    %jit3A_122 = arith.constant 1 : i32
    %select_n3A_123 = arith.select %eq3A_121, %jit3A_122, %jit3A_119 : i32
    %rem3A_124 = arith.remsi %add3A, %select_n3A_123 : i32
    %ne3A_125 = arith.constant 0 : i32
    %ne3A_126 = arith.cmpi ne, %rem3A_124, %ne3A_125 : i32
    %lt3A_127 = arith.constant 0 : i32
    %lt3A_128 = arith.cmpi slt, %rem3A_124, %lt3A_127 : i32
    %lt3A_129 = arith.constant 0 : i32
    %lt3A_130 = arith.cmpi slt, %select_n3A_123, %lt3A_129 : i32
    %ne3A_131 = arith.xori %lt3A_128, %lt3A_130 : i1
    %and3A_132 = arith.andi %ne3A_131, %ne3A_126 : i1
    %add3A_133 = arith.addi %rem3A_124, %select_n3A_123 : i32
    %select_n3A_134 = arith.select %and3A_132, %add3A_133, %rem3A_124 : i32
    %mul3A_135 = arith.constant 128 : i32
    %mul3A_136 = arith.muli %select_n3A_134, %mul3A_135 : i32
    %run_scoped3A = arith.constant 0 : i32
    "tpu.region"() ({
      %run_scoped3A_144 = tpu.sem_alloc : memref<!tpu.dma_semaphore, #tpu.memory_space<semaphore_mem>>
      %dma_start3A = arith.constant 0 : i32
      %dma_start3A_145 = arith.constant 0 : i32
      %dma_start3A_146 = tpu.memref_slice %arg13[%run_scoped3A, %dma_start3A, %dma_start3A_145] : memref<4x8x128xf32, #tpu.memory_space<vmem>> -> memref<1x8x128xf32, #tpu.memory_space<vmem>>
      %dma_start3A_147 = tpu.memref_squeeze %dma_start3A_146 : memref<1x8x128xf32, #tpu.memory_space<vmem>> -> memref<8x128xf32, #tpu.memory_space<vmem>>
      %dma_start3A_148 = arith.constant 0 : i32
      %dma_start3A_149 = tpu.memref_slice %arg3[%select_n3A_118, %dma_start3A_148, %mul3A_136] : memref<2x8x2048xf32, #tpu.memory_space<hbm>> -> memref<1x8x128xf32, #tpu.memory_space<hbm>>
      %dma_start3A_150 = tpu.memref_squeeze %dma_start3A_149 : memref<1x8x128xf32, #tpu.memory_space<hbm>> -> memref<8x128xf32, #tpu.memory_space<hbm>>
      %dma_start3A_151 = arith.constant 0 : i32
      %dma_start3A_152 = tpu.memref_slice %arg3[%select_n3A_118, %dma_start3A_151, %mul3A_136] : memref<2x8x2048xf32, #tpu.memory_space<hbm>> -> memref<1x8x128xf32, #tpu.memory_space<hbm>>
      %dma_start3A_153 = tpu.memref_squeeze %dma_start3A_152 : memref<1x8x128xf32, #tpu.memory_space<hbm>> -> memref<8x128xf32, #tpu.memory_space<hbm>>
      %dma_start3A_154 = arith.constant 0 : i32
      %dma_start3A_155 = arith.constant 0 : i32
      %dma_start3A_156 = tpu.memref_slice %arg13[%run_scoped3A, %dma_start3A_154, %dma_start3A_155] : memref<4x8x128xf32, #tpu.memory_space<vmem>> -> memref<1x8x128xf32, #tpu.memory_space<vmem>>
      %dma_start3A_157 = tpu.memref_squeeze %dma_start3A_156 : memref<1x8x128xf32, #tpu.memory_space<vmem>> -> memref<8x128xf32, #tpu.memory_space<vmem>>
      tpu.enqueue_dma source(%dma_start3A_157 : memref<8x128xf32, #tpu.memory_space<vmem>>) target(%dma_start3A_153 : memref<8x128xf32, #tpu.memory_space<hbm>>) target_semaphore(%run_scoped3A_144 : memref<!tpu.dma_semaphore, #tpu.memory_space<semaphore_mem>>)
      %dma_wait3A = arith.constant 0 : i32
      %dma_wait3A_158 = arith.constant 0 : i32
      %dma_wait3A_159 = tpu.memref_slice %arg13[%run_scoped3A, %dma_wait3A, %dma_wait3A_158] : memref<4x8x128xf32, #tpu.memory_space<vmem>> -> memref<1x8x128xf32, #tpu.memory_space<vmem>>
      %dma_wait3A_160 = tpu.memref_squeeze %dma_wait3A_159 : memref<1x8x128xf32, #tpu.memory_space<vmem>> -> memref<8x128xf32, #tpu.memory_space<vmem>>
      %dma_wait3A_161 = arith.constant 0 : i32
      %dma_wait3A_162 = tpu.memref_slice %arg3[%select_n3A_118, %dma_wait3A_161, %mul3A_136] : memref<2x8x2048xf32, #tpu.memory_space<hbm>> -> memref<1x8x128xf32, #tpu.memory_space<hbm>>
      %dma_wait3A_163 = tpu.memref_squeeze %dma_wait3A_162 : memref<1x8x128xf32, #tpu.memory_space<hbm>> -> memref<8x128xf32, #tpu.memory_space<hbm>>
      %dma_wait3A_164 = arith.constant 0 : i32
      %dma_wait3A_165 = tpu.memref_slice %arg3[%select_n3A_118, %dma_wait3A_164, %mul3A_136] : memref<2x8x2048xf32, #tpu.memory_space<hbm>> -> memref<1x8x128xf32, #tpu.memory_space<hbm>>
      %dma_wait3A_166 = tpu.memref_squeeze %dma_wait3A_165 : memref<1x8x128xf32, #tpu.memory_space<hbm>> -> memref<8x128xf32, #tpu.memory_space<hbm>>
      %dma_wait3A_167 = arith.constant 0 : i32
      %dma_wait3A_168 = arith.constant 0 : i32
      %dma_wait3A_169 = tpu.memref_slice %arg13[%run_scoped3A, %dma_wait3A_167, %dma_wait3A_168] : memref<4x8x128xf32, #tpu.memory_space<vmem>> -> memref<1x8x128xf32, #tpu.memory_space<vmem>>
      %dma_wait3A_170 = tpu.memref_squeeze %dma_wait3A_169 : memref<1x8x128xf32, #tpu.memory_space<vmem>> -> memref<8x128xf32, #tpu.memory_space<vmem>>
      tpu.wait_dma2 semaphore(%run_scoped3A_144 : memref<!tpu.dma_semaphore, #tpu.memory_space<semaphore_mem>>) src(%dma_wait3A_170 : memref<8x128xf32, #tpu.memory_space<vmem>>) dst(%dma_wait3A_166 : memref<8x128xf32, #tpu.memory_space<hbm>>)
      tpu.yield
    }) : () -> ()
    %run_scoped3A_137 = arith.constant 1 : i32
    "tpu.region"() ({
      %run_scoped3A_144 = tpu.sem_alloc : memref<!tpu.dma_semaphore, #tpu.memory_space<semaphore_mem>>
      %dma_start3A = arith.constant 0 : i32
      %dma_start3A_145 = arith.constant 0 : i32
      %dma_start3A_146 = tpu.memref_slice %arg13[%run_scoped3A_137, %dma_start3A, %dma_start3A_145] : memref<4x8x128xf32, #tpu.memory_space<vmem>> -> memref<1x8x128xf32, #tpu.memory_space<vmem>>
      %dma_start3A_147 = tpu.memref_squeeze %dma_start3A_146 : memref<1x8x128xf32, #tpu.memory_space<vmem>> -> memref<8x128xf32, #tpu.memory_space<vmem>>
      %dma_start3A_148 = arith.constant 0 : i32
      %dma_start3A_149 = tpu.memref_slice %arg5[%select_n3A_118, %dma_start3A_148, %mul3A_136] : memref<2x8x2048xf32, #tpu.memory_space<hbm>> -> memref<1x8x128xf32, #tpu.memory_space<hbm>>
      %dma_start3A_150 = tpu.memref_squeeze %dma_start3A_149 : memref<1x8x128xf32, #tpu.memory_space<hbm>> -> memref<8x128xf32, #tpu.memory_space<hbm>>
      %dma_start3A_151 = arith.constant 0 : i32
      %dma_start3A_152 = tpu.memref_slice %arg5[%select_n3A_118, %dma_start3A_151, %mul3A_136] : memref<2x8x2048xf32, #tpu.memory_space<hbm>> -> memref<1x8x128xf32, #tpu.memory_space<hbm>>
      %dma_start3A_153 = tpu.memref_squeeze %dma_start3A_152 : memref<1x8x128xf32, #tpu.memory_space<hbm>> -> memref<8x128xf32, #tpu.memory_space<hbm>>
      %dma_start3A_154 = arith.constant 0 : i32
      %dma_start3A_155 = arith.constant 0 : i32
      %dma_start3A_156 = tpu.memref_slice %arg13[%run_scoped3A_137, %dma_start3A_154, %dma_start3A_155] : memref<4x8x128xf32, #tpu.memory_space<vmem>> -> memref<1x8x128xf32, #tpu.memory_space<vmem>>
      %dma_start3A_157 = tpu.memref_squeeze %dma_start3A_156 : memref<1x8x128xf32, #tpu.memory_space<vmem>> -> memref<8x128xf32, #tpu.memory_space<vmem>>
      tpu.enqueue_dma source(%dma_start3A_157 : memref<8x128xf32, #tpu.memory_space<vmem>>) target(%dma_start3A_153 : memref<8x128xf32, #tpu.memory_space<hbm>>) target_semaphore(%run_scoped3A_144 : memref<!tpu.dma_semaphore, #tpu.memory_space<semaphore_mem>>)
      %dma_wait3A = arith.constant 0 : i32
      %dma_wait3A_158 = arith.constant 0 : i32
      %dma_wait3A_159 = tpu.memref_slice %arg13[%run_scoped3A_137, %dma_wait3A, %dma_wait3A_158] : memref<4x8x128xf32, #tpu.memory_space<vmem>> -> memref<1x8x128xf32, #tpu.memory_space<vmem>>
      %dma_wait3A_160 = tpu.memref_squeeze %dma_wait3A_159 : memref<1x8x128xf32, #tpu.memory_space<vmem>> -> memref<8x128xf32, #tpu.memory_space<vmem>>
      %dma_wait3A_161 = arith.constant 0 : i32
      %dma_wait3A_162 = tpu.memref_slice %arg5[%select_n3A_118, %dma_wait3A_161, %mul3A_136] : memref<2x8x2048xf32, #tpu.memory_space<hbm>> -> memref<1x8x128xf32, #tpu.memory_space<hbm>>
      %dma_wait3A_163 = tpu.memref_squeeze %dma_wait3A_162 : memref<1x8x128xf32, #tpu.memory_space<hbm>> -> memref<8x128xf32, #tpu.memory_space<hbm>>
      %dma_wait3A_164 = arith.constant 0 : i32
      %dma_wait3A_165 = tpu.memref_slice %arg5[%select_n3A_118, %dma_wait3A_164, %mul3A_136] : memref<2x8x2048xf32, #tpu.memory_space<hbm>> -> memref<1x8x128xf32, #tpu.memory_space<hbm>>
      %dma_wait3A_166 = tpu.memref_squeeze %dma_wait3A_165 : memref<1x8x128xf32, #tpu.memory_space<hbm>> -> memref<8x128xf32, #tpu.memory_space<hbm>>
      %dma_wait3A_167 = arith.constant 0 : i32
      %dma_wait3A_168 = arith.constant 0 : i32
      %dma_wait3A_169 = tpu.memref_slice %arg13[%run_scoped3A_137, %dma_wait3A_167, %dma_wait3A_168] : memref<4x8x128xf32, #tpu.memory_space<vmem>> -> memref<1x8x128xf32, #tpu.memory_space<vmem>>
      %dma_wait3A_170 = tpu.memref_squeeze %dma_wait3A_169 : memref<1x8x128xf32, #tpu.memory_space<vmem>> -> memref<8x128xf32, #tpu.memory_space<vmem>>
      tpu.wait_dma2 semaphore(%run_scoped3A_144 : memref<!tpu.dma_semaphore, #tpu.memory_space<semaphore_mem>>) src(%dma_wait3A_170 : memref<8x128xf32, #tpu.memory_space<vmem>>) dst(%dma_wait3A_166 : memref<8x128xf32, #tpu.memory_space<hbm>>)
      tpu.yield
    }) : () -> ()
    %run_scoped3A_138 = arith.constant 2 : i32
    "tpu.region"() ({
      %run_scoped3A_144 = tpu.sem_alloc : memref<!tpu.dma_semaphore, #tpu.memory_space<semaphore_mem>>
      %dma_start3A = arith.constant 0 : i32
      %dma_start3A_145 = arith.constant 0 : i32
      %dma_start3A_146 = tpu.memref_slice %arg13[%run_scoped3A_138, %dma_start3A, %dma_start3A_145] : memref<4x8x128xf32, #tpu.memory_space<vmem>> -> memref<1x8x128xf32, #tpu.memory_space<vmem>>
      %dma_start3A_147 = tpu.memref_squeeze %dma_start3A_146 : memref<1x8x128xf32, #tpu.memory_space<vmem>> -> memref<8x128xf32, #tpu.memory_space<vmem>>
      %dma_start3A_148 = arith.constant 0 : i32
      %dma_start3A_149 = tpu.memref_slice %arg7[%select_n3A_118, %dma_start3A_148, %mul3A_136] : memref<2x8x2048xf32, #tpu.memory_space<hbm>> -> memref<1x8x128xf32, #tpu.memory_space<hbm>>
      %dma_start3A_150 = tpu.memref_squeeze %dma_start3A_149 : memref<1x8x128xf32, #tpu.memory_space<hbm>> -> memref<8x128xf32, #tpu.memory_space<hbm>>
      %dma_start3A_151 = arith.constant 0 : i32
      %dma_start3A_152 = tpu.memref_slice %arg7[%select_n3A_118, %dma_start3A_151, %mul3A_136] : memref<2x8x2048xf32, #tpu.memory_space<hbm>> -> memref<1x8x128xf32, #tpu.memory_space<hbm>>
      %dma_start3A_153 = tpu.memref_squeeze %dma_start3A_152 : memref<1x8x128xf32, #tpu.memory_space<hbm>> -> memref<8x128xf32, #tpu.memory_space<hbm>>
      %dma_start3A_154 = arith.constant 0 : i32
      %dma_start3A_155 = arith.constant 0 : i32
      %dma_start3A_156 = tpu.memref_slice %arg13[%run_scoped3A_138, %dma_start3A_154, %dma_start3A_155] : memref<4x8x128xf32, #tpu.memory_space<vmem>> -> memref<1x8x128xf32, #tpu.memory_space<vmem>>
      %dma_start3A_157 = tpu.memref_squeeze %dma_start3A_156 : memref<1x8x128xf32, #tpu.memory_space<vmem>> -> memref<8x128xf32, #tpu.memory_space<vmem>>
      tpu.enqueue_dma source(%dma_start3A_157 : memref<8x128xf32, #tpu.memory_space<vmem>>) target(%dma_start3A_153 : memref<8x128xf32, #tpu.memory_space<hbm>>) target_semaphore(%run_scoped3A_144 : memref<!tpu.dma_semaphore, #tpu.memory_space<semaphore_mem>>)
      %dma_wait3A = arith.constant 0 : i32
      %dma_wait3A_158 = arith.constant 0 : i32
      %dma_wait3A_159 = tpu.memref_slice %arg13[%run_scoped3A_138, %dma_wait3A, %dma_wait3A_158] : memref<4x8x128xf32, #tpu.memory_space<vmem>> -> memref<1x8x128xf32, #tpu.memory_space<vmem>>
      %dma_wait3A_160 = tpu.memref_squeeze %dma_wait3A_159 : memref<1x8x128xf32, #tpu.memory_space<vmem>> -> memref<8x128xf32, #tpu.memory_space<vmem>>
      %dma_wait3A_161 = arith.constant 0 : i32
      %dma_wait3A_162 = tpu.memref_slice %arg7[%select_n3A_118, %dma_wait3A_161, %mul3A_136] : memref<2x8x2048xf32, #tpu.memory_space<hbm>> -> memref<1x8x128xf32, #tpu.memory_space<hbm>>
      %dma_wait3A_163 = tpu.memref_squeeze %dma_wait3A_162 : memref<1x8x128xf32, #tpu.memory_space<hbm>> -> memref<8x128xf32, #tpu.memory_space<hbm>>
      %dma_wait3A_164 = arith.constant 0 : i32
      %dma_wait3A_165 = tpu.memref_slice %arg7[%select_n3A_118, %dma_wait3A_164, %mul3A_136] : memref<2x8x2048xf32, #tpu.memory_space<hbm>> -> memref<1x8x128xf32, #tpu.memory_space<hbm>>
      %dma_wait3A_166 = tpu.memref_squeeze %dma_wait3A_165 : memref<1x8x128xf32, #tpu.memory_space<hbm>> -> memref<8x128xf32, #tpu.memory_space<hbm>>
      %dma_wait3A_167 = arith.constant 0 : i32
      %dma_wait3A_168 = arith.constant 0 : i32
      %dma_wait3A_169 = tpu.memref_slice %arg13[%run_scoped3A_138, %dma_wait3A_167, %dma_wait3A_168] : memref<4x8x128xf32, #tpu.memory_space<vmem>> -> memref<1x8x128xf32, #tpu.memory_space<vmem>>
      %dma_wait3A_170 = tpu.memref_squeeze %dma_wait3A_169 : memref<1x8x128xf32, #tpu.memory_space<vmem>> -> memref<8x128xf32, #tpu.memory_space<vmem>>
      tpu.wait_dma2 semaphore(%run_scoped3A_144 : memref<!tpu.dma_semaphore, #tpu.memory_space<semaphore_mem>>) src(%dma_wait3A_170 : memref<8x128xf32, #tpu.memory_space<vmem>>) dst(%dma_wait3A_166 : memref<8x128xf32, #tpu.memory_space<hbm>>)
      tpu.yield
    }) : () -> ()
    %run_scoped3A_139 = arith.constant 3 : i32
    "tpu.region"() ({
      %run_scoped3A_144 = tpu.sem_alloc : memref<!tpu.dma_semaphore, #tpu.memory_space<semaphore_mem>>
      %dma_start3A = arith.constant 0 : i32
      %dma_start3A_145 = arith.constant 0 : i32
      %dma_start3A_146 = tpu.memref_slice %arg13[%run_scoped3A_139, %dma_start3A, %dma_start3A_145] : memref<4x8x128xf32, #tpu.memory_space<vmem>> -> memref<1x8x128xf32, #tpu.memory_space<vmem>>
      %dma_start3A_147 = tpu.memref_squeeze %dma_start3A_146 : memref<1x8x128xf32, #tpu.memory_space<vmem>> -> memref<8x128xf32, #tpu.memory_space<vmem>>
      %dma_start3A_148 = arith.constant 0 : i32
      %dma_start3A_149 = tpu.memref_slice %arg9[%select_n3A_118, %dma_start3A_148, %mul3A_136] : memref<2x8x2048xf32, #tpu.memory_space<hbm>> -> memref<1x8x128xf32, #tpu.memory_space<hbm>>
      %dma_start3A_150 = tpu.memref_squeeze %dma_start3A_149 : memref<1x8x128xf32, #tpu.memory_space<hbm>> -> memref<8x128xf32, #tpu.memory_space<hbm>>
      %dma_start3A_151 = arith.constant 0 : i32
      %dma_start3A_152 = tpu.memref_slice %arg9[%select_n3A_118, %dma_start3A_151, %mul3A_136] : memref<2x8x2048xf32, #tpu.memory_space<hbm>> -> memref<1x8x128xf32, #tpu.memory_space<hbm>>
      %dma_start3A_153 = tpu.memref_squeeze %dma_start3A_152 : memref<1x8x128xf32, #tpu.memory_space<hbm>> -> memref<8x128xf32, #tpu.memory_space<hbm>>
      %dma_start3A_154 = arith.constant 0 : i32
      %dma_start3A_155 = arith.constant 0 : i32
      %dma_start3A_156 = tpu.memref_slice %arg13[%run_scoped3A_139, %dma_start3A_154, %dma_start3A_155] : memref<4x8x128xf32, #tpu.memory_space<vmem>> -> memref<1x8x128xf32, #tpu.memory_space<vmem>>
      %dma_start3A_157 = tpu.memref_squeeze %dma_start3A_156 : memref<1x8x128xf32, #tpu.memory_space<vmem>> -> memref<8x128xf32, #tpu.memory_space<vmem>>
      tpu.enqueue_dma source(%dma_start3A_157 : memref<8x128xf32, #tpu.memory_space<vmem>>) target(%dma_start3A_153 : memref<8x128xf32, #tpu.memory_space<hbm>>) target_semaphore(%run_scoped3A_144 : memref<!tpu.dma_semaphore, #tpu.memory_space<semaphore_mem>>)
      %dma_wait3A = arith.constant 0 : i32
      %dma_wait3A_158 = arith.constant 0 : i32
      %dma_wait3A_159 = tpu.memref_slice %arg13[%run_scoped3A_139, %dma_wait3A, %dma_wait3A_158] : memref<4x8x128xf32, #tpu.memory_space<vmem>> -> memref<1x8x128xf32, #tpu.memory_space<vmem>>
      %dma_wait3A_160 = tpu.memref_squeeze %dma_wait3A_159 : memref<1x8x128xf32, #tpu.memory_space<vmem>> -> memref<8x128xf32, #tpu.memory_space<vmem>>
      %dma_wait3A_161 = arith.constant 0 : i32
      %dma_wait3A_162 = tpu.memref_slice %arg9[%select_n3A_118, %dma_wait3A_161, %mul3A_136] : memref<2x8x2048xf32, #tpu.memory_space<hbm>> -> memref<1x8x128xf32, #tpu.memory_space<hbm>>
      %dma_wait3A_163 = tpu.memref_squeeze %dma_wait3A_162 : memref<1x8x128xf32, #tpu.memory_space<hbm>> -> memref<8x128xf32, #tpu.memory_space<hbm>>
      %dma_wait3A_164 = arith.constant 0 : i32
      %dma_wait3A_165 = tpu.memref_slice %arg9[%select_n3A_118, %dma_wait3A_164, %mul3A_136] : memref<2x8x2048xf32, #tpu.memory_space<hbm>> -> memref<1x8x128xf32, #tpu.memory_space<hbm>>
      %dma_wait3A_166 = tpu.memref_squeeze %dma_wait3A_165 : memref<1x8x128xf32, #tpu.memory_space<hbm>> -> memref<8x128xf32, #tpu.memory_space<hbm>>
      %dma_wait3A_167 = arith.constant 0 : i32
      %dma_wait3A_168 = arith.constant 0 : i32
      %dma_wait3A_169 = tpu.memref_slice %arg13[%run_scoped3A_139, %dma_wait3A_167, %dma_wait3A_168] : memref<4x8x128xf32, #tpu.memory_space<vmem>> -> memref<1x8x128xf32, #tpu.memory_space<vmem>>
      %dma_wait3A_170 = tpu.memref_squeeze %dma_wait3A_169 : memref<1x8x128xf32, #tpu.memory_space<vmem>> -> memref<8x128xf32, #tpu.memory_space<vmem>>
      tpu.wait_dma2 semaphore(%run_scoped3A_144 : memref<!tpu.dma_semaphore, #tpu.memory_space<semaphore_mem>>) src(%dma_wait3A_170 : memref<8x128xf32, #tpu.memory_space<vmem>>) dst(%dma_wait3A_166 : memref<8x128xf32, #tpu.memory_space<hbm>>)
      tpu.yield
    }) : () -> ()
    %run_scoped3A_140 = arith.constant 0 : i32
    "tpu.region"() ({
      %run_scoped3A_144 = tpu.sem_alloc : memref<!tpu.dma_semaphore, #tpu.memory_space<semaphore_mem>>
      %dma_start3A = arith.constant 0 : i32
      %dma_start3A_145 = arith.constant 0 : i32
      %dma_start3A_146 = tpu.memref_slice %arg14[%run_scoped3A_140, %dma_start3A, %dma_start3A_145] : memref<4x8x128xi32, #tpu.memory_space<vmem>> -> memref<1x8x128xi32, #tpu.memory_space<vmem>>
      %dma_start3A_147 = tpu.memref_squeeze %dma_start3A_146 : memref<1x8x128xi32, #tpu.memory_space<vmem>> -> memref<8x128xi32, #tpu.memory_space<vmem>>
      %dma_start3A_148 = arith.constant 0 : i32
      %dma_start3A_149 = tpu.memref_slice %arg4[%select_n3A_118, %dma_start3A_148, %mul3A_136] : memref<2x8x2048xi32, #tpu.memory_space<hbm>> -> memref<1x8x128xi32, #tpu.memory_space<hbm>>
      %dma_start3A_150 = tpu.memref_squeeze %dma_start3A_149 : memref<1x8x128xi32, #tpu.memory_space<hbm>> -> memref<8x128xi32, #tpu.memory_space<hbm>>
      %dma_start3A_151 = arith.constant 0 : i32
      %dma_start3A_152 = tpu.memref_slice %arg4[%select_n3A_118, %dma_start3A_151, %mul3A_136] : memref<2x8x2048xi32, #tpu.memory_space<hbm>> -> memref<1x8x128xi32, #tpu.memory_space<hbm>>
      %dma_start3A_153 = tpu.memref_squeeze %dma_start3A_152 : memref<1x8x128xi32, #tpu.memory_space<hbm>> -> memref<8x128xi32, #tpu.memory_space<hbm>>
      %dma_start3A_154 = arith.constant 0 : i32
      %dma_start3A_155 = arith.constant 0 : i32
      %dma_start3A_156 = tpu.memref_slice %arg14[%run_scoped3A_140, %dma_start3A_154, %dma_start3A_155] : memref<4x8x128xi32, #tpu.memory_space<vmem>> -> memref<1x8x128xi32, #tpu.memory_space<vmem>>
      %dma_start3A_157 = tpu.memref_squeeze %dma_start3A_156 : memref<1x8x128xi32, #tpu.memory_space<vmem>> -> memref<8x128xi32, #tpu.memory_space<vmem>>
      tpu.enqueue_dma source(%dma_start3A_157 : memref<8x128xi32, #tpu.memory_space<vmem>>) target(%dma_start3A_153 : memref<8x128xi32, #tpu.memory_space<hbm>>) target_semaphore(%run_scoped3A_144 : memref<!tpu.dma_semaphore, #tpu.memory_space<semaphore_mem>>)
      %dma_wait3A = arith.constant 0 : i32
      %dma_wait3A_158 = arith.constant 0 : i32
      %dma_wait3A_159 = tpu.memref_slice %arg14[%run_scoped3A_140, %dma_wait3A, %dma_wait3A_158] : memref<4x8x128xi32, #tpu.memory_space<vmem>> -> memref<1x8x128xi32, #tpu.memory_space<vmem>>
      %dma_wait3A_160 = tpu.memref_squeeze %dma_wait3A_159 : memref<1x8x128xi32, #tpu.memory_space<vmem>> -> memref<8x128xi32, #tpu.memory_space<vmem>>
      %dma_wait3A_161 = arith.constant 0 : i32
      %dma_wait3A_162 = tpu.memref_slice %arg4[%select_n3A_118, %dma_wait3A_161, %mul3A_136] : memref<2x8x2048xi32, #tpu.memory_space<hbm>> -> memref<1x8x128xi32, #tpu.memory_space<hbm>>
      %dma_wait3A_163 = tpu.memref_squeeze %dma_wait3A_162 : memref<1x8x128xi32, #tpu.memory_space<hbm>> -> memref<8x128xi32, #tpu.memory_space<hbm>>
      %dma_wait3A_164 = arith.constant 0 : i32
      %dma_wait3A_165 = tpu.memref_slice %arg4[%select_n3A_118, %dma_wait3A_164, %mul3A_136] : memref<2x8x2048xi32, #tpu.memory_space<hbm>> -> memref<1x8x128xi32, #tpu.memory_space<hbm>>
      %dma_wait3A_166 = tpu.memref_squeeze %dma_wait3A_165 : memref<1x8x128xi32, #tpu.memory_space<hbm>> -> memref<8x128xi32, #tpu.memory_space<hbm>>
      %dma_wait3A_167 = arith.constant 0 : i32
      %dma_wait3A_168 = arith.constant 0 : i32
      %dma_wait3A_169 = tpu.memref_slice %arg14[%run_scoped3A_140, %dma_wait3A_167, %dma_wait3A_168] : memref<4x8x128xi32, #tpu.memory_space<vmem>> -> memref<1x8x128xi32, #tpu.memory_space<vmem>>
      %dma_wait3A_170 = tpu.memref_squeeze %dma_wait3A_169 : memref<1x8x128xi32, #tpu.memory_space<vmem>> -> memref<8x128xi32, #tpu.memory_space<vmem>>
      tpu.wait_dma2 semaphore(%run_scoped3A_144 : memref<!tpu.dma_semaphore, #tpu.memory_space<semaphore_mem>>) src(%dma_wait3A_170 : memref<8x128xi32, #tpu.memory_space<vmem>>) dst(%dma_wait3A_166 : memref<8x128xi32, #tpu.memory_space<hbm>>)
      tpu.yield
    }) : () -> ()
    %run_scoped3A_141 = arith.constant 1 : i32
    "tpu.region"() ({
      %run_scoped3A_144 = tpu.sem_alloc : memref<!tpu.dma_semaphore, #tpu.memory_space<semaphore_mem>>
      %dma_start3A = arith.constant 0 : i32
      %dma_start3A_145 = arith.constant 0 : i32
      %dma_start3A_146 = tpu.memref_slice %arg14[%run_scoped3A_141, %dma_start3A, %dma_start3A_145] : memref<4x8x128xi32, #tpu.memory_space<vmem>> -> memref<1x8x128xi32, #tpu.memory_space<vmem>>
      %dma_start3A_147 = tpu.memref_squeeze %dma_start3A_146 : memref<1x8x128xi32, #tpu.memory_space<vmem>> -> memref<8x128xi32, #tpu.memory_space<vmem>>
      %dma_start3A_148 = arith.constant 0 : i32
      %dma_start3A_149 = tpu.memref_slice %arg6[%select_n3A_118, %dma_start3A_148, %mul3A_136] : memref<2x8x2048xi32, #tpu.memory_space<hbm>> -> memref<1x8x128xi32, #tpu.memory_space<hbm>>
      %dma_start3A_150 = tpu.memref_squeeze %dma_start3A_149 : memref<1x8x128xi32, #tpu.memory_space<hbm>> -> memref<8x128xi32, #tpu.memory_space<hbm>>
      %dma_start3A_151 = arith.constant 0 : i32
      %dma_start3A_152 = tpu.memref_slice %arg6[%select_n3A_118, %dma_start3A_151, %mul3A_136] : memref<2x8x2048xi32, #tpu.memory_space<hbm>> -> memref<1x8x128xi32, #tpu.memory_space<hbm>>
      %dma_start3A_153 = tpu.memref_squeeze %dma_start3A_152 : memref<1x8x128xi32, #tpu.memory_space<hbm>> -> memref<8x128xi32, #tpu.memory_space<hbm>>
      %dma_start3A_154 = arith.constant 0 : i32
      %dma_start3A_155 = arith.constant 0 : i32
      %dma_start3A_156 = tpu.memref_slice %arg14[%run_scoped3A_141, %dma_start3A_154, %dma_start3A_155] : memref<4x8x128xi32, #tpu.memory_space<vmem>> -> memref<1x8x128xi32, #tpu.memory_space<vmem>>
      %dma_start3A_157 = tpu.memref_squeeze %dma_start3A_156 : memref<1x8x128xi32, #tpu.memory_space<vmem>> -> memref<8x128xi32, #tpu.memory_space<vmem>>
      tpu.enqueue_dma source(%dma_start3A_157 : memref<8x128xi32, #tpu.memory_space<vmem>>) target(%dma_start3A_153 : memref<8x128xi32, #tpu.memory_space<hbm>>) target_semaphore(%run_scoped3A_144 : memref<!tpu.dma_semaphore, #tpu.memory_space<semaphore_mem>>)
      %dma_wait3A = arith.constant 0 : i32
      %dma_wait3A_158 = arith.constant 0 : i32
      %dma_wait3A_159 = tpu.memref_slice %arg14[%run_scoped3A_141, %dma_wait3A, %dma_wait3A_158] : memref<4x8x128xi32, #tpu.memory_space<vmem>> -> memref<1x8x128xi32, #tpu.memory_space<vmem>>
      %dma_wait3A_160 = tpu.memref_squeeze %dma_wait3A_159 : memref<1x8x128xi32, #tpu.memory_space<vmem>> -> memref<8x128xi32, #tpu.memory_space<vmem>>
      %dma_wait3A_161 = arith.constant 0 : i32
      %dma_wait3A_162 = tpu.memref_slice %arg6[%select_n3A_118, %dma_wait3A_161, %mul3A_136] : memref<2x8x2048xi32, #tpu.memory_space<hbm>> -> memref<1x8x128xi32, #tpu.memory_space<hbm>>
      %dma_wait3A_163 = tpu.memref_squeeze %dma_wait3A_162 : memref<1x8x128xi32, #tpu.memory_space<hbm>> -> memref<8x128xi32, #tpu.memory_space<hbm>>
      %dma_wait3A_164 = arith.constant 0 : i32
      %dma_wait3A_165 = tpu.memref_slice %arg6[%select_n3A_118, %dma_wait3A_164, %mul3A_136] : memref<2x8x2048xi32, #tpu.memory_space<hbm>> -> memref<1x8x128xi32, #tpu.memory_space<hbm>>
      %dma_wait3A_166 = tpu.memref_squeeze %dma_wait3A_165 : memref<1x8x128xi32, #tpu.memory_space<hbm>> -> memref<8x128xi32, #tpu.memory_space<hbm>>
      %dma_wait3A_167 = arith.constant 0 : i32
      %dma_wait3A_168 = arith.constant 0 : i32
      %dma_wait3A_169 = tpu.memref_slice %arg14[%run_scoped3A_141, %dma_wait3A_167, %dma_wait3A_168] : memref<4x8x128xi32, #tpu.memory_space<vmem>> -> memref<1x8x128xi32, #tpu.memory_space<vmem>>
      %dma_wait3A_170 = tpu.memref_squeeze %dma_wait3A_169 : memref<1x8x128xi32, #tpu.memory_space<vmem>> -> memref<8x128xi32, #tpu.memory_space<vmem>>
      tpu.wait_dma2 semaphore(%run_scoped3A_144 : memref<!tpu.dma_semaphore, #tpu.memory_space<semaphore_mem>>) src(%dma_wait3A_170 : memref<8x128xi32, #tpu.memory_space<vmem>>) dst(%dma_wait3A_166 : memref<8x128xi32, #tpu.memory_space<hbm>>)
      tpu.yield
    }) : () -> ()
    %run_scoped3A_142 = arith.constant 2 : i32
    "tpu.region"() ({
      %run_scoped3A_144 = tpu.sem_alloc : memref<!tpu.dma_semaphore, #tpu.memory_space<semaphore_mem>>
      %dma_start3A = arith.constant 0 : i32
      %dma_start3A_145 = arith.constant 0 : i32
      %dma_start3A_146 = tpu.memref_slice %arg14[%run_scoped3A_142, %dma_start3A, %dma_start3A_145] : memref<4x8x128xi32, #tpu.memory_space<vmem>> -> memref<1x8x128xi32, #tpu.memory_space<vmem>>
      %dma_start3A_147 = tpu.memref_squeeze %dma_start3A_146 : memref<1x8x128xi32, #tpu.memory_space<vmem>> -> memref<8x128xi32, #tpu.memory_space<vmem>>
      %dma_start3A_148 = arith.constant 0 : i32
      %dma_start3A_149 = tpu.memref_slice %arg8[%select_n3A_118, %dma_start3A_148, %mul3A_136] : memref<2x8x2048xi32, #tpu.memory_space<hbm>> -> memref<1x8x128xi32, #tpu.memory_space<hbm>>
      %dma_start3A_150 = tpu.memref_squeeze %dma_start3A_149 : memref<1x8x128xi32, #tpu.memory_space<hbm>> -> memref<8x128xi32, #tpu.memory_space<hbm>>
      %dma_start3A_151 = arith.constant 0 : i32
      %dma_start3A_152 = tpu.memref_slice %arg8[%select_n3A_118, %dma_start3A_151, %mul3A_136] : memref<2x8x2048xi32, #tpu.memory_space<hbm>> -> memref<1x8x128xi32, #tpu.memory_space<hbm>>
      %dma_start3A_153 = tpu.memref_squeeze %dma_start3A_152 : memref<1x8x128xi32, #tpu.memory_space<hbm>> -> memref<8x128xi32, #tpu.memory_space<hbm>>
      %dma_start3A_154 = arith.constant 0 : i32
      %dma_start3A_155 = arith.constant 0 : i32
      %dma_start3A_156 = tpu.memref_slice %arg14[%run_scoped3A_142, %dma_start3A_154, %dma_start3A_155] : memref<4x8x128xi32, #tpu.memory_space<vmem>> -> memref<1x8x128xi32, #tpu.memory_space<vmem>>
      %dma_start3A_157 = tpu.memref_squeeze %dma_start3A_156 : memref<1x8x128xi32, #tpu.memory_space<vmem>> -> memref<8x128xi32, #tpu.memory_space<vmem>>
      tpu.enqueue_dma source(%dma_start3A_157 : memref<8x128xi32, #tpu.memory_space<vmem>>) target(%dma_start3A_153 : memref<8x128xi32, #tpu.memory_space<hbm>>) target_semaphore(%run_scoped3A_144 : memref<!tpu.dma_semaphore, #tpu.memory_space<semaphore_mem>>)
      %dma_wait3A = arith.constant 0 : i32
      %dma_wait3A_158 = arith.constant 0 : i32
      %dma_wait3A_159 = tpu.memref_slice %arg14[%run_scoped3A_142, %dma_wait3A, %dma_wait3A_158] : memref<4x8x128xi32, #tpu.memory_space<vmem>> -> memref<1x8x128xi32, #tpu.memory_space<vmem>>
      %dma_wait3A_160 = tpu.memref_squeeze %dma_wait3A_159 : memref<1x8x128xi32, #tpu.memory_space<vmem>> -> memref<8x128xi32, #tpu.memory_space<vmem>>
      %dma_wait3A_161 = arith.constant 0 : i32
      %dma_wait3A_162 = tpu.memref_slice %arg8[%select_n3A_118, %dma_wait3A_161, %mul3A_136] : memref<2x8x2048xi32, #tpu.memory_space<hbm>> -> memref<1x8x128xi32, #tpu.memory_space<hbm>>
      %dma_wait3A_163 = tpu.memref_squeeze %dma_wait3A_162 : memref<1x8x128xi32, #tpu.memory_space<hbm>> -> memref<8x128xi32, #tpu.memory_space<hbm>>
      %dma_wait3A_164 = arith.constant 0 : i32
      %dma_wait3A_165 = tpu.memref_slice %arg8[%select_n3A_118, %dma_wait3A_164, %mul3A_136] : memref<2x8x2048xi32, #tpu.memory_space<hbm>> -> memref<1x8x128xi32, #tpu.memory_space<hbm>>
      %dma_wait3A_166 = tpu.memref_squeeze %dma_wait3A_165 : memref<1x8x128xi32, #tpu.memory_space<hbm>> -> memref<8x128xi32, #tpu.memory_space<hbm>>
      %dma_wait3A_167 = arith.constant 0 : i32
      %dma_wait3A_168 = arith.constant 0 : i32
      %dma_wait3A_169 = tpu.memref_slice %arg14[%run_scoped3A_142, %dma_wait3A_167, %dma_wait3A_168] : memref<4x8x128xi32, #tpu.memory_space<vmem>> -> memref<1x8x128xi32, #tpu.memory_space<vmem>>
      %dma_wait3A_170 = tpu.memref_squeeze %dma_wait3A_169 : memref<1x8x128xi32, #tpu.memory_space<vmem>> -> memref<8x128xi32, #tpu.memory_space<vmem>>
      tpu.wait_dma2 semaphore(%run_scoped3A_144 : memref<!tpu.dma_semaphore, #tpu.memory_space<semaphore_mem>>) src(%dma_wait3A_170 : memref<8x128xi32, #tpu.memory_space<vmem>>) dst(%dma_wait3A_166 : memref<8x128xi32, #tpu.memory_space<hbm>>)
      tpu.yield
    }) : () -> ()
    %run_scoped3A_143 = arith.constant 3 : i32
    "tpu.region"() ({
      %run_scoped3A_144 = tpu.sem_alloc : memref<!tpu.dma_semaphore, #tpu.memory_space<semaphore_mem>>
      %dma_start3A = arith.constant 0 : i32
      %dma_start3A_145 = arith.constant 0 : i32
      %dma_start3A_146 = tpu.memref_slice %arg14[%run_scoped3A_143, %dma_start3A, %dma_start3A_145] : memref<4x8x128xi32, #tpu.memory_space<vmem>> -> memref<1x8x128xi32, #tpu.memory_space<vmem>>
      %dma_start3A_147 = tpu.memref_squeeze %dma_start3A_146 : memref<1x8x128xi32, #tpu.memory_space<vmem>> -> memref<8x128xi32, #tpu.memory_space<vmem>>
      %dma_start3A_148 = arith.constant 0 : i32
      %dma_start3A_149 = tpu.memref_slice %arg10[%select_n3A_118, %dma_start3A_148, %mul3A_136] : memref<2x8x2048xi32, #tpu.memory_space<hbm>> -> memref<1x8x128xi32, #tpu.memory_space<hbm>>
      %dma_start3A_150 = tpu.memref_squeeze %dma_start3A_149 : memref<1x8x128xi32, #tpu.memory_space<hbm>> -> memref<8x128xi32, #tpu.memory_space<hbm>>
      %dma_start3A_151 = arith.constant 0 : i32
      %dma_start3A_152 = tpu.memref_slice %arg10[%select_n3A_118, %dma_start3A_151, %mul3A_136] : memref<2x8x2048xi32, #tpu.memory_space<hbm>> -> memref<1x8x128xi32, #tpu.memory_space<hbm>>
      %dma_start3A_153 = tpu.memref_squeeze %dma_start3A_152 : memref<1x8x128xi32, #tpu.memory_space<hbm>> -> memref<8x128xi32, #tpu.memory_space<hbm>>
      %dma_start3A_154 = arith.constant 0 : i32
      %dma_start3A_155 = arith.constant 0 : i32
      %dma_start3A_156 = tpu.memref_slice %arg14[%run_scoped3A_143, %dma_start3A_154, %dma_start3A_155] : memref<4x8x128xi32, #tpu.memory_space<vmem>> -> memref<1x8x128xi32, #tpu.memory_space<vmem>>
      %dma_start3A_157 = tpu.memref_squeeze %dma_start3A_156 : memref<1x8x128xi32, #tpu.memory_space<vmem>> -> memref<8x128xi32, #tpu.memory_space<vmem>>
      tpu.enqueue_dma source(%dma_start3A_157 : memref<8x128xi32, #tpu.memory_space<vmem>>) target(%dma_start3A_153 : memref<8x128xi32, #tpu.memory_space<hbm>>) target_semaphore(%run_scoped3A_144 : memref<!tpu.dma_semaphore, #tpu.memory_space<semaphore_mem>>)
      %dma_wait3A = arith.constant 0 : i32
      %dma_wait3A_158 = arith.constant 0 : i32
      %dma_wait3A_159 = tpu.memref_slice %arg14[%run_scoped3A_143, %dma_wait3A, %dma_wait3A_158] : memref<4x8x128xi32, #tpu.memory_space<vmem>> -> memref<1x8x128xi32, #tpu.memory_space<vmem>>
      %dma_wait3A_160 = tpu.memref_squeeze %dma_wait3A_159 : memref<1x8x128xi32, #tpu.memory_space<vmem>> -> memref<8x128xi32, #tpu.memory_space<vmem>>
      %dma_wait3A_161 = arith.constant 0 : i32
      %dma_wait3A_162 = tpu.memref_slice %arg10[%select_n3A_118, %dma_wait3A_161, %mul3A_136] : memref<2x8x2048xi32, #tpu.memory_space<hbm>> -> memref<1x8x128xi32, #tpu.memory_space<hbm>>
      %dma_wait3A_163 = tpu.memref_squeeze %dma_wait3A_162 : memref<1x8x128xi32, #tpu.memory_space<hbm>> -> memref<8x128xi32, #tpu.memory_space<hbm>>
      %dma_wait3A_164 = arith.constant 0 : i32
      %dma_wait3A_165 = tpu.memref_slice %arg10[%select_n3A_118, %dma_wait3A_164, %mul3A_136] : memref<2x8x2048xi32, #tpu.memory_space<hbm>> -> memref<1x8x128xi32, #tpu.memory_space<hbm>>
      %dma_wait3A_166 = tpu.memref_squeeze %dma_wait3A_165 : memref<1x8x128xi32, #tpu.memory_space<hbm>> -> memref<8x128xi32, #tpu.memory_space<hbm>>
      %dma_wait3A_167 = arith.constant 0 : i32
      %dma_wait3A_168 = arith.constant 0 : i32
      %dma_wait3A_169 = tpu.memref_slice %arg14[%run_scoped3A_143, %dma_wait3A_167, %dma_wait3A_168] : memref<4x8x128xi32, #tpu.memory_space<vmem>> -> memref<1x8x128xi32, #tpu.memory_space<vmem>>
      %dma_wait3A_170 = tpu.memref_squeeze %dma_wait3A_169 : memref<1x8x128xi32, #tpu.memory_space<vmem>> -> memref<8x128xi32, #tpu.memory_space<vmem>>
      tpu.wait_dma2 semaphore(%run_scoped3A_144 : memref<!tpu.dma_semaphore, #tpu.memory_space<semaphore_mem>>) src(%dma_wait3A_170 : memref<8x128xi32, #tpu.memory_space<vmem>>) dst(%dma_wait3A_166 : memref<8x128xi32, #tpu.memory_space<hbm>>)
      tpu.yield
    }) : () -> ()
    "tpu.region"() ({
      %run_scoped3A_144 = tpu.sem_alloc : memref<!tpu.dma_semaphore, #tpu.memory_space<semaphore_mem>>
      %dma_start3A = arith.constant 0 : i32
      %dma_start3A_145 = tpu.memref_slice %arg11[%add3A, %dma_start3A] : memref<32x256xf32, #tpu.memory_space<hbm>> -> memref<1x256xf32, #tpu.memory_space<hbm>>
      %dma_start3A_146 = tpu.memref_squeeze %dma_start3A_145 : memref<1x256xf32, #tpu.memory_space<hbm>> -> memref<256xf32, #tpu.memory_space<hbm>>
      %dma_start3A_147 = arith.constant 0 : i32
      %dma_start3A_148 = tpu.memref_slice %arg11[%add3A, %dma_start3A_147] : memref<32x256xf32, #tpu.memory_space<hbm>> -> memref<1x256xf32, #tpu.memory_space<hbm>>
      %dma_start3A_149 = tpu.memref_squeeze %dma_start3A_148 : memref<1x256xf32, #tpu.memory_space<hbm>> -> memref<256xf32, #tpu.memory_space<hbm>>
      tpu.enqueue_dma source(%arg15 : memref<256xf32, #tpu.memory_space<vmem>>) target(%dma_start3A_149 : memref<256xf32, #tpu.memory_space<hbm>>) target_semaphore(%run_scoped3A_144 : memref<!tpu.dma_semaphore, #tpu.memory_space<semaphore_mem>>)
      %dma_wait3A = arith.constant 0 : i32
      %dma_wait3A_150 = tpu.memref_slice %arg11[%add3A, %dma_wait3A] : memref<32x256xf32, #tpu.memory_space<hbm>> -> memref<1x256xf32, #tpu.memory_space<hbm>>
      %dma_wait3A_151 = tpu.memref_squeeze %dma_wait3A_150 : memref<1x256xf32, #tpu.memory_space<hbm>> -> memref<256xf32, #tpu.memory_space<hbm>>
      %dma_wait3A_152 = arith.constant 0 : i32
      %dma_wait3A_153 = tpu.memref_slice %arg11[%add3A, %dma_wait3A_152] : memref<32x256xf32, #tpu.memory_space<hbm>> -> memref<1x256xf32, #tpu.memory_space<hbm>>
      %dma_wait3A_154 = tpu.memref_squeeze %dma_wait3A_153 : memref<1x256xf32, #tpu.memory_space<hbm>> -> memref<256xf32, #tpu.memory_space<hbm>>
      tpu.wait_dma2 semaphore(%run_scoped3A_144 : memref<!tpu.dma_semaphore, #tpu.memory_space<semaphore_mem>>) src(%arg15 : memref<256xf32, #tpu.memory_space<vmem>>) dst(%dma_wait3A_154 : memref<256xf32, #tpu.memory_space<hbm>>)
      tpu.yield
    }) : () -> ()
    return
  }
}

module attributes {stable_mosaic.version = 14 : i64} {
  func.func @_aux_body(%arg0: memref<32x256xf32, #tpu.memory_space<vmem>>, %arg1: memref<1x1xf32, #tpu.memory_space<vmem>>, %arg2: memref<1x1xf32, #tpu.memory_space<vmem>>) attributes {dimension_semantics = [], scalar_prefetch = 0 : i64, scratch_operands = 0 : i64, tpu.core_type = #tpu.core_type<tc>} {
    %get3A = arith.constant 0 : index
    %get3A_0 = arith.constant 0 : index
    %get3A_1 = vector.load %arg0[%get3A, %get3A_0] : memref<32x256xf32, #tpu.memory_space<vmem>>, vector<32x256xf32>
    %reduce_sum3A = arith.constant dense<0.000000e+00> : vector<256xf32>
    %reduce_sum3A_2 = vector.multi_reduction <add>, %get3A_1, %reduce_sum3A [0] : vector<32x256xf32> to vector<256xf32>
    %broadcast_in_dim3A = vector.shape_cast %reduce_sum3A_2 : vector<256xf32> to vector<1x256xf32>
    %div3A = arith.constant 4.096000e+03 : f32
    %div3A_3 = vector.broadcast %div3A : f32 to vector<1x256xf32>
    %div3A_4 = arith.divf %broadcast_in_dim3A, %div3A_3 : vector<1x256xf32>
    %sub3A = arith.constant 1.562500e-02 : f32
    %sub3A_5 = vector.broadcast %sub3A : f32 to vector<1x256xf32>
    %sub3A_6 = arith.subf %div3A_4, %sub3A_5 : vector<1x256xf32>
    %mul3A = arith.mulf %sub3A_6, %sub3A_6 : vector<1x256xf32>
    %slice3A = vector.extract_strided_slice %mul3A {offsets = [0, 0], sizes = [1, 192], strides = [1, 1]} : vector<1x256xf32> to vector<1x192xf32>
    %reduce_sum3A_7 = vector.shape_cast %slice3A : vector<1x192xf32> to vector<1x1x192xf32>
    %reduce_sum3A_8 = arith.constant dense<0.000000e+00> : vector<1xf32>
    %reduce_sum3A_9 = vector.multi_reduction <add>, %reduce_sum3A_7, %reduce_sum3A_8 [1, 2] : vector<1x1x192xf32> to vector<1xf32>
    %reduce_sum3A_10 = vector.shape_cast %reduce_sum3A_9 : vector<1xf32> to vector<1x1x1xf32>
    %reduce_sum3A_11 = vector.extract %reduce_sum3A_10[0, 0, 0] : f32 from vector<1x1x1xf32>
    %broadcast_in_dim3A_12 = vector.broadcast %reduce_sum3A_11 : f32 to vector<1x1xf32>
    %mul3A_13 = arith.constant 6.400000e+01 : f32
    %mul3A_14 = vector.broadcast %mul3A_13 : f32 to vector<1x1xf32>
    %mul3A_15 = arith.mulf %broadcast_in_dim3A_12, %mul3A_14 : vector<1x1xf32>
    %swap3A = arith.constant 0 : index
    %swap3A_16 = arith.constant 0 : index
    %swap3A_17 = vector.load %arg1[%swap3A, %swap3A_16] : memref<1x1xf32, #tpu.memory_space<vmem>>, vector<1x1xf32>
    tpu.vector_store %arg1[%swap3A, %swap3A_16], %mul3A_15 {strides = array<i32>} : memref<1x1xf32, #tpu.memory_space<vmem>>, vector<1x1xf32>,
    %slice3A_18 = vector.extract_strided_slice %mul3A {offsets = [0, 192], sizes = [1, 64], strides = [1, 1]} : vector<1x256xf32> to vector<1x64xf32>
    %reduce_sum3A_19 = vector.shape_cast %slice3A_18 : vector<1x64xf32> to vector<1x1x64xf32>
    %reduce_sum3A_20 = arith.constant dense<0.000000e+00> : vector<1xf32>
    %reduce_sum3A_21 = vector.multi_reduction <add>, %reduce_sum3A_19, %reduce_sum3A_20 [1, 2] : vector<1x1x64xf32> to vector<1xf32>
    %reduce_sum3A_22 = vector.shape_cast %reduce_sum3A_21 : vector<1xf32> to vector<1x1x1xf32>
    %reduce_sum3A_23 = vector.extract %reduce_sum3A_22[0, 0, 0] : f32 from vector<1x1x1xf32>
    %broadcast_in_dim3A_24 = vector.broadcast %reduce_sum3A_23 : f32 to vector<1x1xf32>
    %mul3A_25 = arith.constant 6.400000e+01 : f32
    %mul3A_26 = vector.broadcast %mul3A_25 : f32 to vector<1x1xf32>
    %mul3A_27 = arith.mulf %broadcast_in_dim3A_24, %mul3A_26 : vector<1x1xf32>
    %swap3A_28 = arith.constant 0 : index
    %swap3A_29 = arith.constant 0 : index
    %swap3A_30 = vector.load %arg2[%swap3A_28, %swap3A_29] : memref<1x1xf32, #tpu.memory_space<vmem>>, vector<1x1xf32>
    tpu.vector_store %arg2[%swap3A_28, %swap3A_29], %mul3A_27 {strides = array<i32>} : memref<1x1xf32, #tpu.memory_space<vmem>>, vector<1x1xf32>,
    return
  }
}

module attributes {stable_mosaic.version = 14 : i64} {
  func.func @_gates_body(%arg0: i32, %arg1: memref<1x512x2048xf32, #tpu.memory_space<vmem>>, %arg2: memref<2048x384xf32, #tpu.memory_space<vmem>>, %arg3: memref<384xf32, #tpu.memory_space<vmem>>, %arg4: memref<2048x128xf32, #tpu.memory_space<vmem>>, %arg5: memref<128xf32, #tpu.memory_space<vmem>>, %arg6: memref<2048x3xf32, #tpu.memory_space<vmem>>, %arg7: memref<3xf32, #tpu.memory_space<vmem>>, %arg8: memref<2048x1xf32, #tpu.memory_space<vmem>>, %arg9: memref<1xf32, #tpu.memory_space<vmem>>, %arg10: memref<192x128xf32, #tpu.memory_space<vmem>>, %arg11: memref<512x256xf32, #tpu.memory_space<vmem>>, %arg12: memref<192x128xf32, #tpu.memory_space<vmem>>, %arg13: memref<2048x640xf32, #tpu.memory_space<vmem>>) attributes {dimension_semantics = [#tpu.dimension_semantics<arbitrary>], iteration_bounds = array<i64: 8>, scalar_prefetch = 0 : i64, scratch_operands = 2 : i64, tpu.core_type = #tpu.core_type<tc>, window_params = [{transform_indices = @transform_0, window_bounds = array<i64: 1, 512, 2048>}, {pipeline_mode = #tpu.pipeline_mode<synchronous>, transform_indices = @transform_1, window_bounds = array<i64: 2048, 384>}, {pipeline_mode = #tpu.pipeline_mode<synchronous>, transform_indices = @transform_2, window_bounds = array<i64: 384>}, {pipeline_mode = #tpu.pipeline_mode<synchronous>, transform_indices = @transform_3, window_bounds = array<i64: 2048, 128>}, {pipeline_mode = #tpu.pipeline_mode<synchronous>, transform_indices = @transform_4, window_bounds = array<i64: 128>}, {pipeline_mode = #tpu.pipeline_mode<synchronous>, transform_indices = @transform_5, window_bounds = array<i64: 2048, 3>}, {pipeline_mode = #tpu.pipeline_mode<synchronous>, transform_indices = @transform_6, window_bounds = array<i64: 3>}, {pipeline_mode = #tpu.pipeline_mode<synchronous>, transform_indices = @transform_7, window_bounds = array<i64: 2048, 1>}, {pipeline_mode = #tpu.pipeline_mode<synchronous>, transform_indices = @transform_8, window_bounds = array<i64: 1>}, {pipeline_mode = #tpu.pipeline_mode<synchronous>, transform_indices = @transform_9, window_bounds = array<i64: 192, 128>}, {transform_indices = @transform_10, window_bounds = array<i64: 512, 256>}]} {
    %eq3A = arith.constant 0 : i32
    %eq3A_0 = arith.cmpi eq, %arg0, %eq3A : i32
    %convert_element_type3A = arith.extui %eq3A_0 : i1 to i32
    %cond3A = arith.constant 0 : i32
    %cond3A_1 = arith.cmpi ne, %convert_element_type3A, %cond3A : i32
    scf.if %cond3A_1 {
      %get3A_108 = arith.constant 0 : index
      %get3A_109 = arith.constant 0 : index
      %get3A_110 = vector.load %arg10[%get3A_108, %get3A_109] : memref<192x128xf32, #tpu.memory_space<vmem>>, vector<192x128xf32>
      %mul3A_111 = arith.mulf %get3A_110, %get3A_110 : vector<192x128xf32>
      %reduce_sum3A = arith.constant dense<0.000000e+00> : vector<192xf32>
      %reduce_sum3A_112 = vector.multi_reduction <add>, %mul3A_111, %reduce_sum3A [1] : vector<192x128xf32> to vector<192xf32>
      %broadcast_in_dim3A_113 = vector.shape_cast %reduce_sum3A_112 : vector<192xf32> to vector<192x1xf32>
      %sqrt3A = math.sqrt %broadcast_in_dim3A_113 : vector<192x1xf32>
      %add3A_114 = arith.constant 9.99999993E-9 : f32
      %add3A_115 = vector.broadcast %add3A_114 : f32 to vector<192x1xf32>
      %add3A_116 = arith.addf %sqrt3A, %add3A_115 : vector<192x1xf32>
      %div3A_117 = vector.broadcast %add3A_116 : vector<192x1xf32> to vector<192x128xf32>
      %div3A_118 = arith.divf %get3A_110, %div3A_117 : vector<192x128xf32>
      %swap3A_119 = arith.constant 0 : index
      %swap3A_120 = arith.constant 0 : index
      %swap3A_121 = vector.load %arg12[%swap3A_119, %swap3A_120] : memref<192x128xf32, #tpu.memory_space<vmem>>, vector<192x128xf32>
      tpu.vector_store %arg12[%swap3A_119, %swap3A_120], %div3A_118 {strides = array<i32>} : memref<192x128xf32, #tpu.memory_space<vmem>>, vector<192x128xf32>,
      %get3A_122 = arith.constant 0 : index
      %get3A_123 = arith.constant 0 : index
      %get3A_124 = vector.load %arg2[%get3A_122, %get3A_123] : memref<2048x384xf32, #tpu.memory_space<vmem>>, vector<2048x384xf32>
      %swap3A_125 = arith.constant 0 : index
      %swap3A_126 = arith.constant 0 : index
      %swap3A_127 = vector.load %arg13[%swap3A_125, %swap3A_126] : memref<2048x640xf32, #tpu.memory_space<vmem>>, vector<2048x384xf32>
      tpu.vector_store %arg13[%swap3A_125, %swap3A_126], %get3A_124 {strides = array<i32>} : memref<2048x640xf32, #tpu.memory_space<vmem>>, vector<2048x384xf32>,
      %get3A_128 = arith.constant 0 : index
      %get3A_129 = arith.constant 0 : index
      %get3A_130 = vector.load %arg4[%get3A_128, %get3A_129] : memref<2048x128xf32, #tpu.memory_space<vmem>>, vector<2048x128xf32>
      %swap3A_131 = arith.constant 0 : index
      %swap3A_132 = arith.constant 384 : index
      %swap3A_133 = vector.load %arg13[%swap3A_131, %swap3A_132] : memref<2048x640xf32, #tpu.memory_space<vmem>>, vector<2048x128xf32>
      tpu.vector_store %arg13[%swap3A_131, %swap3A_132], %get3A_130 {strides = array<i32>} : memref<2048x640xf32, #tpu.memory_space<vmem>>, vector<2048x128xf32>,
      %get3A_134 = arith.constant 0 : index
      %get3A_135 = arith.constant 0 : index
      %get3A_136 = vector.load %arg6[%get3A_134, %get3A_135] : memref<2048x3xf32, #tpu.memory_space<vmem>>, vector<2048x3xf32>
      %get3A_137 = arith.constant 0 : index
      %get3A_138 = arith.constant 0 : index
      %get3A_139 = vector.load %arg8[%get3A_137, %get3A_138] : memref<2048x1xf32, #tpu.memory_space<vmem>>, vector<2048x1xf32>
      %broadcast_in_dim3A_140 = arith.constant 0.000000e+00 : f32
      %broadcast_in_dim3A_141 = vector.broadcast %broadcast_in_dim3A_140 : f32 to vector<2048x124xf32>
      %concatenate3A_142 = tpu.concatenate %get3A_136, %get3A_139, %broadcast_in_dim3A_141 in 1 : vector<2048x3xf32>, vector<2048x1xf32>, vector<2048x124xf32> -> vector<2048x128xf32>
      %swap3A_143 = arith.constant 0 : index
      %swap3A_144 = arith.constant 512 : index
      %swap3A_145 = vector.load %arg13[%swap3A_143, %swap3A_144] : memref<2048x640xf32, #tpu.memory_space<vmem>>, vector<2048x128xf32>
      tpu.vector_store %arg13[%swap3A_143, %swap3A_144], %concatenate3A_142 {strides = array<i32>} : memref<2048x640xf32, #tpu.memory_space<vmem>>, vector<2048x128xf32>,
    } else {
    }
    %get3A = arith.constant 0 : index
    %get3A_2 = arith.constant 0 : index
    %get3A_3 = vector.load %arg12[%get3A, %get3A_2] : memref<192x128xf32, #tpu.memory_space<vmem>>, vector<192x128xf32>
    %get3A_4 = arith.constant 0 : index
    %get3A_5 = vector.load %arg7[%get3A_4] : memref<3xf32, #tpu.memory_space<vmem>>, vector<3xf32>
    %get3A_6 = arith.constant 0 : index
    %get3A_7 = vector.load %arg9[%get3A_6] : memref<1xf32, #tpu.memory_space<vmem>>, vector<1xf32>
    %concatenate3A = tpu.concatenate %get3A_5, %get3A_7 in 0 : vector<3xf32>, vector<1xf32> -> vector<4xf32>
    %get3A_8 = arith.constant 0 : index
    %get3A_9 = arith.constant 0 : index
    %get3A_10 = arith.constant 0 : index
    %get3A_11 = vector.load %arg1[%get3A_8, %get3A_9, %get3A_10] : memref<1x512x2048xf32, #tpu.memory_space<vmem>>, vector<1x512x2048xf32>
    %get3A_12 = vector.shape_cast %get3A_11 : vector<1x512x2048xf32> to vector<512x2048xf32>
    %get3A_13 = arith.constant 0 : index
    %get3A_14 = arith.constant 0 : index
    %get3A_15 = vector.load %arg13[%get3A_13, %get3A_14] : memref<2048x640xf32, #tpu.memory_space<vmem>>, vector<2048x640xf32>
    %dot_general3A = arith.constant dense<0.000000e+00> : vector<512x640xf32>
    %dot_general3A_16 = tpu.matmul %get3A_12, %get3A_15, %dot_general3A {dimension_numbers = #tpu.dot_dimension_numbers<[1], [0], [0], [1], [0, 0, 1, 1], [], []>, transpose_lhs_hint = false} : vector<512x2048xf32>, vector<2048x640xf32>, vector<512x640xf32> -> vector<512x640xf32>
    %slice3A = vector.extract_strided_slice %dot_general3A_16 {offsets = [0, 0], sizes = [512, 384], strides = [1, 1]} : vector<512x640xf32> to vector<512x384xf32>
    %get3A_17 = arith.constant 0 : index
    %get3A_18 = vector.load %arg3[%get3A_17] : memref<384xf32, #tpu.memory_space<vmem>>, vector<384xf32>
    %broadcast_in_dim3A = vector.shape_cast %get3A_18 : vector<384xf32> to vector<1x384xf32>
    %add3A = vector.broadcast %broadcast_in_dim3A : vector<1x384xf32> to vector<512x384xf32>
    %add3A_19 = arith.addf %slice3A, %add3A : vector<512x384xf32>
    %div3A = arith.constant 0.899999976 : f32
    %div3A_20 = vector.broadcast %div3A : f32 to vector<512x384xf32>
    %div3A_21 = arith.divf %add3A_19, %div3A_20 : vector<512x384xf32>
    %slice3A_22 = vector.extract_strided_slice %dot_general3A_16 {offsets = [0, 384], sizes = [512, 128], strides = [1, 1]} : vector<512x640xf32> to vector<512x128xf32>
    %get3A_23 = arith.constant 0 : index
    %get3A_24 = vector.load %arg5[%get3A_23] : memref<128xf32, #tpu.memory_space<vmem>>, vector<128xf32>
    %broadcast_in_dim3A_25 = vector.shape_cast %get3A_24 : vector<128xf32> to vector<1x128xf32>
    %add3A_26 = vector.broadcast %broadcast_in_dim3A_25 : vector<1x128xf32> to vector<512x128xf32>
    %add3A_27 = arith.addf %slice3A_22, %add3A_26 : vector<512x128xf32>
    %div3A_28 = arith.constant 0.899999976 : f32
    %div3A_29 = vector.broadcast %div3A_28 : f32 to vector<512x128xf32>
    %div3A_30 = arith.divf %add3A_27, %div3A_29 : vector<512x128xf32>
    %slice3A_31 = vector.extract_strided_slice %dot_general3A_16 {offsets = [0, 512], sizes = [512, 4], strides = [1, 1]} : vector<512x640xf32> to vector<512x4xf32>
    %broadcast_in_dim3A_32 = vector.shape_cast %concatenate3A : vector<4xf32> to vector<1x4xf32>
    %add3A_33 = vector.broadcast %broadcast_in_dim3A_32 : vector<1x4xf32> to vector<512x4xf32>
    %add3A_34 = arith.addf %slice3A_31, %add3A_33 : vector<512x4xf32>
    %slice3A_35 = vector.extract_strided_slice %div3A_21 {offsets = [0, 0], sizes = [512, 128], strides = [1, 1]} : vector<512x384xf32> to vector<512x128xf32>
    %slice3A_36 = vector.extract_strided_slice %get3A_3 {offsets = [0, 0], sizes = [64, 128], strides = [1, 1]} : vector<192x128xf32> to vector<64x128xf32>
    %dot_general3A_37 = arith.constant dense<0.000000e+00> : vector<512x64xf32>
    %dot_general3A_38 = tpu.matmul %slice3A_35, %slice3A_36, %dot_general3A_37 {dimension_numbers = #tpu.dot_dimension_numbers<[1], [1], [0], [0], [0, 0, 1, 0], [], []>, transpose_lhs_hint = false} : vector<512x128xf32>, vector<64x128xf32>, vector<512x64xf32> -> vector<512x64xf32>
    %slice3A_39 = vector.extract_strided_slice %add3A_34 {offsets = [0, 0], sizes = [512, 1], strides = [1, 1]} : vector<512x4xf32> to vector<512x1xf32>
    %sub3A = vector.broadcast %slice3A_39 : vector<512x1xf32> to vector<512x64xf32>
    %sub3A_40 = arith.subf %dot_general3A_38, %sub3A : vector<512x64xf32>
    %gt3A = arith.constant 0.000000e+00 : f32
    %gt3A_41 = vector.broadcast %gt3A : f32 to vector<512x64xf32>
    %gt3A_42 = arith.cmpf ogt, %sub3A_40, %gt3A_41 : vector<512x64xf32>
    %exp3A = math.exp %sub3A_40 : vector<512x64xf32>
    %mul3A = arith.constant 9.99999993E-9 : f32
    %mul3A_43 = vector.broadcast %mul3A : f32 to vector<512x64xf32>
    %mul3A_44 = arith.mulf %mul3A_43, %exp3A : vector<512x64xf32>
    %select_n3A = arith.select %gt3A_42, %sub3A_40, %mul3A_44 : vector<512x64xi1>, vector<512x64xf32>
    %exp3A_45 = math.exp %select_n3A : vector<512x64xf32>
    %sub3A_46 = arith.constant 1.000000e+00 : f32
    %sub3A_47 = vector.broadcast %sub3A_46 : f32 to vector<512x64xf32>
    %sub3A_48 = arith.subf %exp3A_45, %sub3A_47 : vector<512x64xf32>
    %slice3A_49 = vector.extract_strided_slice %div3A_21 {offsets = [0, 128], sizes = [512, 128], strides = [1, 1]} : vector<512x384xf32> to vector<512x128xf32>
    %slice3A_50 = vector.extract_strided_slice %get3A_3 {offsets = [0, 0], sizes = [64, 128], strides = [1, 1]} : vector<192x128xf32> to vector<64x128xf32>
    %dot_general3A_51 = arith.constant dense<0.000000e+00> : vector<512x64xf32>
    %dot_general3A_52 = tpu.matmul %slice3A_49, %slice3A_50, %dot_general3A_51 {dimension_numbers = #tpu.dot_dimension_numbers<[1], [1], [0], [0], [0, 0, 1, 0], [], []>, transpose_lhs_hint = false} : vector<512x128xf32>, vector<64x128xf32>, vector<512x64xf32> -> vector<512x64xf32>
    %slice3A_53 = vector.extract_strided_slice %add3A_34 {offsets = [0, 1], sizes = [512, 1], strides = [1, 1]} : vector<512x4xf32> to vector<512x1xf32>
    %sub3A_54 = vector.broadcast %slice3A_53 : vector<512x1xf32> to vector<512x64xf32>
    %sub3A_55 = arith.subf %dot_general3A_52, %sub3A_54 : vector<512x64xf32>
    %gt3A_56 = arith.constant 0.000000e+00 : f32
    %gt3A_57 = vector.broadcast %gt3A_56 : f32 to vector<512x64xf32>
    %gt3A_58 = arith.cmpf ogt, %sub3A_55, %gt3A_57 : vector<512x64xf32>
    %exp3A_59 = math.exp %sub3A_55 : vector<512x64xf32>
    %mul3A_60 = arith.constant 9.99999993E-9 : f32
    %mul3A_61 = vector.broadcast %mul3A_60 : f32 to vector<512x64xf32>
    %mul3A_62 = arith.mulf %mul3A_61, %exp3A_59 : vector<512x64xf32>
    %select_n3A_63 = arith.select %gt3A_58, %sub3A_55, %mul3A_62 : vector<512x64xi1>, vector<512x64xf32>
    %exp3A_64 = math.exp %select_n3A_63 : vector<512x64xf32>
    %sub3A_65 = arith.constant 1.000000e+00 : f32
    %sub3A_66 = vector.broadcast %sub3A_65 : f32 to vector<512x64xf32>
    %sub3A_67 = arith.subf %exp3A_64, %sub3A_66 : vector<512x64xf32>
    %slice3A_68 = vector.extract_strided_slice %div3A_21 {offsets = [0, 256], sizes = [512, 128], strides = [1, 1]} : vector<512x384xf32> to vector<512x128xf32>
    %slice3A_69 = vector.extract_strided_slice %get3A_3 {offsets = [64, 0], sizes = [64, 128], strides = [1, 1]} : vector<192x128xf32> to vector<64x128xf32>
    %dot_general3A_70 = arith.constant dense<0.000000e+00> : vector<512x64xf32>
    %dot_general3A_71 = tpu.matmul %slice3A_68, %slice3A_69, %dot_general3A_70 {dimension_numbers = #tpu.dot_dimension_numbers<[1], [1], [0], [0], [0, 0, 1, 0], [], []>, transpose_lhs_hint = false} : vector<512x128xf32>, vector<64x128xf32>, vector<512x64xf32> -> vector<512x64xf32>
    %slice3A_72 = vector.extract_strided_slice %add3A_34 {offsets = [0, 2], sizes = [512, 1], strides = [1, 1]} : vector<512x4xf32> to vector<512x1xf32>
    %sub3A_73 = vector.broadcast %slice3A_72 : vector<512x1xf32> to vector<512x64xf32>
    %sub3A_74 = arith.subf %dot_general3A_71, %sub3A_73 : vector<512x64xf32>
    %gt3A_75 = arith.constant 0.000000e+00 : f32
    %gt3A_76 = vector.broadcast %gt3A_75 : f32 to vector<512x64xf32>
    %gt3A_77 = arith.cmpf ogt, %sub3A_74, %gt3A_76 : vector<512x64xf32>
    %exp3A_78 = math.exp %sub3A_74 : vector<512x64xf32>
    %mul3A_79 = arith.constant 9.99999993E-9 : f32
    %mul3A_80 = vector.broadcast %mul3A_79 : f32 to vector<512x64xf32>
    %mul3A_81 = arith.mulf %mul3A_80, %exp3A_78 : vector<512x64xf32>
    %select_n3A_82 = arith.select %gt3A_77, %sub3A_74, %mul3A_81 : vector<512x64xi1>, vector<512x64xf32>
    %exp3A_83 = math.exp %select_n3A_82 : vector<512x64xf32>
    %sub3A_84 = arith.constant 1.000000e+00 : f32
    %sub3A_85 = vector.broadcast %sub3A_84 : f32 to vector<512x64xf32>
    %sub3A_86 = arith.subf %exp3A_83, %sub3A_85 : vector<512x64xf32>
    %slice3A_87 = vector.extract_strided_slice %get3A_3 {offsets = [128, 0], sizes = [64, 128], strides = [1, 1]} : vector<192x128xf32> to vector<64x128xf32>
    %dot_general3A_88 = arith.constant dense<0.000000e+00> : vector<512x64xf32>
    %dot_general3A_89 = tpu.matmul %div3A_30, %slice3A_87, %dot_general3A_88 {dimension_numbers = #tpu.dot_dimension_numbers<[1], [1], [0], [0], [0, 0, 1, 0], [], []>, transpose_lhs_hint = false} : vector<512x128xf32>, vector<64x128xf32>, vector<512x64xf32> -> vector<512x64xf32>
    %slice3A_90 = vector.extract_strided_slice %add3A_34 {offsets = [0, 3], sizes = [512, 1], strides = [1, 1]} : vector<512x4xf32> to vector<512x1xf32>
    %sub3A_91 = vector.broadcast %slice3A_90 : vector<512x1xf32> to vector<512x64xf32>
    %sub3A_92 = arith.subf %dot_general3A_89, %sub3A_91 : vector<512x64xf32>
    %gt3A_93 = arith.constant 0.000000e+00 : f32
    %gt3A_94 = vector.broadcast %gt3A_93 : f32 to vector<512x64xf32>
    %gt3A_95 = arith.cmpf ogt, %sub3A_92, %gt3A_94 : vector<512x64xf32>
    %exp3A_96 = math.exp %sub3A_92 : vector<512x64xf32>
    %mul3A_97 = arith.constant 9.99999993E-9 : f32
    %mul3A_98 = vector.broadcast %mul3A_97 : f32 to vector<512x64xf32>
    %mul3A_99 = arith.mulf %mul3A_98, %exp3A_96 : vector<512x64xf32>
    %select_n3A_100 = arith.select %gt3A_95, %sub3A_92, %mul3A_99 : vector<512x64xi1>, vector<512x64xf32>
    %exp3A_101 = math.exp %select_n3A_100 : vector<512x64xf32>
    %sub3A_102 = arith.constant 1.000000e+00 : f32
    %sub3A_103 = vector.broadcast %sub3A_102 : f32 to vector<512x64xf32>
    %sub3A_104 = arith.subf %exp3A_101, %sub3A_103 : vector<512x64xf32>
    %concatenate3A_105 = tpu.concatenate %sub3A_48, %sub3A_67, %sub3A_86, %sub3A_104 in 1 : vector<512x64xf32>, vector<512x64xf32>, vector<512x64xf32>, vector<512x64xf32> -> vector<512x256xf32>
    %swap3A = arith.constant 0 : index
    %swap3A_106 = arith.constant 0 : index
    %swap3A_107 = vector.load %arg11[%swap3A, %swap3A_106] : memref<512x256xf32, #tpu.memory_space<vmem>>, vector<512x256xf32>
    tpu.vector_store %arg11[%swap3A, %swap3A_106], %concatenate3A_105 {strides = array<i32>} : memref<512x256xf32, #tpu.memory_space<vmem>>, vector<512x256xf32>,
    return
  }
  func.func @transform_0(%arg0: i32) -> (i32, i32, i32) {
    %jit3A = arith.constant 4 : i32
    %div3A = arith.divsi %arg0, %jit3A : i32
    %sign3A = arith.constant 0 : i32
    %sign3A_0 = arith.cmpi sgt, %arg0, %sign3A : i32
    %sign3A_1 = arith.extui %sign3A_0 : i1 to i32
    %sign3A_2 = arith.constant 0 : i32
    %sign3A_3 = arith.cmpi slt, %arg0, %sign3A_2 : i32
    %sign3A_4 = arith.extui %sign3A_3 : i1 to i32
    %sign3A_5 = arith.subi %sign3A_1, %sign3A_4 : i32
    %sign3A_6 = arith.constant 0 : i32
    %sign3A_7 = arith.cmpi sgt, %jit3A, %sign3A_6 : i32
    %sign3A_8 = arith.extui %sign3A_7 : i1 to i32
    %sign3A_9 = arith.constant 0 : i32
    %sign3A_10 = arith.cmpi slt, %jit3A, %sign3A_9 : i32
    %sign3A_11 = arith.extui %sign3A_10 : i1 to i32
    %sign3A_12 = arith.subi %sign3A_8, %sign3A_11 : i32
    %ne3A = arith.cmpi ne, %sign3A_5, %sign3A_12 : i32
    %rem3A = arith.remsi %arg0, %jit3A : i32
    %ne3A_13 = arith.constant 0 : i32
    %ne3A_14 = arith.cmpi ne, %rem3A, %ne3A_13 : i32
    %and3A = arith.andi %ne3A, %ne3A_14 : i1
    %sub3A = arith.constant 1 : i32
    %sub3A_15 = arith.subi %div3A, %sub3A : i32
    %select_n3A = arith.select %and3A, %sub3A_15, %div3A : i32
    %jit3A_16 = arith.constant 4 : i32
    %eq3A = arith.constant 0 : i32
    %eq3A_17 = arith.cmpi eq, %jit3A_16, %eq3A : i32
    %jit3A_18 = arith.constant 1 : i32
    %select_n3A_19 = arith.select %eq3A_17, %jit3A_18, %jit3A_16 : i32
    %rem3A_20 = arith.remsi %arg0, %select_n3A_19 : i32
    %ne3A_21 = arith.constant 0 : i32
    %ne3A_22 = arith.cmpi ne, %rem3A_20, %ne3A_21 : i32
    %lt3A = arith.constant 0 : i32
    %lt3A_23 = arith.cmpi slt, %rem3A_20, %lt3A : i32
    %lt3A_24 = arith.constant 0 : i32
    %lt3A_25 = arith.cmpi slt, %select_n3A_19, %lt3A_24 : i32
    %ne3A_26 = arith.xori %lt3A_23, %lt3A_25 : i1
    %and3A_27 = arith.andi %ne3A_26, %ne3A_22 : i1
    %add3A = arith.addi %rem3A_20, %select_n3A_19 : i32
    %select_n3A_28 = arith.select %and3A_27, %add3A, %rem3A_20 : i32
    %c0_i32 = arith.constant 0 : i32
    %c0_i32_29 = arith.constant 0 : i32
    return %select_n3A, %select_n3A_28, %c0_i32 : i32, i32, i32
  }
  func.func @transform_1(%arg0: i32) -> (i32, i32) {
    %c0_i32 = arith.constant 0 : i32
    %c0_i32_0 = arith.constant 0 : i32
    %c0_i32_1 = arith.constant 0 : i32
    return %c0_i32, %c0_i32_0 : i32, i32
  }
  func.func @transform_2(%arg0: i32) -> i32 {
    %c0_i32 = arith.constant 0 : i32
    %c0_i32_0 = arith.constant 0 : i32
    return %c0_i32 : i32
  }
  func.func @transform_3(%arg0: i32) -> (i32, i32) {
    %c0_i32 = arith.constant 0 : i32
    %c0_i32_0 = arith.constant 0 : i32
    %c0_i32_1 = arith.constant 0 : i32
    return %c0_i32, %c0_i32_0 : i32, i32
  }
  func.func @transform_4(%arg0: i32) -> i32 {
    %c0_i32 = arith.constant 0 : i32
    %c0_i32_0 = arith.constant 0 : i32
    return %c0_i32 : i32
  }
  func.func @transform_5(%arg0: i32) -> (i32, i32) {
    %c0_i32 = arith.constant 0 : i32
    %c0_i32_0 = arith.constant 0 : i32
    %c0_i32_1 = arith.constant 0 : i32
    return %c0_i32, %c0_i32_0 : i32, i32
  }
  func.func @transform_6(%arg0: i32) -> i32 {
    %c0_i32 = arith.constant 0 : i32
    %c0_i32_0 = arith.constant 0 : i32
    return %c0_i32 : i32
  }
  func.func @transform_7(%arg0: i32) -> (i32, i32) {
    %c0_i32 = arith.constant 0 : i32
    %c0_i32_0 = arith.constant 0 : i32
    %c0_i32_1 = arith.constant 0 : i32
    return %c0_i32, %c0_i32_0 : i32, i32
  }
  func.func @transform_8(%arg0: i32) -> i32 {
    %c0_i32 = arith.constant 0 : i32
    %c0_i32_0 = arith.constant 0 : i32
    return %c0_i32 : i32
  }
  func.func @transform_9(%arg0: i32) -> (i32, i32) {
    %c0_i32 = arith.constant 0 : i32
    %c0_i32_0 = arith.constant 0 : i32
    %c0_i32_1 = arith.constant 0 : i32
    return %c0_i32, %c0_i32_0 : i32, i32
  }
  func.func @transform_10(%arg0: i32) -> (i32, i32) {
    %c0_i32 = arith.constant 0 : i32
    %c0_i32_0 = arith.constant 0 : i32
    return %arg0, %c0_i32 : i32, i32
  }
}

</mosaic_0001>

<sc_bundles>
// kernel: kernel.5.cloned.1.call-start
scs
__scs_entry_jumppad:
0x0: {  	(pc) =	sbr.rel $0x88, $3  }
0x1: {  	(tag) =	ssettag $0x0;
	lr =	simm.s32 $0x1  }
0x2: {  	[smem:$0x3F97] =	sst lr;
	_ =	strace $0xD0000000  }
0x3: {  	_ = 	snop  }
0x4: {  	_ = 	snop  }
0x5: {  	_ = 	snop  }
0x6: {  	_ = 	snop  }
0x7: {  	_ = 	snop  }
__scs_overlays_trampoline_lowered:
0x8: {  	[smem:$0x3FA6] =	sst s0  }
0x9: {  	[smem:$0x3FA7] =	sst s1  }
0xa: {  	[smem:$0x3FA8] =	sst s2  }
0xb: {  	[smem:$0x3FA9] =	sst s3  }
0xc: {  	[smem:$0x3FAA] =	sst s4  }
0xd: {  	[smem:$0x3FAB] =	sst s5  }
0xe: {  	[smem:$0x3FAC] =	sst s6  }
0xf: {  	[smem:$0x3FAD] =	sst s7  }
0x10: {  	[smem:$0x3FAE] =	sst s8  }
0x11: {  	[smem:$0x3FAF] =	sst s9;
	s0 =	simm.s32 @!p0 $0x0  }
0x12: {  	s1 =	sld [smem:$0x3F95];
	s0 =	simm.s32 @p0 $0x1  }
0x13: {  	[smem:$0x3FB0] =	sst s0;
	s0 =	simm.s32 @!p1 $0x0  }
0x14: {  	s2 =	sld [smem:$0x3F94];
	s0 =	simm.s32 @p1 $0x1  }
0x15: {  	[smem:$0x3FB1] =	sst s0;
	s0 =	simm.s32 @!p2 $0x0  }
0x16: {  	s3 =	sld [smem:$0x3FDB];
	s0 =	simm.s32 @p2 $0x1  }
0x17: {  	s4 =	simm.s32 $0x1BF5;
	[smem:$0x3FB3] =	sst s0  }
0x18: {  	s0 =	sld [smem:$0x3F96];
	_ =	swait.ge [sflag:s4], $0x0  }
0x19: {  	s7 =	sld [smem:$0x3F97]  }
0x1a: {  	s8 =	sadd.s32 $0xFFFFE003, lr  }
0x1b: {  	s9 =	sadd.s32 $0xFFFFFEF7, lr;
	s5 =	simm.s32 $0xFFFFFFFF;
	p2 =	slt.u32 s8, $0xFFFFF086  }
0x1c: {  	p1 =	slt.u32 s9, $0xF7A;
	s5 =	simm.s32 @!p2 $0x0  }
0x1d: {  	s5 =	simm.s32 @p1 $0x1;
	p0 =	seq.s32 s7, s2  }
0x1e: {  	s7 =	smul.u32 @!p0 $0xF7A, s2;
	p2 =	seq.s32 @!p0 s5, $0x0  }
0x1f: {  	s9 =	smul.u32 $0xF7A, s1;
	s8 =	simm.s32 @!p0 $0x1BF5;
	p2 =	por !p2, p0  }
0x20: {  	[sflag:s8] =	ssyncset.s32 @!p0 $0xFFFFF086;
	s6 =	sadd.s32 @!p0 s3, s7;
	s7 =	simm.s32 @!p0 $0x108  }
0x21: {  	s3 =	sadd.s32 s3, s9;
	s6 =	sadd.s32 @!p0 $0x88, s6;
	s7 =	simm.s32 @p2 $0x1082  }
0x22: {  	[simem:s7], [sflag:s8] =	dma.local @!p0 [hbm:s6], $0xF7A  }
0x23: {  	s9 =	sor.u32 $0xD0000000, s2;
	s6 =	simm.s32 $0x108;
	_ =	swait.ge @!p0 [sflag:s8], $0x0  }
0x24: {  	s3 =	sadd.s32 $0x88, s3;
	s6 =	simm.s32 @!p1 $0x1082;
	[sflag:s4] =	ssyncset.s32 $0xFFFFF086  }
0x25: {  	[simem:s6], [sflag:s4] =	dma.local [hbm:s3], $0xF7A  }
0x26: {  	[smem:$0x3F97] =	sst s1;
	(tag) =	ssettag s2;
	_ =	strace s9  }
0x27: {  	s1 =	sld [smem:$0x3FA7]  }
0x28: {  	s2 =	sld [smem:$0x3FA8]  }
0x29: {  	s4 =	sld [smem:$0x3FAA]  }
0x2a: {  	p0 =	seq.s32 s5, $0x0;
	s5 =	sld [smem:$0x3FAB]  }
0x2b: {  	s6 =	sld [smem:$0x3FAC]  }
0x2c: {  	s7 =	sld [smem:$0x3FAD]  }
0x2d: {  	s3 =	simm.s32 $0x108;
	s8 =	sld [smem:$0x3FAE]  }
0x2e: {  	s3 =	simm.s32 @!p0 $0x1082;
	s9 =	sld [smem:$0x3FAF]  }
0x2f: {  	lr =	sadd.s32 s0, s3;
	s0 =	sld [smem:$0x3FA6]  }
0x30: {  	s3 =	sld [smem:$0x3FA9]  }
0x31: {  	[smem:$0x3FB2] =	sst s10  }
0x32: {  	s10 =	sld [smem:$0x3FB0];
	_ =	sdelay $0x3  }
0x33: {  	p0 =	seq.s32 s10, $0x1;
	s10 =	sld [smem:$0x3FB2];
	_ =	sdelay $0x3  }
0x34: {  	[smem:$0x3FB2] =	sst s10  }
0x35: {  	s10 =	sld [smem:$0x3FB1];
	_ =	sdelay $0x3  }
0x36: {  	p1 =	seq.s32 s10, $0x1;
	s10 =	sld [smem:$0x3FB2];
	_ =	sdelay $0x3  }
0x37: {  	[smem:$0x3FB2] =	sst s10  }
0x38: {  	s10 =	sld [smem:$0x3FB3]  }
0x39: {  	_ = 	snop;
	(pc) =	sbr.ind lr, $3  }
0x3a: {  	_ = 	snop  }
0x3b: {  	_ = 	snop  }
0x3c: {  	p2 =	seq.s32 s10, $0x1;
	s10 =	sld [smem:$0x3FB2]  }
0x3d: {  	_ =	shalt  }
0x3e: {  	_ =	shalt  }
0x3f: {  	_ =	shalt  }
0x40: {  	_ =	shalt  }
0x41: {  	_ =	shalt  }
0x42: {  	_ =	shalt  }
0x43: {  	_ =	shalt  }
0x44: {  	_ =	shalt  }
0x45: {  	_ =	shalt  }
0x46: {  	_ =	shalt  }
0x47: {  	_ =	shalt  }
0x48: {  	_ =	shalt  }
0x49: {  	_ =	shalt  }
0x4a: {  	_ =	shalt  }
0x4b: {  	_ =	shalt  }
0x4c: {  	_ =	shalt  }
0x4d: {  	_ =	shalt  }
0x4e: {  	_ =	shalt  }
0x4f: {  	_ =	shalt  }
0x50: {  	_ =	shalt  }
0x51: {  	_ =	shalt  }
0x52: {  	_ =	shalt  }
0x53: {  	_ =	shalt  }
0x54: {  	_ =	shalt  }
0x55: {  	_ =	shalt  }
0x56: {  	_ =	shalt  }
0x57: {  	_ =	shalt  }
0x58: {  	_ =	shalt  }
0x59: {  	_ =	shalt  }
0x5a: {  	_ =	shalt  }
0x5b: {  	_ =	shalt  }
0x5c: {  	_ =	shalt  }
0x5d: {  	_ =	shalt  }
0x5e: {  	_ =	shalt  }
0x5f: {  	_ =	shalt  }
0x60: {  	_ =	shalt  }
0x61: {  	_ =	shalt  }
0x62: {  	_ =	shalt  }
0x63: {  	_ =	shalt  }
0x64: {  	_ =	shalt  }
0x65: {  	_ =	shalt  }
0x66: {  	_ =	shalt  }
0x67: {  	_ =	shalt  }
0x68: {  	_ =	shalt  }
0x69: {  	_ =	shalt  }
0x6a: {  	_ =	shalt  }
0x6b: {  	_ =	shalt  }
0x6c: {  	_ =	shalt  }
0x6d: {  	_ =	shalt  }
0x6e: {  	_ =	shalt  }
0x6f: {  	_ =	shalt  }
0x70: {  	_ =	shalt  }
0x71: {  	_ =	shalt  }
0x72: {  	_ =	shalt  }
0x73: {  	_ =	shalt  }
0x74: {  	_ =	shalt  }
0x75: {  	_ =	shalt  }
0x76: {  	_ =	shalt  }
0x77: {  	_ =	shalt  }
0x78: {  	_ =	shalt  }
0x79: {  	_ =	shalt  }
0x7a: {  	_ =	shalt  }
0x7b: {  	_ =	shalt  }
0x7c: {  	_ =	shalt  }
0x7d: {  	_ =	shalt  }
0x7e: {  	_ =	shalt  }
0x7f: {  	_ =	shalt  }
0x80: {  	_ =	shalt  }
0x81: {  	_ =	shalt  }
0x82: {  	_ =	shalt  }
0x83: {  	_ =	shalt  }
0x84: {  	_ =	shalt  }
0x85: {  	_ =	shalt  }
0x86: {  	_ =	shalt  }
0x87: {  	_ =	shalt  }
.Lfunc_end0:
.L_simem_size_0:
called_computation_lowered:
.L_overlay_start_0:
0x88: {  	s2 =	sld [smem:$0x3FD9]  }
0x89: {  	s3 =	sld [smem:$0x3FFE];
	_ =	sdelay $0x1  }
0x8a: {  	s1 =	srdreg.scid  }
0x8b: {  	s0 =	sand.u32 $0x1, s1  }
0x8c: {  	s14 =	sshll.u32 s0, $0xA;
	s2 =	sadd.s32 s3, s2  }
0x8d: {  	s2 =	sadd.s32 s2, s14  }
0x8e: {  	[smem:$0x3FBE] =	sst s2  }
0x8f: {  	_ = 	snop  }
0x90: {  	s2 =	sld [smem:$0x3FD0];
	_ =	sdelay $0x2  }
0x91: {  	s15 =	simm.s32 $0xA;
	s4 =	simm.s32 $0x10  }
0x92: {  	[smem:s4], [sflag:s15] =	dma.local [hbm:s2], $0x1  }
0x93: {  	_ =	swait.eq [sflag:s15], $0x1  }
0x94: {  	s5 =	sld [smem:$0x10]  }
0x95: {  	s6 =	sld [smem:$0x11]  }
0x96: {  	s7 =	sld [smem:$0x12]  }
0x97: {  	s8 =	sld [smem:$0x13]  }
0x98: {  	s9 =	sld [smem:$0x14];
	[sflag:s15] =	ssyncset.done $0x0  }
0x99: {  	s10 =	sld [smem:$0x15];
	[sflag:s15] =	ssyncadd.s32 $0xFFFFFFFF  }
0x9a: {  	s2 =	sadd.s32 $0x1, s2;
	s11 =	sld [smem:$0x17]  }
0x9b: {  	[smem:s4], [sflag:s15] =	dma.local [hbm:s2], $0x1  }
0x9c: {  	_ =	swait.eq [sflag:s15], $0x1  }
0x9d: {  	[sflag:s15] =	ssyncset.done $0x0  }
0x9e: {  	[sflag:s15] =	ssyncadd.s32 $0xFFFFFFFF  }
0x9f: {  	s16 =	sld [smem:$0x10];
	(tm) =	ssettm $0x1  }
0xa0: {  	s17 =	sld [smem:$0x3FFB];
	_ =	sdelay $0x3  }
0xa1: {  	_ =	strace s17  }
0xa2: {  	s3 =	sld [smem:$0x3FFC];
	_ =	sdelay $0x3  }
0xa3: {  	_ =	strace s3  }
0xa4: {  	s3 =	sld [smem:$0x3FFD];
	_ =	sdelay $0x3  }
0xa5: {  	_ =	strace s3  }
0xa6: {  	_ =	strace $0x8FFFFFFF  }
0xa7: {  	s18 =	sld [smem:$0x3FDB];
	_ =	sdelay $0x1  }
0xa8: {  	s19 =	simm.s32 $_scs_section_size  }
0xa9: {  	s12 =	simm.s32 $_size__tile_overlayer_lowered;
	s13 =	simm.s32 $_tile_overlayer_lowered  }
0xaa: {  	s22 =	simm.s32 $0x1BFF;
	s21 =	sshll.u32 s13, $0x1;
	s3 =	sadd.s32 s19, s18  }
0xab: {  	s20 =	sshll.u32 s12, $0x1;
	s14 =	simm.s32 $0x0;
	s12 =	sadd.s32 s21, s3  }
0xac: {  	[timem:s14], [sflag:s22] =	dma.local [hbm:s12], s20  }
0xad: {  	_ =	swait.ge [sflag:s22], s20  }
0xae: {  	s4 =	ssub.s32 $0x0, s20;
	[sflag:s22] =	ssyncset.done $0x0  }
0xaf: {  	[sflag:s22] =	ssyncadd.s32 s4;
	_ =	sdelay $0x1  }
0xb0: {  	s23 =	simm.s32 $0x1B8B  }
0xb1: {  	_ =	swait.ge [sflag:s23], $0x1  }
0xb2: {  	[sflag:s23] =	ssyncset.done $0x0  }
0xb3: {  	s25 =	simm.s32 $0x1B8E;
	s24 =	sld [smem:$0x3FFE];
	[sflag:s23] =	ssyncadd.s32 $0xFFFFFFFF  }
0xb4: {  	s26 =	simm.s32 $execute0_lowered;
	[smem:$0x3FD2] =	sst s25  }
0xb5: {  	s12 =	sshll.u32 s26, $0x1;
	_ =	strace $0x80000046;
	[dreg:$0x1] =	wrdreg $0xFFFFFFFF  }
0xb6: {  	s28 =	simm.s32 $_size_execute0_lowered;
	s3 =	sadd.s32 s3, s12;
	[dreg:$0x0] =	wrdreg $0x0  }
0xb7: {  	s12 =	sshll.u32 s28, $0x1;
	[dreg:$0x2] =	wrdreg s3  }
0xb8: {  	[dreg:$0x3] =	wrdreg s12  }
0xb9: {  	[dreg:$0x4] =	wrdreg $0xC0  }
0xba: {  	_ =	task [dreg:s14], $0x5FFFF  }
0xbb: {  	[dreg:$0x1] =	wrdreg $0xFFFFFFFF  }
0xbc: {  	[dreg:$0x0] =	wrdreg $0x60  }
0xbd: {  	[dreg:$0x2] =	wrdreg s24  }
0xbe: {  	[dreg:$0x3] =	wrdreg s5  }
0xbf: {  	[dreg:$0x4] =	wrdreg s6  }
0xc0: {  	[dreg:$0x5] =	wrdreg s7  }
0xc1: {  	[dreg:$0x6] =	wrdreg s8  }
0xc2: {  	[dreg:$0x7] =	wrdreg s9  }
0xc3: {  	[dreg:$0x8] =	wrdreg s10  }
0xc4: {  	[dreg:$0x9] =	wrdreg s11  }
0xc5: {  	[dreg:$0xa] =	wrdreg s16  }
0xc6: {  	[dreg:$0xb] =	wrdreg $0x9  }
0xc7: {  	_ =	task.clear_ibuf [dreg:s14], $0xCFFFF;
	_ =	strace $0x90000046  }
0xc8: {  	s29 =	simm.s32 $0x9;
	_ =	strace $0x80000048  }
0xc9: {  	_ =	swait.ge [sflag:s29], $0x1  }
0xca: {  	[sflag:s29] =	ssyncadd.s32 $0xFFFFFFFF  }
0xcb: {  	_ =	strace $0x90000048  }
0xcc: {  	_ =	sfence  }
0xcd: {  	s30 =	sld [smem:$0x0];
	_ =	sdelay $0x2  }
0xce: {  	s31 =	sshll.u32 s1, $0xD;
	s1 =	sshrl.u32 s1, $0x2  }
0xcf: {  	s3 =	sand.u32 $0x4000, s31;
	s1 =	sadd.s32 s1, s30  }
0xd0: {  	s0 =	sor.u32 s3, s0;
	s1 =	sshll.u32 s1, $0x11  }
0xd1: {  	s0 =	sor.u32 s1, s0  }
0xd2: {  	s0 =	sadd.s32 $0x8F2B, s0  }
0xd3: {  	[sflag:s0] =	ssyncadd.remote.s32 $0x1  }
0xd4: {  	_ =	sfence.sel $0xFFFF  }
0xd5: {  	[dreg:$0x0] =	wrdreg $0xFFFFFFFF;
	(pc) =	sbr.abs _section_cstart, $3  }
0xd6: {  	[dreg:$0x1] =	wrdreg $0xFFFFFFFF  }
0xd7: {  	_ =	task.clear_ibuf [dreg:s14], $0x2FFFF;
	_ =	strace $0x9FFFFFFF  }
0xd8: {  	(tm) =	ssettm $0x7FFFFFFF  }
0xd9: {  	_ =	shalt  }
tec
execute0_lowered:
.L_overlay_start_1:
0x0: {  	(tag) =	ssettag $0x1  }
0x1: {  	v0 =	vimm.f32 $-1.600000000e+01;
	vm14 =	vcmask $0x300  }
0x2: {  	vm13 =	vcmask $0x704;
	v0 =	vsel vm14, $0xBF800000, v0  }
0x3: {  	vm12 =	vcmask $0xB08;
	v0 =	vsel vm13, $0xC0000000, v0  }
0x4: {  	vm11 =	vcmask $0xF0C;
	v0 =	vsel vm12, $0xC0400000, v0  }
0x5: {  	vm10 =	vcmask $0x1310;
	v0 =	vsel vm11, $0xC0800000, v0  }
0x6: {  	vm9 =	vcmask $0x1714;
	v0 =	vsel vm10, $0xC0A00000, v0  }
0x7: {  	vm7 =	vcmask $0x1B18;
	v0 =	vsel vm9, $0xC0C00000, v0  }
0x8: {  	vm8 =	vcmask $0x1F1C;
	v0 =	vsel vm7, $0xC0E00000, v0  }
0x9: {  	vm6 =	vcmask $0x2320;
	v0 =	vsel vm8, $0xC1000000, v0  }
0xa: {  	vm5 =	vcmask $0x2724;
	v0 =	vsel vm6, $0xC1100000, v0  }
0xb: {  	s4 =	rddreg [dreg:$0x0];
	vm4 =	vcmask $0x2B28;
	v0 =	vsel vm5, $0xC1200000, v0  }
0xc: {  	s2 =	rddreg [dreg:$0x1];
	vm3 =	vcmask $0x2F2C;
	v0 =	vsel vm4, $0xC1300000, v0  }
0xd: {  	s0 =	rddreg [dreg:$0x2];
	vm1 =	vcmask $0x3330;
	v0 =	vsel vm3, $0xC1400000, v0  }
0xe: {  	s5 =	rddreg [dreg:$0x3];
	vm0 =	vcmask $0x3734;
	v0 =	vsel vm1, $0xC1500000, v0  }
0xf: {  	s1 =	rddreg [dreg:$0x4];
	vm2 =	vcmask $0x3B38;
	v1 =	vimm.f32 $-3.200000000e+01;
	v0 =	vsel vm0, $0xC1600000, v0  }
0x10: {  	s6 =	rddreg [dreg:$0x5];
	v3 =	vlaneseq.u32;
	v55 =	vsel vm14, $0xC1880000, v1;
	v0 =	vsel vm2, $0xC1700000, v0  }
0x11: {  	s3 =	rddreg [dreg:$0x6];
	v56 =	vimm.f32 $-4.800000000e+01;
	v2 =	vimm.f32 $-6.400000000e+01;
	[tilespmem:$0x1FF80] =	vst v0;
	v0 =	vsel vm13, $0xC1900000, v55  }
0x12: {  	s7 =	rddreg [dreg:$0x7];
	s8 =	srdreg.scid;
	v1 =	vsel vm14, $0xC2040000, v56;
	v2 =	vsel vm14, $0xC2440000, v2;
	v0 =	vsel vm12, $0xC1980000, v0  }
0x13: {  	s14 =	stileid.u32;
	s9 =	rddreg [dreg:$0x8];
	s15 =	simm.s32 $0x0;
	v59 =	vor.u32 $0x10, v3;
	v1 =	vsel vm13, $0xC2080000, v1;
	v0 =	vsel vm11, $0xC1A00000, v0  }
0x14: {  	s8 =	sand.u32 $0x1, s8;
	s10 =	sshll.u32 s14, $0x1;
	[smem:$0x7FF] =	sst s15;
	v2 =	vsel vm13, $0xC2480000, v2;
	v1 =	vsel vm12, $0xC20C0000, v1;
	v0 =	vsel vm10, $0xC1A80000, v0  }
0x15: {  	s12 =	sshll.u32 s14, $0x9;
	s21 =	sshll.u32 s14, $0x8;
	s10 =	sor.u32 s8, s10;
	v2 =	vsel vm12, $0xC24C0000, v2;
	v1 =	vsel vm11, $0xC2100000, v1;
	v0 =	vsel vm9, $0xC1B00000, v0  }
0x16: {  	s12 =	sand.u32 $0x1800, s12;
	s11 =	sshll.u32 s10, $0x7;
	s10 =	sshll.u32 s10, $0xC;
	v2 =	vsel vm11, $0xC2500000, v2;
	v1 =	vsel vm10, $0xC2140000, v1;
	v0 =	vsel vm7, $0xC1B80000, v0  }
0x17: {  	s8 =	ssub.s32 $0x2, s8;
	s13 =	sand.u32 $0x380, s11;
	s10 =	sadd.s32 s10, s4;
	v2 =	vsel vm10, $0xC2540000, v2;
	v1 =	vsel vm9, $0xC2180000, v1;
	v0 =	vsel vm8, $0xC1C00000, v0  }
0x18: {  	s11 =	sand.u32 $0x780, s11;
	s12 =	sor.u32 s12, s13;
	s13 =	sand.u32 $0x800, s21;
	v2 =	vsel vm9, $0xC2580000, v2;
	v1 =	vsel vm7, $0xC21C0000, v1;
	v0 =	vsel vm6, $0xC1C80000, v0  }
0x19: {  	s22 =	sshrl.u32 s8, $0x1;
	s10 =	sadd.s32 $0x1A00, s10;
	s11 =	sor.u32 s13, s11;
	v2 =	vsel vm7, $0xC25C0000, v2;
	v1 =	vsel vm8, $0xC2200000, v1;
	v0 =	vsel vm5, $0xC1D00000, v0  }
0x1a: {  	s2 =	sadd.s32 s2, s11;
	v2 =	vsel vm8, $0xC2600000, v2;
	v1 =	vsel vm6, $0xC2240000, v1;
	_ =	strace $0x80000047;
	[dreg:$0xa] =	wrdreg s10;
	v0 =	vsel vm4, $0xC1D80000, v0  }
0x1b: {  	s8 =	ssub.s32 s8, s22;
	s23 =	sadd.s32 s5, s11;
	v2 =	vsel vm6, $0xC2640000, v2;
	v1 =	vsel vm5, $0xC2280000, v1;
	[dreg:$0xb] =	wrdreg s2;
	v0 =	vsel vm3, $0xC1E00000, v0  }
0x1c: {  	s31 =	smax.u32 s8, $0x1;
	s24 =	sadd.s32 s6, s11;
	v2 =	vsel vm5, $0xC2680000, v2;
	v1 =	vsel vm4, $0xC22C0000, v1;
	[dreg:$0xc] =	wrdreg s23;
	v0 =	vsel vm1, $0xC1E80000, v0  }
0x1d: {  	s8 =	simm.s32 $0x9C00;
	s25 =	sadd.s32 s7, s11;
	v2 =	vsel vm4, $0xC26C0000, v2;
	v1 =	vsel vm3, $0xC2300000, v1;
	[dreg:$0xd] =	wrdreg s24;
	v0 =	vsel vm0, $0xC1F00000, v0  }
0x1e: {  	s12 =	sshrl.u32 s12, $0x3;
	s0 =	sadd.s32 s0, s11;
	v58 =	vsel vm3, $0xC2700000, v2;
	v57 =	vsel vm1, $0xC2340000, v1;
	[dreg:$0xe] =	wrdreg s25;
	[tilespmem:$0x1FFA0] =	vst v59;
	v0 =	vsel vm2, $0xC1F80000, v0  }
0x1f: {  	v60 =	vor.u32 $0x20, v3;
	s4 =	sadd.s32 s12, s4;
	s26 =	sadd.s32 s1, s11;
	v1 =	vsel vm1, $0xC2740000, v58;
	[dreg:$0xf] =	wrdreg s0;
	[tilespmem:$0x1FF90] =	vst v0;
	v0 =	vsel vm0, $0xC2380000, v57  }
0x20: {  	s28 =	sadd.s32 s3, s11;
	s29 =	sadd.s32 s9, s11;
	v61 =	vsel vm0, $0xC2780000, v1;
	[dreg:$0x10] =	wrdreg s26;
	[tilespmem:$0x1FFC0] =	vst v60;
	v0 =	vsel vm2, $0xC23C0000, v0  }
0x21: {  	v63 =	vand.u32 $0x7, v3;
	s9 =	simm.s32 $0x1;
	s5 =	simm.s32 $0xA0E0;
	[dreg:$0x11] =	wrdreg s28;
	[tilespmem:$0x1FFB0] =	vst v0;
	v0 =	vsel vm2, $0xC27C0000, v61  }
0x22: {  	v62 =	vor.u32 $0x30, v3;
	s6 =	simm.s32 $0xA0F0;
	s30 =	sadd.s32 $0x21A00, s4;
	[dreg:$0x12] =	wrdreg s29;
	[tilespmem:$0x1FFD0] =	vst v0;
	v0 =	vmul.u32 $0x80, v63  }
0x23: {  	s7 =	simm.s32 $0x8C00;
	s1 =	simm.s32 $0x0;
	[dreg:$0x13] =	wrdreg s30;
	[tilespmem:$0x1FFE0] =	vst v62  }
0x24: {  	s4 =	simm.s32 $0xA0D0;
	[dreg:$0x14] =	wrdreg s31;
	s0 =	simm.s32 $0x80;
	[tilespmem:$0x1FFF0] =	vst v0  }
.LBB2_1:
0x25: {  	[dreg:$0x15] =	wrdreg s1  }
0x26: {  	s2 =	rddreg [dreg:$0xa]  }
0x27: {  	[tilespmem:s15], [sflag:$0x1] =	stream.linear.gather [hbm4b:s2+s15], $0x8000, $0x38;
	[tilespmem:$0xA100] =	vst v63  }
0x28: {  	_ =	swait.ge [sflag:s9], $0x8000  }
0x29: {  	[sflag:s9] =	ssyncset.done $0x0  }
0x2a: {  	v0 =	vimm.f32 $0.0e+00;
	[sflag:s9] =	ssyncadd.s32 $0xFFFF8000  }
0x2b: {  	[tilespmem:$0xA000] =	vst v0  }
0x2c: {  	[tilespmem:$0xA010] =	vst v0  }
0x2d: {  	[tilespmem:$0xA020] =	vst v0  }
0x2e: {  	[tilespmem:$0xA030] =	vst v0  }
0x2f: {  	[tilespmem:$0xA040] =	vst v0  }
0x30: {  	[tilespmem:$0xA050] =	vst v0  }
0x31: {  	[tilespmem:$0xA060] =	vst v0  }
0x32: {  	[tilespmem:$0xA070] =	vst v0  }
0x33: {  	[tilespmem:$0xA080] =	vst v0  }
0x34: {  	[tilespmem:$0xA090] =	vst v0  }
0x35: {  	[tilespmem:$0xA0A0] =	vst v0  }
0x36: {  	v8 =	vld [tilespmem:$0x1FF80];
	[tilespmem:$0xA0B0] =	vst v0  }
0x37: {  	v18 =	vld [tilespmem:$0x1FF90];
	[tilespmem:$0xA0C0] =	vst v0  }
0x38: {  	s29 =	simm.s32 $0x0;
	v19 =	vld [tilespmem:$0x1FFA0];
	[tilespmem:$0xA0D0] =	vst v0  }
0x39: {  	s30 =	sand.u32 $0x7800, s15;
	s2 =	sand.u32 $0x300, s29;
	v49 =	vld [tilespmem:$0x1FFB0];
	[tilespmem:$0xA0E0] =	vst v0  }
0x3a: {  	s10 =	sor.u32 s2, s30;
	v50 =	vld [tilespmem:$0x1FFD0];
	[tilespmem:$0xA0F0] =	vst v0  }
0x3b: {  	v0 =	vld [tilespmem:s10+$0x0]  }
0x3c: {  	v1 =	vld [tilespmem:s10+$0x10]  }
0x3d: {  	v2 =	vld [tilespmem:s10+$0x20]  }
0x3e: {  	v3 =	vld [tilespmem:s10+$0x30]  }
0x3f: {  	v54 =	vld [tilespmem:$0x1FFC0]  }
0x40: {  	v63 =	vld [tilespmem:$0x1FFE0];
	vm0 =	vgt.f32 v0, $0.0e+00  }
0x41: {  	v20 =	vlaneseq.u32;
	v4 =	vsel vm0, v0, v8;
	vm0 =	vgt.f32 v1, $0.0e+00  }
0x42: {  	v5 =	vsel vm0, v1, v18;
	(xrf1) =	vsort.dscd.msk.f32 $0xffff, v4, v20;
	vm0 =	vgt.f32 v2, $0.0e+00  }
0x43: {  	(xrf1) =	vsort.ascd.msk.f32 $0xffff, v5, v19;
	v4 =	vsel vm0, v2, v49;
	vm0 =	vgt.f32 v3, $0.0e+00  }
0x44: {  	v5 =	vsel vm0, v3, v50;
	(xrf1) =	vsort.dscd.msk.f32 $0xffff, v4, v54  }
0x45: {  	s31 =	sand.u32 $0x380, s0;
	(xrf1) =	vsort.ascd.msk.f32 $0xffff, v5, v63  }
0x46: {  	s11 =	sor.u32 s31, s30  }
0x47: {  	v4 =	vld [tilespmem:s11+$0x0]  }
0x48: {  	v5 =	vld [tilespmem:s11+$0x10]  }
0x49: {  	v6 =	vld [tilespmem:s11+$0x20]  }
0x4a: {  	v7 =	vld [tilespmem:s11+$0x30];
	_ =	sdelay $0x1  }
0x4b: {  	vm0 =	vgt.f32 v4, $0.0e+00  }
0x4c: {  	v9 =	vsel vm0, v4, v8;
	vm0 =	vgt.f32 v5, $0.0e+00  }
0x4d: {  	v10 =	vsel vm0, v5, v18;
	vm0 =	vgt.f32 v6, $0.0e+00;
	(xrf1) =	vsort.dscd.msk.f32 $0xffff, v9, v20  }
0x4e: {  	vm1 =	vgt.f32 v7, $0.0e+00;
	(xrf1) =	vsort.ascd.msk.f32 $0xffff, v10, v19;
	v10 =	vsel vm0, v6, v49  }
0x4f: {  	v14 =	vsel vm1, v7, v50;
	v9, v11, _ =	vpop (xrf1)  }
0x50: {  	v12, v13, _ =	vpop (xrf1)  }
0x51: {  	(xrf1) =	vsort.dscd.msk.f32 $0xffff, v10, v54;
	v10, v15, _ =	vpop (xrf1)  }
0x52: {  	(xrf1) =	vsort.ascd.msk.f32 $0xffff, v14, v63;
	vm0 =	vge.f32 v9, v12;
	v14, v16, _ =	vpop (xrf1)  }
0x53: {  	v9 =	vsel vm0, v9, v12;
	v11 =	vsel vm0, v11, v13;
	vm0 =	vge.f32 v10, v14  }
0x54: {  	(xrf1) =	vsort.dscd.msk.f32 $0xffff, v9, v11;
	v10 =	vsel vm0, v10, v14;
	v12 =	vsel vm0, v15, v16  }
0x55: {  	(xrf1) =	vsort.ascd.msk.f32 $0xffff, v10, v12;
	_ =	sdelay $0x6  }
0x56: {  	v9, v10, _ =	vpop (xrf1)  }
0x57: {  	v11, v12, _ =	vpop (xrf1)  }
0x58: {  	vm0 =	vge.f32 v9, v11  }
0x59: {  	v10 =	vsel vm0, v10, v12  }
0x5a: {  	v13, v14, _ =	vpop (xrf1);
	v9 =	vsel vm0, v9, v11  }
0x5b: {  	v15, v16, _ =	vpop (xrf1)  }
0x5c: {  	v11, v12, _ =	vpop (xrf1)  }
0x5d: {  	(xrf1) =	vsort.dscd.msk.f32 $0xffff, v9, v10;
	vm0 =	vge.f32 v13, v15;
	v9, v10, _ =	vpop (xrf1)  }
0x5e: {  	v13 =	vsel vm0, v13, v15;
	v14 =	vsel vm0, v14, v16;
	vm0 =	vge.f32 v11, v9  }
0x5f: {  	(xrf1) =	vsort.ascd.msk.f32 $0xffff, v13, v14;
	v9 =	vsel vm0, v11, v9;
	v10 =	vsel vm0, v12, v10  }
0x60: {  	(xrf1) =	vsort.dscd.msk.f32 $0xffff, v9, v10;
	_ =	sdelay $0xb  }
0x61: {  	v9, v10, _ =	vpop (xrf1)  }
0x62: {  	v11, v12, _ =	vpop (xrf1)  }
0x63: {  	v15 =	vimm.s32 $0x7;
	v13, v14, _ =	vpop (xrf1)  }
0x64: {  	vm0 =	vge.f32 v9, v11;
	v15 =	vperm.xlane v13, v15  }
0x65: {  	v9 =	vsel vm0, v9, v11;
	v10 =	vsel vm0, v10, v12  }
0x66: {  	(xrf1) =	vsort.dscd.msk.f32 $0xffff, v9, v10;
	v10 =	vimm.s32 $0x0;
	v9 =	vmax.f32 v15, $0.0e+00  }
0x67: {  	v10 =	vperm.xlane v13, v10;
	vm0 =	vge.f32 v0, v9;
	vm1 =	vge.f32 v1, v9  }
0x68: {  	v0 =	vnsel vm0, $0x0, v0;
	v1 =	vnsel vm1, $0x0, v1  }
0x69: {  	v10 =	vmax.f32 v10, $0.0e+00;
	vm0 =	vge.f32 v2, v9;
	v11 =	vadd.f32 v1, v0  }
0x6a: {  	v10 =	vmin.f32 v10, $2.000000000e+01;
	v2 =	vnsel vm0, $0x0, v2  }
0x6b: {  	v10 =	vadd.f32 v10, v10;
	vm0 =	vge.f32 v3, v9;
	v9 =	vadd.f32 v11, v2  }
0x6c: {  	v3 =	vnsel vm0, $0x0, v3  }
0x6d: {  	v10 =	vmul.f32 $1.442695020e+00, v10;
	v9 =	vadd.f32 v9, v3;
	_ =	sdelay $0x1  }
0x6e: {  	(erf) = vpow2.f32 v10;
	(xrf2) =	vadd.scan.msk.f32 $0xffff, v9;
	_ =	sdelay $0x4  }
0x6f: {  	v12 =	vimm.s32 $0x0;
	v9, v11, _ =	vpop (xrf1)  }
0x70: {  	v10 =	vperm.xlane v9, v12;
	_ =	sdelay $0x1  }
0x71: {  	v10 =	vmax.f32 v10, $0.0e+00  }
0x72: {  	v10 =	vmin.f32 v10, $2.000000000e+01;
	v12 =	vpop (erf)  }
0x73: {  	v10 =	vadd.f32 v10, v10;
	v15, _, _ =	vpop (xrf2)  }
0x74: {  	v16 =	vadd.f32 $1.000000000e+00, v12;
	v15 =	vadd.f32 $9.999999930e-09, v15  }
0x75: {  	v10 =	vmul.f32 $1.442695020e+00, v10  }
0x76: {  	(erf) = vrcp.f32 v16;
	v15 =	vbroadcast v15, $0xF  }
0x77: {  	(erf) = vpow2.f32 v10  }
0x78: {  	v36 =	vimm.s32 $0x7;
	(erf) = vrcp.f32 v15  }
0x79: {  	v10 =	vperm.xlane v9, v36;
	_ =	sdelay $0x1  }
0x7a: {  	v10 =	vmax.f32 v10, $0.0e+00  }
0x7b: {  	vm0 =	vge.f32 v4, v10;
	vm1 =	vge.f32 v5, v10  }
0x7c: {  	v12 =	vadd.f32 $-1.000000000e+00, v12;
	v15 =	vnsel vm0, $0x0, v4;
	v5 =	vnsel vm1, $0x0, v5  }
0x7d: {  	vm0 =	vge.f32 v6, v10;
	v16 =	vadd.f32 v5, v15  }
0x7e: {  	v6 =	vnsel vm0, $0x0, v6;
	v4 =	vpop (erf)  }
0x7f: {  	v34 =	vld [tilespmem:$0x1FFF0];
	vm0 =	vge.f32 v7, v10;
	v16 =	vadd.f32 v16, v6;
	v4 =	vmul.f32 v4, v12;
	v17 =	vpop (erf)  }
0x80: {  	v10 =	vmov s15;
	v7 =	vnsel vm0, $0x0, v7;
	v12 =	vpop (erf)  }
0x81: {  	v10 =	vand.u32 $0x7E, v10;
	v4 =	vmul.f32 v12, v4;
	v12 =	vadd.f32 v16, v7  }
0x82: {  	v10 =	vbroadcast v10, $0x0  }
0x83: {  	v0 =	vmul.f32 v4, v0;
	(xrf2) =	vadd.scan.msk.f32 $0xffff, v12  }
0x84: {  	s16 =	simm.s32 $0xA000;
	v48 =	vor.u32 v34, v10;
	v1 =	vmul.f32 v4, v1  }
0x85: {  	s17 =	simm.s32 $0xA010;
	v2 =	vmul.f32 v4, v2;
	[tilespmem:s16+$0x0] =	vst.add.f32.msk $0xffff, v0  }
0x86: {  	s18 =	simm.s32 $0xA020;
	v3 =	vmul.f32 v4, v3;
	v0 =	vmax.f32 v13, $0.0e+00;
	[tilespmem:s17+$0x0] =	vst.add.f32.msk $0xffff, v1  }
0x87: {  	s19 =	simm.s32 $0xA030;
	v0 =	vmul.f32 v4, v0;
	[tilespmem:s18+$0x0] =	vst.add.f32.msk $0xffff, v2  }
0x88: {  	s20 =	simm.s32 $0x8000;
	[tilespmem:s19+$0x0] =	vst.add.f32.msk $0xffff, v3  }
0x89: {  	s21 =	simm.s32 $0x9000;
	[tilespmem:v48+s20+$0x0] =	vst.idx.msk $0xff, v0  }
0x8a: {  	[tilespmem:v48+s21+$0x0] =	vst.idx.msk $0xff, v14  }
0x8b: {  	v12 =	vld [tilespmem:s10+$0x40]  }
0x8c: {  	v14 =	vld [tilespmem:s10+$0x50]  }
0x8d: {  	v10 =	vld [tilespmem:s10+$0x60];
	v1, _, _ =	vpop (xrf2)  }
0x8e: {  	v0 =	vadd.f32 $1.000000000e+00, v17;
	v4 =	vld [tilespmem:s10+$0x70];
	v1 =	vadd.f32 $9.999999930e-09, v1;
	_ =	sdelay $0x1  }
0x8f: {  	(erf) = vrcp.f32 v0;
	vm0 =	vgt.f32 v12, $0.0e+00;
	v1 =	vbroadcast v1, $0xF  }
0x90: {  	v0 =	vsel vm0, v12, v8;
	vm0 =	vgt.f32 v14, $0.0e+00  }
0x91: {  	v2 =	vsel vm0, v14, v18;
	vm0 =	vgt.f32 v10, $0.0e+00;
	(xrf1) =	vsort.dscd.msk.f32 $0xffff, v0, v20;
	(erf) = vrcp.f32 v1  }
0x92: {  	v0 =	vsel vm0, v10, v49;
	vm0 =	vgt.f32 v4, $0.0e+00;
	(xrf1) =	vsort.ascd.msk.f32 $0xffff, v2, v19  }
0x93: {  	v1 =	vsel vm0, v4, v50;
	(xrf1) =	vsort.dscd.msk.f32 $0xffff, v0, v54  }
0x94: {  	(xrf1) =	vsort.ascd.msk.f32 $0xffff, v1, v63;
	_ =	sdelay $0x2  }
0x95: {  	v0 =	vadd.f32 $-1.000000000e+00, v17  }
0x96: {  	v1 =	vpop (erf)  }
0x97: {  	s0 =	simm.s32 $0x1;
	v0 =	vmul.f32 v1, v0  }
0x98: {  	v1 =	vmov s0;
	v2 =	vpop (erf)  }
0x99: {  	v1 =	vand.u32 $0x7F, v1;
	v0 =	vmul.f32 v2, v0  }
0x9a: {  	v1 =	vbroadcast v1, $0x0  }
0x9b: {  	v2 =	vmul.f32 v0, v15  }
0x9c: {  	v9 =	vmax.f32 v9, $0.0e+00;
	v37 =	vor.u32 v34, v1;
	v1 =	vmul.f32 v0, v5  }
0x9d: {  	v3, v13, _ =	vpop (xrf1)  }
0x9e: {  	v6 =	vmul.f32 v0, v6;
	[tilespmem:s16+$0x0] =	vst.add.f32.msk $0xffff, v2;
	v5, v15, _ =	vpop (xrf1)  }
0x9f: {  	v7 =	vmul.f32 v0, v7;
	[tilespmem:s17+$0x0] =	vst.add.f32.msk $0xffff, v1;
	v2, v17, _ =	vpop (xrf1);
	vm0 =	vge.f32 v3, v5  }
0xa0: {  	s1 =	simm.s32 $0x100;
	s3 =	simm.s32 $0x200;
	v0 =	vmul.f32 v0, v9;
	[tilespmem:s18+$0x0] =	vst.add.f32.msk $0xffff, v6;
	v1, v9, _ =	vpop (xrf1);
	v3 =	vsel vm0, v3, v5;
	v5 =	vsel vm0, v13, v15  }
0xa1: {  	s2 =	sand.u32 $0x300, s1;
	s9 =	sand.u32 $0x7800, s3;
	[tilespmem:s19+$0x0] =	vst.add.f32.msk $0xffff, v7;
	vm1 =	vge.f32 v2, v1;
	(xrf1) =	vsort.dscd.msk.f32 $0xffff, v3, v5  }
0xa2: {  	s13 =	sor.u32 s2, s9;
	[tilespmem:v37+s20+$0x0] =	vst.idx.msk $0xff, v0;
	v1 =	vsel vm1, v2, v1;
	v2 =	vsel vm1, v17, v9  }
0xa3: {  	v15 =	vld [tilespmem:s13+$0x0];
	[tilespmem:v37+s21+$0x0] =	vst.idx.msk $0xff, v11;
	(xrf1) =	vsort.ascd.msk.f32 $0xffff, v1, v2  }
0xa4: {  	v0 =	vld [tilespmem:s11+$0x40]  }
0xa5: {  	v1 =	vld [tilespmem:s11+$0x50]  }
0xa6: {  	v17 =	vld [tilespmem:s13+$0x10]  }
0xa7: {  	v11 =	vld [tilespmem:s13+$0x20]  }
0xa8: {  	s12 =	simm.s32 $0x180;
	v5 =	vld [tilespmem:s13+$0x30]  }
0xa9: {  	s2 =	sand.u32 $0x380, s12;
	v7 =	vlaneseq.u32;
	vm0 =	vgt.f32 v0, $0.0e+00  }
0xaa: {  	s2 =	sor.u32 s2, s9;
	vm1 =	vgt.f32 v1, $0.0e+00;
	v2 =	vsel vm0, v0, v8;
	vm0 =	vgt.f32 v15, $0.0e+00  }
0xab: {  	v3 =	vld [tilespmem:s2+$0x0];
	v6 =	vsel vm1, v1, v18;
	(xrf1) =	vsort.dscd.msk.f32 $0xffff, v2, v7;
	v2 =	vsel vm0, v15, v8;
	vm0 =	vgt.f32 v17, $0.0e+00  }
0xac: {  	v9 =	vld [tilespmem:s2+$0x10];
	(xrf1) =	vsort.ascd.msk.f32 $0xffff, v6, v19;
	v6 =	vsel vm0, v17, v18;
	vm0 =	vgt.f32 v11, $0.0e+00  }
0xad: {  	(xrf1) =	vsort.dscd.msk.f32 $0xffff, v2, v7;
	v2 =	vsel vm0, v11, v49;
	vm0 =	vgt.f32 v5, $0.0e+00  }
0xae: {  	(xrf1) =	vsort.ascd.msk.f32 $0xffff, v6, v19;
	v6 =	vsel vm0, v5, v50;
	_ =	sdelay $0x1  }
0xaf: {  	v21 =	vlaneseq.u32;
	vm0 =	vgt.f32 v3, $0.0e+00;
	(xrf1) =	vsort.dscd.msk.f32 $0xffff, v2, v54;
	v2, v7, _ =	vpop (xrf1)  }
0xb0: {  	v16 =	vmov v18;
	v13 =	vsel vm0, v3, v8;
	vm0 =	vgt.f32 v9, $0.0e+00;
	(xrf1) =	vsort.ascd.msk.f32 $0xffff, v6, v63;
	v6, v18, _ =	vpop (xrf1)  }
0xb1: {  	v20 =	vmovc v19;
	v19 =	vsel vm0, v9, v16;
	(xrf1) =	vsort.dscd.msk.f32 $0xffff, v13, v21;
	v13 =	vld [tilespmem:s2+$0x20];
	vm0 =	vge.f32 v2, v6  }
0xb2: {  	(xrf1) =	vsort.ascd.msk.f32 $0xffff, v19, v20;
	v2 =	vsel vm0, v2, v6;
	v6 =	vsel vm0, v7, v18;
	v7 =	vld [tilespmem:s2+$0x30]  }
0xb3: {  	(xrf1) =	vsort.dscd.msk.f32 $0xffff, v2, v6  }
0xb4: {  	v6 =	vld [tilespmem:s11+$0x60];
	_ =	sdelay $0x1  }
0xb5: {  	v2 =	vld [tilespmem:s11+$0x70];
	vm0 =	vgt.f32 v13, $0.0e+00  }
0xb6: {  	v51 =	vmov v20;
	v20 =	vsel vm0, v13, v49;
	vm1 =	vgt.f32 v7, $0.0e+00  }
0xb7: {  	v18, v19, _ =	vpop (xrf1);
	v23 =	vsel vm1, v7, v50  }
0xb8: {  	v21, v22, _ =	vpop (xrf1);
	vm0 =	vgt.f32 v6, $0.0e+00  }
0xb9: {  	(xrf1) =	vsort.dscd.msk.f32 $0xffff, v20, v54;
	v20, v24, _ =	vpop (xrf1);
	v25 =	vsel vm0, v6, v49;
	vm0 =	vge.f32 v18, v21  }
0xba: {  	vm1 =	vgt.f32 v2, $0.0e+00;
	(xrf1) =	vsort.ascd.msk.f32 $0xffff, v23, v63;
	v19 =	vsel vm0, v19, v22;
	v23, v26, _ =	vpop (xrf1)  }
0xbb: {  	v27 =	vsel vm1, v2, v50;
	v18 =	vsel vm0, v18, v21;
	vm0 =	vge.f32 v20, v23  }
0xbc: {  	(xrf1) =	vsort.dscd.msk.f32 $0xffff, v25, v54;
	v25, v28, _ =	vpop (xrf1);
	v20 =	vsel vm0, v20, v23;
	v23 =	vsel vm0, v24, v26  }
0xbd: {  	(xrf1) =	vsort.ascd.msk.f32 $0xffff, v27, v63;
	v21, v22, _ =	vpop (xrf1)  }
0xbe: {  	(xrf1) =	vsort.dscd.msk.f32 $0xffff, v18, v19;
	v18, v19, _ =	vpop (xrf1)  }
0xbf: {  	vm0 =	vge.f32 v25, v21;
	v24, v26, _ =	vpop (xrf1)  }
0xc0: {  	(xrf1) =	vsort.dscd.msk.f32 $0xffff, v20, v23;
	v21 =	vsel vm0, v25, v21;
	v22 =	vsel vm0, v28, v22;
	v20, v23, _ =	vpop (xrf1)  }
0xc1: {  	(xrf1) =	vsort.ascd.msk.f32 $0xffff, v21, v22;
	v21 =	vperm.xlane v20, v36;
	_ =	sdelay $0x1  }
0xc2: {  	v21 =	vmax.f32 v21, $0.0e+00  }
0xc3: {  	vm0 =	vge.f32 v12, v21;
	vm1 =	vge.f32 v14, v21  }
0xc4: {  	v12 =	vnsel vm0, $0x0, v12;
	v22 =	vnsel vm1, $0x0, v14  }
0xc5: {  	v29 =	vimm.s32 $0x0;
	v25 =	vadd.f32 v22, v12  }
0xc6: {  	v14 =	vperm.xlane v20, v29;
	vm0 =	vge.f32 v10, v21  }
0xc7: {  	v10 =	vnsel vm0, $0x0, v10  }
0xc8: {  	vm0 =	vge.f32 v4, v21;
	v14 =	vmax.f32 v14, $0.0e+00;
	v21 =	vadd.f32 v25, v10  }
0xc9: {  	v4 =	vnsel vm0, $0x0, v4;
	v14 =	vmin.f32 v14, $2.000000000e+01;
	v25, v27, _ =	vpop (xrf1)  }
0xca: {  	vm0 =	vge.f32 v18, v24;
	v14 =	vadd.f32 v14, v14;
	v21 =	vadd.f32 v21, v4;
	v28, v29, _ =	vpop (xrf1)  }
0xcb: {  	v18 =	vsel vm0, v18, v24;
	v19 =	vsel vm0, v19, v26;
	vm0 =	vge.f32 v25, v28  }
0xcc: {  	(xrf1) =	vsort.dscd.msk.f32 $0xffff, v18, v19;
	v14 =	vmul.f32 $1.442695020e+00, v14;
	v30, v31, _ =	vpop (xrf1);
	v18 =	vsel vm0, v25, v28  }
0xcd: {  	(xrf2) =	vadd.scan.msk.f32 $0xffff, v21;
	v32, v33, _ =	vpop (xrf1)  }
0xce: {  	v21, v24, _ =	vpop (xrf1)  }
0xcf: {  	v19 =	vsel vm0, v27, v29;
	(erf) = vpow2.f32 v14;
	v25, v26, _ =	vpop (xrf1)  }
0xd0: {  	(xrf1) =	vsort.ascd.msk.f32 $0xffff, v18, v19;
	vm0 =	vge.f32 v30, v32;
	v14, v18, _ =	vpop (xrf1)  }
0xd1: {  	v19 =	vsel vm0, v30, v32;
	v27 =	vsel vm0, v31, v33;
	vm0 =	vge.f32 v25, v14  }
0xd2: {  	(xrf1) =	vsort.ascd.msk.f32 $0xffff, v19, v27;
	v14 =	vsel vm0, v25, v14;
	v18 =	vsel vm0, v26, v18  }
0xd3: {  	(xrf1) =	vsort.dscd.msk.f32 $0xffff, v14, v18;
	_ =	sdelay $0x3  }
0xd4: {  	v14, _, _ =	vpop (xrf2)  }
0xd5: {  	v18 =	vpop (erf);
	v14 =	vadd.f32 $9.999999930e-09, v14  }
0xd6: {  	v19 =	vadd.f32 $1.000000000e+00, v18  }
0xd7: {  	v14 =	vbroadcast v14, $0xF;
	_ =	sdelay $0x1  }
0xd8: {  	(erf) = vrcp.f32 v19;
	_ =	sdelay $0x1  }
0xd9: {  	(erf) = vrcp.f32 v14;
	v14, v19, _ =	vpop (xrf1)  }
0xda: {  	v25, v26, _ =	vpop (xrf1)  }
0xdb: {  	vm0 =	vge.f32 v14, v25;
	v27, v28, _ =	vpop (xrf1)  }
0xdc: {  	v25 =	vsel vm0, v14, v25;
	v19 =	vsel vm0, v19, v26;
	v26, v14, _ =	vpop (xrf1)  }
0xdd: {  	(xrf1) =	vsort.dscd.msk.f32 $0xffff, v25, v19;
	v19 =	vperm.xlane v26, v36;
	_ =	sdelay $0x1  }
0xde: {  	v59 =	vimm.s32 $0x0;
	v18 =	vadd.f32 $-1.000000000e+00, v18;
	v19 =	vmax.f32 v19, $0.0e+00  }
0xdf: {  	v29 =	vpop (erf);
	v25 =	vperm.xlane v26, v59;
	vm0 =	vge.f32 v15, v19;
	vm1 =	vge.f32 v17, v19  }
0xe0: {  	v18 =	vmul.f32 v29, v18;
	v29 =	vnsel vm0, $0x0, v15;
	v30 =	vnsel vm1, $0x0, v17  }
0xe1: {  	v25 =	vmax.f32 v25, $0.0e+00;
	v15 =	vpop (erf);
	vm0 =	vge.f32 v11, v19;
	v17 =	vadd.f32 v30, v29  }
0xe2: {  	v15 =	vmul.f32 v15, v18;
	v31 =	vnsel vm0, $0x0, v11;
	v11 =	vmin.f32 v25, $2.000000000e+01  }
0xe3: {  	vm1 =	vge.f32 v5, v19;
	v11 =	vadd.f32 v11, v11  }
0xe4: {  	v25 =	vnsel vm1, $0x0, v5;
	v17 =	vadd.f32 v17, v31;
	v12 =	vmul.f32 v15, v12  }
0xe5: {  	s22 =	simm.s32 $0xA040;
	vm0 =	vge.f32 v21, v27;
	v5 =	vmul.f32 v15, v22;
	v11 =	vmul.f32 $1.442695020e+00, v11  }
0xe6: {  	s23 =	simm.s32 $0xA050;
	v10 =	vmul.f32 v15, v10;
	v4 =	vmul.f32 v15, v4;
	v17 =	vadd.f32 v17, v25;
	[tilespmem:s22+$0x0] =	vst.add.f32.msk $0xffff, v12  }
0xe7: {  	s24 =	simm.s32 $0xA060;
	v12 =	vsel vm0, v24, v28;
	[tilespmem:s23+$0x0] =	vst.add.f32.msk $0xffff, v5;
	v5 =	vmax.f32 v20, $0.0e+00;
	(erf) = vpow2.f32 v11  }
0xe8: {  	s25 =	simm.s32 $0xA070;
	v11 =	vsel vm0, v21, v27;
	(xrf2) =	vadd.scan.msk.f32 $0xffff, v17;
	[tilespmem:s24+$0x0] =	vst.add.f32.msk $0xffff, v10;
	v5 =	vmul.f32 v15, v5  }
0xe9: {  	s26 =	simm.s32 $0x8400;
	(xrf1) =	vsort.dscd.msk.f32 $0xffff, v11, v12;
	[tilespmem:s25+$0x0] =	vst.add.f32.msk $0xffff, v4  }
0xea: {  	s28 =	simm.s32 $0x9400;
	v19, v15, _ =	vpop (xrf1);
	[tilespmem:v48+s26+$0x0] =	vst.idx.msk $0xff, v5  }
0xeb: {  	v5 =	vperm.xlane v19, v59;
	[tilespmem:v48+s28+$0x0] =	vst.idx.msk $0xff, v23  }
0xec: {  	v4 =	vld [tilespmem:s10+$0x400]  }
0xed: {  	v10 =	vmax.f32 v5, $0.0e+00;
	v5 =	vld [tilespmem:s10+$0x410]  }
0xee: {  	v12 =	vld [tilespmem:s10+$0x420];
	v10 =	vmin.f32 v10, $2.000000000e+01  }
0xef: {  	v11 =	vadd.f32 v10, v10  }
0xf0: {  	v55 =	vlaneseq.u32;
	v24 =	vimm.s32 $0x7  }
0xf1: {  	v17 =	vperm.xlane v19, v24;
	v10 =	vld [tilespmem:s10+$0x430];
	v20 =	vpop (erf);
	v11 =	vmul.f32 $1.442695020e+00, v11;
	vm0 =	vgt.f32 v4, $0.0e+00  }
0xf2: {  	v18 =	vadd.f32 $1.000000000e+00, v20;
	v21, _, _ =	vpop (xrf2);
	v22 =	vsel vm0, v4, v8;
	vm0 =	vgt.f32 v5, $0.0e+00  }
0xf3: {  	v21 =	vadd.f32 $9.999999930e-09, v21;
	v23 =	vsel vm0, v5, v16;
	vm0 =	vgt.f32 v12, $0.0e+00  }
0xf4: {  	v17 =	vmax.f32 v17, $0.0e+00;
	(erf) = vrcp.f32 v18;
	v18 =	vsel vm0, v12, v49  }
0xf5: {  	vm1 =	vge.f32 v9, v17;
	(xrf1) =	vsort.dscd.msk.f32 $0xffff, v22, v55;
	v21 =	vbroadcast v21, $0xF  }
0xf6: {  	v9 =	vnsel vm1, $0x0, v9;
	vm0 =	vgt.f32 v10, $0.0e+00;
	(xrf1) =	vsort.ascd.msk.f32 $0xffff, v23, v51;
	(erf) = vpow2.f32 v11  }
0xf7: {  	v22 =	vsel vm0, v10, v50;
	(xrf1) =	vsort.dscd.msk.f32 $0xffff, v18, v54;
	vm0 =	vge.f32 v3, v17;
	(erf) = vrcp.f32 v21;
	v18, v11, _ =	vpop (xrf1)  }
0xf8: {  	(xrf1) =	vsort.ascd.msk.f32 $0xffff, v22, v63;
	v3 =	vnsel vm0, $0x0, v3;
	vm0 =	vge.f32 v13, v17;
	v21 =	vperm.xlane v18, v24  }
0xf9: {  	v40 =	vimm.s32 $0x0;
	v23 =	vadd.f32 v9, v3;
	v13 =	vnsel vm0, $0x0, v13  }
0xfa: {  	vm0 =	vge.f32 v7, v17;
	v22 =	vperm.xlane v18, v40;
	v17 =	vmax.f32 v21, $0.0e+00  }
0xfb: {  	v7 =	vnsel vm0, $0x0, v7;
	v21 =	vadd.f32 v23, v13;
	vm0 =	vge.f32 v0, v17  }
0xfc: {  	vm1 =	vge.f32 v1, v17;
	v23 =	vnsel vm0, $0x0, v0;
	v0 =	vadd.f32 $-1.000000000e+00, v20  }
0xfd: {  	v20 =	vadd.f32 v21, v7;
	v1 =	vnsel vm1, $0x0, v1;
	vm0 =	vge.f32 v6, v17  }
0xfe: {  	s14 =	simm.s32 $0x2;
	v21 =	vmax.f32 v22, $0.0e+00;
	v22 =	vpop (erf);
	v6 =	vnsel vm0, $0x0, v6;
	vm0 =	vge.f32 v2, v17  }
0xff: {  	v17 =	vmov s14;
	v21 =	vmin.f32 v21, $2.000000000e+01;
	v0 =	vmul.f32 v22, v0;
	v22 =	vpop (erf)  }
0x100: {  	v24 =	vadd.f32 v1, v23;
	v17 =	vand.u32 $0x7E, v17;
	v21 =	vadd.f32 v21, v21;
	v27 =	vpop (erf)  }
0x101: {  	(xrf2) =	vadd.scan.msk.f32 $0xffff, v20;
	v20 =	vmul.f32 v27, v0;
	v0 =	vnsel vm0, $0x0, v2;
	v2 =	vbroadcast v17, $0x0  }
0x102: {  	v24 =	vadd.f32 v24, v6  }
0x103: {  	v62 =	vmov v34;
	v21 =	vmul.f32 $1.442695020e+00, v21;
	v27, v28, _ =	vpop (xrf1);
	v29 =	vmul.f32 v20, v29  }
0x104: {  	v24 =	vadd.f32 v24, v0;
	v61, v60, _ =	vpop (xrf1);
	v52 =	vor.u32 v34, v2;
	v30 =	vmul.f32 v20, v30  }
0x105: {  	v31 =	vmul.f32 v20, v31;
	v25 =	vmul.f32 v20, v25;
	vm0 =	vge.f32 v27, v61;
	v2, v34, _ =	vpop (xrf1);
	[tilespmem:s16+$0x0] =	vst.add.f32.msk $0xffff, v29  }
0x106: {  	(xrf2) =	vadd.scan.msk.f32 $0xffff, v24;
	v24 =	vmax.f32 v26, $0.0e+00;
	v27 =	vsel vm0, v27, v61;
	v26, v35, _ =	vpop (xrf1);
	[tilespmem:s17+$0x0] =	vst.add.f32.msk $0xffff, v30  }
0x107: {  	v28 =	vsel vm0, v28, v60;
	v20 =	vmul.f32 v20, v24;
	vm1 =	vge.f32 v2, v26;
	[tilespmem:s18+$0x0] =	vst.add.f32.msk $0xffff, v31  }
0x108: {  	(xrf1) =	vsort.dscd.msk.f32 $0xffff, v27, v28;
	v2 =	vsel vm1, v2, v26;
	v26 =	vsel vm1, v34, v35;
	[tilespmem:s19+$0x0] =	vst.add.f32.msk $0xffff, v25  }
0x109: {  	(erf) = vpow2.f32 v21;
	(xrf1) =	vsort.ascd.msk.f32 $0xffff, v2, v26;
	[tilespmem:v52+s20+$0x0] =	vst.idx.msk $0xff, v20  }
0x10a: {  	[tilespmem:v52+s21+$0x0] =	vst.idx.msk $0xff, v14  }
0x10b: {  	v25 =	vld [tilespmem:s13+$0x40]  }
0x10c: {  	v2, _, _ =	vpop (xrf2);
	v26 =	vld [tilespmem:s13+$0x50]  }
0x10d: {  	v14 =	vadd.f32 $1.000000000e+00, v22;
	v24 =	vld [tilespmem:s13+$0x60];
	v2 =	vadd.f32 $9.999999930e-09, v2;
	_ =	sdelay $0x1  }
0x10e: {  	(erf) = vrcp.f32 v14;
	v14 =	vld [tilespmem:s13+$0x70];
	v2 =	vbroadcast v2, $0xF  }
0x10f: {  	vm0 =	vgt.f32 v25, $0.0e+00  }
0x110: {  	(erf) = vrcp.f32 v2;
	v20 =	vsel vm0, v25, v8;
	vm0 =	vgt.f32 v26, $0.0e+00  }
0x111: {  	v21 =	vpop (erf);
	v27 =	vsel vm0, v26, v16;
	vm0 =	vgt.f32 v24, $0.0e+00  }
0x112: {  	(xrf1) =	vsort.dscd.msk.f32 $0xffff, v20, v55;
	v20 =	vadd.f32 $1.000000000e+00, v21;
	v28 =	vsel vm0, v24, v49  }
0x113: {  	v2, _, _ =	vpop (xrf2);
	vm0 =	vgt.f32 v14, $0.0e+00  }
0x114: {  	v2 =	vadd.f32 $9.999999930e-09, v2;
	v30 =	vsel vm0, v14, v50  }
0x115: {  	(xrf1) =	vsort.ascd.msk.f32 $0xffff, v27, v51;
	v27, v29, _ =	vpop (xrf1)  }
0x116: {  	v22 =	vadd.f32 $-1.000000000e+00, v22;
	(xrf1) =	vsort.dscd.msk.f32 $0xffff, v28, v54;
	(erf) = vrcp.f32 v20;
	v2 =	vbroadcast v2, $0xF;
	v20, v28, _ =	vpop (xrf1)  }
0x117: {  	(xrf1) =	vsort.ascd.msk.f32 $0xffff, v30, v63;
	v30 =	vpop (erf)  }
0x118: {  	s15 =	simm.s32 $0x3;
	(erf) = vrcp.f32 v2;
	vm0 =	vge.f32 v27, v20;
	v2 =	vmul.f32 v30, v22  }
0x119: {  	v20 =	vsel vm0, v27, v20;
	v22 =	vsel vm0, v29, v28;
	v27 =	vmov s15;
	v28 =	vpop (erf)  }
0x11a: {  	(xrf1) =	vsort.dscd.msk.f32 $0xffff, v20, v22;
	v20 =	vand.u32 $0x7F, v27;
	v2 =	vmul.f32 v28, v2  }
0x11b: {  	v20 =	vbroadcast v20, $0x0  }
0x11c: {  	v3 =	vmul.f32 v2, v3  }
0x11d: {  	v9 =	vmul.f32 v2, v9;
	v17 =	vor.u32 v62, v20  }
0x11e: {  	v13 =	vmul.f32 v2, v13;
	v20 =	vadd.f32 $-1.000000000e+00, v21;
	[tilespmem:s16+$0x0] =	vst.add.f32.msk $0xffff, v3  }
0x11f: {  	v7 =	vmul.f32 v2, v7;
	v3 =	vmax.f32 v19, $0.0e+00;
	v19 =	vpop (erf);
	[tilespmem:s17+$0x0] =	vst.add.f32.msk $0xffff, v9  }
0x120: {  	v2 =	vmul.f32 v2, v3;
	v3 =	vmul.f32 v19, v20;
	[tilespmem:s18+$0x0] =	vst.add.f32.msk $0xffff, v13  }
0x121: {  	v9 =	vpop (erf);
	[tilespmem:s19+$0x0] =	vst.add.f32.msk $0xffff, v7  }
0x122: {  	v19 =	vmul.f32 v9, v3;
	[tilespmem:v17+s20+$0x0] =	vst.idx.msk $0xff, v2  }
0x123: {  	v7, v13, _ =	vpop (xrf1);
	[tilespmem:v17+s21+$0x0] =	vst.idx.msk $0xff, v15  }
0x124: {  	v3, v20, _ =	vpop (xrf1);
	v22 =	vmul.f32 v19, v23;
	v2 =	vld [tilespmem:s2+$0x40]  }
0x125: {  	s29 =	simm.s32 $0x200;
	s12 =	simm.s32 $0x400;
	v1 =	vmul.f32 v19, v1;
	vm0 =	vge.f32 v7, v3;
	v9 =	vld [tilespmem:s2+$0x50]  }
0x126: {  	s9 =	sand.u32 $0x300, s29;
	s14 =	sand.u32 $0x7800, s12;
	v15, v21, _ =	vpop (xrf1);
	v3 =	vsel vm0, v7, v3;
	v7 =	vsel vm0, v13, v20;
	[tilespmem:s22+$0x0] =	vst.add.f32.msk $0xffff, v22  }
0x127: {  	s12 =	sor.u32 s9, s14;
	v23, v27, _ =	vpop (xrf1);
	[tilespmem:s23+$0x0] =	vst.add.f32.msk $0xffff, v1  }
0x128: {  	vm1 =	vge.f32 v15, v23;
	(xrf1) =	vsort.dscd.msk.f32 $0xffff, v3, v7;
	v3 =	vmul.f32 v19, v6;
	v1 =	vld [tilespmem:s12+$0x0]  }
0x129: {  	v56 =	vimm.s32 $0x7;
	v13 =	vsel vm1, v15, v23;
	v15 =	vsel vm1, v21, v27;
	v7, v6, _ =	vpop (xrf1)  }
0x12a: {  	(xrf1) =	vsort.ascd.msk.f32 $0xffff, v13, v15;
	v15 =	vmax.f32 v18, $0.0e+00;
	[tilespmem:s24+$0x0] =	vst.add.f32.msk $0xffff, v3;
	v13 =	vperm.xlane v7, v56  }
0x12b: {  	v3 =	vld [tilespmem:s12+$0x10];
	vm0 =	vgt.f32 v2, $0.0e+00;
	vm1 =	vgt.f32 v9, $0.0e+00;
	v20 =	vperm.xlane v7, v40  }
0x12c: {  	v18 =	vsel vm0, v2, v8;
	v22 =	vsel vm1, v9, v16;
	v13 =	vmax.f32 v13, $0.0e+00  }
0x12d: {  	v21 =	vld [tilespmem:s12+$0x20];
	vm1 =	vgt.f32 v1, $0.0e+00;
	vm0 =	vge.f32 v4, v13;
	vm2 =	vge.f32 v5, v13  }
0x12e: {  	(xrf1) =	vsort.dscd.msk.f32 $0xffff, v18, v55;
	v18 =	vsel vm1, v1, v8;
	v28 =	vnsel vm0, $0x0, v4;
	v27 =	vnsel vm2, $0x0, v5  }
0x12f: {  	s30 =	simm.s32 $0x280;
	v23 =	vld [tilespmem:s12+$0x30];
	v4 =	vmax.f32 v20, $0.0e+00;
	vm0 =	vge.f32 v12, v13;
	v5 =	vadd.f32 v27, v28  }
0x130: {  	s9 =	sand.u32 $0x380, s30;
	(xrf1) =	vsort.ascd.msk.f32 $0xffff, v22, v51;
	vm1 =	vgt.f32 v3, $0.0e+00;
	v29 =	vnsel vm0, $0x0, v12;
	v4 =	vmin.f32 v4, $2.000000000e+01  }
0x131: {  	s9 =	sor.u32 s9, s14;
	vm0 =	vge.f32 v10, v13;
	v4 =	vadd.f32 v4, v4;
	v5 =	vadd.f32 v5, v29  }
0x132: {  	(xrf1) =	vsort.dscd.msk.f32 $0xffff, v18, v55;
	v12 =	vld [tilespmem:s9+$0x0];
	v20 =	vsel vm1, v3, v16;
	v30 =	vnsel vm0, $0x0, v10;
	vm0 =	vgt.f32 v21, $0.0e+00  }
0x133: {  	v13 =	vld [tilespmem:s9+$0x10];
	(xrf1) =	vsort.ascd.msk.f32 $0xffff, v20, v51;
	v20 =	vsel vm0, v21, v49;
	v4 =	vmul.f32 $1.442695020e+00, v4;
	v5 =	vadd.f32 v5, v30  }
0x134: {  	v0 =	vmul.f32 v19, v0;
	v19 =	vmul.f32 v19, v15;
	v15 =	vld [tilespmem:s9+$0x30];
	vm0 =	vgt.f32 v23, $0.0e+00  }
0x135: {  	v18 =	vld [tilespmem:s9+$0x20];
	(erf) = vpow2.f32 v4;
	v4 =	vsel vm0, v23, v50  }
0x136: {  	[tilespmem:s25+$0x0] =	vst.add.f32.msk $0xffff, v0;
	(xrf2) =	vadd.scan.msk.f32 $0xffff, v5  }
0x137: {  	v10 =	vld [tilespmem:s2+$0x60];
	(xrf1) =	vsort.dscd.msk.f32 $0xffff, v20, v54;
	vm0 =	vgt.f32 v12, $0.0e+00;
	v5, v20, _ =	vpop (xrf1)  }
0x138: {  	[tilespmem:$0x1FDF0] =	vst v37;
	v0 =	vsel vm0, v12, v8;
	vm0 =	vgt.f32 v13, $0.0e+00;
	(xrf1) =	vsort.ascd.msk.f32 $0xffff, v4, v63;
	v4, v22, _ =	vpop (xrf1)  }
0x139: {  	[tilespmem:v37+s26+$0x0] =	vst.idx.msk $0xff, v19;
	v19 =	vsel vm0, v13, v16;
	vm0 =	vge.f32 v5, v4  }
0x13a: {  	vm1 =	vgt.f32 v18, $0.0e+00;
	(xrf1) =	vsort.dscd.msk.f32 $0xffff, v0, v55;
	v0 =	vsel vm0, v5, v4  }
0x13b: {  	(xrf1) =	vsort.ascd.msk.f32 $0xffff, v19, v51;
	v4 =	vsel vm0, v20, v22;
	vm0 =	vgt.f32 v15, $0.0e+00;
	v5 =	vsel vm1, v18, v49  }
0x13c: {  	vm1 =	vgt.f32 v10, $0.0e+00;
	(xrf1) =	vsort.dscd.msk.f32 $0xffff, v0, v4;
	v0 =	vsel vm0, v15, v50  }
0x13d: {  	v19 =	vld [tilespmem:s2+$0x70];
	v4 =	vsel vm1, v10, v49  }
0x13e: {  	(xrf1) =	vsort.dscd.msk.f32 $0xffff, v5, v54;
	v5, v31, _ =	vpop (xrf1)  }
0x13f: {  	(xrf1) =	vsort.ascd.msk.f32 $0xffff, v0, v63;
	v0, v41, _ =	vpop (xrf1)  }
0x140: {  	[tilespmem:v37+s28+$0x0] =	vst.idx.msk $0xff, v11;
	(xrf1) =	vsort.dscd.msk.f32 $0xffff, v4, v54;
	v4, _, _ =	vpop (xrf2)  }
0x141: {  	v20 =	vld [tilespmem:s11+$0x400];
	vm1 =	vge.f32 v5, v0;
	v4 =	vadd.f32 $9.999999930e-09, v4  }
0x142: {  	vm0 =	vgt.f32 v19, $0.0e+00;
	v0 =	vsel vm1, v5, v0;
	v5 =	vsel vm1, v31, v41  }
0x143: {  	v42 =	vpop (erf);
	v44 =	vsel vm0, v19, v50;
	v4 =	vbroadcast v4, $0xF  }
0x144: {  	v22 =	vld [tilespmem:s11+$0x410];
	v43 =	vadd.f32 $1.000000000e+00, v42;
	(xrf1) =	vsort.ascd.msk.f32 $0xffff, v44, v63;
	v31, v32, _ =	vpop (xrf1)  }
0x145: {  	(xrf1) =	vsort.dscd.msk.f32 $0xffff, v0, v5;
	v5, v45, _ =	vpop (xrf1)  }
0x146: {  	vm0 =	vgt.f32 v20, $0.0e+00;
	(erf) = vrcp.f32 v43;
	v57, v38, _ =	vpop (xrf1)  }
0x147: {  	v46 =	vsel vm0, v20, v8;
	(erf) = vrcp.f32 v4;
	vm0 =	vge.f32 v31, v5;
	v4, v58, _ =	vpop (xrf1)  }
0x148: {  	v5 =	vsel vm0, v31, v5;
	v31 =	vsel vm0, v32, v45;
	vm0 =	vge.f32 v57, v4  }
0x149: {  	v11 =	vld [tilespmem:s11+$0x420];
	vm1 =	vgt.f32 v22, $0.0e+00;
	v4 =	vsel vm0, v57, v4  }
0x14a: {  	v0 =	vld [tilespmem:s11+$0x430];
	v53 =	vsel vm1, v22, v16;
	(xrf1) =	vsort.dscd.msk.f32 $0xffff, v46, v55  }
0x14b: {  	(xrf1) =	vsort.ascd.msk.f32 $0xffff, v53, v51;
	v32, v34, _ =	vpop (xrf1)  }
0x14c: {  	(xrf1) =	vsort.dscd.msk.f32 $0xffff, v5, v31;
	v35 =	vsel vm0, v38, v58;
	v31, v59, _ =	vpop (xrf1)  }
0x14d: {  	(xrf1) =	vsort.ascd.msk.f32 $0xffff, v4, v35;
	v5, v4, _ =	vpop (xrf1)  }
0x14e: {  	vm0 =	vgt.f32 v11, $0.0e+00;
	v61 =	vperm.xlane v5, v56  }
0x14f: {  	v33 =	vadd.f32 $-1.000000000e+00, v42;
	v60 =	vsel vm0, v11, v49;
	vm0 =	vgt.f32 v0, $0.0e+00  }
0x150: {  	v46 =	vpop (erf);
	v38 =	vsel vm0, v0, v50;
	v45 =	vmax.f32 v61, $0.0e+00  }
0x151: {  	v47 =	vmovc v62;
	vm0 =	vge.f32 v32, v31;
	v33 =	vmul.f32 v46, v33;
	vm1 =	vge.f32 v26, v45  }
0x152: {  	v31 =	vsel vm0, v32, v31;
	v53 =	vperm.xlane v5, v40;
	v40 =	vnsel vm1, $0x0, v26;
	v26 =	vpop (erf)  }
0x153: {  	v62 =	vsel vm0, v34, v59;
	v37, v39, _ =	vpop (xrf1);
	vm0 =	vge.f32 v25, v45;
	v26 =	vmul.f32 v26, v33  }
0x154: {  	v7 =	vmax.f32 v7, $0.0e+00;
	v41, v42, _ =	vpop (xrf1);
	(xrf1) =	vsort.dscd.msk.f32 $0xffff, v31, v62;
	v25 =	vnsel vm0, $0x0, v25  }
0x155: {  	vm0 =	vge.f32 v24, v45;
	v43 =	vadd.f32 v40, v25;
	v28 =	vmul.f32 v26, v28  }
0x156: {  	s31 =	simm.s32 $0xA080;
	v31 =	vmax.f32 v53, $0.0e+00;
	(xrf1) =	vsort.dscd.msk.f32 $0xffff, v60, v54;
	v36 =	vnsel vm0, $0x0, v24;
	v27 =	vmul.f32 v26, v27  }
0x157: {  	s1 =	simm.s32 $0xA090;
	vm0 =	vge.f32 v14, v45;
	v58 =	vadd.f32 v43, v36;
	[tilespmem:s31+$0x0] =	vst.add.f32.msk $0xffff, v28;
	v28 =	vmul.f32 v26, v29  }
0x158: {  	s3 =	simm.s32 $0xA0A0;
	v31 =	vmin.f32 v31, $2.000000000e+01;
	v24, v57, _ =	vpop (xrf1);
	v14 =	vnsel vm0, $0x0, v14;
	[tilespmem:s1+$0x0] =	vst.add.f32.msk $0xffff, v27;
	v27 =	vmul.f32 v26, v30  }
0x159: {  	s14 =	simm.s32 $0xA0B0;
	vm1 =	vge.f32 v37, v41;
	v31 =	vadd.f32 v31, v31;
	v59, v60, _ =	vpop (xrf1);
	v33 =	vadd.f32 v58, v14;
	[tilespmem:s3+$0x0] =	vst.add.f32.msk $0xffff, v28  }
0x15a: {  	(xrf1) =	vsort.ascd.msk.f32 $0xffff, v38, v63;
	v61, v44, _ =	vpop (xrf1);
	v7 =	vmul.f32 v26, v7;
	vm0 =	vge.f32 v24, v59;
	[tilespmem:s14+$0x0] =	vst.add.f32.msk $0xffff, v27  }
0x15b: {  	s15 =	simm.s32 $0x8800;
	v29, v62, _ =	vpop (xrf1);
	v30 =	vmul.f32 $1.442695020e+00, v31;
	v26 =	vsel vm1, v37, v41;
	(xrf2) =	vadd.scan.msk.f32 $0xffff, v33;
	[tilespmem:$0x1FB90] =	vst v48  }
0x15c: {  	v24 =	vsel vm0, v24, v59;
	v45, v46, _ =	vpop (xrf1);
	v28 =	vsel vm1, v39, v42;
	s3 =	simm.s32 $0x9800;
	[tilespmem:v48+s15+$0x0] =	vst.idx.msk $0xff, v7  }
0x15d: {  	v31, v41, _ =	vpop (xrf1);
	(xrf1) =	vsort.ascd.msk.f32 $0xffff, v26, v28;
	(erf) = vpow2.f32 v30;
	v7 =	vsel vm0, v57, v60;
	[tilespmem:v48+s3+$0x0] =	vst.idx.msk $0xff, v6  }
0x15e: {  	v26, v27, _ =	vpop (xrf1);
	(xrf1) =	vsort.ascd.msk.f32 $0xffff, v24, v7;
	v24 =	vld [tilespmem:s10+$0x440]  }
0x15f: {  	vm0 =	vge.f32 v31, v26;
	v32 =	vld [tilespmem:s10+$0x450]  }
0x160: {  	v30 =	vld [tilespmem:s10+$0x460];
	v6 =	vsel vm0, v31, v26;
	v7 =	vsel vm0, v41, v27  }
0x161: {  	vm0 =	vge.f32 v29, v45;
	v27 =	vld [tilespmem:s10+$0x470];
	(xrf1) =	vsort.dscd.msk.f32 $0xffff, v6, v7  }
0x162: {  	v6 =	vsel vm0, v29, v45  }
0x163: {  	v7 =	vsel vm0, v62, v46;
	vm0 =	vgt.f32 v24, $0.0e+00  }
0x164: {  	(xrf1) =	vsort.dscd.msk.f32 $0xffff, v6, v7;
	v7 =	vsel vm0, v24, v8;
	vm0 =	vgt.f32 v32, $0.0e+00  }
0x165: {  	v6, _, _ =	vpop (xrf2);
	v26 =	vsel vm0, v32, v16;
	vm0 =	vgt.f32 v30, $0.0e+00  }
0x166: {  	v28 =	vpop (erf);
	v6 =	vadd.f32 $9.999999930e-09, v6;
	(xrf1) =	vsort.dscd.msk.f32 $0xffff, v7, v55;
	v29 =	vsel vm0, v30, v49;
	vm0 =	vgt.f32 v27, $0.0e+00  }
0x167: {  	v7 =	vadd.f32 $1.000000000e+00, v28;
	(xrf1) =	vsort.ascd.msk.f32 $0xffff, v26, v51;
	v26 =	vsel vm0, v27, v50  }
0x168: {  	v6 =	vbroadcast v6, $0xF;
	_ =	sdelay $0x1  }
0x169: {  	(xrf1) =	vsort.dscd.msk.f32 $0xffff, v29, v54;
	v29, v31, _ =	vpop (xrf1)  }
0x16a: {  	(erf) = vrcp.f32 v7;
	(xrf1) =	vsort.ascd.msk.f32 $0xffff, v26, v63;
	v7, v26, _ =	vpop (xrf1)  }
0x16b: {  	(erf) = vrcp.f32 v6;
	v6, v42, _ =	vpop (xrf1)  }
0x16c: {  	v45, v46, _ =	vpop (xrf1)  }
0x16d: {  	vm0 =	vge.f32 v7, v6;
	v48, v53, _ =	vpop (xrf1)  }
0x16e: {  	v6 =	vsel vm0, v7, v6;
	v7 =	vsel vm0, v26, v42;
	vm0 =	vge.f32 v29, v45;
	v26, v33, _ =	vpop (xrf1)  }
0x16f: {  	(xrf1) =	vsort.ascd.msk.f32 $0xffff, v6, v7;
	v6 =	vsel vm0, v29, v45;
	v29 =	vperm.xlane v26, v56  }
0x170: {  	v28 =	vadd.f32 $-1.000000000e+00, v28;
	v7 =	vsel vm0, v31, v46;
	vm0 =	vge.f32 v61, v48  }
0x171: {  	(xrf1) =	vsort.dscd.msk.f32 $0xffff, v6, v7;
	v6 =	vsel vm0, v61, v48;
	v56 =	vimm.s32 $0x0;
	v29 =	vmax.f32 v29, $0.0e+00  }
0x172: {  	v31 =	vsel vm0, v44, v53;
	vm0 =	vge.f32 v1, v29;
	vm1 =	vge.f32 v3, v29  }
0x173: {  	v57 =	vpop (erf);
	v7 =	vperm.xlane v26, v56;
	v41 =	vnsel vm0, $0x0, v1;
	v38 =	vnsel vm1, $0x0, v3  }
0x174: {  	v39, v37, _ =	vpop (xrf1);
	v1 =	vmul.f32 v57, v28;
	v28 =	vadd.f32 v38, v41  }
0x175: {  	v7 =	vmax.f32 v7, $0.0e+00;
	v3 =	vpop (erf);
	vm0 =	vge.f32 v21, v29  }
0x176: {  	vm1 =	vge.f32 v23, v29;
	v7 =	vmin.f32 v7, $2.000000000e+01;
	v29, v58, _ =	vpop (xrf1);
	v1 =	vmul.f32 v3, v1  }
0x177: {  	v21 =	vnsel vm0, $0x0, v21;
	(xrf1) =	vsort.dscd.msk.f32 $0xffff, v6, v31;
	v23 =	vnsel vm1, $0x0, v23;
	v7 =	vadd.f32 v7, v7;
	v3, v59, _ =	vpop (xrf1)  }
0x178: {  	v6 =	vadd.f32 v28, v21;
	vm0 =	vge.f32 v29, v3;
	v25 =	vmul.f32 v1, v25;
	v28, v31, _ =	vpop (xrf1)  }
0x179: {  	v40 =	vmul.f32 v1, v40;
	v3 =	vsel vm0, v29, v3;
	v29 =	vsel vm0, v58, v59;
	v60, v61, _ =	vpop (xrf1)  }
0x17a: {  	v7 =	vmul.f32 $1.442695020e+00, v7;
	(xrf1) =	vsort.dscd.msk.f32 $0xffff, v3, v29;
	v3 =	vadd.f32 v6, v23;
	vm0 =	vge.f32 v28, v60  }
0x17b: {  	v6 =	vmul.f32 v1, v36;
	[tilespmem:s22+$0x0] =	vst.add.f32.msk $0xffff, v25;
	v28 =	vsel vm0, v28, v60;
	v31 =	vsel vm0, v31, v61  }
0x17c: {  	v14 =	vmul.f32 v1, v14;
	[tilespmem:s23+$0x0] =	vst.add.f32.msk $0xffff, v40;
	(xrf1) =	vsort.ascd.msk.f32 $0xffff, v28, v31  }
0x17d: {  	v5 =	vmax.f32 v5, $0.0e+00;
	(erf) = vpow2.f32 v7;
	[tilespmem:s24+$0x0] =	vst.add.f32.msk $0xffff, v6  }
0x17e: {  	(xrf2) =	vadd.scan.msk.f32 $0xffff, v3;
	v3 =	vmul.f32 v1, v5;
	[tilespmem:s25+$0x0] =	vst.add.f32.msk $0xffff, v14  }
0x17f: {  	[tilespmem:$0x1FBB0] =	vst v52  }
0x180: {  	v40, v42, _ =	vpop (xrf1);
	[tilespmem:v52+s26+$0x0] =	vst.idx.msk $0xff, v3  }
0x181: {  	v6, v1, _ =	vpop (xrf1);
	[tilespmem:v52+s28+$0x0] =	vst.idx.msk $0xff, v4  }
0x182: {  	v48 =	vimm.s32 $0x7;
	v3 =	vperm.xlane v6, v56;
	v29 =	vld [tilespmem:s13+$0x400]  }
0x183: {  	v4 =	vperm.xlane v6, v48;
	v31 =	vld [tilespmem:s13+$0x410]  }
0x184: {  	v3 =	vmax.f32 v3, $0.0e+00;
	v25 =	vld [tilespmem:s13+$0x420]  }
0x185: {  	v28 =	vld [tilespmem:s13+$0x430];
	v3 =	vmin.f32 v3, $2.000000000e+01;
	v5 =	vmax.f32 v4, $0.0e+00  }
0x186: {  	v7 =	vpop (erf);
	v3 =	vadd.f32 v3, v3;
	vm0 =	vge.f32 v12, v5;
	vm1 =	vge.f32 v13, v5  }
0x187: {  	v62 =	vadd.f32 $1.000000000e+00, v7;
	v4, v14, _ =	vpop (xrf1);
	v34 =	vnsel vm0, $0x0, v12;
	vm2 =	vgt.f32 v29, $0.0e+00  }
0x188: {  	v3 =	vmul.f32 $1.442695020e+00, v3;
	v46, _, _ =	vpop (xrf2);
	v52 =	vsel vm2, v29, v8;
	vm2 =	vgt.f32 v31, $0.0e+00  }
0x189: {  	v35 =	vadd.f32 $9.999999930e-09, v46;
	v58, v57, _ =	vpop (xrf1);
	v53 =	vsel vm2, v31, v16;
	vm2 =	vgt.f32 v25, $0.0e+00;
	(xrf1) =	vsort.dscd.msk.f32 $0xffff, v52, v55  }
0x18a: {  	(erf) = vrcp.f32 v62;
	v59 =	vsel vm2, v25, v49;
	vm2 =	vgt.f32 v28, $0.0e+00;
	(xrf1) =	vsort.ascd.msk.f32 $0xffff, v53, v51;
	v61, v60, _ =	vpop (xrf1)  }
0x18b: {  	v35 =	vbroadcast v35, $0xF;
	v62 =	vsel vm2, v28, v50;
	(xrf1) =	vsort.dscd.msk.f32 $0xffff, v59, v54;
	vm2 =	vge.f32 v58, v61  }
0x18c: {  	(erf) = vpow2.f32 v3;
	(xrf1) =	vsort.ascd.msk.f32 $0xffff, v62, v63;
	v3 =	vsel vm2, v58, v61;
	v44 =	vsel vm2, v57, v60  }
0x18d: {  	v13 =	vnsel vm1, $0x0, v13;
	(erf) = vrcp.f32 v35;
	(xrf1) =	vsort.dscd.msk.f32 $0xffff, v3, v44;
	v3 =	vperm.xlane v4, v48  }
0x18e: {  	vm1 =	vge.f32 v18, v5;
	v12 =	vadd.f32 v13, v34  }
0x18f: {  	v36 =	vnsel vm1, $0x0, v18;
	vm1 =	vge.f32 v15, v5;
	v3 =	vmax.f32 v3, $0.0e+00  }
0x190: {  	v5 =	vadd.f32 v12, v36;
	v35 =	vnsel vm1, $0x0, v15;
	vm1 =	vge.f32 v2, v3  }
0x191: {  	v15 =	vadd.f32 $-1.000000000e+00, v7;
	vm2 =	vge.f32 v9, v3;
	v12 =	vnsel vm1, $0x0, v2  }
0x192: {  	v2 =	vadd.f32 v5, v35;
	v5 =	vnsel vm2, $0x0, v9;
	vm1 =	vge.f32 v10, v3  }
0x193: {  	s31 =	simm.s32 $0x4;
	v18 =	vadd.f32 v5, v12;
	v7 =	vnsel vm1, $0x0, v10;
	vm1 =	vge.f32 v19, v3;
	v3 =	vpop (erf)  }
0x194: {  	v10 =	vmov s31;
	v15 =	vmul.f32 v3, v15  }
0x195: {  	v43 =	vpop (erf);
	v10 =	vand.u32 $0x7E, v10;
	v18 =	vadd.f32 v18, v7  }
0x196: {  	v56 =	vimm.s32 $0x0;
	v3 =	vnsel vm1, $0x0, v19;
	v19 =	vpop (erf);
	v10 =	vbroadcast v10, $0x0  }
0x197: {  	v45 =	vperm.xlane v4, v56;
	v18 =	vadd.f32 v18, v3  }
0x198: {  	(xrf2) =	vadd.scan.msk.f32 $0xffff, v2;
	v2 =	vmul.f32 v19, v15;
	v15, v19, _ =	vpop (xrf1)  }
0x199: {  	v9 =	vmax.f32 v45, $0.0e+00;
	v48, v52, _ =	vpop (xrf1)  }
0x19a: {  	v9 =	vmin.f32 v9, $2.000000000e+01;
	v62 =	vor.u32 v47, v10;
	v10, v53, _ =	vpop (xrf1)  }
0x19b: {  	v26 =	vmax.f32 v26, $0.0e+00;
	vm0 =	vge.f32 v39, v40;
	v9 =	vadd.f32 v9, v9;
	v60, v59, _ =	vpop (xrf1)  }
0x19c: {  	v39 =	vsel vm0, v39, v40;
	v37 =	vsel vm0, v37, v42;
	v58 =	vmul.f32 v2, v21;
	(xrf2) =	vadd.scan.msk.f32 $0xffff, v18;
	v21, v18, _ =	vpop (xrf1)  }
0x19d: {  	v46 =	vimm.s32 $0x7;
	v9 =	vmul.f32 $1.442695020e+00, v9;
	v41 =	vmul.f32 v2, v41;
	[tilespmem:$0x1FBA0] =	vst v18  }
0x19e: {  	(xrf1) =	vsort.dscd.msk.f32 $0xffff, v39, v37;
	v57 =	vmul.f32 v2, v38;
	v23 =	vmul.f32 v2, v23;
	[tilespmem:$0x1FB70] =	vst v21  }
0x19f: {  	v2 =	vmul.f32 v2, v26;
	vm0 =	vge.f32 v15, v48;
	v61 =	vperm.xlane v21, v46;
	[tilespmem:s16+$0x0] =	vst.add.f32.msk $0xffff, v41  }
0x1a0: {  	(erf) = vpow2.f32 v9;
	v15 =	vsel vm0, v15, v48;
	v19 =	vsel vm0, v19, v52;
	[tilespmem:s17+$0x0] =	vst.add.f32.msk $0xffff, v57  }
0x1a1: {  	vm1 =	vge.f32 v10, v60;
	(xrf1) =	vsort.dscd.msk.f32 $0xffff, v15, v19;
	v9 =	vmax.f32 v61, $0.0e+00;
	[tilespmem:s18+$0x0] =	vst.add.f32.msk $0xffff, v58  }
0x1a2: {  	v10 =	vsel vm1, v10, v60;
	v46 =	vsel vm1, v53, v59;
	vm0 =	vge.f32 v24, v9;
	[tilespmem:s19+$0x0] =	vst.add.f32.msk $0xffff, v23  }
0x1a3: {  	v15 =	vperm.xlane v21, v56;
	vm1 =	vge.f32 v32, v9;
	v19 =	vnsel vm0, $0x0, v24;
	[tilespmem:v62+s20+$0x0] =	vst.idx.msk $0xff, v2  }
0x1a4: {  	(xrf1) =	vsort.ascd.msk.f32 $0xffff, v10, v46;
	v10 =	vadd.f32 $1.000000000e+00, v43;
	v18 =	vnsel vm1, $0x0, v32;
	[tilespmem:$0x1FB30] =	vst v19  }
0x1a5: {  	[tilespmem:$0x1FB40] =	vst v18  }
0x1a6: {  	(erf) = vrcp.f32 v10;
	v10 =	vmax.f32 v15, $0.0e+00;
	vm0 =	vge.f32 v30, v9;
	v2, _, _ =	vpop (xrf2);
	[tilespmem:v62+s21+$0x0] =	vst.idx.msk $0xff, v33  }
0x1a7: {  	v15 =	vnsel vm0, $0x0, v30;
	v2 =	vadd.f32 $9.999999930e-09, v2;
	v19 =	vadd.f32 v18, v19;
	v39 =	vld [tilespmem:s12+$0x40]  }
0x1a8: {  	v10 =	vmin.f32 v10, $2.000000000e+01;
	vm0 =	vge.f32 v27, v9;
	[tilespmem:$0x1FB50] =	vst v15  }
0x1a9: {  	v2 =	vbroadcast v2, $0xF;
	v9 =	vadd.f32 v19, v15;
	v15 =	vnsel vm0, $0x0, v27;
	v40 =	vld [tilespmem:s12+$0x50]  }
0x1aa: {  	v10 =	vadd.f32 v10, v10;
	v38 =	vld [tilespmem:s12+$0x60];
	[tilespmem:$0x1FB60] =	vst v15  }
0x1ab: {  	v6 =	vmax.f32 v6, $0.0e+00;
	v37 =	vld [tilespmem:s12+$0x70];
	(erf) = vrcp.f32 v2;
	v2 =	vadd.f32 v9, v15  }
0x1ac: {  	v56 =	vadd.f32 $-1.000000000e+00, v43;
	v10 =	vmul.f32 $1.442695020e+00, v10;
	v27 =	vpop (erf);
	vm0 =	vgt.f32 v39, $0.0e+00  }
0x1ad: {  	v18 =	vimm.s32 $0x0;
	v19, _, _ =	vpop (xrf2);
	v30 =	vadd.f32 $1.000000000e+00, v27;
	(xrf2) =	vadd.scan.msk.f32 $0xffff, v2;
	v2 =	vsel vm0, v39, v8  }
0x1ae: {  	v9 =	vadd.f32 $9.999999930e-09, v19;
	(erf) = vpow2.f32 v10;
	vm0 =	vgt.f32 v40, $0.0e+00  }
0x1af: {  	v19 =	vimm.s32 $0x7;
	v58 =	vpop (erf);
	v48 =	vsel vm0, v40, v16;
	vm0 =	vgt.f32 v38, $0.0e+00;
	(xrf1) =	vsort.dscd.msk.f32 $0xffff, v2, v55  }
0x1b0: {  	s0 =	simm.s32 $0x5;
	v9 =	vbroadcast v9, $0xF;
	v10 =	vsel vm0, v38, v49;
	vm0 =	vgt.f32 v37, $0.0e+00;
	(xrf1) =	vsort.ascd.msk.f32 $0xffff, v48, v51;
	v2, v15, _ =	vpop (xrf1)  }
0x1b1: {  	(erf) = vrcp.f32 v30;
	v55 =	vsel vm0, v37, v50;
	(xrf1) =	vsort.dscd.msk.f32 $0xffff, v10, v54;
	v10 =	vmov s0;
	v53, v52, _ =	vpop (xrf1)  }
0x1b2: {  	(erf) = vrcp.f32 v9;
	v9 =	vmul.f32 v58, v56;
	(xrf1) =	vsort.ascd.msk.f32 $0xffff, v55, v63;
	v10 =	vand.u32 $0x7F, v10;
	v30, v57, _ =	vpop (xrf1)  }
0x1b3: {  	v60 =	vperm.xlane v2, v19;
	v10 =	vbroadcast v10, $0x0;
	vm0 =	vge.f32 v53, v30  }
0x1b4: {  	v46 =	vadd.f32 $-1.000000000e+00, v27;
	[tilespmem:$0x1FB20] =	vst v15;
	v61 =	vpop (erf);
	v30 =	vsel vm0, v53, v30;
	v59 =	vsel vm0, v52, v57  }
0x1b5: {  	v15 =	vor.u32 v47, v10;
	v10 =	vmax.f32 v60, $0.0e+00;
	(xrf1) =	vsort.dscd.msk.f32 $0xffff, v30, v59;
	v30 =	vmul.f32 v61, v9  }
0x1b6: {  	v53 =	vmax.f32 v4, $0.0e+00;
	vm0 =	vge.f32 v20, v10;
	vm1 =	vge.f32 v22, v10  }
0x1b7: {  	v33 =	vnsel vm0, $0x0, v20;
	v22 =	vnsel vm1, $0x0, v22;
	v43 =	vmul.f32 v30, v34  }
0x1b8: {  	vm0 =	vge.f32 v11, v10;
	v13 =	vmul.f32 v30, v13;
	v20 =	vadd.f32 v22, v33  }
0x1b9: {  	v9 =	vpop (erf);
	v44 =	vmul.f32 v30, v36;
	v27 =	vnsel vm0, $0x0, v11;
	v11 =	vmul.f32 v30, v35;
	[tilespmem:s16+$0x0] =	vst.add.f32.msk $0xffff, v43  }
0x1ba: {  	v45, _, _ =	vpop (xrf2);
	v4 =	vadd.f32 $1.000000000e+00, v9;
	v6 =	vmul.f32 v30, v6;
	[tilespmem:s17+$0x0] =	vst.add.f32.msk $0xffff, v13;
	v13 =	vperm.xlane v2, v18  }
0x1bb: {  	v47 =	vpop (erf);
	v30 =	vadd.f32 $9.999999930e-09, v45;
	[tilespmem:s18+$0x0] =	vst.add.f32.msk $0xffff, v44  }
0x1bc: {  	v52 =	vadd.f32 v20, v27;
	v20 =	vpop (erf);
	[tilespmem:s19+$0x0] =	vst.add.f32.msk $0xffff, v11;
	v13 =	vmax.f32 v13, $0.0e+00  }
0x1bd: {  	v56 =	vbroadcast v30, $0xF;
	v11, v55, _ =	vpop (xrf1);
	[tilespmem:$0x1FC90] =	vst v15;
	v13 =	vmin.f32 v13, $2.000000000e+01  }
0x1be: {  	v32 =	vmul.f32 v47, v46;
	vm0 =	vge.f32 v0, v10;
	(erf) = vrcp.f32 v4;
	[tilespmem:v15+s20+$0x0] =	vst.idx.msk $0xff, v6;
	v6, v10, _ =	vpop (xrf1)  }
0x1bf: {  	(erf) = vrcp.f32 v56;
	[tilespmem:v15+s21+$0x0] =	vst.idx.msk $0xff, v1;
	v1, v4, _ =	vpop (xrf1)  }
0x1c0: {  	v32 =	vmul.f32 v20, v32;
	v57 =	vadd.f32 v13, v13;
	vm1 =	vge.f32 v11, v6;
	v13, v58, _ =	vpop (xrf1)  }
0x1c1: {  	v15 =	vld [tilespmem:s9+$0x40];
	v6 =	vsel vm1, v11, v6;
	v10 =	vsel vm1, v55, v10;
	vm2 =	vge.f32 v1, v13  }
0x1c2: {  	v5 =	vmul.f32 v32, v5;
	(xrf1) =	vsort.dscd.msk.f32 $0xffff, v6, v10;
	v6 =	vmul.f32 $1.442695020e+00, v57;
	v1 =	vsel vm2, v1, v13  }
0x1c3: {  	s1 =	simm.s32 $0x300;
	s15 =	simm.s32 $0x600;
	v30 =	vld [tilespmem:s9+$0x50];
	v11 =	vsel vm2, v4, v58;
	v13 =	vnsel vm0, $0x0, v0;
	v0 =	vmul.f32 v32, v12;
	v4, v42, _ =	vpop (xrf1)  }
0x1c4: {  	s10 =	sand.u32 $0x300, s1;
	s31 =	sand.u32 $0x7800, s15;
	(xrf1) =	vsort.ascd.msk.f32 $0xffff, v1, v11;
	v11 =	vmul.f32 v32, v7;
	v10 =	vperm.xlane v4, v19  }
0x1c5: {  	s14 =	sor.u32 s10, s31;
	v1 =	vadd.f32 v52, v13;
	(erf) = vpow2.f32 v6;
	v12 =	vperm.xlane v4, v18  }
0x1c6: {  	v41 =	vld [tilespmem:s14+$0x0];
	v18 =	vlaneseq.u32;
	vm0 =	vgt.f32 v15, $0.0e+00;
	v10 =	vmax.f32 v10, $0.0e+00  }
0x1c7: {  	v44 =	vld [tilespmem:s14+$0x20];
	v6 =	vsel vm0, v15, v8;
	vm0 =	vge.f32 v29, v10;
	vm2 =	vge.f32 v31, v10  }
0x1c8: {  	vm1 =	vgt.f32 v30, $0.0e+00;
	v46 =	vnsel vm0, $0x0, v29;
	v7 =	vnsel vm2, $0x0, v31  }
0x1c9: {  	s0 =	simm.s32 $0x380;
	v43 =	vld [tilespmem:s14+$0x10];
	(xrf1) =	vsort.dscd.msk.f32 $0xffff, v6, v18;
	v6 =	vmax.f32 v12, $0.0e+00;
	vm0 =	vge.f32 v25, v10;
	v12 =	vadd.f32 v7, v46  }
0x1ca: {  	s10 =	sand.u32 $0x380, s0;
	(xrf2) =	vadd.scan.msk.f32 $0xffff, v1;
	v59 =	vsel vm1, v30, v16;
	v1 =	vmin.f32 v6, $2.000000000e+01;
	v25 =	vnsel vm0, $0x0, v25  }
0x1cb: {  	s10 =	sor.u32 s10, s31;
	v45 =	vld [tilespmem:s14+$0x30];
	vm0 =	vge.f32 v28, v10;
	v1 =	vadd.f32 v1, v1;
	v6 =	vadd.f32 v12, v25  }
0x1cc: {  	v34 =	vld [tilespmem:s10+$0x0];
	vm1 =	vgt.f32 v41, $0.0e+00;
	(xrf1) =	vsort.ascd.msk.f32 $0xffff, v59, v51;
	v47 =	vnsel vm0, $0x0, v28;
	vm0 =	vgt.f32 v44, $0.0e+00  }
0x1cd: {  	v35 =	vld [tilespmem:s10+$0x10];
	v12 =	vsel vm1, v41, v8;
	v1 =	vmul.f32 $1.442695020e+00, v1;
	v6 =	vadd.f32 v6, v47  }
0x1ce: {  	[tilespmem:s22+$0x0] =	vst.add.f32.msk $0xffff, v0;
	vm1 =	vgt.f32 v43, $0.0e+00;
	v0 =	vsel vm0, v44, v49;
	(xrf1) =	vsort.dscd.msk.f32 $0xffff, v12, v18  }
0x1cf: {  	v36 =	vld [tilespmem:s10+$0x20];
	v28 =	vsel vm1, v43, v16;
	(erf) = vpow2.f32 v1;
	(xrf2) =	vadd.scan.msk.f32 $0xffff, v6  }
0x1d0: {  	[tilespmem:s23+$0x0] =	vst.add.f32.msk $0xffff, v5;
	vm0 =	vgt.f32 v45, $0.0e+00;
	(xrf1) =	vsort.ascd.msk.f32 $0xffff, v28, v51  }
0x1d1: {  	v3 =	vmul.f32 v32, v3;
	v31 =	vld [tilespmem:s10+$0x30];
	v1 =	vsel vm0, v45, v50;
	vm0 =	vgt.f32 v34, $0.0e+00;
	(xrf1) =	vsort.dscd.msk.f32 $0xffff, v0, v54;
	v0, v5, _ =	vpop (xrf1)  }
0x1d2: {  	[tilespmem:s24+$0x0] =	vst.add.f32.msk $0xffff, v11;
	v28 =	vsel vm0, v34, v8;
	vm0 =	vgt.f32 v35, $0.0e+00;
	v6 =	vmul.f32 v32, v53;
	v29, v60, _ =	vpop (xrf1)  }
0x1d3: {  	v26 =	vpop (erf);
	v12 =	vld [tilespmem:s9+$0x70];
	v11 =	vsel vm0, v35, v16;
	vm0 =	vge.f32 v0, v29  }
0x1d4: {  	v23 =	vlaneseq.u32;
	[tilespmem:s25+$0x0] =	vst.add.f32.msk $0xffff, v3;
	(xrf1) =	vsort.ascd.msk.f32 $0xffff, v1, v63;
	v32 =	vpop (erf);
	v5 =	vsel vm0, v5, v60  }
0x1d5: {  	v10 =	vld [tilespmem:s9+$0x60];
	v61, _, _ =	vpop (xrf2);
	(xrf1) =	vsort.dscd.msk.f32 $0xffff, v28, v23  }
0x1d6: {  	[tilespmem:$0x1FBD0] =	vst v17;
	vm2 =	vgt.f32 v31, $0.0e+00;
	v3 =	vpop (erf);
	(xrf1) =	vsort.ascd.msk.f32 $0xffff, v11, v51;
	v0 =	vsel vm0, v0, v29  }
0x1d7: {  	v1 =	vmov v50;
	[tilespmem:v17+s26+$0x0] =	vst.idx.msk $0xff, v6;
	vm0 =	vgt.f32 v36, $0.0e+00;
	(xrf1) =	vsort.dscd.msk.f32 $0xffff, v0, v5;
	v5, v6, _ =	vpop (xrf1)  }
0x1d8: {  	vm1 =	vgt.f32 v12, $0.0e+00;
	[tilespmem:v17+s28+$0x0] =	vst.idx.msk $0xff, v14;
	v17 =	vmov v49;
	v11 =	vsel vm0, v36, v49;
	v49 =	vpop (erf)  }
0x1d9: {  	v56 =	vsel vm2, v31, v1;
	v50 =	vsel vm1, v12, v50;
	v57, _, _ =	vpop (xrf2)  }
0x1da: {  	v21 =	vld [tilespmem:s2+$0x400];
	vm0 =	vgt.f32 v10, $0.0e+00;
	v14, v28, _ =	vpop (xrf1);
	v58 =	vadd.f32 $1.000000000e+00, v49;
	v52 =	vadd.f32 $9.999999930e-09, v57  }
0x1db: {  	(xrf1) =	vsort.dscd.msk.f32 $0xffff, v11, v54;
	v11 =	vld [tilespmem:s2+$0x410];
	v29 =	vsel vm0, v10, v17;
	vm0 =	vge.f32 v5, v14  }
0x1dc: {  	v6 =	vsel vm0, v6, v28;
	(erf) = vrcp.f32 v58;
	v52 =	vbroadcast v52, $0xF  }
0x1dd: {  	(xrf1) =	vsort.ascd.msk.f32 $0xffff, v56, v63;
	v5 =	vsel vm0, v5, v14  }
0x1de: {  	(xrf1) =	vsort.dscd.msk.f32 $0xffff, v29, v54;
	(erf) = vrcp.f32 v52  }
0x1df: {  	(xrf1) =	vsort.ascd.msk.f32 $0xffff, v50, v63;
	vm0 =	vgt.f32 v21, $0.0e+00;
	v14, v50, _ =	vpop (xrf1)  }
0x1e0: {  	v28 =	vld [tilespmem:s2+$0x430];
	(xrf1) =	vsort.dscd.msk.f32 $0xffff, v5, v6;
	vm1 =	vgt.f32 v11, $0.0e+00;
	v59 =	vsel vm0, v21, v8;
	v5, v6, _ =	vpop (xrf1)  }
0x1e1: {  	v20 =	vmov v54;
	v18 =	vmov v51;
	v53 =	vsel vm1, v11, v16;
	(xrf1) =	vsort.dscd.msk.f32 $0xffff, v59, v23;
	v54, v55, _ =	vpop (xrf1)  }
0x1e2: {  	v48 =	vadd.f32 $9.999999930e-09, v61;
	v51 =	vadd.f32 $1.000000000e+00, v3;
	vm0 =	vge.f32 v14, v5;
	(xrf1) =	vsort.ascd.msk.f32 $0xffff, v53, v18;
	v61, v60, _ =	vpop (xrf1)  }
0x1e3: {  	v5 =	vsel vm0, v14, v5;
	v6 =	vsel vm0, v50, v6;
	vm0 =	vge.f32 v54, v61;
	v14, v50, _ =	vpop (xrf1)  }
0x1e4: {  	v29 =	vld [tilespmem:s2+$0x420];
	v58 =	vadd.f32 $-1.000000000e+00, v49;
	(xrf1) =	vsort.dscd.msk.f32 $0xffff, v5, v6;
	v52 =	vsel vm0, v54, v61;
	v53 =	vsel vm0, v55, v60;
	v60, v61, _ =	vpop (xrf1)  }
0x1e5: {  	(erf) = vrcp.f32 v51;
	vm0 =	vgt.f32 v28, $0.0e+00;
	(xrf1) =	vsort.ascd.msk.f32 $0xffff, v52, v53;
	v59 =	vpop (erf)  }
0x1e6: {  	v52 =	vsel vm0, v28, v1;
	vm0 =	vge.f32 v14, v60;
	v51 =	vmul.f32 v59, v58  }
0x1e7: {  	v49 =	vsel vm0, v50, v61;
	v61 =	vpop (erf)  }
0x1e8: {  	v24 =	vimm.s32 $0x7;
	v48 =	vbroadcast v48, $0xF;
	v6, v5, _ =	vpop (xrf1);
	v51 =	vmul.f32 v61, v51  }
0x1e9: {  	vm1 =	vgt.f32 v29, $0.0e+00;
	v57 =	vperm.xlane v6, v24  }
0x1ea: {  	v56 =	vsel vm1, v29, v17;
	(erf) = vrcp.f32 v48;
	v46 =	vmul.f32 v51, v46  }
0x1eb: {  	s30 =	simm.s32 $0xA080;
	v14 =	vsel vm0, v14, v60;
	v50 =	vmax.f32 v57, $0.0e+00;
	v7 =	vmul.f32 v51, v7  }
0x1ec: {  	s29 =	simm.s32 $0xA090;
	vm0 =	vge.f32 v39, v50;
	vm1 =	vge.f32 v40, v50;
	v25 =	vmul.f32 v51, v25;
	[tilespmem:s30+$0x0] =	vst.add.f32.msk $0xffff, v46  }
0x1ed: {  	s1 =	simm.s32 $0xA0A0;
	v48 =	vnsel vm0, $0x0, v39;
	v39 =	vnsel vm1, $0x0, v40;
	[tilespmem:s29+$0x0] =	vst.add.f32.msk $0xffff, v7;
	v7 =	vmul.f32 v51, v47  }
0x1ee: {  	s15 =	simm.s32 $0xA0B0;
	vm0 =	vge.f32 v38, v50;
	v59 =	vadd.f32 v39, v48;
	[tilespmem:s1+$0x0] =	vst.add.f32.msk $0xffff, v25  }
0x1ef: {  	v19 =	vimm.s32 $0x0;
	v38 =	vnsel vm0, $0x0, v38;
	[tilespmem:s15+$0x0] =	vst.add.f32.msk $0xffff, v7  }
0x1f0: {  	v53, v54, _ =	vpop (xrf1);
	v60 =	vperm.xlane v6, v19;
	vm0 =	vge.f32 v37, v50;
	v50 =	vadd.f32 v59, v38;
	v0 =	vld [tilespmem:$0x1FBB0]  }
0x1f1: {  	v57, v58, _ =	vpop (xrf1)  }
0x1f2: {  	(xrf1) =	vsort.dscd.msk.f32 $0xffff, v14, v49;
	v49, v55, _ =	vpop (xrf1)  }
0x1f3: {  	(xrf1) =	vsort.dscd.msk.f32 $0xffff, v56, v20;
	vm1 =	vge.f32 v53, v57;
	v56, v59, _ =	vpop (xrf1)  }
0x1f4: {  	v14 =	vmax.f32 v60, $0.0e+00;
	v40 =	vnsel vm0, $0x0, v37;
	v25 =	vsel vm1, v53, v57;
	v60, v61, _ =	vpop (xrf1)  }
0x1f5: {  	v4 =	vmax.f32 v4, $0.0e+00;
	v37 =	vadd.f32 v50, v40;
	v46, v50, _ =	vpop (xrf1)  }
0x1f6: {  	v14 =	vmin.f32 v14, $2.000000000e+01;
	v4 =	vmul.f32 v51, v4;
	(xrf1) =	vsort.ascd.msk.f32 $0xffff, v52, v63;
	v47, v52, _ =	vpop (xrf1)  }
0x1f7: {  	s31 =	simm.s32 $0x8800;
	v14 =	vadd.f32 v14, v14;
	(xrf2) =	vadd.scan.msk.f32 $0xffff, v37;
	v37 =	vsel vm1, v54, v58;
	vm0 =	vge.f32 v49, v56;
	v57, v58, _ =	vpop (xrf1)  }
0x1f8: {  	(xrf1) =	vsort.ascd.msk.f32 $0xffff, v25, v37;
	v54 =	vsel vm0, v49, v56;
	v7, v25, _ =	vpop (xrf1);
	[tilespmem:v0+s31+$0x0] =	vst.idx.msk $0xff, v4  }
0x1f9: {  	v4 =	vsel vm0, v55, v59;
	vm0 =	vge.f32 v57, v7;
	[tilespmem:v0+s3+$0x0] =	vst.idx.msk $0xff, v42  }
0x1fa: {  	v14 =	vmul.f32 $1.442695020e+00, v14;
	(xrf1) =	vsort.ascd.msk.f32 $0xffff, v54, v4;
	v4 =	vsel vm0, v57, v7;
	v7 =	vsel vm0, v58, v25;
	v25 =	vld [tilespmem:s13+$0x440]  }
0x1fb: {  	v42 =	vld [tilespmem:s13+$0x450]  }
0x1fc: {  	(erf) = vpow2.f32 v14;
	v37 =	vld [tilespmem:s13+$0x460]  }
0x1fd: {  	v14 =	vld [tilespmem:s13+$0x470]  }
0x1fe: {  	vm0 =	vge.f32 v46, v47  }
0x1ff: {  	(xrf1) =	vsort.dscd.msk.f32 $0xffff, v4, v7;
	v4 =	vsel vm0, v46, v47;
	v7 =	vsel vm0, v50, v52;
	vm0 =	vgt.f32 v25, $0.0e+00  }
0x200: {  	v55 =	vsel vm0, v25, v8;
	vm0 =	vgt.f32 v42, $0.0e+00  }
0x201: {  	v46 =	vpop (erf);
	v56 =	vsel vm0, v42, v16;
	vm0 =	vgt.f32 v37, $0.0e+00  }
0x202: {  	v50, v52, _ =	vpop (xrf1);
	v57 =	vsel vm0, v37, v17;
	vm0 =	vgt.f32 v14, $0.0e+00  }
0x203: {  	(xrf1) =	vsort.dscd.msk.f32 $0xffff, v4, v7;
	v4 =	vpop (erf);
	v58 =	vsel vm0, v14, v1  }
0x204: {  	v7, _, _ =	vpop (xrf2);
	(xrf1) =	vsort.dscd.msk.f32 $0xffff, v55, v23  }
0x205: {  	v3 =	vadd.f32 $-1.000000000e+00, v3;
	v7 =	vadd.f32 $9.999999930e-09, v7;
	v49 =	vpop (erf);
	(xrf1) =	vsort.ascd.msk.f32 $0xffff, v56, v18  }
0x206: {  	v59, v54, _ =	vpop (xrf1);
	v47 =	vadd.f32 $1.000000000e+00, v49;
	(xrf1) =	vsort.dscd.msk.f32 $0xffff, v57, v20  }
0x207: {  	v3 =	vmul.f32 v46, v3;
	v7 =	vbroadcast v7, $0xF;
	(xrf1) =	vsort.ascd.msk.f32 $0xffff, v58, v63;
	v57, v58, _ =	vpop (xrf1)  }
0x208: {  	(erf) = vrcp.f32 v47;
	vm0 =	vge.f32 v59, v57  }
0x209: {  	(erf) = vrcp.f32 v7;
	v7 =	vmul.f32 v4, v3;
	v3 =	vsel vm0, v59, v57  }
0x20a: {  	v4, v59, _ =	vpop (xrf1)  }
0x20b: {  	v47 =	vsel vm0, v54, v58;
	vm0 =	vge.f32 v50, v4  }
0x20c: {  	v57, v56, _ =	vpop (xrf1);
	(xrf1) =	vsort.ascd.msk.f32 $0xffff, v3, v47;
	v58 =	vsel vm0, v50, v4;
	v46 =	vsel vm0, v52, v59  }
0x20d: {  	v54 =	vmul.f32 v7, v33;
	vm0 =	vge.f32 v60, v57;
	(xrf1) =	vsort.dscd.msk.f32 $0xffff, v58, v46;
	v4, v3, _ =	vpop (xrf1)  }
0x20e: {  	v33 =	vsel vm0, v60, v57;
	v56 =	vsel vm0, v61, v56;
	v59 =	vperm.xlane v4, v24  }
0x20f: {  	(xrf1) =	vsort.dscd.msk.f32 $0xffff, v33, v56;
	_ =	sdelay $0x1  }
0x210: {  	v57 =	vadd.f32 $-1.000000000e+00, v49;
	v33 =	vmax.f32 v59, $0.0e+00  }
0x211: {  	v22 =	vmul.f32 v7, v22;
	vm0 =	vge.f32 v41, v33;
	vm1 =	vge.f32 v43, v33;
	v59 =	vpop (erf)  }
0x212: {  	v52 =	vnsel vm0, $0x0, v41;
	v49 =	vnsel vm1, $0x0, v43;
	v41 =	vmul.f32 v59, v57  }
0x213: {  	v58 =	vperm.xlane v4, v19;
	vm0 =	vge.f32 v44, v33;
	v60 =	vpop (erf);
	v61 =	vadd.f32 v49, v52  }
0x214: {  	vm1 =	vge.f32 v45, v33;
	v51 =	vnsel vm0, $0x0, v44;
	v41 =	vmul.f32 v60, v41  }
0x215: {  	v27 =	vmul.f32 v7, v27;
	[tilespmem:s30+$0x0] =	vst.add.f32.msk $0xffff, v54;
	v50, v53, _ =	vpop (xrf1);
	v33 =	vnsel vm1, $0x0, v45;
	v45 =	vadd.f32 v61, v51  }
0x216: {  	[tilespmem:s29+$0x0] =	vst.add.f32.msk $0xffff, v22;
	v55, v56, _ =	vpop (xrf1);
	v48 =	vmul.f32 v41, v48;
	v22 =	vmul.f32 v41, v39  }
0x217: {  	[tilespmem:s1+$0x0] =	vst.add.f32.msk $0xffff, v27;
	v60, v44, _ =	vpop (xrf1)  }
0x218: {  	v46 =	vmax.f32 v58, $0.0e+00;
	v47, v57, _ =	vpop (xrf1);
	vm0 =	vge.f32 v55, v60;
	v38 =	vmul.f32 v41, v38;
	[tilespmem:s22+$0x0] =	vst.add.f32.msk $0xffff, v48  }
0x219: {  	v61, v58, _ =	vpop (xrf1);
	v59 =	vsel vm0, v55, v60;
	v27 =	vsel vm0, v56, v44;
	v55 =	vmul.f32 v41, v40;
	[tilespmem:s23+$0x0] =	vst.add.f32.msk $0xffff, v22  }
0x21a: {  	(xrf1) =	vsort.dscd.msk.f32 $0xffff, v59, v27;
	v27 =	vadd.f32 v45, v33;
	v22, v45, _ =	vpop (xrf1);
	[tilespmem:s24+$0x0] =	vst.add.f32.msk $0xffff, v38  }
0x21b: {  	v6 =	vmax.f32 v6, $0.0e+00;
	v44, v43, _ =	vpop (xrf1);
	[tilespmem:s25+$0x0] =	vst.add.f32.msk $0xffff, v55  }
0x21c: {  	v6 =	vmul.f32 v41, v6;
	v40, v0, _ =	vpop (xrf1);
	[tilespmem:$0x1FE30] =	vst v62  }
0x21d: {  	v13 =	vmul.f32 v7, v13;
	[tilespmem:$0x1FB80] =	vst v0  }
0x21e: {  	[tilespmem:v62+s26+$0x0] =	vst.idx.msk $0xff, v6  }
0x21f: {  	[tilespmem:s15+$0x0] =	vst.add.f32.msk $0xffff, v13  }
0x220: {  	[tilespmem:v62+s28+$0x0] =	vst.idx.msk $0xff, v5  }
0x221: {  	v46 =	vmin.f32 v46, $2.000000000e+01;
	v0 =	vld [tilespmem:$0x1FDF0]  }
0x222: {  	v46 =	vadd.f32 v46, v46  }
0x223: {  	vm1 =	vge.f32 v47, v61  }
0x224: {  	v60 =	vmul.f32 $1.442695020e+00, v46;
	v61 =	vsel vm1, v47, v61;
	v54 =	vsel vm1, v57, v58  }
0x225: {  	(xrf1) =	vsort.ascd.msk.f32 $0xffff, v61, v54  }
0x226: {  	v9 =	vadd.f32 $-1.000000000e+00, v9;
	v2 =	vmax.f32 v2, $0.0e+00;
	(erf) = vpow2.f32 v60  }
0x227: {  	v7 =	vmul.f32 v7, v2  }
0x228: {  	v58 =	vmul.f32 v26, v9;
	v26 =	vimm.s32 $0x7;
	v39 =	vld [tilespmem:s12+$0x400]  }
0x229: {  	v9 =	vperm.xlane v44, v26;
	v41 =	vld [tilespmem:s12+$0x410];
	[tilespmem:v0+s31+$0x0] =	vst.idx.msk $0xff, v7  }
0x22a: {  	v60 =	vimm.s32 $0x0;
	v2 =	vld [tilespmem:$0x1FB20]  }
0x22b: {  	(xrf2) =	vadd.scan.msk.f32 $0xffff, v27;
	v27 =	vperm.xlane v40, v26;
	v6 =	vperm.xlane v44, v60;
	v61 =	vmax.f32 v9, $0.0e+00  }
0x22c: {  	vm0 =	vge.f32 v50, v22;
	v5 =	vperm.xlane v40, v60;
	vm1 =	vge.f32 v34, v61;
	v38 =	vld [tilespmem:s12+$0x420]  }
0x22d: {  	vm2 =	vge.f32 v35, v61;
	v13 =	vmax.f32 v27, $0.0e+00;
	v6 =	vmax.f32 v6, $0.0e+00;
	v9 =	vld [tilespmem:s12+$0x430]  }
0x22e: {  	v46 =	vnsel vm2, $0x0, v35;
	v6 =	vmin.f32 v6, $2.000000000e+01;
	vm2 =	vgt.f32 v39, $0.0e+00  }
0x22f: {  	v59 =	vpop (erf);
	v6 =	vadd.f32 v6, v6;
	v19 =	vsel vm2, v39, v8;
	vm2 =	vgt.f32 v41, $0.0e+00;
	[tilespmem:v0+s3+$0x0] =	vst.idx.msk $0xff, v2  }
0x230: {  	v47 =	vnsel vm1, $0x0, v34;
	v27 =	vsel vm2, v41, v16;
	v7 =	vadd.f32 $1.000000000e+00, v59;
	v2 =	vld [tilespmem:s11+$0x450]  }
0x231: {  	vm1 =	vge.f32 v36, v61;
	v6 =	vmul.f32 $1.442695020e+00, v6;
	vm2 =	vgt.f32 v38, $0.0e+00;
	(xrf1) =	vsort.dscd.msk.f32 $0xffff, v19, v23  }
0x232: {  	(xrf1) =	vsort.ascd.msk.f32 $0xffff, v27, v18;
	v19, v60, _ =	vpop (xrf1);
	(erf) = vrcp.f32 v7;
	v7 =	vsel vm2, v38, v17;
	vm2 =	vgt.f32 v9, $0.0e+00  }
0x233: {  	v48 =	vnsel vm1, $0x0, v36;
	vm1 =	vge.f32 v31, v61;
	v27, v61, _ =	vpop (xrf1);
	v62 =	vsel vm2, v9, v1;
	(xrf1) =	vsort.dscd.msk.f32 $0xffff, v7, v20  }
0x234: {  	v57 =	vsel vm0, v50, v22;
	vm2 =	vge.f32 v19, v27;
	(erf) = vpow2.f32 v6;
	(xrf1) =	vsort.ascd.msk.f32 $0xffff, v62, v63  }
0x235: {  	v22, _, _ =	vpop (xrf2);
	v6 =	vsel vm2, v19, v27;
	v7 =	vsel vm2, v60, v61;
	vm2 =	vge.f32 v15, v13;
	v19 =	vld [tilespmem:s11+$0x440];
	[tilespmem:$0x1FC00] =	vst v2  }
0x236: {  	v22 =	vadd.f32 $9.999999930e-09, v22;
	(xrf1) =	vsort.dscd.msk.f32 $0xffff, v6, v7;
	v7 =	vnsel vm2, $0x0, v15;
	v15 =	vld [tilespmem:s11+$0x460];
	_ =	sdelay $0x1  }
0x237: {  	v34 =	vadd.f32 v46, v47;
	v22 =	vbroadcast v22, $0xF  }
0x238: {  	vm3 =	vge.f32 v30, v13;
	v50 =	vnsel vm1, $0x0, v31  }
0x239: {  	v31 =	vnsel vm3, $0x0, v30;
	v34 =	vadd.f32 v34, v48;
	(erf) = vrcp.f32 v22  }
0x23a: {  	v55 =	vmax.f32 v5, $0.0e+00;
	vm1 =	vge.f32 v10, v13;
	v30 =	vadd.f32 v31, v7;
	[tilespmem:$0x1FC10] =	vst v15  }
0x23b: {  	v5 =	vnsel vm1, $0x0, v10;
	v10 =	vmin.f32 v55, $2.000000000e+01;
	v6 =	vadd.f32 v34, v50;
	v0 =	vld [tilespmem:s11+$0x470]  }
0x23c: {  	vm1 =	vge.f32 v12, v13;
	v10 =	vadd.f32 v10, v10;
	v13 =	vadd.f32 v30, v5  }
0x23d: {  	v12 =	vnsel vm1, $0x0, v12;
	(xrf2) =	vadd.scan.msk.f32 $0xffff, v6  }
0x23e: {  	v10 =	vmul.f32 $1.442695020e+00, v10;
	v13 =	vadd.f32 v13, v12  }
0x23f: {  	v6 =	vadd.f32 $-1.000000000e+00, v59;
	v30 =	vsel vm0, v53, v45;
	vm0 =	vgt.f32 v19, $0.0e+00  }
0x240: {  	s0 =	simm.s32 $0x6;
	(erf) = vpow2.f32 v10;
	(xrf1) =	vsort.dscd.msk.f32 $0xffff, v57, v30;
	v56 =	vpop (erf);
	v30 =	vsel vm0, v19, v8;
	vm0 =	vgt.f32 v0, $0.0e+00  }
0x241: {  	v57 =	vmov s0;
	v6 =	vmul.f32 v56, v6;
	v53 =	vpop (erf);
	[tilespmem:$0x1FC20] =	vst v0;
	v10 =	vsel vm0, v0, v1;
	v0 =	vld [tilespmem:$0x1FFF0]  }
0x242: {  	v34 =	vand.u32 $0x7E, v57;
	vm1 =	vgt.f32 v2, $0.0e+00;
	(xrf2) =	vadd.scan.msk.f32 $0xffff, v13;
	v13 =	vpop (erf)  }
0x243: {  	v59 =	vsel vm1, v2, v16;
	(xrf1) =	vsort.dscd.msk.f32 $0xffff, v30, v23;
	v6 =	vmul.f32 v13, v6;
	vm2 =	vgt.f32 v15, $0.0e+00  }
0x244: {  	v34 =	vbroadcast v34, $0x0;
	v36, v54, _ =	vpop (xrf1);
	(xrf1) =	vsort.ascd.msk.f32 $0xffff, v59, v18;
	v13 =	vsel vm2, v15, v17  }
0x245: {  	v30 =	vadd.f32 $1.000000000e+00, v53;
	v60, v55, _ =	vpop (xrf1);
	(xrf1) =	vsort.dscd.msk.f32 $0xffff, v13, v20;
	v13 =	vmul.f32 v6, v52  }
0x246: {  	v61, v56, _ =	vpop (xrf1);
	[tilespmem:$0x1FBF0] =	vst v19;
	(xrf1) =	vsort.ascd.msk.f32 $0xffff, v10, v63;
	v10 =	vmul.f32 v6, v49;
	v27 =	vor.u32 v0, v34  }
0x247: {  	v4 =	vmax.f32 v4, $0.0e+00;
	v26 =	vimm.s32 $0x0;
	v51 =	vmul.f32 v6, v51;
	v59, _, _ =	vpop (xrf2);
	[tilespmem:s16+$0x0] =	vst.add.f32.msk $0xffff, v13  }
0x248: {  	(erf) = vrcp.f32 v30;
	v33 =	vmul.f32 v6, v33;
	v45, v62, _ =	vpop (xrf1);
	vm0 =	vge.f32 v36, v60;
	[tilespmem:s17+$0x0] =	vst.add.f32.msk $0xffff, v10  }
0x249: {  	v4 =	vmul.f32 v6, v4;
	v13 =	vadd.f32 $9.999999930e-09, v59;
	v35 =	vsel vm0, v36, v60;
	[tilespmem:s18+$0x0] =	vst.add.f32.msk $0xffff, v51;
	v30, v34, _ =	vpop (xrf1)  }
0x24a: {  	v55 =	vsel vm0, v54, v55;
	vm0 =	vge.f32 v61, v45;
	[tilespmem:s19+$0x0] =	vst.add.f32.msk $0xffff, v33;
	v6 =	vperm.xlane v30, v26  }
0x24b: {  	(xrf1) =	vsort.dscd.msk.f32 $0xffff, v35, v55;
	v60 =	vsel vm0, v61, v45;
	v45 =	vimm.s32 $0x7;
	[tilespmem:v27+s20+$0x0] =	vst.idx.msk $0xff, v4  }
0x24c: {  	v61 =	vsel vm0, v56, v62;
	v62 =	vperm.xlane v30, v45;
	v4 =	vmax.f32 v6, $0.0e+00;
	[tilespmem:v27+s21+$0x0] =	vst.idx.msk $0xff, v3  }
0x24d: {  	v13 =	vbroadcast v13, $0xF;
	(xrf1) =	vsort.ascd.msk.f32 $0xffff, v60, v61;
	v3 =	vmin.f32 v4, $2.000000000e+01;
	v4 =	vld [tilespmem:$0x1FB30]  }
0x24e: {  	v10 =	vmax.f32 v62, $0.0e+00  }
0x24f: {  	v2 =	vmovc v1;
	(erf) = vrcp.f32 v13;
	vm0 =	vge.f32 v25, v10;
	vm1 =	vge.f32 v42, v10  }
0x250: {  	v1 =	vmul.f32 v32, v58;
	v33, v15, _ =	vpop (xrf1);
	v49 =	vnsel vm0, $0x0, v25;
	v6 =	vnsel vm1, $0x0, v42  }
0x251: {  	vm0 =	vge.f32 v37, v10;
	v25 =	vadd.f32 v6, v49;
	v36 =	vld [tilespmem:s14+$0x40];
	[tilespmem:$0x1FBE0] =	vst v15  }
0x252: {  	v52 =	vpop (erf);
	v54 =	vmul.f32 v1, v4;
	v4 =	vnsel vm0, $0x0, v37;
	v37 =	vld [tilespmem:s14+$0x50]  }
0x253: {  	v13, _, _ =	vpop (xrf2);
	v3 =	vadd.f32 v3, v3;
	v35 =	vld [tilespmem:s14+$0x60];
	vm0 =	vge.f32 v14, v10;
	v10 =	vadd.f32 v25, v4  }
0x254: {  	v53 =	vadd.f32 $-1.000000000e+00, v53;
	v55, v56, _ =	vpop (xrf1);
	v13 =	vadd.f32 $9.999999930e-09, v13;
	v32 =	vld [tilespmem:s14+$0x70];
	v25 =	vnsel vm0, $0x0, v14  }
0x255: {  	s13 =	simm.s32 $0x7;
	v57, v58, _ =	vpop (xrf1);
	v3 =	vmul.f32 $1.442695020e+00, v3;
	v14 =	vadd.f32 $1.000000000e+00, v52;
	v10 =	vadd.f32 v10, v25  }
0x256: {  	v51 =	vmov s13;
	v59, v60, _ =	vpop (xrf1);
	v13 =	vbroadcast v13, $0xF;
	vm0 =	vgt.f32 v36, $0.0e+00  }
0x257: {  	v42 =	vpop (erf);
	v15 =	vld [tilespmem:$0x1FB40];
	(erf) = vpow2.f32 v3;
	(xrf2) =	vadd.scan.msk.f32 $0xffff, v10;
	v10 =	vsel vm0, v36, v8;
	vm0 =	vgt.f32 v37, $0.0e+00  }
0x258: {  	v61 =	vpop (erf);
	v3 =	vmul.f32 v42, v53;
	(xrf1) =	vsort.dscd.msk.f32 $0xffff, v10, v23;
	v10 =	vsel vm0, v37, v16;
	vm0 =	vgt.f32 v35, $0.0e+00  }
0x259: {  	v42, v53, _ =	vpop (xrf1);
	(erf) = vrcp.f32 v14;
	(xrf1) =	vsort.ascd.msk.f32 $0xffff, v10, v18;
	v10 =	vsel vm0, v35, v17;
	vm0 =	vgt.f32 v32, $0.0e+00  }
0x25a: {  	(erf) = vrcp.f32 v13;
	v13, v14, _ =	vpop (xrf1);
	(xrf1) =	vsort.dscd.msk.f32 $0xffff, v10, v20;
	v10 =	vand.u32 $0x7F, v51;
	v51 =	vsel vm0, v32, v2  }
0x25b: {  	v44 =	vmax.f32 v44, $0.0e+00;
	v3 =	vmul.f32 v61, v3;
	v61, v62, _ =	vpop (xrf1);
	(xrf1) =	vsort.ascd.msk.f32 $0xffff, v51, v63;
	v51 =	vperm.xlane v33, v45  }
0x25c: {  	v24 =	vmul.f32 v1, v15;
	vm1 =	vge.f32 v13, v61;
	v10 =	vbroadcast v10, $0x0  }
0x25d: {  	v15 =	vld [tilespmem:$0x1FB50];
	v13 =	vsel vm1, v13, v61;
	v14 =	vsel vm1, v14, v62;
	v51 =	vmax.f32 v51, $0.0e+00  }
0x25e: {  	s0 =	simm.s32 $0xA0C0;
	v23 =	vld [tilespmem:$0x1FB60];
	v62 =	vmovc v0;
	v45 =	vor.u32 v0, v10;
	v0 =	vmul.f32 v3, v47;
	vm2 =	vge.f32 v11, v51  }
0x25f: {  	[tilespmem:s0+$0x0] =	vst.add.f32.msk $0xffff, v54;
	(xrf1) =	vsort.dscd.msk.f32 $0xffff, v13, v14;
	v13 =	vnsel vm2, $0x0, v11;
	v11 =	vmul.f32 v3, v46  }
0x260: {  	v52 =	vadd.f32 $-1.000000000e+00, v52;
	vm1 =	vge.f32 v21, v51;
	[tilespmem:s16+$0x0] =	vst.add.f32.msk $0xffff, v0;
	v0 =	vmul.f32 v3, v48  }
0x261: {  	v14 =	vnsel vm1, $0x0, v21;
	vm1 =	vge.f32 v29, v51;
	v48 =	vmul.f32 v3, v50;
	[tilespmem:s17+$0x0] =	vst.add.f32.msk $0xffff, v11  }
0x262: {  	v15 =	vmul.f32 v1, v15;
	vm0 =	vge.f32 v55, v57;
	v22 =	vnsel vm1, $0x0, v29;
	v29, _, _ =	vpop (xrf2);
	[tilespmem:s18+$0x0] =	vst.add.f32.msk $0xffff, v0  }
0x263: {  	v61 =	vperm.xlane v33, v26;
	v47 =	vpop (erf);
	v3 =	vmul.f32 v3, v44;
	v29 =	vadd.f32 $9.999999930e-09, v29;
	[tilespmem:s19+$0x0] =	vst.add.f32.msk $0xffff, v48  }
0x264: {  	v23 =	vmul.f32 v1, v23;
	v54 =	vadd.f32 $1.000000000e+00, v47;
	vm2 =	vge.f32 v59, v42;
	[tilespmem:$0x1FC40] =	vst v45  }
0x265: {  	v19 =	vimm.s32 $0x7;
	v50 =	vadd.f32 v13, v14;
	vm1 =	vge.f32 v28, v51;
	v11 =	vpop (erf);
	[tilespmem:v45+s20+$0x0] =	vst.idx.msk $0xff, v3  }
0x266: {  	(erf) = vrcp.f32 v54;
	v54 =	vmax.f32 v61, $0.0e+00;
	v11 =	vmul.f32 v11, v52;
	[tilespmem:s4+$0x0] =	vst.add.f32.msk $0xffff, v24  }
0x267: {  	v21 =	vsel vm2, v59, v42;
	v0 =	vbroadcast v29, $0xF;
	v46 =	vmin.f32 v54, $2.000000000e+01;
	v29 =	vpop (erf);
	[tilespmem:v45+s21+$0x0] =	vst.idx.msk $0xff, v43  }
0x268: {  	v44 =	vadd.f32 v50, v22;
	v46 =	vadd.f32 v46, v46;
	v3, v43, _ =	vpop (xrf1);
	v48 =	vmul.f32 v29, v11;
	v11 =	vld [tilespmem:$0x1FB70]  }
0x269: {  	s29 =	simm.s32 $0x800;
	s15 =	simm.s32 $0x400;
	v24 =	vsel vm0, v56, v58;
	(erf) = vrcp.f32 v0;
	v0 =	vsel vm0, v55, v57;
	v61, v45, _ =	vpop (xrf1)  }
0x26a: {  	s30 =	sand.u32 $0x7800, s29;
	s11 =	sand.u32 $0x300, s15;
	v10 =	vimm.s32 $0x0;
	(xrf1) =	vsort.dscd.msk.f32 $0xffff, v0, v24;
	v0 =	vsel vm2, v60, v53;
	vm0 =	vge.f32 v3, v61  }
0x26b: {  	s13 =	sor.u32 s11, s30;
	v53 =	vmax.f32 v40, $0.0e+00;
	[tilespmem:s5+$0x0] =	vst.add.f32.msk $0xffff, v15;
	v40 =	vnsel vm1, $0x0, v28;
	v3 =	vsel vm0, v3, v61  }
0x26c: {  	v42 =	vld [tilespmem:s13+$0x0];
	v60 =	vlaneseq.u32;
	v24, v57, _ =	vpop (xrf1);
	(xrf1) =	vsort.ascd.msk.f32 $0xffff, v21, v0;
	v21 =	vadd.f32 $-1.000000000e+00, v47;
	v7 =	vmul.f32 v48, v7  }
0x26d: {  	v58 =	vmul.f32 v48, v5;
	v15 =	vsel vm0, v43, v45;
	v0, v5, _ =	vpop (xrf1);
	v52 =	vmax.f32 v11, $0.0e+00;
	v11 =	vld [tilespmem:s10+$0x40]  }
0x26e: {  	v29 =	vld [tilespmem:s10+$0x50];
	v47 =	vmul.f32 v48, v12;
	v12 =	vmul.f32 $1.442695020e+00, v46;
	vm2 =	vge.f32 v24, v0  }
0x26f: {  	[tilespmem:s6+$0x0] =	vst.add.f32.msk $0xffff, v23;
	v31 =	vmul.f32 v48, v31;
	(xrf1) =	vsort.dscd.msk.f32 $0xffff, v3, v15;
	v0 =	vsel vm2, v24, v0;
	v24, v3, _ =	vpop (xrf1)  }
0x270: {  	(erf) = vpow2.f32 v12;
	[tilespmem:s22+$0x0] =	vst.add.f32.msk $0xffff, v7;
	v59 =	vpop (erf);
	v5 =	vsel vm2, v57, v5;
	v15 =	vperm.xlane v24, v19  }
0x271: {  	[tilespmem:s23+$0x0] =	vst.add.f32.msk $0xffff, v31;
	(xrf1) =	vsort.ascd.msk.f32 $0xffff, v0, v5;
	v0 =	vadd.f32 v44, v40;
	v5 =	vmul.f32 v59, v21  }
0x272: {  	v44 =	vld [tilespmem:s13+$0x10];
	v21 =	vperm.xlane v24, v10;
	v15 =	vmax.f32 v15, $0.0e+00;
	vm0 =	vgt.f32 v11, $0.0e+00  }
0x273: {  	s31 =	simm.s32 $0x480;
	[tilespmem:s24+$0x0] =	vst.add.f32.msk $0xffff, v58;
	v7 =	vpop (erf);
	vm2 =	vge.f32 v41, v15;
	v12 =	vsel vm0, v11, v8;
	vm0 =	vge.f32 v39, v15  }
0x274: {  	s11 =	sand.u32 $0x380, s31;
	v43 =	vmul.f32 v7, v5;
	v5 =	vnsel vm2, $0x0, v41;
	v7 =	vnsel vm0, $0x0, v39;
	v39 =	vld [tilespmem:s13+$0x20]  }
0x275: {  	s11 =	sor.u32 s11, s30;
	v41 =	vld [tilespmem:s13+$0x30];
	(xrf1) =	vsort.dscd.msk.f32 $0xffff, v12, v60;
	v12 =	vmax.f32 v21, $0.0e+00;
	vm0 =	vge.f32 v38, v15;
	v21 =	vadd.f32 v5, v7  }
0x276: {  	vm1 =	vgt.f32 v29, $0.0e+00;
	v31 =	vnsel vm0, $0x0, v38;
	vm0 =	vge.f32 v9, v15;
	v15 =	vld [tilespmem:s11+$0x0]  }
0x277: {  	v23 =	vsel vm1, v29, v16;
	vm1 =	vgt.f32 v42, $0.0e+00;
	(xrf2) =	vadd.scan.msk.f32 $0xffff, v0;
	v0 =	vadd.f32 v21, v31;
	v21 =	vld [tilespmem:s11+$0x10]  }
0x278: {  	[tilespmem:s25+$0x0] =	vst.add.f32.msk $0xffff, v47;
	v61 =	vmul.f32 v43, v49;
	v6 =	vmul.f32 v43, v6;
	v38 =	vnsel vm0, $0x0, v9  }
0x279: {  	v4 =	vmul.f32 v43, v4;
	(xrf1) =	vsort.ascd.msk.f32 $0xffff, v23, v18;
	v0 =	vadd.f32 v0, v38;
	vm0 =	vgt.f32 v39, $0.0e+00  }
0x27a: {  	v23 =	vsel vm1, v42, v8;
	[tilespmem:s0+$0x0] =	vst.add.f32.msk $0xffff, v61;
	v58 =	vsel vm0, v39, v17;
	vm0 =	vgt.f32 v41, $0.0e+00  }
0x27b: {  	v45 =	vmovc v8;
	[tilespmem:s4+$0x0] =	vst.add.f32.msk $0xffff, v6;
	(xrf2) =	vadd.scan.msk.f32 $0xffff, v0;
	v0 =	vsel vm0, v41, v2;
	vm0 =	vgt.f32 v15, $0.0e+00  }
0x27c: {  	vm1 =	vgt.f32 v44, $0.0e+00;
	[tilespmem:s5+$0x0] =	vst.add.f32.msk $0xffff, v4;
	v57 =	vsel vm0, v15, v45;
	vm0 =	vgt.f32 v21, $0.0e+00  }
0x27d: {  	v59 =	vmov v16;
	v28 =	vsel vm1, v44, v16;
	v61 =	vsel vm0, v21, v16;
	v16 =	vld [tilespmem:$0x1FC90]  }
0x27e: {  	(xrf1) =	vsort.dscd.msk.f32 $0xffff, v23, v60;
	v49, v50, _ =	vpop (xrf1);
	v23 =	vld [tilespmem:s11+$0x30]  }
0x27f: {  	(xrf1) =	vsort.ascd.msk.f32 $0xffff, v28, v18;
	v51, v54, _ =	vpop (xrf1)  }
0x280: {  	v28 =	vld [tilespmem:s11+$0x20];
	v55, v56, _ =	vpop (xrf1);
	(xrf1) =	vsort.dscd.msk.f32 $0xffff, v58, v20  }
0x281: {  	(xrf1) =	vsort.ascd.msk.f32 $0xffff, v0, v63;
	v0, v58, _ =	vpop (xrf1)  }
0x282: {  	v12 =	vmin.f32 v12, $2.000000000e+01;
	v60 =	vlaneseq.u32;
	vm0 =	vge.f32 v55, v0  }
0x283: {  	vm1 =	vgt.f32 v23, $0.0e+00;
	v6 =	vsel vm0, v56, v58;
	v56 =	vmul.f32 v48, v53  }
0x284: {  	v12 =	vadd.f32 v12, v12;
	(xrf1) =	vsort.dscd.msk.f32 $0xffff, v57, v60;
	v57 =	vsel vm1, v23, v2  }
0x285: {  	(xrf1) =	vsort.ascd.msk.f32 $0xffff, v61, v18;
	v0 =	vsel vm0, v55, v0;
	vm0 =	vgt.f32 v28, $0.0e+00;
	[tilespmem:v16+s26+$0x0] =	vst.idx.msk $0xff, v56  }
0x286: {  	v61 =	vmovc v17;
	(xrf1) =	vsort.dscd.msk.f32 $0xffff, v0, v6;
	v6 =	vsel vm0, v28, v17;
	v17 =	vmov v2;
	v2 =	vld [tilespmem:$0x1FB80]  }
0x287: {  	v12 =	vmul.f32 $1.442695020e+00, v12;
	_ =	sdelay $0x1  }
0x288: {  	(erf) = vpow2.f32 v12;
	_ =	sdelay $0x1  }
0x289: {  	v9 =	vld [tilespmem:s10+$0x60];
	[tilespmem:v16+s28+$0x0] =	vst.idx.msk $0xff, v2  }
0x28a: {  	v16 =	vld [tilespmem:$0x1FB90];
	_ =	sdelay $0x4  }
0x28b: {  	v0 =	vmul.f32 v1, v52;
	v1 =	vpop (erf);
	vm0 =	vgt.f32 v9, $0.0e+00;
	(xrf1) =	vsort.dscd.msk.f32 $0xffff, v6, v20;
	v2 =	vmax.f32 v30, $0.0e+00  }
0x28c: {  	v12 =	vld [tilespmem:s10+$0x70];
	(xrf1) =	vsort.ascd.msk.f32 $0xffff, v57, v63;
	v52 =	vpop (erf);
	v48 =	vmul.f32 v43, v2;
	v2 =	vsel vm0, v9, v61  }
0x28d: {  	v8 =	vmov v18;
	v6, v47, _ =	vpop (xrf1);
	v18 =	vld [tilespmem:s9+$0x400];
	(xrf1) =	vsort.dscd.msk.f32 $0xffff, v2, v20;
	v2 =	vadd.f32 $1.000000000e+00, v52  }
0x28e: {  	[tilespmem:v16+s7+$0x0] =	vst.idx.msk $0xff, v0  }
0x28f: {  	(erf) = vrcp.f32 v2;
	v2 =	vld [tilespmem:$0x1FBA0]  }
0x290: {  	v4, _, _ =	vpop (xrf2)  }
0x291: {  	v25 =	vmul.f32 v43, v25;
	v30, v46, _ =	vpop (xrf1);
	v43 =	vld [tilespmem:s9+$0x410]  }
0x292: {  	vm1 =	vgt.f32 v12, $0.0e+00;
	v57, _, _ =	vpop (xrf2);
	vm2 =	vge.f32 v6, v30;
	v60 =	vld [tilespmem:s9+$0x420];
	[tilespmem:$0x1FC30] =	vst v18  }
0x293: {  	v58 =	vsel vm1, v12, v17;
	v55 =	vadd.f32 $9.999999930e-09, v57;
	v46 =	vsel vm2, v47, v46;
	[tilespmem:s6+$0x0] =	vst.add.f32.msk $0xffff, v25  }
0x294: {  	v6 =	vsel vm2, v6, v30;
	vm1 =	vgt.f32 v18, $0.0e+00;
	v0 =	vmovc v17;
	v17 =	vmov v18;
	[tilespmem:v16+s8+$0x0] =	vst.idx.msk $0xff, v2  }
0x295: {  	vm0 =	vge.f32 v49, v51;
	(xrf1) =	vsort.ascd.msk.f32 $0xffff, v58, v63;
	v58 =	vbroadcast v55, $0xF;
	v2 =	vsel vm1, v17, v45;
	v17 =	vld [tilespmem:$0x1FBB0]  }
0x296: {  	v47 =	vsel vm0, v49, v51;
	v49, v51, _ =	vpop (xrf1);
	v18 =	vld [tilespmem:s9+$0x430];
	v16 =	vsel vm0, v50, v54;
	vm0 =	vgt.f32 v43, $0.0e+00  }
0x297: {  	v19 =	vlaneseq.u32;
	v4 =	vadd.f32 $9.999999930e-09, v4;
	(xrf1) =	vsort.dscd.msk.f32 $0xffff, v6, v46;
	v6, v46, _ =	vpop (xrf1);
	v55 =	vsel vm0, v43, v59  }
0x298: {  	v26 =	vimm.s32 $0x7;
	v50, v54, _ =	vpop (xrf1);
	vm0 =	vgt.f32 v60, $0.0e+00;
	(xrf1) =	vsort.dscd.msk.f32 $0xffff, v2, v19  }
0x299: {  	(erf) = vrcp.f32 v58;
	v57 =	vsel vm0, v60, v61;
	vm0 =	vge.f32 v49, v6;
	(xrf1) =	vsort.ascd.msk.f32 $0xffff, v55, v8;
	v2, v53, _ =	vpop (xrf1)  }
0x29a: {  	v6 =	vsel vm0, v49, v6;
	v25 =	vsel vm0, v51, v46;
	v55, v58, _ =	vpop (xrf1);
	vm0 =	vge.f32 v50, v2  }
0x29b: {  	v46, v49, _ =	vpop (xrf1);
	v50 =	vsel vm0, v50, v2;
	v53 =	vsel vm0, v54, v53;
	vm0 =	vgt.f32 v18, $0.0e+00  }
0x29c: {  	v56 =	vadd.f32 $1.000000000e+00, v1;
	v51 =	vbroadcast v4, $0xF;
	(xrf1) =	vsort.dscd.msk.f32 $0xffff, v6, v25;
	v2, v4, _ =	vpop (xrf1);
	v25 =	vsel vm0, v18, v0  }
0x29d: {  	vm0 =	vge.f32 v55, v46;
	v6 =	vperm.xlane v2, v26;
	[tilespmem:v17+s7+$0x0] =	vst.idx.msk $0xff, v48  }
0x29e: {  	[tilespmem:v17+s8+$0x0] =	vst.idx.msk $0xff, v34;
	v17 =	vsel vm0, v55, v46  }
0x29f: {  	v46 =	vadd.f32 $-1.000000000e+00, v52;
	v52 =	vmax.f32 v6, $0.0e+00;
	v6 =	vsel vm0, v58, v49  }
0x2a0: {  	(erf) = vrcp.f32 v56;
	v56 =	vpop (erf)  }
0x2a1: {  	(xrf1) =	vsort.ascd.msk.f32 $0xffff, v50, v53;
	v48, v50, _ =	vpop (xrf1);
	v46 =	vmul.f32 v56, v46  }
0x2a2: {  	(xrf1) =	vsort.dscd.msk.f32 $0xffff, v17, v6;
	v6 =	vpop (erf)  }
0x2a3: {  	v55 =	vmul.f32 v6, v46;
	_ =	sdelay $0x1  }
0x2a4: {  	v7 =	vmul.f32 v55, v7  }
0x2a5: {  	s31 =	simm.s32 $0xA080;
	v58 =	vimm.s32 $0x0;
	vm1 =	vge.f32 v36, v52;
	v5 =	vmul.f32 v55, v5  }
0x2a6: {  	s30 =	simm.s32 $0xA090;
	vm2 =	vge.f32 v37, v52;
	v49 =	vperm.xlane v2, v58;
	[tilespmem:s31+$0x0] =	vst.add.f32.msk $0xffff, v7;
	v7 =	vmul.f32 v55, v31  }
0x2a7: {  	s15 =	simm.s32 $0xA0A0;
	v36 =	vnsel vm1, $0x0, v36;
	v37 =	vnsel vm2, $0x0, v37;
	[tilespmem:s30+$0x0] =	vst.add.f32.msk $0xffff, v5;
	v5 =	vmul.f32 v55, v38  }
0x2a8: {  	s1 =	simm.s32 $0xA0B0;
	vm1 =	vge.f32 v35, v52;
	v54 =	vadd.f32 v37, v36;
	[tilespmem:s15+$0x0] =	vst.add.f32.msk $0xffff, v7  }
0x2a9: {  	v30 =	vmovc v20;
	(xrf1) =	vsort.dscd.msk.f32 $0xffff, v57, v20;
	v57 =	vmax.f32 v49, $0.0e+00;
	v6 =	vnsel vm1, $0x0, v35;
	[tilespmem:s1+$0x0] =	vst.add.f32.msk $0xffff, v5  }
0x2aa: {  	(xrf1) =	vsort.ascd.msk.f32 $0xffff, v25, v63;
	vm1 =	vge.f32 v32, v52;
	v57 =	vmin.f32 v57, $2.000000000e+01;
	v25 =	vadd.f32 v54, v6;
	v20 =	vld [tilespmem:$0x1FE30]  }
0x2ab: {  	(erf) = vrcp.f32 v51;
	v34, v51, _ =	vpop (xrf1);
	v46 =	vnsel vm1, $0x0, v32;
	v54 =	vadd.f32 v57, v57  }
0x2ac: {  	vm0 =	vge.f32 v48, v34;
	v17, v53, _ =	vpop (xrf1);
	v25 =	vadd.f32 v25, v46  }
0x2ad: {  	v34 =	vsel vm0, v48, v34;
	v48, v56, _ =	vpop (xrf1)  }
0x2ae: {  	v24 =	vmax.f32 v24, $0.0e+00;
	v49, v52, _ =	vpop (xrf1)  }
0x2af: {  	v31 =	vsel vm0, v50, v51;
	v50, v51, _ =	vpop (xrf1);
	(xrf2) =	vadd.scan.msk.f32 $0xffff, v25  }
0x2b0: {  	v32 =	vmul.f32 $1.442695020e+00, v54;
	v57, v54, _ =	vpop (xrf1);
	v7 =	vmul.f32 v55, v24  }
0x2b1: {  	s29 =	simm.s32 $0x8800;
	(xrf1) =	vsort.dscd.msk.f32 $0xffff, v47, v16;
	vm0 =	vge.f32 v17, v48;
	v24, v25, _ =	vpop (xrf1)  }
0x2b2: {  	(xrf1) =	vsort.ascd.msk.f32 $0xffff, v34, v31;
	v5 =	vsel vm0, v17, v48;
	v31, v34, _ =	vpop (xrf1);
	[tilespmem:v20+s29+$0x0] =	vst.idx.msk $0xff, v7  }
0x2b3: {  	(erf) = vpow2.f32 v32;
	v17 =	vsel vm0, v53, v56;
	vm0 =	vge.f32 v24, v31;
	[tilespmem:v20+s3+$0x0] =	vst.idx.msk $0xff, v3  }
0x2b4: {  	(xrf1) =	vsort.ascd.msk.f32 $0xffff, v5, v17;
	v5 =	vsel vm0, v25, v34;
	v25 =	vld [tilespmem:s12+$0x440]  }
0x2b5: {  	v3 =	vsel vm0, v24, v31;
	vm0 =	vge.f32 v50, v57  }
0x2b6: {  	(xrf1) =	vsort.dscd.msk.f32 $0xffff, v3, v5;
	v5 =	vsel vm0, v51, v54;
	_ =	sdelay $0x1  }
0x2b7: {  	v32 =	vld [tilespmem:s12+$0x450];
	v3 =	vsel vm0, v50, v57  }
0x2b8: {  	v1 =	vadd.f32 $-1.000000000e+00, v1;
	v35 =	vld [tilespmem:s12+$0x460];
	(xrf1) =	vsort.dscd.msk.f32 $0xffff, v3, v5;
	v5, _, _ =	vpop (xrf2);
	vm0 =	vgt.f32 v25, $0.0e+00  }
0x2b9: {  	v16 =	vpop (erf);
	v34 =	vld [tilespmem:s12+$0x470];
	s12 =	simm.s32 $0x9;
	v5 =	vadd.f32 $9.999999930e-09, v5;
	v7 =	vsel vm0, v25, v45  }
0x2ba: {  	v47 =	vpop (erf);
	v1 =	vmul.f32 v16, v1;
	v3 =	vmov s12  }
0x2bb: {  	v17 =	vpop (erf);
	v3 =	vand.u32 $0x7F, v3;
	v5 =	vbroadcast v5, $0xF  }
0x2bc: {  	v38 =	vadd.f32 $1.000000000e+00, v17;
	v3 =	vbroadcast v3, $0x0;
	vm0 =	vgt.f32 v32, $0.0e+00;
	(xrf1) =	vsort.dscd.msk.f32 $0xffff, v7, v19;
	v7, v31, _ =	vpop (xrf1)  }
0x2bd: {  	v24 =	vsel vm0, v32, v59;
	vm0 =	vgt.f32 v35, $0.0e+00;
	v50, v51, _ =	vpop (xrf1)  }
0x2be: {  	(erf) = vrcp.f32 v38;
	v55 =	vsel vm0, v35, v61;
	vm0 =	vgt.f32 v34, $0.0e+00;
	(xrf1) =	vsort.ascd.msk.f32 $0xffff, v24, v8;
	v57, v56, _ =	vpop (xrf1)  }
0x2bf: {  	v47 =	vmul.f32 v47, v1;
	(erf) = vrcp.f32 v5;
	v16 =	vsel vm0, v34, v0;
	(xrf1) =	vsort.dscd.msk.f32 $0xffff, v55, v30;
	v20, v1, _ =	vpop (xrf1)  }
0x2c0: {  	(xrf1) =	vsort.ascd.msk.f32 $0xffff, v16, v63;
	vm0 =	vge.f32 v50, v57;
	[tilespmem:$0x1FBC0] =	vst v1;
	v1 =	vor.u32 v62, v3;
	v3, v5, _ =	vpop (xrf1)  }
0x2c1: {  	v54 =	vsel vm0, v51, v56;
	[tilespmem:$0x1FD00] =	vst v1;
	v1 =	vsel vm0, v50, v57;
	vm0 =	vge.f32 v7, v3  }
0x2c2: {  	(xrf1) =	vsort.ascd.msk.f32 $0xffff, v1, v54;
	v1 =	vsel vm0, v7, v3;
	_ =	sdelay $0x2  }
0x2c3: {  	v3 =	vsel vm0, v31, v5;
	v5, v31, _ =	vpop (xrf1)  }
0x2c4: {  	v33 =	vmax.f32 v33, $0.0e+00;
	v26 =	vimm.s32 $0x7;
	(xrf1) =	vsort.dscd.msk.f32 $0xffff, v1, v3;
	vm0 =	vge.f32 v49, v5;
	v7, v1, _ =	vpop (xrf1)  }
0x2c5: {  	v3 =	vsel vm0, v49, v5;
	v5 =	vsel vm0, v52, v31;
	v31 =	vperm.xlane v7, v26  }
0x2c6: {  	v2 =	vmax.f32 v2, $0.0e+00;
	v14 =	vmul.f32 v47, v14;
	(xrf1) =	vsort.dscd.msk.f32 $0xffff, v3, v5;
	v3 =	vperm.xlane v7, v58  }
0x2c7: {  	v13 =	vmul.f32 v47, v13;
	v10 =	vmul.f32 v47, v22;
	v55 =	vpop (erf);
	v5 =	vmax.f32 v31, $0.0e+00  }
0x2c8: {  	v56 =	vpop (erf);
	v31 =	vadd.f32 $-1.000000000e+00, v17;
	v3 =	vmax.f32 v3, $0.0e+00;
	vm0 =	vge.f32 v42, v5  }
0x2c9: {  	v48, v49, _ =	vpop (xrf1);
	vm1 =	vge.f32 v44, v5;
	v3 =	vmin.f32 v3, $2.000000000e+01;
	v17 =	vnsel vm0, $0x0, v42  }
0x2ca: {  	v50, v51, _ =	vpop (xrf1);
	v38 =	vnsel vm1, $0x0, v44;
	v31 =	vmul.f32 v55, v31;
	vm0 =	vge.f32 v39, v5  }
0x2cb: {  	[tilespmem:$0x1FF00] =	vst v20;
	vm1 =	vge.f32 v41, v5;
	v44, v52, _ =	vpop (xrf1);
	v5 =	vadd.f32 v38, v17;
	v42 =	vnsel vm0, $0x0, v39  }
0x2cc: {  	[tilespmem:s31+$0x0] =	vst.add.f32.msk $0xffff, v14;
	v39 =	vnsel vm1, $0x0, v41;
	v41, v53, _ =	vpop (xrf1);
	vm0 =	vge.f32 v50, v44;
	v31 =	vmul.f32 v56, v31  }
0x2cd: {  	[tilespmem:s30+$0x0] =	vst.add.f32.msk $0xffff, v13;
	v3 =	vadd.f32 v3, v3;
	v58, v57, _ =	vpop (xrf1);
	v13 =	vsel vm0, v50, v44;
	v5 =	vadd.f32 v5, v42  }
0x2ce: {  	v52 =	vsel vm0, v51, v52;
	vm0 =	vge.f32 v41, v58;
	v14 =	vmul.f32 v31, v36  }
0x2cf: {  	[tilespmem:s15+$0x0] =	vst.add.f32.msk $0xffff, v10;
	(xrf1) =	vsort.dscd.msk.f32 $0xffff, v13, v52;
	v36 =	vmul.f32 v31, v37;
	v5 =	vadd.f32 v5, v39  }
0x2d0: {  	v10 =	vsel vm0, v41, v58;
	v55 =	vsel vm0, v53, v57;
	v6 =	vmul.f32 v31, v6;
	[tilespmem:s22+$0x0] =	vst.add.f32.msk $0xffff, v14  }
0x2d1: {  	(xrf1) =	vsort.ascd.msk.f32 $0xffff, v10, v55;
	v10 =	vmul.f32 v31, v46;
	[tilespmem:s23+$0x0] =	vst.add.f32.msk $0xffff, v36  }
0x2d2: {  	v3 =	vmul.f32 $1.442695020e+00, v3;
	v14, v41, _ =	vpop (xrf1);
	[tilespmem:s24+$0x0] =	vst.add.f32.msk $0xffff, v6  }
0x2d3: {  	(xrf2) =	vadd.scan.msk.f32 $0xffff, v5;
	v6 =	vmul.f32 v47, v33;
	v5, v33, _ =	vpop (xrf1);
	[tilespmem:s25+$0x0] =	vst.add.f32.msk $0xffff, v10  }
0x2d4: {  	(erf) = vpow2.f32 v3;
	v3 =	vmul.f32 v31, v2;
	v13, v2, _ =	vpop (xrf1);
	[tilespmem:$0x1FE90] =	vst v27  }
0x2d5: {  	v40 =	vmul.f32 v47, v40;
	[tilespmem:$0x1FC50] =	vst v2  }
0x2d6: {  	[tilespmem:v27+s26+$0x0] =	vst.idx.msk $0xff, v3  }
0x2d7: {  	[tilespmem:s1+$0x0] =	vst.add.f32.msk $0xffff, v40  }
0x2d8: {  	[tilespmem:v27+s28+$0x0] =	vst.idx.msk $0xff, v4  }
0x2d9: {  	v19 =	vld [tilespmem:$0x1FBD0]  }
0x2da: {  	v16 =	vimm.s32 $0x7  }
0x2db: {  	v10 =	vperm.xlane v5, v16;
	_ =	sdelay $0x1  }
0x2dc: {  	v24 =	vimm.s32 $0x0;
	v10 =	vmax.f32 v10, $0.0e+00  }
0x2dd: {  	vm0 =	vge.f32 v48, v14;
	vm1 =	vge.f32 v15, v10;
	vm2 =	vge.f32 v21, v10  }
0x2de: {  	v31 =	vperm.xlane v5, v24;
	v44 =	vld [tilespmem:s14+$0x400];
	v47 =	vnsel vm1, $0x0, v15;
	v4 =	vnsel vm2, $0x0, v21  }
0x2df: {  	v52 =	vsel vm0, v48, v14;
	v21 =	vadd.f32 v4, v47  }
0x2e0: {  	v3 =	vperm.xlane v13, v16;
	v31 =	vmax.f32 v31, $0.0e+00;
	vm3 =	vge.f32 v28, v10;
	v46 =	vld [tilespmem:s14+$0x410];
	[tilespmem:v19+s29+$0x0] =	vst.idx.msk $0xff, v6  }
0x2e1: {  	v15 =	vnsel vm3, $0x0, v28;
	vm1 =	vge.f32 v23, v10;
	v28 =	vmin.f32 v31, $2.000000000e+01;
	v2 =	vld [tilespmem:$0x1FBE0]  }
0x2e2: {  	v51 =	vperm.xlane v13, v24;
	v14 =	vld [tilespmem:s14+$0x420];
	v48 =	vnsel vm1, $0x0, v23;
	v23 =	vadd.f32 v28, v28;
	v26, _, _ =	vpop (xrf2)  }
0x2e3: {  	v10 =	vld [tilespmem:s14+$0x430];
	v28 =	vmax.f32 v3, $0.0e+00;
	v3 =	vadd.f32 v21, v15;
	v21 =	vpop (erf);
	vm2 =	vgt.f32 v44, $0.0e+00  }
0x2e4: {  	v26 =	vadd.f32 $9.999999930e-09, v26;
	v31 =	vsel vm2, v44, v45;
	v6 =	vadd.f32 $1.000000000e+00, v21  }
0x2e5: {  	vm1 =	vge.f32 v11, v28;
	v23 =	vmul.f32 $1.442695020e+00, v23;
	vm2 =	vgt.f32 v46, $0.0e+00  }
0x2e6: {  	v57 =	vbroadcast v26, $0xF;
	(erf) = vrcp.f32 v6;
	[tilespmem:v19+s3+$0x0] =	vst.idx.msk $0xff, v2;
	v2 =	vlaneseq.u32  }
0x2e7: {  	v56 =	vsel vm2, v46, v59;
	vm2 =	vgt.f32 v14, $0.0e+00;
	(erf) = vpow2.f32 v23;
	(xrf1) =	vsort.dscd.msk.f32 $0xffff, v31, v2;
	v31, v40, _ =	vpop (xrf1)  }
0x2e8: {  	v37 =	vsel vm2, v14, v61;
	vm2 =	vgt.f32 v10, $0.0e+00;
	v21 =	vadd.f32 $-1.000000000e+00, v21;
	(xrf1) =	vsort.ascd.msk.f32 $0xffff, v56, v8;
	v6, v36, _ =	vpop (xrf1)  }
0x2e9: {  	v58 =	vsel vm2, v10, v0;
	(erf) = vrcp.f32 v57;
	(xrf1) =	vsort.dscd.msk.f32 $0xffff, v37, v30;
	vm3 =	vge.f32 v31, v6  }
0x2ea: {  	(xrf1) =	vsort.ascd.msk.f32 $0xffff, v58, v63;
	v23 =	vsel vm3, v31, v6;
	v31 =	vsel vm3, v40, v36;
	v6 =	vnsel vm1, $0x0, v11  }
0x2eb: {  	v24 =	vld [tilespmem:s2+$0x440];
	v11 =	vadd.f32 v3, v48;
	vm1 =	vge.f32 v9, v28;
	(xrf1) =	vsort.dscd.msk.f32 $0xffff, v23, v31;
	v23 =	vmax.f32 v51, $0.0e+00  }
0x2ec: {  	vm2 =	vge.f32 v29, v28;
	v31 =	vnsel vm1, $0x0, v9;
	v9 =	vmin.f32 v23, $2.000000000e+01  }
0x2ed: {  	v50 =	vperm.xlane v20, v16;
	v20 =	vld [tilespmem:s2+$0x460];
	v3 =	vnsel vm2, $0x0, v29;
	v9 =	vadd.f32 v9, v9  }
0x2ee: {  	v29 =	vadd.f32 v3, v6;
	vm1 =	vge.f32 v12, v28  }
0x2ef: {  	v26 =	vld [tilespmem:s2+$0x450];
	v28 =	vsel vm0, v49, v41;
	v12 =	vnsel vm1, $0x0, v12;
	(xrf2) =	vadd.scan.msk.f32 $0xffff, v11;
	v11 =	vpop (erf);
	v9 =	vmul.f32 $1.442695020e+00, v9  }
0x2f0: {  	s29 =	simm.s32 $0x8;
	vm0 =	vgt.f32 v24, $0.0e+00;
	v23 =	vadd.f32 v29, v31;
	v11 =	vmul.f32 v11, v21;
	v21 =	vpop (erf)  }
0x2f1: {  	v19 =	vld [tilespmem:s2+$0x470];
	[tilespmem:$0x1FD90] =	vst v24;
	v57 =	vadd.f32 $1.000000000e+00, v21;
	(erf) = vpow2.f32 v9;
	v9 =	vmov s29  }
0x2f2: {  	vm2 =	vgt.f32 v20, $0.0e+00;
	(xrf1) =	vsort.dscd.msk.f32 $0xffff, v52, v28;
	v29 =	vsel vm0, v24, v45;
	v9 =	vand.u32 $0x7E, v9  }
0x2f3: {  	(xrf1) =	vsort.dscd.msk.f32 $0xffff, v29, v2;
	v29 =	vsel vm2, v20, v61;
	v23 =	vadd.f32 v23, v12;
	v9 =	vbroadcast v9, $0x0  }
0x2f4: {  	[tilespmem:$0x1FDA0] =	vst v26;
	vm1 =	vgt.f32 v26, $0.0e+00;
	v58 =	vpop (erf)  }
0x2f5: {  	[tilespmem:$0x1FDB0] =	vst v20;
	v28 =	vsel vm1, v26, v59;
	(xrf2) =	vadd.scan.msk.f32 $0xffff, v23;
	v37, v36, _ =	vpop (xrf1)  }
0x2f6: {  	vm0 =	vgt.f32 v19, $0.0e+00;
	v11 =	vmul.f32 v58, v11;
	(erf) = vrcp.f32 v57;
	(xrf1) =	vsort.ascd.msk.f32 $0xffff, v28, v8;
	v58, v57, _ =	vpop (xrf1)  }
0x2f7: {  	[tilespmem:$0x1FDC0] =	vst v19;
	v56 =	vsel vm0, v19, v0;
	v40 =	vor.u32 v62, v9;
	(xrf1) =	vsort.dscd.msk.f32 $0xffff, v29, v30;
	v9, v29, _ =	vpop (xrf1)  }
0x2f8: {  	(xrf1) =	vsort.ascd.msk.f32 $0xffff, v56, v63  }
0x2f9: {  	v28 =	vmax.f32 v50, $0.0e+00;
	v50, v54, _ =	vpop (xrf1)  }
0x2fa: {  	v23 =	vmul.f32 v11, v17;
	v19, v17, _ =	vpop (xrf1)  }
0x2fb: {  	[tilespmem:$0x1FE60] =	vst v17  }
0x2fc: {  	v62 =	vmul.f32 v11, v38;
	[tilespmem:s16+$0x0] =	vst.add.f32.msk $0xffff, v23  }
0x2fd: {  	[tilespmem:$0x1FD80] =	vst v19  }
0x2fe: {  	v42 =	vmul.f32 v11, v42;
	vm0 =	vge.f32 v37, v58;
	[tilespmem:s17+$0x0] =	vst.add.f32.msk $0xffff, v62  }
0x2ff: {  	v41 =	vsel vm0, v37, v58;
	v38 =	vsel vm0, v36, v57;
	v36 =	vimm.s32 $0x7;
	v27 =	vld [tilespmem:$0x1FBF0]  }
0x300: {  	v7 =	vmax.f32 v7, $0.0e+00;
	(xrf1) =	vsort.dscd.msk.f32 $0xffff, v41, v38;
	vm1 =	vge.f32 v9, v50;
	v49 =	vperm.xlane v19, v36;
	v22 =	vld [tilespmem:$0x1FC00]  }
0x301: {  	v9 =	vsel vm1, v9, v50;
	v23 =	vsel vm1, v29, v54;
	v29 =	vmul.f32 v11, v39;
	[tilespmem:s18+$0x0] =	vst.add.f32.msk $0xffff, v42  }
0x302: {  	v7 =	vmul.f32 v11, v7;
	(xrf1) =	vsort.ascd.msk.f32 $0xffff, v9, v23;
	v9 =	vmax.f32 v49, $0.0e+00;
	v20 =	vld [tilespmem:$0x1FC10]  }
0x303: {  	v16 =	vimm.s32 $0x0;
	vm0 =	vge.f32 v25, v9;
	[tilespmem:s19+$0x0] =	vst.add.f32.msk $0xffff, v29  }
0x304: {  	v11 =	vperm.xlane v19, v16;
	vm4 =	vge.f32 v32, v9;
	v19 =	vnsel vm0, $0x0, v25;
	[tilespmem:v40+s20+$0x0] =	vst.idx.msk $0xff, v7  }
0x305: {  	v17 =	vnsel vm4, $0x0, v32;
	[tilespmem:$0x1FD40] =	vst v19  }
0x306: {  	vm14 =	vge.f32 v35, v9;
	v23, _, _ =	vpop (xrf2);
	[tilespmem:$0x1FD50] =	vst v17  }
0x307: {  	v7 =	vadd.f32 $9.999999930e-09, v23;
	v23 =	vadd.f32 v17, v19;
	v17 =	vnsel vm14, $0x0, v35;
	[tilespmem:v40+s21+$0x0] =	vst.idx.msk $0xff, v1  }
0x308: {  	v2 =	vmov v0;
	v38, v0, _ =	vpop (xrf1);
	v52 =	vld [tilespmem:s13+$0x40];
	[tilespmem:$0x1FD60] =	vst v17  }
0x309: {  	v21 =	vadd.f32 $-1.000000000e+00, v21;
	v11 =	vmax.f32 v11, $0.0e+00;
	v25, _, _ =	vpop (xrf2);
	v7 =	vbroadcast v7, $0xF;
	v54 =	vld [tilespmem:s13+$0x50]  }
0x30a: {  	vm15 =	vge.f32 v34, v9;
	v11 =	vmin.f32 v11, $2.000000000e+01;
	v1 =	vpop (erf);
	v23 =	vadd.f32 v23, v17;
	v53 =	vld [tilespmem:s13+$0x60]  }
0x30b: {  	v11 =	vadd.f32 v11, v11;
	v50 =	vpop (erf);
	[tilespmem:$0x1FCA0] =	vst v0;
	(erf) = vrcp.f32 v7;
	v0 =	vnsel vm15, $0x0, v34  }
0x30c: {  	v7 =	vmul.f32 v50, v21;
	v21 =	vadd.f32 $9.999999930e-09, v25;
	v23 =	vadd.f32 v23, v0  }
0x30d: {  	v26 =	vlaneseq.u32;
	v11 =	vmul.f32 $1.442695020e+00, v11;
	v34, v35, _ =	vpop (xrf1);
	[tilespmem:$0x1FD70] =	vst v0;
	vm8 =	vgt.f32 v52, $0.0e+00  }
0x30e: {  	v25, v50, _ =	vpop (xrf1);
	v9 =	vld [tilespmem:s13+$0x70];
	v21 =	vbroadcast v21, $0xF;
	(xrf2) =	vadd.scan.msk.f32 $0xffff, v23;
	v23 =	vsel vm8, v52, v45;
	vm9 =	vgt.f32 v54, $0.0e+00  }
0x30f: {  	(erf) = vpow2.f32 v11;
	v55, v56, _ =	vpop (xrf1);
	vm10 =	vgt.f32 v53, $0.0e+00;
	v11 =	vsel vm9, v54, v59;
	(xrf1) =	vsort.dscd.msk.f32 $0xffff, v23, v26  }
0x310: {  	v51 =	vadd.f32 $1.000000000e+00, v1;
	v57, v62, _ =	vpop (xrf1);
	(xrf1) =	vsort.ascd.msk.f32 $0xffff, v11, v8;
	v11 =	vsel vm10, v53, v61  }
0x311: {  	vm3 =	vge.f32 v27, v28  }
0x312: {  	vm2 =	vge.f32 v22, v28;
	v17 =	vnsel vm3, $0x0, v27;
	v0 =	vld [tilespmem:$0x1FC30];
	(erf) = vrcp.f32 v51;
	v23, v37, _ =	vpop (xrf1)  }
0x313: {  	v19 =	vnsel vm2, $0x0, v22;
	(erf) = vrcp.f32 v21;
	vm11 =	vgt.f32 v9, $0.0e+00;
	(xrf1) =	vsort.dscd.msk.f32 $0xffff, v11, v30;
	v11, v21, _ =	vpop (xrf1)  }
0x314: {  	v22 =	vperm.xlane v38, v36;
	v27 =	vsel vm11, v9, v2;
	vm2 =	vge.f32 v23, v11  }
0x315: {  	(xrf1) =	vsort.ascd.msk.f32 $0xffff, v27, v63;
	v11 =	vsel vm2, v23, v11;
	v21 =	vsel vm2, v37, v21  }
0x316: {  	(xrf1) =	vsort.dscd.msk.f32 $0xffff, v11, v21;
	v11 =	vmax.f32 v22, $0.0e+00  }
0x317: {  	vm1 =	vge.f32 v20, v28;
	[tilespmem:$0x1FF10] =	vst v17;
	vm2 =	vge.f32 v0, v11  }
0x318: {  	[tilespmem:$0x1FF30] =	vst v19;
	v23 =	vadd.f32 v19, v17;
	v17 =	vnsel vm1, $0x0, v20;
	v20 =	vpop (erf);
	v19 =	vnsel vm2, $0x0, v0  }
0x319: {  	[tilespmem:$0x1FF40] =	vst v17;
	v7 =	vmul.f32 v20, v7;
	vm3 =	vge.f32 v43, v11  }
0x31a: {  	v20 =	vnsel vm3, $0x0, v43;
	[tilespmem:$0x1FC70] =	vst v19  }
0x31b: {  	v0 =	vmul.f32 v7, v47;
	[tilespmem:$0x1FC80] =	vst v20;
	v20 =	vadd.f32 v20, v19;
	v19 =	vpop (erf)  }
0x31c: {  	v24 =	vld [tilespmem:$0x1FC20];
	v4 =	vmul.f32 v7, v4;
	[tilespmem:$0x1FCF0] =	vst v19  }
0x31d: {  	v22 =	vperm.xlane v38, v16;
	vm2 =	vge.f32 v60, v11;
	[tilespmem:s16+$0x0] =	vst.add.f32.msk $0xffff, v0;
	v0 =	vmul.f32 v7, v15  }
0x31e: {  	v49 =	vnsel vm2, $0x0, v60;
	v15 =	vmul.f32 v7, v48;
	[tilespmem:s17+$0x0] =	vst.add.f32.msk $0xffff, v4  }
0x31f: {  	vm2 =	vge.f32 v18, v11;
	v11 =	vmax.f32 v22, $0.0e+00;
	v4 =	vadd.f32 v20, v49;
	[tilespmem:s18+$0x0] =	vst.add.f32.msk $0xffff, v0  }
0x320: {  	v41 =	vnsel vm2, $0x0, v18;
	v11 =	vmin.f32 v11, $2.000000000e+01;
	[tilespmem:s19+$0x0] =	vst.add.f32.msk $0xffff, v15  }
0x321: {  	v15 =	vadd.f32 v4, v41;
	v4 =	vadd.f32 v11, v11;
	v11 =	vld [tilespmem:$0x1FD00];
	_ =	sdelay $0x3  }
0x322: {  	v1 =	vadd.f32 $-1.000000000e+00, v1  }
0x323: {  	v5 =	vmax.f32 v5, $0.0e+00;
	v39 =	vpop (erf)  }
0x324: {  	vm1 =	vge.f32 v34, v25;
	v5 =	vmul.f32 v7, v5;
	v1 =	vmul.f32 v39, v1;
	v7 =	vpop (erf)  }
0x325: {  	vm0 =	vge.f32 v24, v28;
	v22 =	vsel vm1, v35, v50;
	vm2 =	vge.f32 v55, v57;
	v0, _, _ =	vpop (xrf2)  }
0x326: {  	v1 =	vmul.f32 v7, v1;
	v0 =	vadd.f32 $9.999999930e-09, v0;
	[tilespmem:v11+s20+$0x0] =	vst.idx.msk $0xff, v5;
	v5 =	vsel vm1, v34, v25  }
0x327: {  	v20 =	vadd.f32 $1.000000000e+00, v19;
	v7, v18, _ =	vpop (xrf1);
	[tilespmem:v11+s21+$0x0] =	vst.idx.msk $0xff, v33;
	(xrf1) =	vsort.dscd.msk.f32 $0xffff, v5, v22;
	v5 =	vsel vm2, v56, v62  }
0x328: {  	v27 =	vimm.s32 $0x7;
	v55 =	vsel vm2, v55, v57;
	v0 =	vbroadcast v0, $0xF;
	v25, v47, _ =	vpop (xrf1);
	v36 =	vld [tilespmem:s11+$0x40]  }
0x329: {  	(erf) = vrcp.f32 v20;
	v20 =	vmul.f32 v1, v6;
	v22, v35, _ =	vpop (xrf1);
	vm1 =	vge.f32 v7, v25;
	v48 =	vld [tilespmem:s11+$0x50]  }
0x32a: {  	s31 =	simm.s32 $0xA00;
	s30 =	simm.s32 $0x500;
	(erf) = vrcp.f32 v0;
	(xrf1) =	vsort.ascd.msk.f32 $0xffff, v55, v5;
	v7 =	vsel vm1, v7, v25;
	v18 =	vsel vm1, v18, v47;
	v5, v6, _ =	vpop (xrf1)  }
0x32b: {  	s12 =	sand.u32 $0x7800, s31;
	s2 =	sand.u32 $0x300, s30;
	(xrf1) =	vsort.dscd.msk.f32 $0xffff, v7, v18;
	v18 =	vmul.f32 v1, v3;
	v3 =	vnsel vm0, $0x0, v24;
	vm2 =	vge.f32 v22, v5  }
0x32c: {  	s2 =	sor.u32 s2, s12;
	[tilespmem:$0x1FF50] =	vst v3;
	v11, v39, _ =	vpop (xrf1);
	v0 =	vsel vm2, v22, v5;
	v5 =	vsel vm2, v35, v6;
	v6 =	vadd.f32 v23, v17  }
0x32d: {  	v58 =	vld [tilespmem:s2+$0x0];
	(xrf1) =	vsort.ascd.msk.f32 $0xffff, v0, v5;
	vm0 =	vgt.f32 v36, $0.0e+00;
	v0 =	vperm.xlane v11, v27  }
0x32e: {  	s1 =	simm.s32 $0x580;
	v60 =	vld [tilespmem:s2+$0x10];
	vm1 =	vgt.f32 v48, $0.0e+00;
	v19 =	vadd.f32 v6, v3;
	v6 =	vperm.xlane v11, v16  }
0x32f: {  	s15 =	sand.u32 $0x380, s1;
	v25 =	vld [tilespmem:s2+$0x20];
	v5 =	vsel vm0, v36, v45;
	v22 =	vsel vm1, v48, v59;
	v0 =	vmax.f32 v0, $0.0e+00  }
0x330: {  	s12 =	sor.u32 s15, s12;
	(xrf2) =	vadd.scan.msk.f32 $0xffff, v15;
	v62 =	vld [tilespmem:s2+$0x30];
	vm0 =	vge.f32 v44, v0;
	vm1 =	vge.f32 v46, v0;
	v6 =	vmax.f32 v6, $0.0e+00  }
0x331: {  	v28 =	vld [tilespmem:s12+$0x0];
	(xrf1) =	vsort.dscd.msk.f32 $0xffff, v5, v26;
	v26 =	vnsel vm0, $0x0, v44;
	v27 =	vnsel vm1, $0x0, v46;
	vm0 =	vge.f32 v14, v0  }
0x332: {  	[tilespmem:s22+$0x0] =	vst.add.f32.msk $0xffff, v20;
	v23 =	vmin.f32 v6, $2.000000000e+01;
	vm1 =	vge.f32 v10, v0;
	v0 =	vlaneseq.u32  }
0x333: {  	(xrf1) =	vsort.ascd.msk.f32 $0xffff, v22, v8;
	v21 =	vnsel vm0, $0x0, v14;
	vm0 =	vgt.f32 v58, $0.0e+00;
	v23 =	vadd.f32 v23, v23  }
0x334: {  	(xrf2) =	vadd.scan.msk.f32 $0xffff, v19;
	v14 =	vnsel vm1, $0x0, v10;
	v57 =	vsel vm0, v58, v45;
	vm0 =	vgt.f32 v60, $0.0e+00  }
0x335: {  	v10 =	vmul.f32 $1.442695020e+00, v23;
	v19 =	vsel vm0, v60, v59;
	(xrf1) =	vsort.dscd.msk.f32 $0xffff, v57, v0;
	vm0 =	vgt.f32 v25, $0.0e+00  }
0x336: {  	v15 =	vld [tilespmem:s12+$0x10];
	v3 =	vpop (erf);
	v23 =	vmul.f32 v1, v31;
	(xrf1) =	vsort.ascd.msk.f32 $0xffff, v19, v8;
	v19 =	vsel vm0, v25, v61;
	vm0 =	vgt.f32 v62, $0.0e+00  }
0x337: {  	[tilespmem:s23+$0x0] =	vst.add.f32.msk $0xffff, v18;
	v31, v34, _ =	vpop (xrf1);
	v20 =	vsel vm0, v62, v2;
	vm0 =	vgt.f32 v28, $0.0e+00;
	(xrf1) =	vsort.dscd.msk.f32 $0xffff, v19, v30  }
0x338: {  	v44, v46, _ =	vpop (xrf1);
	[tilespmem:s24+$0x0] =	vst.add.f32.msk $0xffff, v23;
	v18 =	vsel vm0, v28, v45;
	(xrf1) =	vsort.ascd.msk.f32 $0xffff, v20, v63  }
0x339: {  	v12 =	vmul.f32 v1, v12;
	v32 =	vld [tilespmem:s11+$0x60];
	v22 =	vadd.f32 v27, v26;
	[tilespmem:$0x1FD10] =	vst v3;
	(xrf1) =	vsort.dscd.msk.f32 $0xffff, v18, v0;
	v0 =	vpop (erf)  }
0x33a: {  	[tilespmem:$0x1FD30] =	vst v0  }
0x33b: {  	v22 =	vadd.f32 v22, v21;
	[tilespmem:s25+$0x0] =	vst.add.f32.msk $0xffff, v12  }
0x33c: {  	v0 =	vld [tilespmem:$0x1FC40]  }
0x33d: {  	v22 =	vadd.f32 v22, v14;
	_ =	sdelay $0x3  }
0x33e: {  	v13 =	vmax.f32 v13, $0.0e+00  }
0x33f: {  	v1 =	vmul.f32 v1, v13;
	(xrf2) =	vadd.scan.msk.f32 $0xffff, v22;
	v19, v22, _ =	vpop (xrf1)  }
0x340: {  	vm0 =	vgt.f32 v15, $0.0e+00;
	v20, v33, _ =	vpop (xrf1)  }
0x341: {  	v4 =	vmul.f32 $1.442695020e+00, v4;
	v18 =	vsel vm0, v15, v59;
	v56 =	vld [tilespmem:s12+$0x20];
	vm0 =	vge.f32 v19, v20;
	[tilespmem:v0+s26+$0x0] =	vst.idx.msk $0xff, v1  }
0x342: {  	(xrf1) =	vsort.ascd.msk.f32 $0xffff, v18, v8;
	v18 =	vsel vm0, v19, v20;
	v20 =	vsel vm0, v22, v33;
	v3 =	vld [tilespmem:$0x1FC50]  }
0x343: {  	(erf) = vpow2.f32 v4  }
0x344: {  	(erf) = vpow2.f32 v10;
	v19 =	vld [tilespmem:s12+$0x30];
	_ =	sdelay $0x1  }
0x345: {  	v22 =	vld [tilespmem:s11+$0x70];
	(xrf1) =	vsort.dscd.msk.f32 $0xffff, v18, v20;
	vm0 =	vgt.f32 v56, $0.0e+00;
	v18, v20, _ =	vpop (xrf1)  }
0x346: {  	v33 =	vsel vm0, v56, v61;
	v1, v23, _ =	vpop (xrf1);
	[tilespmem:v0+s28+$0x0] =	vst.idx.msk $0xff, v3  }
0x347: {  	v55, _, _ =	vpop (xrf2);
	vm1 =	vge.f32 v18, v1;
	v51 =	vld [tilespmem:s10+$0x400]  }
0x348: {  	vm2 =	vgt.f32 v19, $0.0e+00;
	v1 =	vsel vm1, v18, v1;
	v18, _, _ =	vpop (xrf2);
	v42 =	vld [tilespmem:s10+$0x410]  }
0x349: {  	v37 =	vmov v59;
	vm0 =	vgt.f32 v32, $0.0e+00;
	(xrf1) =	vsort.dscd.msk.f32 $0xffff, v33, v30;
	v43 =	vsel vm2, v19, v2;
	v33, _, _ =	vpop (xrf2)  }
0x34a: {  	v35 =	vmovc v45;
	vm2 =	vgt.f32 v22, $0.0e+00;
	(xrf1) =	vsort.ascd.msk.f32 $0xffff, v43, v63;
	v43 =	vadd.f32 $9.999999930e-09, v33;
	v33 =	vsel vm0, v32, v61  }
0x34b: {  	v17 =	vmov v61;
	v29 =	vpop (erf);
	v20 =	vsel vm1, v20, v23;
	v23 =	vsel vm2, v22, v2;
	(xrf1) =	vsort.dscd.msk.f32 $0xffff, v33, v30  }
0x34c: {  	v45 =	vlaneseq.u32;
	v3 =	vpop (erf);
	(xrf1) =	vsort.ascd.msk.f32 $0xffff, v23, v63;
	v23 =	vbroadcast v43, $0xF;
	vm1 =	vgt.f32 v51, $0.0e+00  }
0x34d: {  	v57, v59, _ =	vpop (xrf1);
	v50 =	vadd.f32 $1.000000000e+00, v3;
	(xrf1) =	vsort.dscd.msk.f32 $0xffff, v1, v20;
	vm2 =	vgt.f32 v42, $0.0e+00;
	v1 =	vsel vm1, v51, v35  }
0x34e: {  	v5 =	vimm.s32 $0x0;
	vm0 =	vge.f32 v31, v44;
	v47, v61, _ =	vpop (xrf1);
	(xrf1) =	vsort.dscd.msk.f32 $0xffff, v1, v45;
	v1 =	vsel vm2, v42, v37  }
0x34f: {  	v31 =	vsel vm0, v31, v44;
	v20, v44, _ =	vpop (xrf1);
	(erf) = vrcp.f32 v50;
	(xrf1) =	vsort.ascd.msk.f32 $0xffff, v1, v8;
	v1 =	vadd.f32 $1.000000000e+00, v29  }
0x350: {  	v13 =	vimm.s32 $0x7;
	v34 =	vsel vm0, v34, v46;
	(erf) = vrcp.f32 v23;
	v23, v46, _ =	vpop (xrf1)  }
0x351: {  	vm0 =	vge.f32 v57, v47;
	v33 =	vmov v2;
	v0, v2, _ =	vpop (xrf1);
	(erf) = vrcp.f32 v1;
	v1 =	vld [tilespmem:$0x1FF00]  }
0x352: {  	v47 =	vsel vm0, v57, v47;
	v43 =	vsel vm0, v59, v61;
	v59, v61, _ =	vpop (xrf1);
	vm1 =	vge.f32 v20, v23  }
0x353: {  	v50 =	vmov v63;
	v23 =	vsel vm1, v20, v23;
	v44 =	vsel vm1, v44, v46;
	v63, v20, _ =	vpop (xrf1);
	(xrf1) =	vsort.dscd.msk.f32 $0xffff, v47, v43  }
0x354: {  	v3 =	vadd.f32 $-1.000000000e+00, v3;
	vm0 =	vge.f32 v0, v59;
	(xrf1) =	vsort.ascd.msk.f32 $0xffff, v23, v44;
	v23 =	vperm.xlane v63, v13  }
0x355: {  	v4 =	vsel vm0, v0, v59;
	v2 =	vsel vm0, v2, v61;
	v61 =	vadd.f32 $9.999999930e-09, v55  }
0x356: {  	v57 =	vperm.xlane v63, v5;
	v23 =	vmax.f32 v23, $0.0e+00;
	v1 =	vperm.xlane v1, v5  }
0x357: {  	v47 =	vld [tilespmem:s10+$0x420];
	v44 =	vbroadcast v61, $0xF;
	vm0 =	vge.f32 v52, v23;
	vm1 =	vge.f32 v54, v23  }
0x358: {  	v46 =	vld [tilespmem:s10+$0x430];
	v10 =	vnsel vm0, $0x0, v52;
	v52 =	vnsel vm1, $0x0, v54;
	v1 =	vmax.f32 v1, $0.0e+00  }
0x359: {  	v59 =	vpop (erf);
	vm2 =	vge.f32 v53, v23;
	v43 =	vadd.f32 v52, v10;
	v1 =	vmin.f32 v1, $2.000000000e+01  }
0x35a: {  	v61, v6, _ =	vpop (xrf1);
	vm3 =	vge.f32 v9, v23;
	v54 =	vnsel vm2, $0x0, v53;
	v23 =	vadd.f32 v1, v1  }
0x35b: {  	(xrf1) =	vsort.dscd.msk.f32 $0xffff, v4, v2;
	v2 =	vmax.f32 v57, $0.0e+00;
	v7 =	vmul.f32 v59, v3;
	v55 =	vpop (erf);
	v4 =	vadd.f32 v43, v54  }
0x35c: {  	vm0 =	vgt.f32 v47, $0.0e+00;
	v9 =	vnsel vm3, $0x0, v9;
	v53, v5, _ =	vpop (xrf1);
	v23 =	vmul.f32 $1.442695020e+00, v23  }
0x35d: {  	vm1 =	vgt.f32 v46, $0.0e+00;
	v59, v3, _ =	vpop (xrf1);
	v43 =	vsel vm0, v47, v17;
	v4 =	vadd.f32 v4, v9  }
0x35e: {  	v2 =	vmin.f32 v2, $2.000000000e+01;
	vm0 =	vge.f32 v61, v53;
	(xrf1) =	vsort.dscd.msk.f32 $0xffff, v43, v30;
	v43 =	vsel vm1, v46, v33;
	v0, v1, _ =	vpop (xrf1)  }
0x35f: {  	(erf) = vrcp.f32 v44;
	v2 =	vadd.f32 v2, v2;
	v5 =	vsel vm0, v6, v5;
	(xrf1) =	vsort.ascd.msk.f32 $0xffff, v43, v50;
	v57, v12, _ =	vpop (xrf1)  }
0x360: {  	(xrf1) =	vsort.dscd.msk.f32 $0xffff, v31, v34;
	(erf) = vpow2.f32 v23;
	v23, v31, _ =	vpop (xrf1)  }
0x361: {  	v7 =	vmul.f32 v55, v7;
	v2 =	vmul.f32 $1.442695020e+00, v2;
	(xrf2) =	vadd.scan.msk.f32 $0xffff, v4;
	vm1 =	vge.f32 v59, v0;
	v4, v34, _ =	vpop (xrf1)  }
0x362: {  	v44 =	vsel vm0, v61, v53;
	v0 =	vsel vm1, v59, v0;
	v6, v61, _ =	vpop (xrf1)  }
0x363: {  	(xrf1) =	vsort.ascd.msk.f32 $0xffff, v44, v5;
	v1 =	vsel vm1, v3, v1;
	(erf) = vpow2.f32 v2;
	v2 =	vmul.f32 v7, v26;
	v3, v5, _ =	vpop (xrf1)  }
0x364: {  	s31 =	simm.s32 $0xA080;
	(xrf1) =	vsort.ascd.msk.f32 $0xffff, v0, v1;
	v0 =	vmul.f32 v7, v27;
	vm0 =	vge.f32 v6, v3  }
0x365: {  	s30 =	simm.s32 $0xA090;
	[tilespmem:s31+$0x0] =	vst.add.f32.msk $0xffff, v2;
	v1 =	vsel vm0, v6, v3;
	v3 =	vmul.f32 v7, v21  }
0x366: {  	s1 =	simm.s32 $0xA0A0;
	[tilespmem:s30+$0x0] =	vst.add.f32.msk $0xffff, v0;
	v0 =	vmul.f32 v7, v14  }
0x367: {  	s15 =	simm.s32 $0xA0B0;
	[tilespmem:s1+$0x0] =	vst.add.f32.msk $0xffff, v3  }
0x368: {  	[tilespmem:s15+$0x0] =	vst.add.f32.msk $0xffff, v0  }
0x369: {  	v0 =	vld [tilespmem:$0x1FE90];
	_ =	sdelay $0x3  }
0x36a: {  	v2 =	vsel vm0, v61, v5  }
0x36b: {  	(xrf1) =	vsort.dscd.msk.f32 $0xffff, v1, v2;
	v1 =	vmax.f32 v11, $0.0e+00  }
0x36c: {  	v1 =	vmul.f32 v7, v1  }
0x36d: {  	s29 =	simm.s32 $0x8800;
	v3 =	vpop (erf)  }
0x36e: {  	v6 =	vpop (erf);
	[tilespmem:v0+s29+$0x0] =	vst.idx.msk $0xff, v1  }
0x36f: {  	v2 =	vpop (erf);
	[tilespmem:v0+s3+$0x0] =	vst.idx.msk $0xff, v39  }
0x370: {  	[tilespmem:$0x1FE70] =	vst v2  }
0x371: {  	vm0 =	vge.f32 v23, v4;
	v11, v14, _ =	vpop (xrf1);
	v0 =	vadd.f32 $9.999999930e-09, v18;
	v7 =	vld [tilespmem:s14+$0x440]  }
0x372: {  	v4 =	vsel vm0, v23, v4;
	v21, v23, _ =	vpop (xrf1);
	v2 =	vadd.f32 $1.000000000e+00, v2;
	v59 =	vld [tilespmem:s14+$0x450]  }
0x373: {  	v5 =	vpop (erf);
	v0 =	vbroadcast v0, $0xF;
	v55 =	vld [tilespmem:s14+$0x460]  }
0x374: {  	v1, _, _ =	vpop (xrf2);
	v53 =	vld [tilespmem:s14+$0x470];
	(erf) = vrcp.f32 v2;
	v2 =	vadd.f32 $1.000000000e+00, v5  }
0x375: {  	v18 =	vsel vm0, v31, v34;
	(erf) = vrcp.f32 v0;
	v0 =	vadd.f32 $9.999999930e-09, v1;
	v1, v26, _ =	vpop (xrf1)  }
0x376: {  	(xrf1) =	vsort.dscd.msk.f32 $0xffff, v4, v18;
	(erf) = vrcp.f32 v2;
	vm0 =	vge.f32 v21, v1;
	v16, v4, _ =	vpop (xrf1);
	vm1 =	vgt.f32 v7, $0.0e+00  }
0x377: {  	v24 =	vmovc v30;
	v0 =	vbroadcast v0, $0xF;
	[tilespmem:$0x1FC60] =	vst v4;
	vm2 =	vgt.f32 v59, $0.0e+00;
	v2 =	vsel vm1, v7, v35  }
0x378: {  	v1 =	vsel vm0, v21, v1;
	v4, v21, _ =	vpop (xrf1);
	vm1 =	vgt.f32 v55, $0.0e+00;
	(xrf1) =	vsort.dscd.msk.f32 $0xffff, v2, v45;
	v2 =	vsel vm2, v59, v37  }
0x379: {  	v27, v30, _ =	vpop (xrf1);
	(erf) = vrcp.f32 v0;
	vm2 =	vgt.f32 v53, $0.0e+00;
	v0 =	vsel vm1, v55, v17;
	(xrf1) =	vsort.ascd.msk.f32 $0xffff, v2, v8  }
0x37a: {  	v31, v61, _ =	vpop (xrf1);
	(xrf1) =	vsort.dscd.msk.f32 $0xffff, v0, v24;
	v0 =	vsel vm2, v53, v33  }
0x37b: {  	(xrf1) =	vsort.ascd.msk.f32 $0xffff, v0, v50;
	v0 =	vperm.xlane v31, v13  }
0x37c: {  	v2 =	vsel vm0, v23, v26;
	vm0 =	vge.f32 v11, v4  }
0x37d: {  	(xrf1) =	vsort.ascd.msk.f32 $0xffff, v1, v2;
	v1 =	vsel vm0, v11, v4;
	v2 =	vsel vm0, v14, v21  }
0x37e: {  	v18 =	vimm.s32 $0x0;
	(xrf1) =	vsort.dscd.msk.f32 $0xffff, v1, v2;
	v1 =	vmax.f32 v0, $0.0e+00  }
0x37f: {  	v2 =	vperm.xlane v31, v18;
	vm0 =	vge.f32 v58, v1;
	vm1 =	vge.f32 v60, v1;
	v0 =	vpop (erf)  }
0x380: {  	v4 =	vadd.f32 $-1.000000000e+00, v5;
	v5 =	vnsel vm1, $0x0, v60;
	[tilespmem:$0x1FE80] =	vst v0;
	v0 =	vnsel vm0, $0x0, v58  }
0x381: {  	v14 =	vadd.f32 v5, v0  }
0x382: {  	v11 =	vpop (erf)  }
0x383: {  	vm0 =	vge.f32 v25, v1;
	[tilespmem:$0x1FEB0] =	vst v11;
	v11 =	vmax.f32 v2, $0.0e+00;
	v2 =	vpop (erf)  }
0x384: {  	v4 =	vmul.f32 v2, v4;
	v2 =	vnsel vm0, $0x0, v25;
	v11 =	vmin.f32 v11, $2.000000000e+01  }
0x385: {  	vm0 =	vge.f32 v62, v1;
	v1 =	vadd.f32 v14, v2;
	v11 =	vadd.f32 v11, v11;
	v14 =	vpop (erf)  }
0x386: {  	v14 =	vmul.f32 v14, v4;
	v4 =	vnsel vm0, $0x0, v62  }
0x387: {  	v11 =	vmul.f32 $1.442695020e+00, v11;
	v1 =	vadd.f32 v1, v4  }
0x388: {  	v10 =	vmul.f32 v14, v10  }
0x389: {  	[tilespmem:$0x1FED0] =	vst v16;
	vm0 =	vge.f32 v57, v27;
	(xrf2) =	vadd.scan.msk.f32 $0xffff, v1;
	v1 =	vmul.f32 v14, v52  }
0x38a: {  	v26, v25, _ =	vpop (xrf1);
	v12 =	vsel vm0, v12, v30;
	[tilespmem:s22+$0x0] =	vst.add.f32.msk $0xffff, v10;
	v10 =	vmul.f32 v14, v54  }
0x38b: {  	(erf) = vpow2.f32 v11;
	v11, v21, _ =	vpop (xrf1);
	[tilespmem:s23+$0x0] =	vst.add.f32.msk $0xffff, v1;
	v1 =	vmul.f32 v14, v9  }
0x38c: {  	v27 =	vsel vm0, v57, v27;
	v39, v43, _ =	vpop (xrf1)  }
0x38d: {  	v9 =	vmax.f32 v63, $0.0e+00;
	v30, v44, _ =	vpop (xrf1)  }
0x38e: {  	(xrf1) =	vsort.dscd.msk.f32 $0xffff, v27, v12;
	vm0 =	vge.f32 v11, v39;
	[tilespmem:s24+$0x0] =	vst.add.f32.msk $0xffff, v10;
	v9 =	vmul.f32 v14, v9;
	v10, v12, _ =	vpop (xrf1)  }
0x38f: {  	v14 =	vsel vm0, v21, v43;
	[tilespmem:s25+$0x0] =	vst.add.f32.msk $0xffff, v1;
	v27, v21, _ =	vpop (xrf1)  }
0x390: {  	v11 =	vsel vm0, v11, v39;
	[tilespmem:v40+s26+$0x0] =	vst.idx.msk $0xff, v9;
	v13, v1, _ =	vpop (xrf1)  }
0x391: {  	(xrf1) =	vsort.dscd.msk.f32 $0xffff, v11, v14;
	vm0 =	vge.f32 v30, v10;
	[tilespmem:$0x1FDE0] =	vst v1;
	v11 =	vperm.xlane v13, v18  }
0x392: {  	v10 =	vsel vm0, v30, v10;
	v9 =	vsel vm0, v44, v12;
	[tilespmem:v40+s28+$0x0] =	vst.idx.msk $0xff, v20  }
0x393: {  	(xrf1) =	vsort.ascd.msk.f32 $0xffff, v10, v9;
	v14 =	vld [tilespmem:s13+$0x400];
	v10 =	vmax.f32 v11, $0.0e+00  }
0x394: {  	v9 =	vadd.f32 $-1.000000000e+00, v29;
	v52 =	vld [tilespmem:s13+$0x410];
	_ =	sdelay $0x1  }
0x395: {  	v3 =	vmul.f32 v3, v9;
	v9 =	vmin.f32 v10, $2.000000000e+01;
	v10 =	vpop (erf)  }
0x396: {  	v11 =	vadd.f32 $1.000000000e+00, v10  }
0x397: {  	vm0 =	vgt.f32 v14, $0.0e+00  }
0x398: {  	vm1 =	vgt.f32 v52, $0.0e+00;
	(erf) = vrcp.f32 v11;
	v11 =	vsel vm0, v14, v35  }
0x399: {  	v9 =	vadd.f32 v9, v9;
	(xrf1) =	vsort.dscd.msk.f32 $0xffff, v11, v45;
	v11 =	vsel vm1, v52, v37  }
0x39a: {  	(xrf1) =	vsort.ascd.msk.f32 $0xffff, v11, v8;
	v11 =	vld [tilespmem:$0x1FC70]  }
0x39b: {  	v12, _, _ =	vpop (xrf2);
	v9 =	vmul.f32 $1.442695020e+00, v9  }
0x39c: {  	v18 =	vimm.s32 $0x7;
	v3 =	vmul.f32 v6, v3;
	v6 =	vadd.f32 $9.999999930e-09, v12;
	v12 =	vld [tilespmem:$0x1FC80]  }
0x39d: {  	(erf) = vpow2.f32 v9;
	v9 =	vperm.xlane v13, v18;
	_ =	sdelay $0x1  }
0x39e: {  	v9 =	vmax.f32 v9, $0.0e+00;
	v11 =	vmul.f32 v3, v11  }
0x39f: {  	v54 =	vld [tilespmem:s13+$0x420];
	vm1 =	vge.f32 v15, v9  }
0x3a0: {  	v12 =	vmul.f32 v3, v12;
	v39 =	vnsel vm1, $0x0, v15;
	v62, v15, _ =	vpop (xrf1);
	[tilespmem:s31+$0x0] =	vst.add.f32.msk $0xffff, v11  }
0x3a1: {  	v58 =	vld [tilespmem:s13+$0x430];
	v29 =	vmul.f32 v3, v49;
	[tilespmem:$0x1FEA0] =	vst v15  }
0x3a2: {  	v30 =	vmul.f32 v3, v41;
	[tilespmem:s30+$0x0] =	vst.add.f32.msk $0xffff, v12  }
0x3a3: {  	[tilespmem:s1+$0x0] =	vst.add.f32.msk $0xffff, v29  }
0x3a4: {  	v1 =	vimm.s32 $0x0;
	vm0 =	vge.f32 v28, v9;
	[tilespmem:s15+$0x0] =	vst.add.f32.msk $0xffff, v30  }
0x3a5: {  	v23 =	vnsel vm0, $0x0, v28;
	v28 =	vperm.xlane v62, v1;
	v1 =	vld [tilespmem:$0x1FC90]  }
0x3a6: {  	v6 =	vbroadcast v6, $0xF  }
0x3a7: {  	v11 =	vadd.f32 v39, v23  }
0x3a8: {  	(erf) = vrcp.f32 v6;
	v6 =	vmax.f32 v38, $0.0e+00;
	vm1 =	vgt.f32 v54, $0.0e+00  }
0x3a9: {  	v3 =	vmul.f32 v3, v6;
	v6 =	vsel vm1, v54, v17  }
0x3aa: {  	vm0 =	vge.f32 v56, v9  }
0x3ab: {  	v20 =	vnsel vm0, $0x0, v56;
	v12, v15, _ =	vpop (xrf1)  }
0x3ac: {  	vm0 =	vge.f32 v19, v9;
	(xrf1) =	vsort.dscd.msk.f32 $0xffff, v6, v24;
	v9 =	vadd.f32 v11, v20;
	v6, v11, _ =	vpop (xrf1)  }
0x3ad: {  	vm1 =	vgt.f32 v58, $0.0e+00;
	vm2 =	vge.f32 v12, v6;
	[tilespmem:v1+s29+$0x0] =	vst.idx.msk $0xff, v3  }
0x3ae: {  	v29 =	vsel vm1, v58, v33;
	v11 =	vsel vm2, v15, v11;
	v15 =	vld [tilespmem:$0x1FCA0]  }
0x3af: {  	(xrf1) =	vsort.ascd.msk.f32 $0xffff, v29, v50;
	v12 =	vsel vm2, v12, v6;
	v6 =	vnsel vm0, $0x0, v19  }
0x3b0: {  	(xrf1) =	vsort.dscd.msk.f32 $0xffff, v12, v11;
	v9 =	vadd.f32 v9, v6;
	v11 =	vmax.f32 v28, $0.0e+00  }
0x3b1: {  	v10 =	vadd.f32 $-1.000000000e+00, v10;
	v3 =	vmin.f32 v11, $2.000000000e+01;
	v11 =	vperm.xlane v62, v18  }
0x3b2: {  	v12 =	vpop (erf);
	(xrf2) =	vadd.scan.msk.f32 $0xffff, v9  }
0x3b3: {  	v9 =	vmul.f32 v12, v10;
	v3 =	vadd.f32 v3, v3;
	v10 =	vmax.f32 v11, $0.0e+00;
	[tilespmem:v1+s3+$0x0] =	vst.idx.msk $0xff, v15  }
0x3b4: {  	vm0 =	vge.f32 v26, v27;
	v38 =	vpop (erf);
	vm1 =	vge.f32 v36, v10;
	v18 =	vld [tilespmem:s9+$0x440]  }
0x3b5: {  	v12, v19, _ =	vpop (xrf1);
	vm2 =	vge.f32 v48, v10;
	v3 =	vmul.f32 $1.442695020e+00, v3;
	v15 =	vsel vm0, v26, v27;
	v27 =	vld [tilespmem:s9+$0x450]  }
0x3b6: {  	vm3 =	vge.f32 v32, v10;
	vm12 =	vge.f32 v22, v10;
	v10 =	vsel vm0, v25, v21;
	v21, v25, _ =	vpop (xrf1);
	v1 =	vld [tilespmem:s9+$0x460]  }
0x3b7: {  	v11 =	vpop (erf);
	v34 =	vnsel vm1, $0x0, v36;
	v56 =	vnsel vm2, $0x0, v48;
	(erf) = vpow2.f32 v3;
	v3 =	vld [tilespmem:s9+$0x470]  }
0x3b8: {  	v43 =	vnsel vm3, $0x0, v32;
	v26 =	vmul.f32 v11, v9;
	vm0 =	vge.f32 v12, v21  }
0x3b9: {  	v11 =	vsel vm0, v12, v21;
	v12 =	vadd.f32 v56, v34;
	vm1 =	vgt.f32 v18, $0.0e+00  }
0x3ba: {  	(xrf1) =	vsort.dscd.msk.f32 $0xffff, v15, v10;
	v21 =	vadd.f32 $1.000000000e+00, v38;
	vm2 =	vgt.f32 v27, $0.0e+00;
	v10 =	vsel vm1, v18, v35  }
0x3bb: {  	s14 =	simm.s32 $0xA;
	vm1 =	vgt.f32 v1, $0.0e+00;
	(xrf1) =	vsort.dscd.msk.f32 $0xffff, v10, v45;
	v10 =	vadd.f32 v12, v43;
	v12 =	vsel vm2, v27, v37  }
0x3bc: {  	v15 =	vmov s14;
	vm2 =	vgt.f32 v3, $0.0e+00;
	(xrf1) =	vsort.ascd.msk.f32 $0xffff, v12, v8;
	v12 =	vsel vm1, v1, v17  }
0x3bd: {  	[tilespmem:$0x1FCB0] =	vst v18;
	(xrf1) =	vsort.dscd.msk.f32 $0xffff, v12, v24;
	v12 =	vand.u32 $0x7E, v15;
	v15 =	vsel vm2, v3, v33  }
0x3be: {  	[tilespmem:$0x1FCC0] =	vst v27;
	(xrf1) =	vsort.ascd.msk.f32 $0xffff, v15, v50;
	v15 =	vsel vm0, v19, v25;
	v25, v41, _ =	vpop (xrf1)  }
0x3bf: {  	(erf) = vrcp.f32 v21;
	[tilespmem:$0x1FCD0] =	vst v1;
	v21, v48, _ =	vpop (xrf1)  }
0x3c0: {  	[tilespmem:$0x1FCE0] =	vst v3;
	v18 =	vld [tilespmem:$0x1FFF0];
	v27 =	vmov v17;
	(xrf1) =	vsort.dscd.msk.f32 $0xffff, v11, v15;
	v15 =	vmul.f32 v26, v0;
	v17, v1, _ =	vpop (xrf1)  }
0x3c1: {  	v5 =	vmul.f32 v26, v5;
	[tilespmem:$0x1FEC0] =	vst v1  }
0x3c2: {  	v2 =	vmul.f32 v26, v2;
	[tilespmem:s16+$0x0] =	vst.add.f32.msk $0xffff, v15  }
0x3c3: {  	v4 =	vmul.f32 v26, v4;
	v12 =	vbroadcast v12, $0x0;
	[tilespmem:s17+$0x0] =	vst.add.f32.msk $0xffff, v5  }
0x3c4: {  	[tilespmem:s18+$0x0] =	vst.add.f32.msk $0xffff, v2  }
0x3c5: {  	v0 =	vor.u32 v18, v12;
	[tilespmem:s19+$0x0] =	vst.add.f32.msk $0xffff, v4  }
0x3c6: {  	v1 =	vld [tilespmem:$0x1FCF0]  }
0x3c7: {  	v49 =	vimm.s32 $0x0;
	v12 =	vmax.f32 v31, $0.0e+00  }
0x3c8: {  	v12 =	vmul.f32 v26, v12;
	v15 =	vperm.xlane v17, v49;
	_ =	sdelay $0x1  }
0x3c9: {  	v2 =	vmax.f32 v15, $0.0e+00;
	v15 =	vld [tilespmem:$0x1FD00];
	[tilespmem:v0+s20+$0x0] =	vst.idx.msk $0xff, v12  }
0x3ca: {  	[tilespmem:$0x1FD20] =	vst v0;
	v4 =	vadd.f32 $-1.000000000e+00, v1;
	v1 =	vld [tilespmem:$0x1FD10]  }
0x3cb: {  	[tilespmem:v0+s21+$0x0] =	vst.idx.msk $0xff, v61  }
0x3cc: {  	v0 =	vld [tilespmem:$0x1FD30];
	_ =	sdelay $0x1  }
0x3cd: {  	v44 =	vnsel vm12, $0x0, v22  }
0x3ce: {  	v10 =	vadd.f32 v10, v44;
	v4 =	vmul.f32 v1, v4  }
0x3cf: {  	v22, _, _ =	vpop (xrf2)  }
0x3d0: {  	(xrf2) =	vadd.scan.msk.f32 $0xffff, v10;
	v10 =	vadd.f32 $9.999999930e-09, v22;
	v22 =	vmul.f32 v0, v4;
	v0 =	vld [tilespmem:$0x1FD40];
	_ =	sdelay $0x3  }
0x3d1: {  	vm0 =	vge.f32 v25, v21  }
0x3d2: {  	v5 =	vbroadcast v10, $0xF;
	v10 =	vsel vm0, v25, v21;
	v25 =	vmul.f32 v22, v0;
	v0 =	vld [tilespmem:$0x1FD50];
	_ =	sdelay $0x4  }
0x3d3: {  	v2 =	vmin.f32 v2, $2.000000000e+01;
	v26 =	vmul.f32 v22, v0;
	v0 =	vld [tilespmem:$0x1FD60]  }
0x3d4: {  	v2 =	vadd.f32 v2, v2;
	_ =	sdelay $0x1  }
0x3d5: {  	(erf) = vrcp.f32 v5;
	v2 =	vmul.f32 $1.442695020e+00, v2;
	v32 =	vld [tilespmem:s2+$0x40]  }
0x3d6: {  	v5 =	vsel vm0, v41, v48;
	v61 =	vld [tilespmem:s2+$0x60]  }
0x3d7: {  	(xrf1) =	vsort.ascd.msk.f32 $0xffff, v10, v5;
	v5 =	vmul.f32 v22, v0;
	v0 =	vld [tilespmem:$0x1FD70]  }
0x3d8: {  	v21 =	vpop (erf);
	v10 =	vld [tilespmem:s2+$0x50]  }
0x3d9: {  	(erf) = vpow2.f32 v2;
	v2, _, _ =	vpop (xrf2);
	v4 =	vadd.f32 $1.000000000e+00, v21  }
0x3da: {  	v29 =	vimm.s32 $0x7;
	v2 =	vadd.f32 $9.999999930e-09, v2;
	v1 =	vld [tilespmem:s2+$0x70]  }
0x3db: {  	v60 =	vmovc v40;
	vm0 =	vgt.f32 v32, $0.0e+00;
	(erf) = vrcp.f32 v4;
	v4 =	vperm.xlane v17, v29  }
0x3dc: {  	v63 =	vmovc v50;
	v28 =	vmovc v33;
	v49 =	vsel vm0, v32, v35;
	vm0 =	vgt.f32 v61, $0.0e+00;
	v11 =	vmul.f32 v22, v0;
	v0 =	vld [tilespmem:$0x1FD80]  }
0x3dd: {  	v38 =	vadd.f32 $-1.000000000e+00, v38;
	v31 =	vpop (erf);
	vm1 =	vgt.f32 v10, $0.0e+00;
	v57 =	vsel vm0, v61, v27  }
0x3de: {  	v40 =	vpop (erf);
	v2 =	vbroadcast v2, $0xF;
	v50 =	vsel vm1, v10, v37;
	v41 =	vmax.f32 v4, $0.0e+00  }
0x3df: {  	(xrf1) =	vsort.dscd.msk.f32 $0xffff, v49, v45;
	vm2 =	vgt.f32 v1, $0.0e+00;
	vm1 =	vge.f32 v7, v41;
	vm0 =	vge.f32 v59, v41;
	v4, v29, _ =	vpop (xrf1)  }
0x3e0: {  	v45 =	vsel vm2, v1, v28;
	(xrf1) =	vsort.ascd.msk.f32 $0xffff, v50, v8;
	v7 =	vnsel vm1, $0x0, v7;
	v9 =	vnsel vm0, $0x0, v59;
	v48, v49, _ =	vpop (xrf1)  }
0x3e1: {  	vm0 =	vge.f32 v55, v41;
	(xrf1) =	vsort.dscd.msk.f32 $0xffff, v57, v24;
	v50, v57, _ =	vpop (xrf1);
	v36 =	vmax.f32 v0, $0.0e+00;
	v0 =	vadd.f32 v9, v7  }
0x3e2: {  	v59, v3, _ =	vpop (xrf1);
	v36 =	vmul.f32 v22, v36;
	v22 =	vmul.f32 v31, v38;
	v38 =	vnsel vm0, $0x0, v55  }
0x3e3: {  	[tilespmem:$0x1FF60] =	vst v1;
	(xrf1) =	vsort.ascd.msk.f32 $0xffff, v45, v63;
	v45, v1, _ =	vpop (xrf1);
	vm0 =	vge.f32 v53, v41;
	v0 =	vadd.f32 v0, v38  }
0x3e4: {  	v31, v55, _ =	vpop (xrf1);
	v22 =	vmul.f32 v40, v22;
	v40 =	vnsel vm0, $0x0, v53  }
0x3e5: {  	(erf) = vrcp.f32 v2;
	vm1 =	vge.f32 v48, v50;
	v33, v2, _ =	vpop (xrf1);
	v0 =	vadd.f32 v0, v40  }
0x3e6: {  	s15 =	simm.s32 $0xB;
	v19 =	vimm.s32 $0x7;
	v41 =	vsel vm1, v48, v50;
	vm0 =	vge.f32 v31, v33  }
0x3e7: {  	v30 =	vld [tilespmem:$0x1FD90];
	v31 =	vsel vm0, v31, v33;
	(xrf2) =	vadd.scan.msk.f32 $0xffff, v0;
	v0 =	vsel vm1, v49, v57;
	v57 =	vmov s15  }
0x3e8: {  	v2 =	vsel vm0, v55, v2;
	vm0 =	vge.f32 v59, v45;
	v33 =	vld [tilespmem:$0x1FDB0];
	v49 =	vand.u32 $0x7F, v57  }
0x3e9: {  	v55 =	vperm.xlane v16, v19;
	v1 =	vsel vm0, v3, v1;
	(xrf1) =	vsort.dscd.msk.f32 $0xffff, v31, v2;
	v57 =	vld [tilespmem:$0x1FDA0];
	v3 =	vbroadcast v49, $0x0  }
0x3ea: {  	v2 =	vmul.f32 v22, v23;
	(xrf1) =	vsort.dscd.msk.f32 $0xffff, v41, v0;
	v0 =	vadd.f32 $-1.000000000e+00, v21;
	v21 =	vmul.f32 v22, v20;
	v20 =	vld [tilespmem:$0x1FDC0]  }
0x3eb: {  	v23 =	vmul.f32 v22, v39;
	[tilespmem:s0+$0x0] =	vst.add.f32.msk $0xffff, v25;
	v49 =	vpop (erf);
	v12 =	vor.u32 v18, v3  }
0x3ec: {  	v13 =	vmax.f32 v13, $0.0e+00;
	v50 =	vmov v60;
	[tilespmem:s16+$0x0] =	vst.add.f32.msk $0xffff, v2;
	v31 =	vadd.f32 $1.000000000e+00, v49  }
0x3ed: {  	v45 =	vsel vm0, v59, v45;
	v39, v53, _ =	vpop (xrf1);
	v6 =	vmul.f32 v22, v6;
	v48 =	vmax.f32 v55, $0.0e+00;
	[tilespmem:s17+$0x0] =	vst.add.f32.msk $0xffff, v23  }
0x3ee: {  	vm2 =	vge.f32 v30, v48;
	(xrf1) =	vsort.ascd.msk.f32 $0xffff, v45, v1;
	v1 =	vmul.f32 v22, v13;
	v41, v55, _ =	vpop (xrf1);
	[tilespmem:s18+$0x0] =	vst.add.f32.msk $0xffff, v21  }
0x3ef: {  	v25 =	vperm.xlane v4, v19;
	vm0 =	vge.f32 v33, v48;
	[tilespmem:s19+$0x0] =	vst.add.f32.msk $0xffff, v6;
	v59 =	vpop (erf);
	vm3 =	vge.f32 v57, v48  }
0x3f0: {  	v60 =	vimm.s32 $0x0;
	v13, v22, _ =	vpop (xrf1);
	vm1 =	vge.f32 v20, v48;
	v0 =	vmul.f32 v59, v0;
	[tilespmem:v12+s20+$0x0] =	vst.idx.msk $0xff, v1  }
0x3f1: {  	v48 =	vperm.xlane v4, v60;
	v59 =	vmov v4;
	(erf) = vrcp.f32 v31;
	v3, v31, _ =	vpop (xrf1);
	v4 =	vld [tilespmem:$0x1FDE0]  }
0x3f2: {  	vm5 =	vge.f32 v13, v3  }
0x3f3: {  	v3 =	vsel vm5, v13, v3;
	v13 =	vsel vm5, v22, v31;
	v22 =	vmax.f32 v25, $0.0e+00  }
0x3f4: {  	v23 =	vmax.f32 v48, $0.0e+00  }
0x3f5: {  	v23 =	vmin.f32 v23, $2.000000000e+01;
	[tilespmem:$0x1FDD0] =	vst v12;
	v25, _, _ =	vpop (xrf2);
	vm14 =	vge.f32 v51, v22;
	vm15 =	vge.f32 v42, v22  }
0x3f6: {  	v21 =	vadd.f32 $9.999999930e-09, v25;
	vm6 =	vge.f32 v47, v22;
	vm7 =	vge.f32 v46, v22;
	[tilespmem:v12+s21+$0x0] =	vst.idx.msk $0xff, v4;
	v22 =	vpop (erf)  }
0x3f7: {  	vm13 =	vge.f32 v39, v41;
	v6 =	vadd.f32 v23, v23;
	v0 =	vmul.f32 v22, v0;
	v22 =	vld [tilespmem:$0x1FDF0]  }
0x3f8: {  	v2 =	vsel vm13, v39, v41;
	v55 =	vsel vm13, v53, v55;
	v1 =	vbroadcast v21, $0xF;
	v41 =	vld [tilespmem:s12+$0x40]  }
0x3f9: {  	(xrf1) =	vsort.dscd.msk.f32 $0xffff, v2, v55;
	v6 =	vmul.f32 $1.442695020e+00, v6;
	[tilespmem:s4+$0x0] =	vst.add.f32.msk $0xffff, v26  }
0x3fa: {  	(xrf1) =	vsort.ascd.msk.f32 $0xffff, v3, v13;
	v3 =	vnsel vm3, $0x0, v57;
	(erf) = vrcp.f32 v1;
	[tilespmem:s5+$0x0] =	vst.add.f32.msk $0xffff, v5  }
0x3fb: {  	v19 =	vld [tilespmem:s12+$0x50];
	(erf) = vpow2.f32 v6;
	v6 =	vnsel vm2, $0x0, v30;
	[tilespmem:$0x1FE00] =	vst v3  }
0x3fc: {  	[tilespmem:$0x1FE10] =	vst v6;
	v5 =	vadd.f32 v3, v6;
	v6 =	vmul.f32 v0, v34  }
0x3fd: {  	v21 =	vadd.f32 $-1.000000000e+00, v49;
	[tilespmem:s6+$0x0] =	vst.add.f32.msk $0xffff, v11  }
0x3fe: {  	v2 =	vpop (erf);
	[tilespmem:s22+$0x0] =	vst.add.f32.msk $0xffff, v6  }
0x3ff: {  	v23 =	vnsel vm14, $0x0, v51;
	v48 =	vnsel vm15, $0x0, v42;
	v2 =	vmul.f32 v2, v21;
	v21 =	vld [tilespmem:$0x1FE30]  }
0x400: {  	v1 =	vadd.f32 v48, v23  }
0x401: {  	s16 =	simm.s32 $0xC00;
	s20 =	simm.s32 $0x600;
	v53 =	vnsel vm6, $0x0, v47  }
0x402: {  	s9 =	sand.u32 $0x300, s20;
	s21 =	sand.u32 $0x7800, s16;
	v1 =	vadd.f32 v1, v53;
	v3 =	vnsel vm0, $0x0, v33  }
0x403: {  	v16 =	vimm.s32 $0x7;
	v49 =	vnsel vm7, $0x0, v46;
	v12, v42, _ =	vpop (xrf1);
	s14 =	sor.u32 s9, s21;
	[tilespmem:$0x1FE20] =	vst v3  }
0x404: {  	v25 =	vmul.f32 v0, v56;
	v11 =	vadd.f32 v1, v49;
	v1 =	vperm.xlane v12, v16;
	v56 =	vld [tilespmem:s14+$0x0]  }
0x405: {  	v16 =	vnsel vm1, $0x0, v20;
	v5 =	vadd.f32 v5, v3;
	vm0 =	vgt.f32 v41, $0.0e+00  }
0x406: {  	v6 =	vmax.f32 v1, $0.0e+00;
	v1 =	vsel vm0, v41, v35;
	(xrf2) =	vadd.scan.msk.f32 $0xffff, v11;
	v11 =	vperm.xlane v12, v60  }
0x407: {  	vm1 =	vgt.f32 v19, $0.0e+00;
	v57 =	vld [tilespmem:s14+$0x10];
	vm2 =	vge.f32 v14, v6;
	vm3 =	vge.f32 v52, v6;
	[tilespmem:v21+s7+$0x0] =	vst.idx.msk $0xff, v36  }
0x408: {  	v55 =	vld [tilespmem:s14+$0x20];
	vm0 =	vge.f32 v54, v6;
	v30 =	vnsel vm2, $0x0, v14;
	v14 =	vsel vm1, v19, v37;
	[tilespmem:$0x1FE40] =	vst v19  }
0x409: {  	vm1 =	vge.f32 v58, v6;
	v6 =	vnsel vm0, $0x0, v54;
	vm0 =	vgt.f32 v56, $0.0e+00;
	[tilespmem:$0x1FE50] =	vst v16  }
0x40a: {  	v3 =	vlaneseq.u32;
	v13 =	vnsel vm3, $0x0, v52;
	[tilespmem:s23+$0x0] =	vst.add.f32.msk $0xffff, v25;
	v25 =	vsel vm0, v56, v35  }
0x40b: {  	(xrf1) =	vsort.dscd.msk.f32 $0xffff, v1, v3;
	v11 =	vmax.f32 v11, $0.0e+00;
	v31 =	vadd.f32 v13, v30  }
0x40c: {  	v5 =	vadd.f32 v5, v16;
	(xrf1) =	vsort.ascd.msk.f32 $0xffff, v14, v8;
	v11 =	vmin.f32 v11, $2.000000000e+01  }
0x40d: {  	v11 =	vadd.f32 v11, v11;
	v14 =	vadd.f32 v31, v6;
	vm2 =	vgt.f32 v57, $0.0e+00;
	(xrf1) =	vsort.dscd.msk.f32 $0xffff, v25, v3;
	v25 =	vpop (erf)  }
0x40e: {  	v20 =	vmovc v8;
	(xrf2) =	vadd.scan.msk.f32 $0xffff, v5;
	v31 =	vsel vm2, v57, v37;
	vm0 =	vgt.f32 v55, $0.0e+00;
	v2 =	vmul.f32 v25, v2  }
0x40f: {  	(xrf1) =	vsort.ascd.msk.f32 $0xffff, v31, v20;
	v25 =	vsel vm0, v55, v27  }
0x410: {  	v5 =	vnsel vm1, $0x0, v58;
	v11 =	vmul.f32 $1.442695020e+00, v11;
	(xrf1) =	vsort.dscd.msk.f32 $0xffff, v25, v24;
	v25 =	vmul.f32 v2, v7  }
0x411: {  	v14 =	vadd.f32 v14, v5;
	v7 =	vmul.f32 v2, v9  }
0x412: {  	(erf) = vpow2.f32 v11;
	v11 =	vmul.f32 v2, v38;
	[tilespmem:s0+$0x0] =	vst.add.f32.msk $0xffff, v25  }
0x413: {  	(xrf2) =	vadd.scan.msk.f32 $0xffff, v14;
	v14 =	vmul.f32 v0, v43;
	[tilespmem:s4+$0x0] =	vst.add.f32.msk $0xffff, v7  }
0x414: {  	[tilespmem:s5+$0x0] =	vst.add.f32.msk $0xffff, v11;
	v11 =	vmul.f32 v2, v40  }
0x415: {  	[tilespmem:s24+$0x0] =	vst.add.f32.msk $0xffff, v14  }
0x416: {  	v9 =	vmax.f32 v17, $0.0e+00;
	[tilespmem:s6+$0x0] =	vst.add.f32.msk $0xffff, v11  }
0x417: {  	v9 =	vmul.f32 v2, v9;
	v2 =	vld [tilespmem:$0x1FE60];
	_ =	sdelay $0x3  }
0x418: {  	v54 =	vld [tilespmem:s14+$0x30]  }
0x419: {  	[tilespmem:v21+s8+$0x0] =	vst.idx.msk $0xff, v2  }
0x41a: {  	v2 =	vld [tilespmem:$0x1FE70]  }
0x41b: {  	s17 =	simm.s32 $0x680  }
0x41c: {  	s23 =	sand.u32 $0x380, s17  }
0x41d: {  	s9 =	sor.u32 s23, s21;
	vm1 =	vgt.f32 v54, $0.0e+00  }
0x41e: {  	v46 =	vld [tilespmem:s9+$0x0];
	v31 =	vsel vm1, v54, v28  }
0x41f: {  	v34 =	vadd.f32 $-1.000000000e+00, v2;
	v2 =	vld [tilespmem:$0x1FE80]  }
0x420: {  	v47 =	vld [tilespmem:s9+$0x10];
	_ =	sdelay $0x1  }
0x421: {  	(xrf1) =	vsort.ascd.msk.f32 $0xffff, v31, v63;
	v14, v31, _ =	vpop (xrf1)  }
0x422: {  	v18 =	vmov v37;
	v25, v1, _ =	vpop (xrf1)  }
0x423: {  	v8 =	vmov v35;
	vm0 =	vgt.f32 v46, $0.0e+00;
	v7, v58, _ =	vpop (xrf1);
	v34 =	vmul.f32 v2, v34;
	v2 =	vld [tilespmem:$0x1FE90]  }
0x424: {  	v19 =	vlaneseq.u32;
	vm1 =	vgt.f32 v47, $0.0e+00;
	v35 =	vsel vm0, v46, v35;
	v60, v40, _ =	vpop (xrf1)  }
0x425: {  	v43 =	vsel vm1, v47, v18;
	(xrf1) =	vsort.dscd.msk.f32 $0xffff, v35, v19;
	vm0 =	vge.f32 v7, v60  }
0x426: {  	(xrf1) =	vsort.ascd.msk.f32 $0xffff, v43, v20;
	v7 =	vsel vm0, v7, v60;
	v11 =	vsel vm0, v58, v40  }
0x427: {  	v45 =	vmax.f32 v62, $0.0e+00;
	(xrf1) =	vsort.dscd.msk.f32 $0xffff, v7, v11;
	v11 =	vmul.f32 v0, v44  }
0x428: {  	v0 =	vmul.f32 v0, v45  }
0x429: {  	[tilespmem:s25+$0x0] =	vst.add.f32.msk $0xffff, v11  }
0x42a: {  	[tilespmem:v15+s26+$0x0] =	vst.idx.msk $0xff, v0  }
0x42b: {  	[tilespmem:v2+s7+$0x0] =	vst.idx.msk $0xff, v9  }
0x42c: {  	v0 =	vld [tilespmem:$0x1FEA0];
	_ =	sdelay $0x4  }
0x42d: {  	[tilespmem:v15+s28+$0x0] =	vst.idx.msk $0xff, v0  }
0x42e: {  	v0 =	vld [tilespmem:$0x1FEB0];
	_ =	sdelay $0x1  }
0x42f: {  	v4 =	vpop (erf)  }
0x430: {  	v52 =	vld [tilespmem:s9+$0x20];
	v60, v58, _ =	vpop (xrf1)  }
0x431: {  	v51 =	vld [tilespmem:s9+$0x30];
	v45, v62, _ =	vpop (xrf1)  }
0x432: {  	v35, _, _ =	vpop (xrf2);
	vm0 =	vge.f32 v60, v45;
	v16 =	vmul.f32 v0, v34;
	v0 =	vld [tilespmem:$0x1FEC0]  }
0x433: {  	v43 =	vld [tilespmem:s12+$0x60];
	v7, _, _ =	vpop (xrf2);
	v11 =	vsel vm0, v58, v62;
	v9 =	vsel vm0, v60, v45;
	vm0 =	vge.f32 v14, v25  }
0x434: {  	v44 =	vld [tilespmem:s12+$0x70];
	v58, _, _ =	vpop (xrf2);
	v3 =	vsel vm0, v14, v25  }
0x435: {  	v14 =	vsel vm0, v31, v1;
	v25 =	vadd.f32 $9.999999930e-09, v58;
	v31 =	vpop (erf);
	vm0 =	vgt.f32 v52, $0.0e+00  }
0x436: {  	v60 =	vadd.f32 $1.000000000e+00, v31;
	v62 =	vsel vm0, v52, v27;
	v1 =	vld [tilespmem:s11+$0x400]  }
0x437: {  	vm1 =	vgt.f32 v51, $0.0e+00;
	v25 =	vbroadcast v25, $0xF;
	[tilespmem:v2+s8+$0x0] =	vst.idx.msk $0xff, v0;
	v2 =	vld [tilespmem:s11+$0x410]  }
0x438: {  	v37 =	vsel vm1, v51, v28;
	v36, v40, _ =	vpop (xrf1);
	vm0 =	vgt.f32 v43, $0.0e+00;
	(xrf1) =	vsort.dscd.msk.f32 $0xffff, v62, v24;
	(erf) = vrcp.f32 v60  }
0x439: {  	v45, v58, _ =	vpop (xrf1);
	(xrf1) =	vsort.ascd.msk.f32 $0xffff, v37, v63;
	(erf) = vrcp.f32 v25;
	v25 =	vsel vm0, v43, v27;
	vm0 =	vgt.f32 v44, $0.0e+00  }
0x43a: {  	vm1 =	vge.f32 v36, v45;
	v38, v62, _ =	vpop (xrf1);
	(xrf1) =	vsort.dscd.msk.f32 $0xffff, v25, v24;
	v60 =	vsel vm0, v44, v28;
	v0 =	vmov v63  }
0x43b: {  	v17 =	vmov v27;
	v25 =	vsel vm1, v36, v45;
	vm0 =	vgt.f32 v1, $0.0e+00;
	v34, v63, _ =	vpop (xrf1);
	(xrf1) =	vsort.ascd.msk.f32 $0xffff, v60, v0;
	v27 =	vld [tilespmem:$0x1FED0]  }
0x43c: {  	v45 =	vsel vm1, v40, v58;
	(xrf1) =	vsort.dscd.msk.f32 $0xffff, v9, v11;
	v11 =	vsel vm0, v1, v8;
	vm1 =	vgt.f32 v2, $0.0e+00  }
0x43d: {  	v21 =	vld [tilespmem:s11+$0x420];
	[tilespmem:$0x1FEE0] =	vst v1;
	(xrf1) =	vsort.dscd.msk.f32 $0xffff, v11, v19;
	v1 =	vsel vm1, v2, v18  }
0x43e: {  	(xrf1) =	vsort.ascd.msk.f32 $0xffff, v1, v20;
	v1 =	vld [tilespmem:$0x1FF00]  }
0x43f: {  	v33 =	vimm.s32 $0x0  }
0x440: {  	v26 =	vmov v15;
	v15 =	vmov v0;
	v0 =	vperm.xlane v27, v33;
	_ =	sdelay $0x1  }
0x441: {  	vm2 =	vge.f32 v38, v34  }
0x442: {  	v34 =	vsel vm2, v38, v34;
	v38 =	vmax.f32 v1, $0.0e+00;
	v1 =	vld [tilespmem:$0x1FF10]  }
0x443: {  	v58 =	vsel vm2, v62, v63;
	v9 =	vadd.f32 $1.000000000e+00, v4;
	v60, v62, _ =	vpop (xrf1)  }
0x444: {  	v11 =	vmax.f32 v0, $0.0e+00;
	v40, v0, _ =	vpop (xrf1)  }
0x445: {  	(erf) = vrcp.f32 v9;
	(xrf1) =	vsort.dscd.msk.f32 $0xffff, v25, v45;
	vm0 =	vge.f32 v60, v40  }
0x446: {  	v9 =	vmin.f32 v11, $2.000000000e+01;
	(xrf1) =	vsort.ascd.msk.f32 $0xffff, v34, v58;
	v11 =	vsel vm0, v60, v40;
	v0 =	vsel vm0, v62, v0  }
0x447: {  	v35 =	vadd.f32 $9.999999930e-09, v35;
	(xrf1) =	vsort.dscd.msk.f32 $0xffff, v11, v0;
	v11 =	vmul.f32 v16, v1;
	v1 =	vld [tilespmem:$0x1FF30];
	_ =	sdelay $0x1  }
0x448: {  	v25 =	vbroadcast v35, $0xF  }
0x449: {  	vm0 =	vgt.f32 v21, $0.0e+00  }
0x44a: {  	v9 =	vadd.f32 v9, v9;
	(erf) = vrcp.f32 v25;
	v25 =	vsel vm0, v21, v17  }
0x44b: {  	v63, v62, _ =	vpop (xrf1);
	(xrf1) =	vsort.dscd.msk.f32 $0xffff, v25, v24;
	v25 =	vmul.f32 v16, v1;
	v1 =	vld [tilespmem:$0x1FF40]  }
0x44c: {  	[tilespmem:$0x1FEF0] =	vst v2  }
0x44d: {  	v31 =	vadd.f32 $-1.000000000e+00, v31;
	v37 =	vld [tilespmem:s11+$0x430]  }
0x44e: {  	v0 =	vmul.f32 $1.442695020e+00, v9;
	v9 =	vpop (erf)  }
0x44f: {  	v39 =	vimm.s32 $0x7;
	v9 =	vmul.f32 v9, v31  }
0x450: {  	v31 =	vperm.xlane v63, v39;
	v40 =	vmul.f32 v16, v1;
	v1 =	vld [tilespmem:$0x1FF50]  }
0x451: {  	[tilespmem:$0x1FF20] =	vst v21  }
0x452: {  	vm0 =	vgt.f32 v37, $0.0e+00;
	v36 =	vpop (erf);
	(erf) = vpow2.f32 v0;
	v0 =	vmax.f32 v31, $0.0e+00;
	[tilespmem:s0+$0x0] =	vst.add.f32.msk $0xffff, v11  }
0x453: {  	v8 =	vmul.f32 v16, v38;
	v60 =	vsel vm0, v37, v28;
	vm0 =	vge.f32 v32, v0;
	[tilespmem:s4+$0x0] =	vst.add.f32.msk $0xffff, v25  }
0x454: {  	(xrf1) =	vsort.ascd.msk.f32 $0xffff, v60, v15;
	vm1 =	vge.f32 v10, v0;
	v58 =	vnsel vm0, $0x0, v32;
	[tilespmem:s5+$0x0] =	vst.add.f32.msk $0xffff, v40  }
0x455: {  	v31, v38, _ =	vpop (xrf1);
	(xrf1) =	vsort.dscd.msk.f32 $0xffff, v3, v14;
	v60 =	vnsel vm1, $0x0, v10;
	v14 =	vperm.xlane v63, v33;
	v10 =	vld [tilespmem:$0x1FF60];
	v2 =	vmul.f32 v16, v1  }
0x456: {  	v9 =	vmul.f32 v36, v9;
	vm1 =	vge.f32 v61, v0;
	v11 =	vadd.f32 v60, v58;
	v39, v1, _ =	vpop (xrf1)  }
0x457: {  	v25 =	vnsel vm1, $0x0, v61;
	vm0 =	vge.f32 v31, v39;
	[tilespmem:s6+$0x0] =	vst.add.f32.msk $0xffff, v2;
	v2 =	vmax.f32 v14, $0.0e+00  }
0x458: {  	v32 =	vpop (erf);
	v11 =	vadd.f32 v11, v25;
	v3 =	vsel vm0, v31, v39;
	v2 =	vmin.f32 v2, $2.000000000e+01  }
0x459: {  	v15, v16, _ =	vpop (xrf1);
	v1 =	vsel vm0, v38, v1;
	v14 =	vmul.f32 v9, v30;
	v2 =	vadd.f32 v2, v2  }
0x45a: {  	vm0 =	vge.f32 v10, v0;
	[tilespmem:v22+s7+$0x0] =	vst.idx.msk $0xff, v8;
	v8 =	vmul.f32 v9, v13;
	v13 =	vpop (erf)  }
0x45b: {  	s31 =	simm.s32 $0xA080;
	v7 =	vadd.f32 $9.999999930e-09, v7;
	v10 =	vnsel vm0, $0x0, v10;
	v45 =	vpop (erf);
	v2 =	vmul.f32 $1.442695020e+00, v2  }
0x45c: {  	s30 =	simm.s32 $0xA090;
	v6 =	vmul.f32 v9, v6;
	(xrf1) =	vsort.ascd.msk.f32 $0xffff, v3, v1;
	[tilespmem:s31+$0x0] =	vst.add.f32.msk $0xffff, v14;
	v3, v31, _ =	vpop (xrf1);
	v11 =	vadd.f32 v11, v10  }
0x45d: {  	v12 =	vmax.f32 v12, $0.0e+00;
	v19 =	vmax.f32 v59, $0.0e+00;
	v40 =	vmul.f32 v9, v5;
	s31 =	simm.s32 $0xA0A0;
	[tilespmem:s30+$0x0] =	vst.add.f32.msk $0xffff, v8;
	v1, v0, _ =	vpop (xrf1)  }
0x45e: {  	s1 =	simm.s32 $0xA0B0;
	v12 =	vmul.f32 v9, v12;
	vm0 =	vge.f32 v15, v3;
	[tilespmem:s31+$0x0] =	vst.add.f32.msk $0xffff, v6;
	v14, v34, _ =	vpop (xrf1);
	(xrf2) =	vadd.scan.msk.f32 $0xffff, v11  }
0x45f: {  	s30 =	simm.s32 $0xD;
	v9 =	vsel vm0, v15, v3;
	v11 =	vsel vm0, v16, v31;
	[tilespmem:s1+$0x0] =	vst.add.f32.msk $0xffff, v40;
	v3 =	vmax.f32 v27, $0.0e+00;
	v31, v5, _ =	vpop (xrf1)  }
0x460: {  	s29 =	simm.s32 $0x8800;
	v6 =	vmov s30;
	[tilespmem:$0x1FF70] =	vst v3;
	v3 =	vadd.f32 $-1.000000000e+00, v4;
	(erf) = vpow2.f32 v2;
	v4, v2, _ =	vpop (xrf1)  }
0x461: {  	s15 =	simm.s32 $0xC;
	s18 =	simm.s32 $0xE;
	v61 =	vand.u32 $0x7F, v6;
	v6 =	vbroadcast v7, $0xF;
	[tilespmem:v50+s29+$0x0] =	vst.idx.msk $0xff, v12;
	vm0 =	vge.f32 v14, v31;
	v15, v7, _ =	vpop (xrf1)  }
.LBB2_2:
0x462: {  	_ = 	snop  }
0x463: {  	vm1 =	vge.f32 v4, v15  }
0x464: {  	(xrf1) =	vsort.ascd.msk.f32 $0xffff, v9, v11;
	v15 =	vsel vm1, v4, v15;
	v2 =	vsel vm1, v2, v7  }
0x465: {  	v14 =	vsel vm0, v14, v31;
	v7, v8, _ =	vpop (xrf1);
	(xrf1) =	vsort.dscd.msk.f32 $0xffff, v15, v2;
	v2 =	vsel vm0, v34, v5  }
0x466: {  	v4, v5, _ =	vpop (xrf1);
	(xrf1) =	vsort.dscd.msk.f32 $0xffff, v14, v2;
	v2 =	vadd.f32 $-1.000000000e+00, v45;
	_ =	sdelay $0x1  }
0x467: {  	[tilespmem:$0x1FA30] =	vst v2;
	v2 =	vld [tilespmem:$0x1FBC0];
	_ =	sdelay $0x4  }
0x468: {  	[tilespmem:v22+s8+$0x0] =	vst.idx.msk $0xff, v2;
	v2 =	vld [tilespmem:$0x1FBD0];
	_ =	sdelay $0x2  }
0x469: {  	v27 =	vld [tilespmem:$0x1FFF0]  }
0x46a: {  	s20 =	simm.s32 $0x9800;
	v36 =	vld [tilespmem:$0x1FFA0]  }
0x46b: {  	v35 =	vld [tilespmem:$0x1FFC0];
	[tilespmem:v50+s20+$0x0] =	vst.idx.msk $0xff, v42;
	v9 =	vmov v2  }
0x46c: {  	[tilespmem:$0x1FDF0] =	vst v9;
	v9 =	vld [tilespmem:$0x1FC90]  }
0x46d: {  	v12 =	vld [tilespmem:s13+$0x440]  }
0x46e: {  	v16 =	vadd.f32 $1.000000000e+00, v45;
	v38 =	vld [tilespmem:s13+$0x450]  }
0x46f: {  	v28 =	vld [tilespmem:s13+$0x460]  }
0x470: {  	[tilespmem:$0x1FA00] =	vst v37;
	(erf) = vrcp.f32 v16;
	v37 =	vld [tilespmem:s13+$0x470]  }
0x471: {  	v40 =	vbroadcast v61, $0x0;
	s19 =	sadd.s32 $0x1, s18;
	(erf) = vrcp.f32 v6;
	v14 =	vld [tilespmem:$0x1FDD0];
	v6 =	vmov v9  }
0x472: {  	v3 =	vmul.f32 v32, v3;
	v9 =	vld [tilespmem:$0x1FC40];
	[tilespmem:$0x1FBD0] =	vst v6;
	v6 =	vmov s19  }
0x473: {  	v2, v11, _ =	vpop (xrf1);
	[tilespmem:$0x1FA70] =	vst v6;
	v6 =	vor.u32 v27, v40;
	v40 =	vld [tilespmem:$0x1FF80]  }
0x474: {  	v3 =	vmul.f32 v13, v3;
	v45 =	vld [tilespmem:$0x1FF90];
	vm0 =	vge.f32 v4, v2  }
0x475: {  	v15 =	vld [tilespmem:$0x1FFB0];
	v2 =	vsel vm0, v4, v2;
	v4 =	vsel vm0, v5, v11;
	v11, _, _ =	vpop (xrf2)  }
0x476: {  	v24 =	vmul.f32 v3, v23;
	v16 =	vmov v14;
	v14 =	vld [tilespmem:$0x1FFD0];
	v21 =	vadd.f32 $9.999999930e-09, v11  }
0x477: {  	[tilespmem:$0x1FA50] =	vst v50;
	v39 =	vld [tilespmem:$0x1FFE0];
	vm1 =	vgt.f32 v12, $0.0e+00;
	vm0 =	vgt.f32 v38, $0.0e+00;
	v17 =	vmovc v9;
	v9 =	vmov v26  }
0x478: {  	v42 =	vpop (erf);
	v20 =	vbroadcast v21, $0xF;
	[tilespmem:$0x1FC40] =	vst v9;
	v9 =	vlaneseq.u32;
	v13 =	vsel vm1, v12, v40  }
0x479: {  	s30 =	simm.s32 $0xA080;
	v61, v5, _ =	vpop (xrf1);
	v18 =	vsel vm0, v38, v45;
	vm0 =	vgt.f32 v28, $0.0e+00;
	(xrf1) =	vsort.dscd.msk.f32 $0xffff, v13, v9;
	v13 =	vadd.f32 $1.000000000e+00, v42  }
0x47a: {  	[tilespmem:s30+$0x0] =	vst.add.f32.msk $0xffff, v24;
	v24, v33, _ =	vpop (xrf1);
	v50 =	vsel vm0, v28, v15;
	vm0 =	vgt.f32 v37, $0.0e+00;
	(xrf1) =	vsort.ascd.msk.f32 $0xffff, v18, v36  }
0x47b: {  	v11 =	vpop (erf);
	v9 =	vsel vm0, v37, v14;
	vm0 =	vge.f32 v7, v24;
	(xrf1) =	vsort.dscd.msk.f32 $0xffff, v50, v35;
	(erf) = vrcp.f32 v13  }
0x47c: {  	v59 =	vmul.f32 v3, v48;
	v7 =	vsel vm0, v7, v24;
	(xrf1) =	vsort.ascd.msk.f32 $0xffff, v9, v39;
	(erf) = vrcp.f32 v20;
	v20, v24, _ =	vpop (xrf1)  }
0x47d: {  	v8 =	vsel vm0, v8, v33;
	(xrf1) =	vsort.ascd.msk.f32 $0xffff, v2, v4;
	vm0 =	vge.f32 v1, v20  }
0x47e: {  	(xrf1) =	vsort.dscd.msk.f32 $0xffff, v7, v8;
	v1 =	vsel vm0, v1, v20;
	v0 =	vsel vm0, v0, v24  }
0x47f: {  	s31 =	simm.s32 $0xA090;
	[tilespmem:$0x1FD00] =	vst v16;
	v48, v33, _ =	vpop (xrf1);
	(xrf1) =	vsort.dscd.msk.f32 $0xffff, v1, v0;
	v1 =	vld [tilespmem:$0x1FCB0]  }
0x480: {  	v16 =	vimm.s32 $0x7;
	[tilespmem:s31+$0x0] =	vst.add.f32.msk $0xffff, v59  }
0x481: {  	[tilespmem:$0x1FA40] =	vst v11;
	v11 =	vpop (erf);
	v13 =	vmul.f32 v3, v53;
	v4 =	vperm.xlane v61, v16  }
0x482: {  	s1 =	simm.s32 $0xA0A0;
	[tilespmem:$0x1FA80] =	vst v11;
	v2 =	vmul.f32 v3, v49  }
0x483: {  	s0 =	simm.s32 $0xA0B0;
	[tilespmem:s1+$0x0] =	vst.add.f32.msk $0xffff, v13;
	v13 =	vmax.f32 v4, $0.0e+00  }
0x484: {  	v11 =	vimm.s32 $0x0;
	[tilespmem:s0+$0x0] =	vst.add.f32.msk $0xffff, v2;
	vm0 =	vge.f32 v1, v13  }
0x485: {  	v2 =	vperm.xlane v61, v11;
	v32 =	vnsel vm0, $0x0, v1;
	v1 =	vld [tilespmem:$0x1FC60];
	_ =	sdelay $0x1  }
0x486: {  	v2 =	vmax.f32 v2, $0.0e+00  }
0x487: {  	v3 =	vmul.f32 v3, v19;
	v4 =	vld [tilespmem:$0x1FCC0]  }
0x488: {  	s3 =	simm.s32 $0x8800  }
0x489: {  	[tilespmem:v17+s3+$0x0] =	vst.idx.msk $0xff, v3;
	v3 =	vperm.xlane v48, v16;
	v0 =	vmin.f32 v2, $2.000000000e+01;
	v2 =	vmovc v1;
	v1 =	vmov v5  }
0x48a: {  	v31 =	vmov v6;
	v6 =	vadd.f32 $-1.000000000e+00, v42;
	[tilespmem:$0x1FC60] =	vst v1;
	v1 =	vld [tilespmem:$0x1FE00]  }
0x48b: {  	v3 =	vmax.f32 v3, $0.0e+00;
	[tilespmem:$0x1FA20] =	vst v0;
	v0 =	vperm.xlane v48, v11;
	v5 =	vpop (erf)  }
0x48c: {  	v8, v7, _ =	vpop (xrf1);
	vm1 =	vge.f32 v57, v3;
	vm0 =	vge.f32 v4, v13;
	v6 =	vmul.f32 v5, v6  }
0x48d: {  	[tilespmem:v17+s20+$0x0] =	vst.idx.msk $0xff, v29;
	v29 =	vmax.f32 v0, $0.0e+00;
	v20 =	vnsel vm0, $0x0, v4;
	vm0 =	vge.f32 v56, v3;
	v30 =	vpop (erf)  }
0x48e: {  	v4 =	vnsel vm0, $0x0, v56;
	vm0 =	vge.f32 v55, v3;
	v53, v56, _ =	vpop (xrf1);
	v30 =	vmul.f32 v30, v6  }
0x48f: {  	[tilespmem:$0x1FBC0] =	vst v2;
	v2 =	vmov v1;
	v1 =	vnsel vm1, $0x0, v57;
	vm1 =	vge.f32 v54, v3;
	v34, v57, _ =	vpop (xrf1)  }
0x490: {  	v29 =	vmin.f32 v29, $2.000000000e+01;
	v5 =	vnsel vm0, $0x0, v55;
	v6 =	vnsel vm1, $0x0, v54;
	v54, v18, _ =	vpop (xrf1)  }
0x491: {  	v58 =	vmul.f32 v30, v58;
	v3 =	vadd.f32 v1, v4;
	vm0 =	vge.f32 v53, v34;
	v22, v16, _ =	vpop (xrf1)  }
0x492: {  	v53 =	vsel vm0, v53, v34;
	v55 =	vsel vm0, v56, v57;
	vm0 =	vge.f32 v54, v22  }
0x493: {  	s23 =	simm.s32 $0xA040;
	v49 =	vld [tilespmem:s10+$0x440];
	v60 =	vmul.f32 v30, v60;
	v3 =	vadd.f32 v3, v5;
	v16 =	vsel vm0, v18, v16  }
0x494: {  	s24 =	simm.s32 $0xA050;
	v11 =	vimm.s32 $0x7;
	v29 =	vadd.f32 v29, v29;
	[tilespmem:s23+$0x0] =	vst.add.f32.msk $0xffff, v58  }
0x495: {  	[tilespmem:s24+$0x0] =	vst.add.f32.msk $0xffff, v60;
	v34, v24, _ =	vpop (xrf1);
	(xrf1) =	vsort.dscd.msk.f32 $0xffff, v53, v55;
	v22 =	vsel vm0, v54, v22;
	v3 =	vadd.f32 v3, v6  }
0x496: {  	v9 =	vmul.f32 v30, v10;
	v53 =	vld [tilespmem:$0x1FD20];
	v18 =	vmul.f32 v30, v25;
	(xrf1) =	vsort.ascd.msk.f32 $0xffff, v22, v16;
	v22 =	vmax.f32 v63, $0.0e+00;
	v16, v0, _ =	vpop (xrf1)  }
0x497: {  	s25 =	simm.s32 $0xA060;
	(xrf2) =	vadd.scan.msk.f32 $0xffff, v3;
	v3 =	vmul.f32 v30, v22;
	[tilespmem:$0x1FA10] =	vst v0;
	v0 =	vimm.s32 $0x0  }
0x498: {  	[tilespmem:s25+$0x0] =	vst.add.f32.msk $0xffff, v18;
	v18 =	vperm.xlane v16, v11;
	v54 =	vmax.f32 v16, $0.0e+00;
	v22 =	vperm.xlane v16, v0;
	v10, v16, _ =	vpop (xrf1)  }
0x499: {  	v29 =	vmul.f32 $1.442695020e+00, v29;
	[tilespmem:$0x1FA90] =	vst v2;
	v2 =	vmov v49;
	v49 =	vperm.xlane v10, v0;
	v0 =	vld [tilespmem:$0x1FE20];
	_ =	sdelay $0x1  }
0x49a: {  	(erf) = vpow2.f32 v29  }
0x49b: {  	s26 =	simm.s32 $0xA070  }
0x49c: {  	s28 =	simm.s32 $0x8400;
	[tilespmem:s26+$0x0] =	vst.add.f32.msk $0xffff, v9  }
0x49d: {  	[tilespmem:v53+s28+$0x0] =	vst.idx.msk $0xff, v3;
	v3 =	vmov v0;
	v0 =	vld [tilespmem:$0x1FE50];
	_ =	sdelay $0x1  }
0x49e: {  	s29 =	simm.s32 $0x9400;
	vm0 =	vge.f32 v8, v34;
	[tilespmem:$0x1FA60] =	vst v16  }
0x49f: {  	s13 =	smov.u32 s2;
	v8 =	vsel vm0, v8, v34;
	v30 =	vlaneseq.u32;
	v16 =	vperm.xlane v10, v11;
	[tilespmem:v53+s29+$0x0] =	vst.idx.msk $0xff, v62  }
0x4a0: {  	v55 =	vmax.f32 v10, $0.0e+00;
	v10 =	vmax.f32 v18, $0.0e+00;
	v18 =	vmax.f32 v22, $0.0e+00;
	v62 =	vld [tilespmem:s13+$0x400]  }
0x4a1: {  	vm1 =	vge.f32 v46, v10;
	vm2 =	vge.f32 v47, v10;
	vm3 =	vge.f32 v52, v10;
	v9 =	vmovc v0;
	v0 =	vld [tilespmem:$0x1FF70]  }
0x4a2: {  	v57 =	vnsel vm1, $0x0, v46;
	v18 =	vmin.f32 v18, $2.000000000e+01;
	v22 =	vpop (erf);
	[tilespmem:$0x1FAC0] =	vst v3;
	v3 =	vnsel vm2, $0x0, v47;
	v47 =	vld [tilespmem:s13+$0x410]  }
0x4a3: {  	vm1 =	vge.f32 v51, v10;
	v46 =	vld [tilespmem:s13+$0x420];
	v18 =	vadd.f32 v18, v18;
	v23 =	vadd.f32 $1.000000000e+00, v22  }
0x4a4: {  	v56 =	vnsel vm3, $0x0, v52;
	v16 =	vmax.f32 v16, $0.0e+00;
	v26 =	vnsel vm1, $0x0, v51;
	v51 =	vld [tilespmem:s13+$0x430]  }
0x4a5: {  	v18 =	vmul.f32 $1.442695020e+00, v18;
	vm2 =	vge.f32 v41, v16;
	(erf) = vrcp.f32 v23  }
0x4a6: {  	[tilespmem:$0x1FC90] =	vst v17;
	v25 =	vnsel vm2, $0x0, v41;
	v60, _, _ =	vpop (xrf2);
	vm3 =	vgt.f32 v62, $0.0e+00;
	v11 =	vmov v0;
	v0 =	vld [tilespmem:$0x1FE40]  }
0x4a7: {  	v41 =	vadd.f32 $9.999999930e-09, v60;
	[tilespmem:$0x1FAD0] =	vst v9;
	v9 =	vsel vm3, v62, v40;
	vm2 =	vgt.f32 v47, $0.0e+00  }
0x4a8: {  	v10 =	vadd.f32 v3, v57;
	v63 =	vsel vm2, v47, v45;
	vm2 =	vgt.f32 v46, $0.0e+00;
	(xrf1) =	vsort.dscd.msk.f32 $0xffff, v9, v30  }
0x4a9: {  	v34, v21, _ =	vpop (xrf1);
	v41 =	vbroadcast v41, $0xF;
	v23 =	vsel vm2, v46, v15;
	vm2 =	vgt.f32 v51, $0.0e+00;
	(xrf1) =	vsort.ascd.msk.f32 $0xffff, v63, v36  }
0x4aa: {  	(erf) = vpow2.f32 v18;
	v10 =	vadd.f32 v10, v56;
	v58, v17, _ =	vpop (xrf1);
	v19 =	vsel vm2, v51, v14;
	(xrf1) =	vsort.dscd.msk.f32 $0xffff, v23, v35  }
0x4ab: {  	(erf) = vrcp.f32 v41;
	vm2 =	vge.f32 v34, v58;
	(xrf1) =	vsort.ascd.msk.f32 $0xffff, v19, v39;
	vm1 =	vge.f32 v0, v16  }
0x4ac: {  	v50 =	vld [tilespmem:s10+$0x450];
	v18 =	vsel vm2, v34, v58;
	v17 =	vsel vm2, v21, v17;
	[tilespmem:$0x1FAE0] =	vst v11;
	v11 =	vnsel vm1, $0x0, v0  }
0x4ad: {  	v42 =	vld [tilespmem:s10+$0x460];
	(xrf1) =	vsort.dscd.msk.f32 $0xffff, v18, v17;
	vm1 =	vge.f32 v43, v16;
	v18 =	vadd.f32 v11, v25  }
0x4ae: {  	v10 =	vadd.f32 v10, v26;
	v17 =	vmax.f32 v49, $0.0e+00;
	v43 =	vnsel vm1, $0x0, v43  }
0x4af: {  	vm1 =	vge.f32 v44, v16;
	v16 =	vmin.f32 v17, $2.000000000e+01;
	v17 =	vadd.f32 v18, v43  }
0x4b0: {  	v7 =	vsel vm0, v7, v24;
	v44 =	vnsel vm1, $0x0, v44;
	v16 =	vadd.f32 v16, v16  }
0x4b1: {  	v59 =	vld [tilespmem:s10+$0x470];
	v29 =	vmovc v50;
	vm0 =	vgt.f32 v2, $0.0e+00;
	(xrf2) =	vadd.scan.msk.f32 $0xffff, v10;
	v10 =	vadd.f32 v17, v44;
	v17 =	vadd.f32 $-1.000000000e+00, v22  }
0x4b2: {  	vm2 =	vgt.f32 v42, $0.0e+00;
	v19 =	vsel vm0, v2, v40;
	v16 =	vmul.f32 $1.442695020e+00, v16;
	v18 =	vpop (erf)  }
0x4b3: {  	(xrf1) =	vsort.dscd.msk.f32 $0xffff, v8, v7;
	v8 =	vsel vm2, v42, v15;
	vm1 =	vgt.f32 v29, $0.0e+00;
	v17 =	vmul.f32 v18, v17;
	v18 =	vpop (erf)  }
0x4b4: {  	[tilespmem:$0x1FCB0] =	vst v2;
	(erf) = vpow2.f32 v16;
	v16 =	vmov s15;
	v2 =	vadd.f32 $1.000000000e+00, v18;
	v0 =	vpop (erf)  }
0x4b5: {  	[tilespmem:$0x1FCC0] =	vst v29;
	(xrf1) =	vsort.dscd.msk.f32 $0xffff, v19, v30;
	v7 =	vsel vm1, v29, v45;
	v17 =	vmul.f32 v0, v17;
	v0 =	vld [tilespmem:$0x1FCD0]  }
0x4b6: {  	vm0 =	vgt.f32 v59, $0.0e+00;
	v34 =	vadd.f32 v20, v32;
	v19, v22, _ =	vpop (xrf1);
	(xrf1) =	vsort.ascd.msk.f32 $0xffff, v7, v36;
	(erf) = vrcp.f32 v2;
	v2 =	vld [tilespmem:$0x1FCE0]  }
0x4b7: {  	v29 =	vimm.s32 $0x7;
	(xrf2) =	vadd.scan.msk.f32 $0xffff, v10;
	v23 =	vand.u32 $0x7E, v16;
	v21 =	vadd.f32 $-1.000000000e+00, v18;
	v18, v24, _ =	vpop (xrf1)  }
0x4b8: {  	v10 =	vsel vm0, v59, v14;
	v9 =	vbroadcast v23, $0x0;
	(xrf1) =	vsort.dscd.msk.f32 $0xffff, v8, v35;
	v8, v16, _ =	vpop (xrf1);
	v4 =	vmul.f32 v17, v4  }
0x4b9: {  	s10 =	smov.u32 s11;
	v7 =	vimm.s32 $0x0;
	(xrf1) =	vsort.ascd.msk.f32 $0xffff, v10, v39;
	v10 =	vmul.f32 v17, v1;
	v5 =	vmul.f32 v17, v5;
	v60, v63, _ =	vpop (xrf1)  }
0x4ba: {  	s11 =	smov.u32 s12;
	s12 =	smov.u32 s9;
	s9 =	simm.s32 $0xA000;
	[tilespmem:$0x1FAA0] =	vst v32;
	v6 =	vmul.f32 v17, v6;
	vm2 =	vge.f32 v8, v60;
	vm1 =	vge.f32 v0, v13  }
0x4bb: {  	s2 =	smov.u32 s14;
	s14 =	simm.s32 $0xA010;
	[tilespmem:s9+$0x0] =	vst.add.f32.msk $0xffff, v4;
	vm0 =	vge.f32 v2, v13;
	v13 =	vor.u32 v27, v9;
	v9 =	vnsel vm1, $0x0, v0  }
0x4bc: {  	s19 =	simm.s32 $0xA020;
	v1, v52, _ =	vpop (xrf1);
	[tilespmem:s14+$0x0] =	vst.add.f32.msk $0xffff, v10;
	v27 =	vmax.f32 v48, $0.0e+00;
	vm1 =	vge.f32 v19, v18;
	v0 =	vsel vm2, v8, v60  }
0x4bd: {  	s20 =	simm.s32 $0xA030;
	v32, _, _ =	vpop (xrf2);
	[tilespmem:s19+$0x0] =	vst.add.f32.msk $0xffff, v5;
	v18 =	vsel vm1, v19, v18;
	v19 =	vsel vm1, v22, v24;
	v22 =	vperm.xlane v1, v29  }
0x4be: {  	v8 =	vsel vm2, v16, v63;
	[tilespmem:s20+$0x0] =	vst.add.f32.msk $0xffff, v6;
	v6 =	vadd.f32 $9.999999930e-09, v32;
	(xrf1) =	vsort.dscd.msk.f32 $0xffff, v18, v19  }
0x4bf: {  	v5 =	vperm.xlane v1, v7;
	v18 =	vmul.f32 v17, v27;
	(xrf1) =	vsort.ascd.msk.f32 $0xffff, v0, v8;
	v8 =	vmax.f32 v22, $0.0e+00  }
0x4c0: {  	v4 =	vmovc v42;
	v6 =	vbroadcast v6, $0xF;
	vm1 =	vge.f32 v12, v8;
	vm2 =	vge.f32 v38, v8  }
0x4c1: {  	s21 =	simm.s32 $0x8000;
	v16 =	vpop (erf);
	[tilespmem:$0x1FCD0] =	vst v4;
	v4 =	vnsel vm1, $0x0, v12;
	v50 =	vnsel vm2, $0x0, v38;
	v12 =	vmax.f32 v5, $0.0e+00  }
0x4c2: {  	s22 =	simm.s32 $0x9000;
	v10 =	vpop (erf);
	[tilespmem:v13+s21+$0x0] =	vst.idx.msk $0xff, v18;
	vm1 =	vge.f32 v28, v8;
	(erf) = vrcp.f32 v6;
	v18 =	vadd.f32 v50, v4  }
0x4c3: {  	[tilespmem:v13+s22+$0x0] =	vst.idx.msk $0xff, v33;
	v5 =	vnsel vm1, $0x0, v28;
	v12 =	vmin.f32 v12, $2.000000000e+01  }
0x4c4: {  	vm1 =	vge.f32 v37, v8;
	v41 =	vadd.f32 v12, v12;
	v12 =	vld [tilespmem:s2+$0x40];
	v8 =	vadd.f32 v18, v5  }
0x4c5: {  	v17, _, _ =	vpop (xrf2);
	v21 =	vmul.f32 v10, v21;
	v6 =	vnsel vm1, $0x0, v37;
	v10 =	vld [tilespmem:s2+$0x50]  }
0x4c6: {  	[tilespmem:$0x1FE00] =	vst v20;
	v30 =	vlaneseq.u32;
	v17 =	vadd.f32 $9.999999930e-09, v17;
	v19, v0, _ =	vpop (xrf1);
	v32 =	vld [tilespmem:s2+$0x60];
	v37 =	vadd.f32 v8, v6  }
0x4c7: {  	v20 =	vadd.f32 $-1.000000000e+00, v16;
	v16 =	vadd.f32 $1.000000000e+00, v16;
	[tilespmem:$0x1FAB0] =	vst v0;
	v22, v24, _ =	vpop (xrf1);
	v38 =	vld [tilespmem:$0x1FEF0];
	v0 =	vmul.f32 $1.442695020e+00, v41  }
0x4c8: {  	v42 =	vperm.xlane v19, v29;
	v17 =	vbroadcast v17, $0xF;
	v29 =	vmax.f32 v19, $0.0e+00;
	v41, v23, _ =	vpop (xrf1);
	(xrf2) =	vadd.scan.msk.f32 $0xffff, v37;
	v37 =	vld [tilespmem:$0x1FEE0]  }
0x4c9: {  	v19 =	vperm.xlane v19, v7;
	(erf) = vpow2.f32 v0;
	v27, v28, _ =	vpop (xrf1);
	vm2 =	vgt.f32 v12, $0.0e+00  }
0x4ca: {  	(erf) = vrcp.f32 v16;
	v8, v18, _ =	vpop (xrf1);
	v0 =	vsel vm2, v12, v40;
	vm2 =	vgt.f32 v10, $0.0e+00  }
0x4cb: {  	v33 =	vld [tilespmem:s2+$0x70];
	v42 =	vmax.f32 v42, $0.0e+00;
	v7 =	vsel vm2, v10, v45;
	vm2 =	vgt.f32 v32, $0.0e+00;
	v49 =	vpop (erf)  }
0x4cc: {  	[tilespmem:$0x1FAF0] =	vst v29;
	vm4 =	vge.f32 v38, v42;
	(xrf1) =	vsort.dscd.msk.f32 $0xffff, v0, v30;
	v48 =	vsel vm2, v32, v15;
	v16, v29, _ =	vpop (xrf1)  }
0x4cd: {  	(erf) = vrcp.f32 v17;
	v21 =	vmul.f32 v49, v21;
	(xrf1) =	vsort.ascd.msk.f32 $0xffff, v7, v36;
	vm3 =	vge.f32 v37, v42;
	v17, v30, _ =	vpop (xrf1)  }
0x4ce: {  	v7 =	vnsel vm4, $0x0, v38;
	(xrf1) =	vsort.dscd.msk.f32 $0xffff, v48, v35;
	v0 =	vnsel vm3, $0x0, v37;
	vm3 =	vge.f32 v16, v17  }
0x4cf: {  	v48 =	vld [tilespmem:$0x1FF20];
	[tilespmem:$0x1FB00] =	vst v0;
	v49 =	vsel vm3, v29, v30;
	v29 =	vadd.f32 v7, v0;
	v0 =	vmul.f32 v21, v57  }
0x4d0: {  	vm2 =	vgt.f32 v33, $0.0e+00  }
0x4d1: {  	v3 =	vmul.f32 v21, v3;
	v37 =	vsel vm2, v33, v14;
	[tilespmem:s9+$0x0] =	vst.add.f32.msk $0xffff, v0  }
0x4d2: {  	(xrf1) =	vsort.ascd.msk.f32 $0xffff, v37, v39;
	v16 =	vsel vm3, v16, v17;
	v17 =	vpop (erf);
	v0 =	vld [tilespmem:$0x1FA10]  }
0x4d3: {  	(xrf1) =	vsort.dscd.msk.f32 $0xffff, v16, v49;
	v16 =	vmax.f32 v19, $0.0e+00;
	v30 =	vpop (erf);
	[tilespmem:s14+$0x0] =	vst.add.f32.msk $0xffff, v3  }
0x4d4: {  	v19 =	vmul.f32 v21, v56;
	vm2 =	vge.f32 v48, v42;
	v3 =	vmul.f32 v30, v20;
	v30 =	vld [tilespmem:$0x1FA00]  }
0x4d5: {  	v26 =	vmul.f32 v21, v26;
	v56, _, _ =	vpop (xrf2);
	v48 =	vnsel vm2, $0x0, v48  }
0x4d6: {  	v21 =	vmul.f32 v21, v54;
	v37 =	vadd.f32 $9.999999930e-09, v56;
	[tilespmem:s19+$0x0] =	vst.add.f32.msk $0xffff, v19;
	v29 =	vadd.f32 v29, v48  }
0x4d7: {  	v57 =	vadd.f32 $1.000000000e+00, v17;
	[tilespmem:s20+$0x0] =	vst.add.f32.msk $0xffff, v26  }
0x4d8: {  	vm1 =	vge.f32 v22, v41;
	v19 =	vbroadcast v37, $0xF;
	[tilespmem:v31+s21+$0x0] =	vst.idx.msk $0xff, v21  }
0x4d9: {  	v20 =	vpop (erf);
	(erf) = vrcp.f32 v57;
	[tilespmem:v31+s22+$0x0] =	vst.idx.msk $0xff, v0;
	v0 =	vsel vm1, v24, v23;
	vm2 =	vge.f32 v30, v42  }
0x4da: {  	(erf) = vrcp.f32 v19;
	v19 =	vsel vm1, v22, v41;
	v49 =	vnsel vm2, $0x0, v30  }
0x4db: {  	v3 =	vmul.f32 v20, v3;
	v20 =	vadd.f32 v29, v49;
	v24, v29, _ =	vpop (xrf1);
	(xrf1) =	vsort.dscd.msk.f32 $0xffff, v19, v0;
	v0 =	vld [tilespmem:$0x1FA20]  }
0x4dc: {  	v16 =	vmin.f32 v16, $2.000000000e+01  }
0x4dd: {  	v16 =	vadd.f32 v16, v16;
	v41 =	vld [tilespmem:s12+$0x40];
	vm2 =	vge.f32 v27, v8;
	(xrf2) =	vadd.scan.msk.f32 $0xffff, v20  }
0x4de: {  	v26 =	vld [tilespmem:s12+$0x50];
	v8 =	vsel vm2, v27, v8;
	v18 =	vsel vm2, v28, v18;
	v19, v23, _ =	vpop (xrf1)  }
0x4df: {  	v16 =	vmul.f32 $1.442695020e+00, v16;
	v27, v28, _ =	vpop (xrf1);
	(xrf1) =	vsort.ascd.msk.f32 $0xffff, v8, v18;
	v8 =	vld [tilespmem:$0x1FA40]  }
0x4e0: {  	v2 =	vnsel vm0, $0x0, v2;
	v21 =	vmul.f32 v3, v25;
	v30 =	vadd.f32 v0, v0;
	v0 =	vld [tilespmem:$0x1FA30]  }
0x4e1: {  	[tilespmem:$0x1FDD0] =	vst v31;
	v37 =	vmul.f32 v3, v44;
	v44 =	vld [tilespmem:s12+$0x70];
	(erf) = vpow2.f32 v16;
	v16 =	vadd.f32 $-1.000000000e+00, v17  }
0x4e2: {  	s17 =	sadd.s32 $0x100, s17;
	[tilespmem:$0x1FE50] =	vst v2;
	v25 =	vadd.f32 v34, v9;
	v22 =	vmul.f32 v3, v11;
	v20 =	vmul.f32 v3, v43;
	v43 =	vld [tilespmem:s12+$0x60];
	v18 =	vpop (erf)  }
0x4e3: {  	s16 =	sadd.s32 $0x200, s16;
	v58 =	vlaneseq.u32;
	s22 =	sadd.s32 $0xFFFFFF80, s17;
	[tilespmem:s23+$0x0] =	vst.add.f32.msk $0xffff, v21;
	vm0 =	vge.f32 v24, v19;
	v16 =	vmul.f32 v18, v16  }
0x4e4: {  	v60 =	vimm.s32 $0x0;
	s9 =	sand.u32 $0x300, s22;
	v17 =	vadd.f32 v25, v2;
	[tilespmem:s24+$0x0] =	vst.add.f32.msk $0xffff, v22;
	s24 =	sand.u32 $0x7800, s16;
	v19 =	vsel vm0, v24, v19;
	v18 =	vpop (erf)  }
0x4e5: {  	v21 =	vsel vm0, v29, v23;
	[tilespmem:s25+$0x0] =	vst.add.f32.msk $0xffff, v20;
	s14 =	sor.u32 s9, s24;
	v16 =	vmul.f32 v18, v16;
	v31 =	vmul.f32 v8, v0;
	v8, v11, _ =	vpop (xrf1)  }
0x4e6: {  	v3 =	vmul.f32 v3, v55;
	vm2 =	vgt.f32 v41, $0.0e+00;
	v56 =	vld [tilespmem:s14+$0x0];
	vm1 =	vge.f32 v27, v8;
	v2, v42, _ =	vpop (xrf1);
	(xrf1) =	vsort.dscd.msk.f32 $0xffff, v19, v21  }
0x4e7: {  	v57 =	vld [tilespmem:s14+$0x10];
	v4 =	vmul.f32 v16, v4;
	v8 =	vsel vm1, v27, v8;
	v11 =	vsel vm1, v28, v11;
	v19, _, _ =	vpop (xrf2);
	(xrf2) =	vadd.scan.msk.f32 $0xffff, v17  }
0x4e8: {  	vm3 =	vgt.f32 v26, $0.0e+00;
	v55 =	vld [tilespmem:s14+$0x20];
	v18 =	vperm.xlane v2, v60;
	(xrf1) =	vsort.ascd.msk.f32 $0xffff, v8, v11;
	v11 =	vsel vm2, v41, v40  }
0x4e9: {  	v63 =	vimm.s32 $0x7;
	s25 =	simm.s32 $0xA0C0;
	v54 =	vld [tilespmem:s14+$0x30];
	v0 =	vmax.f32 v61, $0.0e+00;
	v17 =	vsel vm3, v26, v45;
	(xrf1) =	vsort.dscd.msk.f32 $0xffff, v11, v58  }
0x4ea: {  	[tilespmem:s25+$0x0] =	vst.add.f32.msk $0xffff, v4;
	v8 =	vperm.xlane v2, v63;
	(xrf1) =	vsort.ascd.msk.f32 $0xffff, v17, v36;
	v17 =	vmax.f32 v18, $0.0e+00  }
0x4eb: {  	v4 =	vmul.f32 v16, v5;
	v5 =	vmul.f32 v16, v6;
	v6 =	vmin.f32 v17, $2.000000000e+01;
	v17 =	vld [tilespmem:$0x1FA50]  }
0x4ec: {  	[tilespmem:$0x1FE20] =	vst v9;
	v8 =	vmax.f32 v8, $0.0e+00  }
0x4ed: {  	[tilespmem:$0x1FB10] =	vst v48;
	vm2 =	vge.f32 v62, v8  }
0x4ee: {  	[tilespmem:$0x1FF70] =	vst v0;
	v0 =	vmovc v59;
	v18 =	vmul.f32 v16, v50;
	v11 =	vnsel vm2, $0x0, v62;
	vm2 =	vge.f32 v47, v8  }
0x4ef: {  	v48 =	vld [tilespmem:$0x1FD00];
	[tilespmem:$0x1FCE0] =	vst v0;
	v38 =	vnsel vm2, $0x0, v47  }
0x4f0: {  	v1 =	vmax.f32 v1, $0.0e+00;
	[tilespmem:s4+$0x0] =	vst.add.f32.msk $0xffff, v18;
	vm2 =	vge.f32 v46, v8;
	v0 =	vadd.f32 v38, v11  }
0x4f1: {  	s23 =	sand.u32 $0x380, s17;
	v1 =	vmul.f32 v16, v1;
	vm3 =	vgt.f32 v56, $0.0e+00;
	[tilespmem:s5+$0x0] =	vst.add.f32.msk $0xffff, v4;
	v4 =	vnsel vm2, $0x0, v46  }
0x4f2: {  	s9 =	sor.u32 s23, s24;
	v6 =	vadd.f32 v6, v6;
	vm2 =	vge.f32 v51, v8;
	[tilespmem:s6+$0x0] =	vst.add.f32.msk $0xffff, v5;
	v0 =	vadd.f32 v0, v4  }
0x4f3: {  	v25 =	vlaneseq.u32;
	v8, v16, _ =	vpop (xrf1);
	v46 =	vld [tilespmem:s9+$0x0];
	v5 =	vnsel vm2, $0x0, v51;
	[tilespmem:v17+s7+$0x0] =	vst.idx.msk $0xff, v1;
	v1 =	vsel vm3, v56, v40  }
0x4f4: {  	v47 =	vld [tilespmem:s9+$0x10];
	v0 =	vadd.f32 v0, v5;
	[tilespmem:v17+s8+$0x0] =	vst.idx.msk $0xff, v52;
	v17, v18, _ =	vpop (xrf1);
	(xrf1) =	vsort.dscd.msk.f32 $0xffff, v1, v25;
	v1 =	vmul.f32 $1.442695020e+00, v6  }
0x4f5: {  	[tilespmem:$0x1FE40] =	vst v26;
	vm0 =	vgt.f32 v43, $0.0e+00;
	vm3 =	vgt.f32 v57, $0.0e+00  }
0x4f6: {  	vm1 =	vgt.f32 v44, $0.0e+00;
	vm2 =	vgt.f32 v55, $0.0e+00;
	v22, _, _ =	vpop (xrf2);
	v21 =	vsel vm3, v57, v45;
	v52 =	vld [tilespmem:s9+$0x20];
	(xrf2) =	vadd.scan.msk.f32 $0xffff, v0  }
0x4f7: {  	v20 =	vpop (erf);
	v9 =	vsel vm2, v55, v15;
	v6 =	vsel vm0, v43, v15;
	vm0 =	vgt.f32 v54, $0.0e+00;
	(xrf1) =	vsort.ascd.msk.f32 $0xffff, v21, v36  }
0x4f8: {  	v26 =	vsel vm0, v54, v14;
	vm0 =	vgt.f32 v46, $0.0e+00;
	(erf) = vpow2.f32 v1;
	(xrf1) =	vsort.dscd.msk.f32 $0xffff, v9, v35;
	v1, v23, _ =	vpop (xrf1)  }
0x4f9: {  	v51 =	vld [tilespmem:s9+$0x30];
	v21 =	vsel vm1, v44, v14;
	v24 =	vsel vm0, v46, v40;
	vm0 =	vgt.f32 v47, $0.0e+00;
	(xrf1) =	vsort.ascd.msk.f32 $0xffff, v26, v39;
	v0, v27, _ =	vpop (xrf1)  }
0x4fa: {  	[tilespmem:s26+$0x0] =	vst.add.f32.msk $0xffff, v37;
	v26 =	vsel vm0, v47, v45;
	(xrf1) =	vsort.dscd.msk.f32 $0xffff, v24, v25;
	vm1 =	vge.f32 v1, v0  }
0x4fb: {  	vm0 =	vgt.f32 v52, $0.0e+00;
	(xrf1) =	vsort.ascd.msk.f32 $0xffff, v26, v36;
	v28 =	vsel vm1, v1, v0;
	v25 =	vsel vm1, v23, v27  }
0x4fc: {  	[tilespmem:v48+s28+$0x0] =	vst.idx.msk $0xff, v3;
	v24 =	vsel vm0, v52, v15;
	v3, v23, _ =	vpop (xrf1);
	(xrf1) =	vsort.dscd.msk.f32 $0xffff, v28, v25  }
0x4fd: {  	v0, v1, _ =	vpop (xrf1);
	(xrf1) =	vsort.dscd.msk.f32 $0xffff, v24, v35;
	v24 =	vld [tilespmem:$0x1FA60];
	_ =	sdelay $0x1  }
0x4fe: {  	vm2 =	vgt.f32 v51, $0.0e+00  }
0x4ff: {  	v27 =	vsel vm2, v51, v14  }
0x500: {  	v26 =	vmov v48;
	(xrf1) =	vsort.ascd.msk.f32 $0xffff, v27, v39  }
0x501: {  	vm0 =	vge.f32 v3, v0;
	(xrf1) =	vsort.dscd.msk.f32 $0xffff, v6, v35;
	[tilespmem:v48+s29+$0x0] =	vst.idx.msk $0xff, v24;
	v48 =	vmov v7;
	v7 =	vld [tilespmem:$0x1FA70]  }
0x502: {  	v0 =	vsel vm0, v3, v0;
	v1 =	vsel vm0, v23, v1;
	(xrf1) =	vsort.ascd.msk.f32 $0xffff, v21, v39  }
0x503: {  	v6 =	vadd.f32 $9.999999930e-09, v22;
	v21, v22, _ =	vpop (xrf1);
	(xrf1) =	vsort.dscd.msk.f32 $0xffff, v0, v1;
	v0 =	vld [tilespmem:$0x1FE10]  }
0x504: {  	v25 =	vld [tilespmem:s11+$0x400]  }
0x505: {  	v19 =	vadd.f32 $9.999999930e-09, v19;
	v3 =	vadd.f32 $-1.000000000e+00, v20;
	v28 =	vld [tilespmem:s11+$0x410]  }
0x506: {  	vm0 =	vge.f32 v8, v17;
	v23 =	vmov v13;
	v13 =	vpop (erf);
	v61 =	vand.u32 $0x7F, v7;
	v7 =	vld [tilespmem:$0x1FA80]  }
0x507: {  	v8 =	vsel vm0, v8, v17;
	v16 =	vsel vm0, v16, v18;
	v17, _, _ =	vpop (xrf2);
	v18 =	vadd.f32 $1.000000000e+00, v13;
	v1 =	vld [tilespmem:$0x1FA90]  }
0x508: {  	v17 =	vadd.f32 $9.999999930e-09, v17;
	v24 =	vadd.f32 $1.000000000e+00, v20;
	v20 =	vmul.f32 $1.442695020e+00, v30;
	v30 =	vld [tilespmem:s11+$0x420]  }
0x509: {  	v19 =	vbroadcast v19, $0xF;
	v37 =	vld [tilespmem:s11+$0x430]  }
0x50a: {  	v9 =	vlaneseq.u32;
	v63 =	vbroadcast v17, $0xF;
	(erf) = vrcp.f32 v18  }
0x50b: {  	[tilespmem:$0x1FD20] =	vst v23;
	vm0 =	vgt.f32 v25, $0.0e+00;
	vm1 =	vgt.f32 v28, $0.0e+00;
	v7 =	vmul.f32 v7, v31  }
0x50c: {  	(erf) = vrcp.f32 v63;
	[tilespmem:$0x1FEF0] =	vst v28;
	v28 =	vsel vm1, v28, v45;
	v31 =	vsel vm0, v25, v40  }
0x50d: {  	v23, v27, _ =	vpop (xrf1);
	[tilespmem:$0x1FF20] =	vst v30;
	vm0 =	vgt.f32 v30, $0.0e+00;
	v62 =	vmul.f32 v7, v0;
	v1 =	vmul.f32 v7, v1  }
0x50e: {  	vm1 =	vge.f32 v21, v23;
	v30 =	vsel vm0, v30, v15;
	vm0 =	vgt.f32 v37, $0.0e+00;
	v0, v29, _ =	vpop (xrf1);
	(xrf1) =	vsort.dscd.msk.f32 $0xffff, v31, v9  }
0x50f: {  	v9 =	vsel vm1, v21, v23;
	v21 =	vsel vm1, v22, v27;
	v17, v18, _ =	vpop (xrf1);
	(xrf1) =	vsort.ascd.msk.f32 $0xffff, v28, v36;
	[tilespmem:s25+$0x0] =	vst.add.f32.msk $0xffff, v62  }
0x510: {  	v31 =	vsel vm0, v37, v14;
	vm0 =	vge.f32 v0, v17;
	v22, v23, _ =	vpop (xrf1);
	(xrf1) =	vsort.dscd.msk.f32 $0xffff, v9, v21;
	v9 =	vld [tilespmem:$0x1FAD0]  }
0x511: {  	[tilespmem:s4+$0x0] =	vst.add.f32.msk $0xffff, v1;
	v0 =	vsel vm0, v0, v17;
	v17 =	vsel vm0, v29, v18;
	v1, v18, _ =	vpop (xrf1)  }
0x512: {  	(erf) = vrcp.f32 v24;
	[tilespmem:$0x1FEE0] =	vst v25;
	v25 =	vld [tilespmem:$0x1FAA0];
	vm0 =	vge.f32 v22, v1;
	v63, v62, _ =	vpop (xrf1)  }
0x513: {  	v34 =	vimm.s32 $0x7;
	(erf) = vrcp.f32 v19;
	(xrf1) =	vsort.ascd.msk.f32 $0xffff, v0, v17;
	v0 =	vld [tilespmem:$0x1FAC0];
	v17 =	vsel vm0, v23, v18;
	v18, v19, _ =	vpop (xrf1)  }
0x514: {  	v1 =	vsel vm0, v22, v1;
	v14 =	vperm.xlane v63, v34;
	v22, v23, _ =	vpop (xrf1)  }
0x515: {  	(xrf1) =	vsort.dscd.msk.f32 $0xffff, v1, v17;
	v1 =	vadd.f32 $-1.000000000e+00, v13;
	v13 =	vmul.f32 v7, v9;
	v9 =	vld [tilespmem:$0x1FAE0];
	vm0 =	vge.f32 v18, v22  }
0x516: {  	v21 =	vpop (erf);
	(erf) = vpow2.f32 v20;
	v17 =	vmax.f32 v14, $0.0e+00;
	v18 =	vsel vm0, v18, v22;
	v22 =	vld [tilespmem:$0x1FDF0]  }
0x517: {  	v60 =	vimm.s32 $0x0;
	v25 =	vmovc v25;
	vm1 =	vge.f32 v12, v17;
	v28 =	vmul.f32 v21, v1  }
0x518: {  	v0 =	vmul.f32 v7, v0;
	v58 =	vnsel vm1, $0x0, v12;
	v12 =	vpop (erf);
	vm1 =	vge.f32 v32, v17  }
0x519: {  	v50 =	vmovc v53;
	[tilespmem:$0x1FE10] =	vst v25;
	vm2 =	vge.f32 v10, v17;
	v12 =	vmul.f32 v12, v28;
	v25 =	vnsel vm1, $0x0, v32  }
0x51a: {  	v53 =	vld [tilespmem:$0x1FB10];
	(xrf1) =	vsort.dscd.msk.f32 $0xffff, v30, v35;
	v20, v24, _ =	vpop (xrf1);
	v7 =	vmul.f32 v7, v9;
	v9 =	vperm.xlane v63, v60;
	v60 =	vnsel vm2, $0x0, v10  }
0x51b: {  	v21, v27, _ =	vpop (xrf1);
	[tilespmem:s5+$0x0] =	vst.add.f32.msk $0xffff, v0;
	vm1 =	vge.f32 v33, v17;
	v15 =	vadd.f32 v60, v58;
	v11 =	vmul.f32 v12, v11  }
0x51c: {  	(xrf1) =	vsort.ascd.msk.f32 $0xffff, v31, v39;
	v32 =	vpop (erf);
	[tilespmem:s6+$0x0] =	vst.add.f32.msk $0xffff, v13;
	v10 =	vnsel vm1, $0x0, v33  }
0x51d: {  	v14 =	vmax.f32 v9, $0.0e+00;
	v1, v0, _ =	vpop (xrf1);
	(xrf1) =	vsort.dscd.msk.f32 $0xffff, v8, v16;
	v8 =	vadd.f32 v15, v25;
	[tilespmem:s30+$0x0] =	vst.add.f32.msk $0xffff, v11  }
0x51e: {  	p0 =	slt.u32 s18, $0x7E;
	v29 =	vld [tilespmem:$0x1FAB0];
	v13 =	vpop (erf);
	v9 =	vmin.f32 v14, $2.000000000e+01;
	v15 =	vmul.f32 v12, v38;
	[tilespmem:v22+s7+$0x0] =	vst.idx.msk $0xff, v7;
	v7 =	vmul.f32 v12, v4  }
.Ltmp0:
0x51f: {  	v45 =	vpop (erf);
	v16 =	vadd.f32 v8, v10;
	v8 =	vadd.f32 v9, v9;
	v9 =	vsel vm0, v19, v23;
	v19 =	vld [tilespmem:$0x1FAF0];
	(pc) =	sbr.rel @p0 .LBB2_2-.Ltmp0, $4  }
0x520: {  	v6 =	vbroadcast v6, $0xF;
	v11 =	vmul.f32 v12, v5;
	v14, v34, _ =	vpop (xrf1);
	[tilespmem:s31+$0x0] =	vst.add.f32.msk $0xffff, v15;
	v15 =	vmax.f32 v2, $0.0e+00  }
0x521: {  	v31, v5, _ =	vpop (xrf1);
	v12 =	vmul.f32 v12, v15;
	v8 =	vmul.f32 $1.442695020e+00, v8;
	(xrf2) =	vadd.scan.msk.f32 $0xffff, v16;
	[tilespmem:s1+$0x0] =	vst.add.f32.msk $0xffff, v7  }
0x522: {  	vm1 =	vge.f32 v20, v21;
	v4, v2, _ =	vpop (xrf1);
	(xrf1) =	vsort.ascd.msk.f32 $0xffff, v18, v9;
	vm0 =	vge.f32 v14, v31;
	[tilespmem:s0+$0x0] =	vst.add.f32.msk $0xffff, v11  }
0x523: {  	s15 =	smov.u32 s18;
	s18 =	sadd.s32 $0x2, s18;
	v23 =	vld [tilespmem:$0x1FB00];
	v9 =	vsel vm1, v20, v21;
	v11 =	vsel vm1, v24, v27;
	(erf) = vpow2.f32 v8;
	[tilespmem:v50+s3+$0x0] =	vst.idx.msk $0xff, v12;
	v15, v7, _ =	vpop (xrf1)  }
0x524: {  	_ =	sdelay $0x2  }
0x525: {  	s3 =	simm.s32 $0x9800  }
0x526: {  	[tilespmem:v50+s3+$0x0] =	vst.idx.msk $0xff, v42  }
0x527: {  	vm1 =	vge.f32 v4, v15;
	v12 =	vld [tilespmem:s13+$0x440]  }
0x528: {  	v59 =	vadd.f32 $1.000000000e+00, v45;
	v4 =	vsel vm1, v4, v15;
	v15 =	vld [tilespmem:s13+$0x450]  }
0x529: {  	(xrf1) =	vsort.ascd.msk.f32 $0xffff, v9, v11;
	v11 =	vld [tilespmem:s13+$0x460]  }
0x52a: {  	v8 =	vsel vm0, v14, v31;
	(erf) = vrcp.f32 v59;
	v40 =	vld [tilespmem:$0x1FF80]  }
0x52b: {  	v33 =	vld [tilespmem:$0x1FFB0]  }
0x52c: {  	v2 =	vsel vm1, v2, v7;
	v59 =	vld [tilespmem:$0x1FF90]  }
0x52d: {  	v5 =	vsel vm0, v34, v5;
	(xrf1) =	vsort.dscd.msk.f32 $0xffff, v4, v2;
	v34 =	vld [tilespmem:$0x1FFA0]  }
0x52e: {  	v36 =	vld [tilespmem:$0x1FFC0];
	(xrf1) =	vsort.dscd.msk.f32 $0xffff, v8, v5;
	(erf) = vrcp.f32 v6;
	v27, v8, _ =	vpop (xrf1)  }
0x52f: {  	v18 =	vlaneseq.u32;
	v30, v31, _ =	vpop (xrf1);
	vm13 =	vgt.f32 v12, $0.0e+00;
	vm15 =	vgt.f32 v11, $0.0e+00  }
0x530: {  	v9 =	vld [tilespmem:s13+$0x470];
	v14, _, _ =	vpop (xrf2);
	vm14 =	vgt.f32 v15, $0.0e+00;
	v16 =	vsel vm13, v12, v40;
	v21 =	vsel vm15, v11, v33  }
0x531: {  	v5 =	vpop (erf);
	v17 =	vsel vm14, v15, v59;
	(xrf1) =	vsort.dscd.msk.f32 $0xffff, v16, v18  }
0x532: {  	v39 =	vld [tilespmem:$0x1FFD0];
	v42, v35, _ =	vpop (xrf1);
	v2 =	vadd.f32 $9.999999930e-09, v14;
	v20 =	vadd.f32 $1.000000000e+00, v5;
	(xrf1) =	vsort.ascd.msk.f32 $0xffff, v17, v34  }
0x533: {  	v3 =	vmul.f32 v32, v3;
	v38 =	vld [tilespmem:$0x1FFE0];
	(xrf1) =	vsort.dscd.msk.f32 $0xffff, v21, v36;
	v21 =	vpop (erf)  }
0x534: {  	[tilespmem:$0x1FA50] =	vst v50;
	v2 =	vbroadcast v2, $0xF;
	(erf) = vrcp.f32 v20;
	v17, v16, _ =	vpop (xrf1)  }
0x535: {  	v3 =	vmul.f32 v13, v3;
	vm4 =	vgt.f32 v9, $0.0e+00;
	vm5 =	vge.f32 v30, v42;
	[tilespmem:$0x1F8C0] =	vst v21;
	v7, v14, _ =	vpop (xrf1)  }
0x536: {  	(erf) = vrcp.f32 v2;
	v2 =	vsel vm5, v30, v42;
	[tilespmem:$0x1F9B0] =	vst v17;
	vm6 =	vge.f32 v27, v7  }
0x537: {  	v13 =	vmul.f32 v3, v23;
	v28 =	vsel vm4, v9, v39;
	[tilespmem:$0x1F9E0] =	vst v16;
	v6 =	vsel vm6, v27, v7;
	v27 =	vpop (erf)  }
0x538: {  	s25 =	simm.s32 $0xA080;
	v23 =	vmul.f32 v3, v48;
	v20 =	vsel vm5, v31, v35;
	(xrf1) =	vsort.ascd.msk.f32 $0xffff, v28, v38;
	[tilespmem:$0x1F920] =	vst v27  }
0x539: {  	s26 =	simm.s32 $0xA090;
	v31 =	vmul.f32 v3, v53;
	(xrf1) =	vsort.ascd.msk.f32 $0xffff, v2, v20;
	v2, v4, _ =	vpop (xrf1);
	[tilespmem:s25+$0x0] =	vst.add.f32.msk $0xffff, v13  }
0x53a: {  	s28 =	simm.s32 $0xA0A0;
	v32 =	vmul.f32 v3, v49;
	vm7 =	vge.f32 v1, v2;
	[tilespmem:s26+$0x0] =	vst.add.f32.msk $0xffff, v23  }
0x53b: {  	s1 =	simm.s32 $0xA0B0;
	v28 =	vimm.s32 $0x7;
	v1 =	vsel vm7, v1, v2;
	v7, v2, _ =	vpop (xrf1);
	[tilespmem:s28+$0x0] =	vst.add.f32.msk $0xffff, v31  }
0x53c: {  	v5 =	vadd.f32 $-1.000000000e+00, v5;
	v0 =	vsel vm7, v0, v4;
	v4 =	vperm.xlane v7, v28;
	[tilespmem:s1+$0x0] =	vst.add.f32.msk $0xffff, v32  }
0x53d: {  	v49 =	vpop (erf);
	v32 =	vld [tilespmem:$0x1FC40]  }
0x53e: {  	v42 =	vmax.f32 v4, $0.0e+00;
	v4 =	vmul.f32 v49, v5  }
0x53f: {  	v17, v18, _ =	vpop (xrf1)  }
0x540: {  	vm8 =	vge.f32 v56, v42;
	vm9 =	vge.f32 v57, v42;
	v53 =	vpop (erf)  }
0x541: {  	v35 =	vmul.f32 v3, v19;
	v16 =	vnsel vm8, $0x0, v56;
	v19 =	vnsel vm9, $0x0, v57;
	v56, v57, _ =	vpop (xrf1)  }
0x542: {  	v28 =	vmul.f32 v53, v4;
	v4, v5, _ =	vpop (xrf1)  }
0x543: {  	vm2 =	vge.f32 v56, v4  }
0x544: {  	s0 =	simm.s32 $0x8800;
	v53 =	vsel vm2, v57, v5;
	v57 =	vmul.f32 v28, v58  }
0x545: {  	s19 =	simm.s32 $0xA040;
	[tilespmem:v32+s0+$0x0] =	vst.idx.msk $0xff, v35  }
0x546: {  	v58 =	vmul.f32 v28, v60;
	[tilespmem:s19+$0x0] =	vst.add.f32.msk $0xffff, v57  }
0x547: {  	s20 =	simm.s32 $0xA050;
	v50 =	vimm.s32 $0x0;
	v8 =	vsel vm6, v8, v14;
	v60 =	vmul.f32 v28, v25;
	[tilespmem:v32+s3+$0x0] =	vst.idx.msk $0xff, v29  }
0x548: {  	s21 =	simm.s32 $0xA060;
	(xrf1) =	vsort.dscd.msk.f32 $0xffff, v6, v8;
	vm10 =	vge.f32 v55, v42;
	v14 =	vmul.f32 v28, v10;
	v31, v20, _ =	vpop (xrf1);
	[tilespmem:s20+$0x0] =	vst.add.f32.msk $0xffff, v58  }
0x549: {  	s22 =	simm.s32 $0xA070;
	v30 =	vperm.xlane v7, v50;
	v21 =	vnsel vm10, $0x0, v55;
	v35 =	vsel vm2, v56, v4;
	v56, v55, _ =	vpop (xrf1);
	[tilespmem:s21+$0x0] =	vst.add.f32.msk $0xffff, v60  }
0x54a: {  	vm12 =	vge.f32 v31, v56;
	[tilespmem:s22+$0x0] =	vst.add.f32.msk $0xffff, v14  }
0x54b: {  	v48 =	vmax.f32 v30, $0.0e+00;
	v13 =	vsel vm12, v20, v55;
	v20 =	vmax.f32 v63, $0.0e+00;
	v63 =	vld [tilespmem:$0x1FD20]  }
0x54c: {  	v23 =	vmin.f32 v48, $2.000000000e+01;
	v30 =	vadd.f32 v19, v16  }
0x54d: {  	(xrf1) =	vsort.dscd.msk.f32 $0xffff, v1, v0;
	v1 =	vadd.f32 v23, v23  }
0x54e: {  	vm11 =	vge.f32 v54, v42;
	v6 =	vadd.f32 v30, v21  }
0x54f: {  	v8 =	vnsel vm11, $0x0, v54;
	v1 =	vmul.f32 $1.442695020e+00, v1  }
0x550: {  	v6 =	vadd.f32 v6, v8  }
0x551: {  	(erf) = vpow2.f32 v1;
	v23 =	vmul.f32 v28, v20  }
0x552: {  	s23 =	simm.s32 $0x8400;
	(xrf2) =	vadd.scan.msk.f32 $0xffff, v6  }
0x553: {  	s24 =	simm.s32 $0x9400;
	[tilespmem:v63+s23+$0x0] =	vst.idx.msk $0xff, v23  }
0x554: {  	[tilespmem:v63+s24+$0x0] =	vst.idx.msk $0xff, v62  }
0x555: {  	v0 =	vld [tilespmem:$0x1FBC0]  }
0x556: {  	v25, v14, _ =	vpop (xrf1)  }
0x557: {  	(xrf1) =	vsort.dscd.msk.f32 $0xffff, v35, v53;
	v3, v55, _ =	vpop (xrf1)  }
0x558: {  	v5 =	vsel vm12, v31, v56;
	v29 =	vperm.xlane v3, v50  }
0x559: {  	(xrf1) =	vsort.ascd.msk.f32 $0xffff, v5, v13  }
0x55a: {  	v30 =	vpop (erf);
	[tilespmem:v22+s8+$0x0] =	vst.idx.msk $0xff, v0;
	v0 =	vmax.f32 v29, $0.0e+00  }
0x55b: {  	v24 =	vlaneseq.u32;
	v49 =	vadd.f32 $1.000000000e+00, v30;
	v0 =	vmin.f32 v0, $2.000000000e+01  }
0x55c: {  	v27 =	vimm.s32 $0x7;
	vm0 =	vge.f32 v17, v25;
	v6, _, _ =	vpop (xrf2);
	v0 =	vadd.f32 v0, v0  }
0x55d: {  	v57 =	vperm.xlane v3, v27;
	(erf) = vrcp.f32 v49;
	v54 =	vadd.f32 $9.999999930e-09, v6;
	v31 =	vld [tilespmem:s2+$0x400]  }
0x55e: {  	v13, v10, _ =	vpop (xrf1);
	v17 =	vsel vm0, v17, v25;
	v18 =	vsel vm0, v18, v14;
	v32 =	vld [tilespmem:s2+$0x410];
	v0 =	vmul.f32 $1.442695020e+00, v0  }
0x55f: {  	v25 =	vperm.xlane v13, v27;
	v6 =	vmax.f32 v57, $0.0e+00;
	v5 =	vbroadcast v54, $0xF;
	v54 =	vld [tilespmem:s2+$0x420]  }
0x560: {  	vm13 =	vge.f32 v46, v6;
	vm3 =	vge.f32 v47, v6;
	v35 =	vld [tilespmem:s2+$0x430];
	(erf) = vpow2.f32 v0  }
0x561: {  	vm5 =	vge.f32 v52, v6;
	vm1 =	vge.f32 v51, v6;
	(erf) = vrcp.f32 v5  }
0x562: {  	v23 =	vadd.f32 $-1.000000000e+00, v30;
	v30 =	vmax.f32 v25, $0.0e+00;
	vm6 =	vgt.f32 v31, $0.0e+00  }
0x563: {  	v42 =	vld [tilespmem:s10+$0x440];
	v4 =	vnsel vm13, $0x0, v46;
	vm14 =	vgt.f32 v32, $0.0e+00;
	v27 =	vsel vm6, v31, v40  }
0x564: {  	v48 =	vld [tilespmem:s10+$0x450];
	vm9 =	vge.f32 v41, v30;
	vm15 =	vgt.f32 v54, $0.0e+00;
	v29 =	vsel vm14, v32, v59;
	(xrf1) =	vsort.dscd.msk.f32 $0xffff, v27, v24  }
0x565: {  	vm12 =	vge.f32 v43, v30;
	v60, v58, _ =	vpop (xrf1);
	vm10 =	vgt.f32 v35, $0.0e+00;
	v46 =	vsel vm15, v54, v33;
	(xrf1) =	vsort.ascd.msk.f32 $0xffff, v29, v34  }
0x566: {  	v7 =	vmax.f32 v7, $0.0e+00;
	vm13 =	vge.f32 v44, v30;
	v28 =	vpop (erf);
	v25 =	vld [tilespmem:$0x1FE40];
	v49 =	vsel vm10, v35, v39;
	(xrf1) =	vsort.dscd.msk.f32 $0xffff, v46, v36  }
0x567: {  	v6 =	vnsel vm5, $0x0, v52;
	v14 =	vnsel vm1, $0x0, v51;
	v51 =	vnsel vm12, $0x0, v43;
	v62, v22, _ =	vpop (xrf1);
	(xrf1) =	vsort.ascd.msk.f32 $0xffff, v49, v38  }
0x568: {  	v1 =	vmul.f32 v28, v23;
	vm4 =	vge.f32 v60, v62;
	vm14 =	vgt.f32 v42, $0.0e+00  }
0x569: {  	vm15 =	vgt.f32 v48, $0.0e+00;
	v20 =	vsel vm4, v58, v22;
	v5 =	vnsel vm3, $0x0, v47;
	v24 =	vpop (erf)  }
0x56a: {  	v0 =	vsel vm4, v60, v62;
	v62 =	vperm.xlane v13, v50;
	v47 =	vadd.f32 v5, v4;
	v57 =	vpop (erf)  }
0x56b: {  	vm11 =	vge.f32 v25, v30;
	v60 =	vmov s15;
	v30 =	vld [tilespmem:$0x1FFF0];
	v23 =	vmul.f32 v57, v1  }
0x56c: {  	v22 =	vand.u32 $0x7E, v60;
	v27 =	vmax.f32 v62, $0.0e+00;
	v58 =	vadd.f32 v47, v6  }
0x56d: {  	v53 =	vld [tilespmem:s10+$0x460];
	v22 =	vbroadcast v22, $0x0;
	v47 =	vnsel vm9, $0x0, v41;
	v16 =	vmul.f32 v23, v16  }
0x56e: {  	v56 =	vld [tilespmem:s10+$0x470];
	s10 =	simm.s32 $0xA000;
	v28 =	vadd.f32 v58, v14;
	v1 =	vnsel vm11, $0x0, v25;
	v19 =	vmul.f32 v23, v19  }
0x56f: {  	s30 =	simm.s32 $0xA010;
	(xrf1) =	vsort.dscd.msk.f32 $0xffff, v0, v20;
	v43 =	vadd.f32 v1, v47;
	v57 =	vmul.f32 v23, v21;
	[tilespmem:s10+$0x0] =	vst.add.f32.msk $0xffff, v16  }
0x570: {  	s31 =	simm.s32 $0xA020;
	v60 =	vsel vm14, v42, v40;
	v20 =	vlaneseq.u32;
	v49 =	vor.u32 v30, v22;
	[tilespmem:s30+$0x0] =	vst.add.f32.msk $0xffff, v19  }
0x571: {  	v62 =	vsel vm15, v48, v59;
	v46 =	vmin.f32 v27, $2.000000000e+01;
	(xrf2) =	vadd.scan.msk.f32 $0xffff, v28;
	[tilespmem:s31+$0x0] =	vst.add.f32.msk $0xffff, v57  }
0x572: {  	(xrf1) =	vsort.dscd.msk.f32 $0xffff, v17, v18;
	v0 =	vadd.f32 v46, v46;
	v28, v27, _ =	vpop (xrf1);
	v8 =	vmul.f32 v23, v8;
	[tilespmem:$0x1F860] =	vst v42  }
0x573: {  	s16 =	simm.s32 $0xA030;
	(xrf1) =	vsort.dscd.msk.f32 $0xffff, v60, v20;
	v7 =	vmul.f32 v23, v7;
	v52 =	vadd.f32 v43, v51;
	[tilespmem:$0x1F870] =	vst v48;
	v43, v42, _ =	vpop (xrf1)  }
0x574: {  	s17 =	simm.s32 $0x8000;
	(xrf1) =	vsort.ascd.msk.f32 $0xffff, v62, v34;
	v0 =	vmul.f32 $1.442695020e+00, v0;
	[tilespmem:s16+$0x0] =	vst.add.f32.msk $0xffff, v8;
	v62, v60, _ =	vpop (xrf1)  }
0x575: {  	s18 =	simm.s32 $0x9000;
	vm4 =	vgt.f32 v53, $0.0e+00;
	v58 =	vnsel vm13, $0x0, v44;
	[tilespmem:v49+s17+$0x0] =	vst.idx.msk $0xff, v7;
	v22, v21, _ =	vpop (xrf1)  }
0x576: {  	(erf) = vpow2.f32 v0;
	v41 =	vadd.f32 $1.000000000e+00, v24;
	[tilespmem:v49+s18+$0x0] =	vst.idx.msk $0xff, v2;
	vm7 =	vge.f32 v62, v22  }
0x577: {  	v29 =	vsel vm4, v53, v33;
	v16 =	vadd.f32 v52, v58;
	[tilespmem:$0x1F880] =	vst v56;
	v0 =	vsel vm7, v62, v22;
	v62 =	vld [tilespmem:$0x1F9B0]  }
0x578: {  	vm5 =	vgt.f32 v56, $0.0e+00;
	(xrf1) =	vsort.dscd.msk.f32 $0xffff, v29, v36;
	(erf) = vrcp.f32 v41;
	v52 =	vld [tilespmem:s14+$0x40]  }
0x579: {  	v46 =	vsel vm5, v56, v39;
	v44 =	vmovc v59;
	(xrf2) =	vadd.scan.msk.f32 $0xffff, v16;
	vm6 =	vge.f32 v28, v43;
	v59 =	vld [tilespmem:s14+$0x50]  }
0x57a: {  	(xrf1) =	vsort.ascd.msk.f32 $0xffff, v46, v38;
	v7 =	vsel vm6, v28, v43;
	v23 =	vsel vm6, v27, v42;
	v57 =	vld [tilespmem:s14+$0x60]  }
0x57b: {  	v28, _, _ =	vpop (xrf2);
	(xrf1) =	vsort.dscd.msk.f32 $0xffff, v7, v23;
	v27 =	vsel vm7, v60, v21  }
0x57c: {  	v56 =	vld [tilespmem:s14+$0x70];
	(xrf1) =	vsort.ascd.msk.f32 $0xffff, v0, v27;
	v0 =	vadd.f32 $9.999999930e-09, v28  }
0x57d: {  	v46 =	vmov v33;
	v42 =	vimm.s32 $0x7  }
0x57e: {  	v25 =	vmovc v40;
	v48 =	vmovc v34;
	v28 =	vld [tilespmem:$0x1FCE0];
	v0 =	vbroadcast v0, $0xF;
	v43 =	vperm.xlane v62, v42;
	vm8 =	vgt.f32 v52, $0.0e+00  }
0x57f: {  	v60 =	vpop (erf);
	vm9 =	vgt.f32 v59, $0.0e+00;
	vm10 =	vgt.f32 v57, $0.0e+00;
	v29 =	vsel vm8, v52, v40  }
0x580: {  	(erf) = vrcp.f32 v0;
	v40 =	vsel vm9, v59, v44;
	v41 =	vsel vm10, v57, v33;
	(xrf1) =	vsort.dscd.msk.f32 $0xffff, v29, v20;
	v16, v20, _ =	vpop (xrf1);
	v29 =	vld [tilespmem:$0x1FCB0]  }
0x581: {  	v17 =	vpop (erf);
	vm11 =	vgt.f32 v56, $0.0e+00;
	(xrf1) =	vsort.ascd.msk.f32 $0xffff, v40, v34;
	v22 =	vperm.xlane v16, v50;
	v23 =	vperm.xlane v16, v42;
	v40 =	vld [tilespmem:$0x1FCD0]  }
0x582: {  	v21 =	vsel vm11, v56, v39;
	v33 =	vmovc v36;
	v7 =	vmax.f32 v43, $0.0e+00;
	[tilespmem:$0x1F910] =	vst v16;
	(xrf1) =	vsort.dscd.msk.f32 $0xffff, v41, v36;
	v36 =	vld [tilespmem:$0x1FCC0]  }
0x583: {  	vm0 =	vge.f32 v28, v7;
	[tilespmem:$0x1F940] =	vst v20;
	v16, _, _ =	vpop (xrf2);
	v34 =	vmax.f32 v22, $0.0e+00;
	v8 =	vmax.f32 v23, $0.0e+00  }
0x584: {  	v2, v0, _ =	vpop (xrf1);
	v20 =	vadd.f32 $-1.000000000e+00, v24;
	(xrf1) =	vsort.ascd.msk.f32 $0xffff, v21, v38;
	v42 =	vmin.f32 v34, $2.000000000e+01;
	vm12 =	vge.f32 v12, v8  }
0x585: {  	v18, v19, _ =	vpop (xrf1);
	vm13 =	vge.f32 v15, v8;
	v43 =	vadd.f32 v42, v42;
	v42 =	vadd.f32 $1.000000000e+00, v60  }
0x586: {  	vm3 =	vge.f32 v29, v7;
	v34 =	vnsel vm12, $0x0, v12;
	v12, v21, _ =	vpop (xrf1);
	v41 =	vnsel vm13, $0x0, v15  }
0x587: {  	vm1 =	vge.f32 v40, v7;
	v15, v22, _ =	vpop (xrf1);
	vm2 =	vge.f32 v36, v7;
	v7 =	vmul.f32 $1.442695020e+00, v43  }
0x588: {  	vm14 =	vge.f32 v11, v8;
	vm15 =	vge.f32 v9, v8;
	v8 =	vadd.f32 v41, v34;
	v24, v27, _ =	vpop (xrf1)  }
0x589: {  	[tilespmem:$0x1F8E0] =	vst v41;
	v41 =	vadd.f32 $9.999999930e-09, v16;
	v43 =	vnsel vm14, $0x0, v11;
	v11, v16, _ =	vpop (xrf1);
	(erf) = vpow2.f32 v7  }
0x58a: {  	v17 =	vmul.f32 v17, v20;
	(erf) = vrcp.f32 v42;
	v20, v42, _ =	vpop (xrf1)  }
0x58b: {  	vm8 =	vge.f32 v11, v20  }
0x58c: {  	v7 =	vbroadcast v41, $0xF;
	v11 =	vsel vm8, v11, v20  }
0x58d: {  	[tilespmem:$0x1F8D0] =	vst v34  }
0x58e: {  	[tilespmem:$0x1F8F0] =	vst v43;
	v8 =	vadd.f32 v8, v43;
	v43 =	vnsel vm15, $0x0, v9;
	v41 =	vpop (erf);
	v16 =	vsel vm8, v16, v42  }
0x58f: {  	[tilespmem:$0x1F900] =	vst v43;
	(erf) = vrcp.f32 v7;
	(xrf1) =	vsort.dscd.msk.f32 $0xffff, v11, v16;
	v20, v23, _ =	vpop (xrf1)  }
0x590: {  	v7, v11, _ =	vpop (xrf1)  }
0x591: {  	v3 =	vmax.f32 v3, $0.0e+00;
	vm9 =	vge.f32 v18, v12;
	v8 =	vadd.f32 v8, v43;
	v43, v34, _ =	vpop (xrf1)  }
0x592: {  	vm10 =	vge.f32 v15, v24;
	v9 =	vmul.f32 v41, v17;
	v42 =	vsel vm9, v19, v21;
	v19, v21, _ =	vpop (xrf1)  }
0x593: {  	v41 =	vsel vm10, v22, v27;
	v22 =	vnsel vm3, $0x0, v29;
	vm12 =	vge.f32 v43, v19  }
0x594: {  	(xrf2) =	vadd.scan.msk.f32 $0xffff, v8;
	v8 =	vsel vm9, v18, v12;
	v43 =	vsel vm12, v43, v19;
	v19 =	vimm.s32 $0x7  }
0x595: {  	vm11 =	vge.f32 v20, v7;
	(xrf1) =	vsort.dscd.msk.f32 $0xffff, v8, v42;
	v42 =	vbroadcast v61, $0x0;
	v61 =	vperm.xlane v2, v19  }
0x596: {  	v4 =	vmul.f32 v9, v4;
	[tilespmem:$0x1F980] =	vst v22;
	v11 =	vsel vm11, v23, v11;
	v23 =	vnsel vm2, $0x0, v36;
	v36 =	vld [tilespmem:$0x1FEF0]  }
0x597: {  	v15 =	vsel vm10, v15, v24;
	[tilespmem:$0x1F9A0] =	vst v23;
	v21 =	vsel vm12, v34, v21;
	v34 =	vor.u32 v30, v42;
	v30 =	vld [tilespmem:$0x1FEE0]  }
0x598: {  	v5 =	vmul.f32 v9, v5;
	(xrf1) =	vsort.ascd.msk.f32 $0xffff, v15, v41;
	v41 =	vperm.xlane v2, v50;
	[tilespmem:s10+$0x0] =	vst.add.f32.msk $0xffff, v4  }
0x599: {  	v6 =	vmul.f32 v9, v6;
	v7 =	vsel vm11, v20, v7;
	v42 =	vld [tilespmem:$0x1FF20];
	v24 =	vmax.f32 v61, $0.0e+00;
	v61 =	vpop (erf)  }
0x59a: {  	v3 =	vmul.f32 v9, v3;
	(xrf1) =	vsort.dscd.msk.f32 $0xffff, v7, v11;
	v18 =	vmax.f32 v41, $0.0e+00;
	[tilespmem:$0x1F890] =	vst v61  }
0x59b: {  	(xrf1) =	vsort.ascd.msk.f32 $0xffff, v43, v21;
	v43 =	vmul.f32 v9, v14;
	v9 =	vmin.f32 v18, $2.000000000e+01;
	[tilespmem:s30+$0x0] =	vst.add.f32.msk $0xffff, v5  }
0x59c: {  	v16 =	vadd.f32 v23, v22;
	v23 =	vnsel vm1, $0x0, v40;
	v41 =	vadd.f32 v9, v9;
	[tilespmem:s31+$0x0] =	vst.add.f32.msk $0xffff, v6  }
0x59d: {  	vm14 =	vge.f32 v36, v24;
	vm4 =	vge.f32 v37, v24;
	vm13 =	vge.f32 v30, v24;
	[tilespmem:s16+$0x0] =	vst.add.f32.msk $0xffff, v43  }
0x59e: {  	v7 =	vnsel vm13, $0x0, v30;
	v30 =	vnsel vm14, $0x0, v36;
	vm15 =	vge.f32 v42, v24;
	[tilespmem:$0x1F9C0] =	vst v23  }
0x59f: {  	v22 =	vadd.f32 $1.000000000e+00, v61;
	v29 =	vnsel vm15, $0x0, v42;
	v42 =	vmov v37;
	[tilespmem:v34+s17+$0x0] =	vst.idx.msk $0xff, v3;
	v37, v3, _ =	vpop (xrf1)  }
0x5a0: {  	v14 =	vadd.f32 v16, v23;
	v17 =	vadd.f32 v30, v7;
	v20, _, _ =	vpop (xrf2);
	v43 =	vperm.xlane v37, v19  }
0x5a1: {  	v5 =	vmul.f32 $1.442695020e+00, v41;
	v21 =	vadd.f32 $9.999999930e-09, v20;
	(erf) = vrcp.f32 v22  }
0x5a2: {  	v27 =	vnsel vm4, $0x0, v42;
	v22 =	vnsel vm0, $0x0, v28;
	[tilespmem:v34+s18+$0x0] =	vst.idx.msk $0xff, v55;
	v23 =	vmax.f32 v43, $0.0e+00  }
0x5a3: {  	v6 =	vbroadcast v21, $0xF;
	v11 =	vld [tilespmem:s9+$0x40];
	vm5 =	vge.f32 v31, v23;
	vm6 =	vge.f32 v32, v23  }
0x5a4: {  	v40 =	vadd.f32 v17, v29;
	[tilespmem:$0x1F9D0] =	vst v22;
	v16 =	vnsel vm5, $0x0, v31;
	v17 =	vnsel vm6, $0x0, v32  }
0x5a5: {  	v28 =	vadd.f32 v14, v22;
	v12 =	vld [tilespmem:s9+$0x50];
	vm7 =	vge.f32 v54, v23;
	v31 =	vadd.f32 v17, v16  }
0x5a6: {  	v55 =	vadd.f32 v40, v27;
	v24 =	vperm.xlane v37, v50;
	v18 =	vnsel vm7, $0x0, v54  }
0x5a7: {  	(erf) = vrcp.f32 v6;
	v6, v4, _ =	vpop (xrf1);
	vm8 =	vge.f32 v35, v23;
	v41 =	vadd.f32 v31, v18  }
0x5a8: {  	v8 =	vmax.f32 v24, $0.0e+00;
	(xrf2) =	vadd.scan.msk.f32 $0xffff, v55;
	v36, v15, _ =	vpop (xrf1);
	v19 =	vnsel vm8, $0x0, v35;
	vm9 =	vgt.f32 v11, $0.0e+00  }
0x5a9: {  	(xrf2) =	vadd.scan.msk.f32 $0xffff, v28;
	v40, v32, _ =	vpop (xrf1);
	v54 =	vlaneseq.u32;
	v24 =	vsel vm9, v11, v25;
	v9 =	vadd.f32 v41, v19  }
0x5aa: {  	v8 =	vmin.f32 v8, $2.000000000e+01;
	v43, v42, _ =	vpop (xrf1);
	vm10 =	vgt.f32 v12, $0.0e+00;
	(xrf1) =	vsort.dscd.msk.f32 $0xffff, v24, v54  }
0x5ab: {  	v23 =	vadd.f32 v8, v8;
	vm11 =	vge.f32 v40, v43;
	v31 =	vsel vm10, v12, v44;
	(xrf2) =	vadd.scan.msk.f32 $0xffff, v9  }
0x5ac: {  	v28 =	vsel vm11, v40, v43;
	v32 =	vsel vm11, v32, v42;
	(xrf1) =	vsort.ascd.msk.f32 $0xffff, v31, v48  }
0x5ad: {  	(erf) = vpow2.f32 v5;
	v5 =	vmul.f32 $1.442695020e+00, v23;
	(xrf1) =	vsort.dscd.msk.f32 $0xffff, v28, v32;
	_ =	sdelay $0x1  }
0x5ae: {  	v35 =	vpop (erf);
	(erf) = vpow2.f32 v5  }
0x5af: {  	v40 =	vpop (erf)  }
0x5b0: {  	v42 =	vpop (erf)  }
0x5b1: {  	v41 =	vadd.f32 $-1.000000000e+00, v60;
	v43 =	vpop (erf)  }
0x5b2: {  	v20, _, _ =	vpop (xrf2)  }
0x5b3: {  	v9 =	vmul.f32 v35, v41;
	v21, _, _ =	vpop (xrf2)  }
0x5b4: {  	[tilespmem:$0x1F8B0] =	vst v43;
	v43, _, _ =	vpop (xrf2)  }
0x5b5: {  	v8 =	vmul.f32 v40, v9;
	v14 =	vadd.f32 $9.999999930e-09, v43  }
0x5b6: {  	v55 =	vmax.f32 v13, $0.0e+00;
	[tilespmem:$0x1F8A0] =	vst v42;
	v5 =	vpop (erf)  }
0x5b7: {  	v31 =	vld [tilespmem:s9+$0x60];
	v60 =	vmul.f32 v8, v47;
	v22 =	vpop (erf)  }
0x5b8: {  	v28 =	vld [tilespmem:s9+$0x70];
	v1 =	vmul.f32 v8, v1;
	v23 =	vmul.f32 v8, v51;
	v51, v32, _ =	vpop (xrf1)  }
0x5b9: {  	v40 =	vmul.f32 v8, v58;
	v8 =	vmul.f32 v8, v55;
	[tilespmem:s19+$0x0] =	vst.add.f32.msk $0xffff, v60;
	v47 =	vadd.f32 $1.000000000e+00, v22;
	v55, v41, _ =	vpop (xrf1)  }
0x5ba: {  	v61 =	vimm.s32 $0x7;
	[tilespmem:s20+$0x0] =	vst.add.f32.msk $0xffff, v1;
	v58 =	vbroadcast v14, $0xF;
	v35, v14, _ =	vpop (xrf1)  }
0x5bb: {  	[tilespmem:s21+$0x0] =	vst.add.f32.msk $0xffff, v23;
	(erf) = vrcp.f32 v47;
	v47 =	vperm.xlane v35, v61  }
0x5bc: {  	[tilespmem:s22+$0x0] =	vst.add.f32.msk $0xffff, v40;
	vm12 =	vge.f32 v51, v55  }
0x5bd: {  	v43 =	vsel vm12, v51, v55;
	v55 =	vmax.f32 v47, $0.0e+00;
	v47 =	vld [tilespmem:$0x1FDD0];
	_ =	sdelay $0x2  }
0x5be: {  	v51 =	vperm.xlane v62, v50  }
0x5bf: {  	vm9 =	vgt.f32 v31, $0.0e+00;
	vm10 =	vgt.f32 v28, $0.0e+00;
	v60 =	vadd.f32 $1.000000000e+00, v5  }
0x5c0: {  	v22 =	vadd.f32 $-1.000000000e+00, v22;
	(erf) = vrcp.f32 v58;
	v9 =	vmax.f32 v51, $0.0e+00  }
0x5c1: {  	(erf) = vrcp.f32 v60;
	v60 =	vadd.f32 $9.999999930e-09, v20;
	v9 =	vmin.f32 v9, $2.000000000e+01  }
0x5c2: {  	v1 =	vsel vm12, v32, v41;
	v51 =	vperm.xlane v35, v50;
	v58 =	vadd.f32 v9, v9  }
0x5c3: {  	v62 =	vbroadcast v60, $0xF;
	vm13 =	vge.f32 v52, v55;
	vm14 =	vge.f32 v59, v55;
	[tilespmem:v47+s23+$0x0] =	vst.idx.msk $0xff, v8  }
0x5c4: {  	v24 =	vmax.f32 v51, $0.0e+00;
	v20 =	vnsel vm13, $0x0, v52;
	v23 =	vnsel vm14, $0x0, v59;
	[tilespmem:v47+s24+$0x0] =	vst.idx.msk $0xff, v10  }
0x5c5: {  	vm15 =	vge.f32 v57, v55;
	vm8 =	vge.f32 v56, v55;
	v52 =	vadd.f32 v23, v20;
	v9 =	vld [tilespmem:s12+$0x400]  }
0x5c6: {  	v55 =	vsel vm9, v31, v46;
	v24 =	vmin.f32 v24, $2.000000000e+01;
	v40 =	vnsel vm15, $0x0, v57;
	v10 =	vld [tilespmem:s12+$0x410]  }
0x5c7: {  	(erf) = vrcp.f32 v62;
	(xrf1) =	vsort.dscd.msk.f32 $0xffff, v55, v33;
	v32 =	vadd.f32 v52, v40;
	v8 =	vmul.f32 $1.442695020e+00, v58  }
0x5c8: {  	v42 =	vnsel vm8, $0x0, v56;
	v57 =	vsel vm10, v28, v39;
	v24 =	vadd.f32 v24, v24;
	v59 =	vpop (erf)  }
0x5c9: {  	(xrf1) =	vsort.ascd.msk.f32 $0xffff, v57, v38;
	v60 =	vmul.f32 v59, v22;
	v58 =	vadd.f32 v32, v42;
	(erf) = vpow2.f32 v8  }
0x5ca: {  	(xrf1) =	vsort.dscd.msk.f32 $0xffff, v43, v1;
	v62 =	vmul.f32 $1.442695020e+00, v24;
	v41 =	vpop (erf);
	vm11 =	vgt.f32 v9, $0.0e+00  }
0x5cb: {  	v1 =	vmul.f32 v41, v60;
	(xrf2) =	vadd.scan.msk.f32 $0xffff, v58;
	vm12 =	vgt.f32 v10, $0.0e+00;
	v24 =	vsel vm11, v9, v25  }
0x5cc: {  	v32 =	vsel vm12, v10, v44;
	(xrf1) =	vsort.dscd.msk.f32 $0xffff, v24, v54  }
0x5cd: {  	v43 =	vmul.f32 v1, v16;
	(xrf1) =	vsort.ascd.msk.f32 $0xffff, v32, v48  }
0x5ce: {  	(erf) = vpow2.f32 v62  }
0x5cf: {  	[tilespmem:s25+$0x0] =	vst.add.f32.msk $0xffff, v43  }
0x5d0: {  	v51 =	vmul.f32 v1, v17;
	v13 =	vld [tilespmem:s12+$0x430];
	v8 =	vpop (erf)  }
0x5d1: {  	v17 =	vpop (erf);
	v32 =	vld [tilespmem:s12+$0x420]  }
0x5d2: {  	v52 =	vmul.f32 v1, v18;
	[tilespmem:s26+$0x0] =	vst.add.f32.msk $0xffff, v51;
	v54 =	vadd.f32 $9.999999930e-09, v21;
	v57 =	vpop (erf)  }
0x5d3: {  	v56 =	vmax.f32 v37, $0.0e+00;
	v19 =	vmul.f32 v1, v19;
	[tilespmem:$0x1F950] =	vst v57  }
0x5d4: {  	v1 =	vmul.f32 v1, v56;
	v18 =	vbroadcast v54, $0xF;
	[tilespmem:s28+$0x0] =	vst.add.f32.msk $0xffff, v52  }
0x5d5: {  	v16, v22, _ =	vpop (xrf1);
	v58 =	vadd.f32 $1.000000000e+00, v57;
	[tilespmem:s1+$0x0] =	vst.add.f32.msk $0xffff, v19  }
0x5d6: {  	vm15 =	vge.f32 v6, v36;
	vm14 =	vgt.f32 v13, $0.0e+00;
	v59, _, _ =	vpop (xrf2);
	[tilespmem:v63+s0+$0x0] =	vst.idx.msk $0xff, v1;
	vm13 =	vgt.f32 v32, $0.0e+00  }
0x5d7: {  	v21 =	vadd.f32 $9.999999930e-09, v59;
	v19 =	vpop (erf);
	(erf) = vrcp.f32 v58;
	[tilespmem:v63+s3+$0x0] =	vst.idx.msk $0xff, v3;
	v60 =	vsel vm13, v32, v46  }
0x5d8: {  	(erf) = vrcp.f32 v18;
	v18, v24, _ =	vpop (xrf1);
	v62 =	vadd.f32 $1.000000000e+00, v19;
	v63 =	vsel vm14, v13, v39;
	v1 =	vld [tilespmem:s2+$0x440];
	(xrf1) =	vsort.dscd.msk.f32 $0xffff, v60, v33  }
0x5d9: {  	v6 =	vsel vm15, v6, v36;
	v15 =	vsel vm15, v4, v15;
	v43, v54, _ =	vpop (xrf1);
	v3 =	vld [tilespmem:s2+$0x450];
	(xrf1) =	vsort.ascd.msk.f32 $0xffff, v63, v38  }
0x5da: {  	vm4 =	vge.f32 v16, v18;
	(erf) = vrcp.f32 v62;
	v4 =	vld [tilespmem:s2+$0x460];
	v60 =	vbroadcast v21, $0xF;
	(xrf1) =	vsort.dscd.msk.f32 $0xffff, v6, v15;
	v56, v57, _ =	vpop (xrf1)  }
0x5db: {  	v16 =	vsel vm4, v16, v18;
	v6 =	vld [tilespmem:s2+$0x470];
	v58, v59, _ =	vpop (xrf1)  }
0x5dc: {  	v62 =	vsel vm4, v22, v24;
	(erf) = vrcp.f32 v60;
	vm5 =	vge.f32 v56, v58  }
0x5dd: {  	(xrf1) =	vsort.ascd.msk.f32 $0xffff, v16, v62;
	vm6 =	vgt.f32 v1, $0.0e+00;
	v63 =	vsel vm5, v56, v58;
	v22 =	vsel vm5, v57, v59  }
0x5de: {  	v55 =	vlaneseq.u32;
	vm7 =	vgt.f32 v3, $0.0e+00;
	v24 =	vsel vm6, v1, v25;
	(xrf1) =	vsort.dscd.msk.f32 $0xffff, v63, v22  }
0x5df: {  	vm8 =	vgt.f32 v4, $0.0e+00;
	v36 =	vsel vm7, v3, v44;
	(xrf1) =	vsort.dscd.msk.f32 $0xffff, v24, v55  }
0x5e0: {  	v37 =	vsel vm8, v4, v46;
	vm9 =	vgt.f32 v6, $0.0e+00;
	(xrf1) =	vsort.ascd.msk.f32 $0xffff, v36, v48  }
0x5e1: {  	v51 =	vpop (erf);
	v41 =	vsel vm9, v6, v39;
	(xrf1) =	vsort.dscd.msk.f32 $0xffff, v37, v33  }
0x5e2: {  	v52 =	vadd.f32 $-1.000000000e+00, v19;
	v55 =	vpop (erf);
	(xrf1) =	vsort.ascd.msk.f32 $0xffff, v41, v38  }
0x5e3: {  	v56 =	vpop (erf)  }
0x5e4: {  	v15 =	vmul.f32 v56, v52  }
0x5e5: {  	v57 =	vpop (erf)  }
0x5e6: {  	v59, v58, _ =	vpop (xrf1);
	v15 =	vmul.f32 v57, v15  }
0x5e7: {  	[tilespmem:$0x1F960] =	vst v51;
	v63, v62, _ =	vpop (xrf1)  }
0x5e8: {  	[tilespmem:$0x1F970] =	vst v55;
	vm10 =	vge.f32 v59, v63;
	v52, v36, _ =	vpop (xrf1);
	v60 =	vmul.f32 v15, v20;
	v24 =	vmul.f32 v15, v23  }
0x5e9: {  	[tilespmem:$0x1F9F0] =	vst v36;
	v18 =	vsel vm10, v58, v62  }
0x5ea: {  	v16 =	vsel vm10, v59, v63;
	v37 =	vmul.f32 v15, v40;
	[tilespmem:s19+$0x0] =	vst.add.f32.msk $0xffff, v60  }
0x5eb: {  	v51 =	vmax.f32 v35, $0.0e+00;
	v41, v40, _ =	vpop (xrf1);
	v42 =	vmul.f32 v15, v42;
	[tilespmem:s20+$0x0] =	vst.add.f32.msk $0xffff, v24  }
0x5ec: {  	v15 =	vmul.f32 v15, v51;
	[tilespmem:s21+$0x0] =	vst.add.f32.msk $0xffff, v37;
	v24, v35, _ =	vpop (xrf1)  }
0x5ed: {  	(xrf1) =	vsort.ascd.msk.f32 $0xffff, v16, v18;
	[tilespmem:s22+$0x0] =	vst.add.f32.msk $0xffff, v42;
	v16, v18, _ =	vpop (xrf1)  }
0x5ee: {  	v5 =	vadd.f32 $-1.000000000e+00, v5;
	vm11 =	vge.f32 v43, v41;
	[tilespmem:v49+s23+$0x0] =	vst.idx.msk $0xff, v15;
	v58, v57, _ =	vpop (xrf1)  }
0x5ef: {  	v55 =	vsel vm11, v43, v41;
	v56 =	vsel vm11, v54, v40;
	[tilespmem:v49+s24+$0x0] =	vst.idx.msk $0xff, v14;
	v60, v59, _ =	vpop (xrf1)  }
0x5f0: {  	v8 =	vmul.f32 v8, v5;
	(xrf1) =	vsort.dscd.msk.f32 $0xffff, v55, v56;
	v5 =	vld [tilespmem:s14+$0x400];
	vm12 =	vge.f32 v16, v58;
	v63, v62, _ =	vpop (xrf1)  }
0x5f1: {  	v15 =	vld [tilespmem:s14+$0x410];
	v16 =	vsel vm12, v16, v58;
	v18 =	vsel vm12, v18, v57;
	vm13 =	vge.f32 v60, v63  }
0x5f2: {  	v36 =	vld [tilespmem:s14+$0x420];
	(xrf1) =	vsort.dscd.msk.f32 $0xffff, v16, v18;
	v14 =	vsel vm13, v60, v63;
	v22 =	vsel vm13, v59, v62  }
0x5f3: {  	(xrf1) =	vsort.ascd.msk.f32 $0xffff, v14, v22;
	v14 =	vld [tilespmem:s14+$0x430]  }
0x5f4: {  	v8 =	vmul.f32 v17, v8  }
0x5f5: {  	v19 =	vlaneseq.u32;
	vm14 =	vgt.f32 v5, $0.0e+00  }
0x5f6: {  	v23 =	vmul.f32 v8, v30;
	vm15 =	vgt.f32 v15, $0.0e+00;
	v30 =	vsel vm14, v5, v25  }
0x5f7: {  	v7 =	vmul.f32 v8, v7;
	vm4 =	vgt.f32 v36, $0.0e+00;
	v37 =	vsel vm15, v15, v44;
	(xrf1) =	vsort.dscd.msk.f32 $0xffff, v30, v19  }
0x5f8: {  	v41 =	vsel vm4, v36, v46;
	(xrf1) =	vsort.ascd.msk.f32 $0xffff, v37, v48;
	vm5 =	vgt.f32 v14, $0.0e+00  }
0x5f9: {  	[tilespmem:s25+$0x0] =	vst.add.f32.msk $0xffff, v7;
	v40 =	vmul.f32 v8, v29;
	(xrf1) =	vsort.dscd.msk.f32 $0xffff, v41, v33;
	v43 =	vsel vm5, v14, v39  }
0x5fa: {  	v2 =	vmax.f32 v2, $0.0e+00;
	[tilespmem:s26+$0x0] =	vst.add.f32.msk $0xffff, v23;
	v42 =	vmul.f32 v8, v27;
	(xrf1) =	vsort.ascd.msk.f32 $0xffff, v43, v38  }
0x5fb: {  	v2 =	vmul.f32 v8, v2;
	[tilespmem:s28+$0x0] =	vst.add.f32.msk $0xffff, v40  }
0x5fc: {  	[tilespmem:s1+$0x0] =	vst.add.f32.msk $0xffff, v42  }
0x5fd: {  	[tilespmem:v26+s0+$0x0] =	vst.idx.msk $0xff, v2  }
0x5fe: {  	[tilespmem:v26+s3+$0x0] =	vst.idx.msk $0xff, v0;
	v21, v51, _ =	vpop (xrf1)  }
0x5ff: {  	v59 =	vld [tilespmem:s11+$0x440];
	v7, v29, _ =	vpop (xrf1)  }
0x600: {  	v63 =	vld [tilespmem:s11+$0x450];
	v22, v23, _ =	vpop (xrf1)  }
0x601: {  	v58 =	vld [tilespmem:s11+$0x460];
	v27, v26, _ =	vpop (xrf1)  }
0x602: {  	v56 =	vld [tilespmem:s11+$0x470];
	vm6 =	vge.f32 v22, v27  }
0x603: {  	vm7 =	vge.f32 v24, v21;
	v8 =	vsel vm6, v22, v27;
	v16 =	vsel vm6, v23, v26  }
0x604: {  	v0 =	vsel vm7, v24, v21;
	v2 =	vsel vm7, v35, v51;
	vm8 =	vgt.f32 v59, $0.0e+00;
	(xrf1) =	vsort.dscd.msk.f32 $0xffff, v8, v16  }
0x605: {  	vm9 =	vgt.f32 v63, $0.0e+00;
	v30 =	vsel vm8, v59, v25;
	v40, v37, _ =	vpop (xrf1);
	(xrf1) =	vsort.dscd.msk.f32 $0xffff, v0, v2  }
0x606: {  	vm10 =	vgt.f32 v58, $0.0e+00;
	v35 =	vsel vm9, v63, v44;
	v43, v42, _ =	vpop (xrf1);
	(xrf1) =	vsort.dscd.msk.f32 $0xffff, v30, v19  }
0x607: {  	vm11 =	vgt.f32 v56, $0.0e+00;
	v41 =	vsel vm10, v58, v46;
	v55, v57, _ =	vpop (xrf1);
	vm12 =	vge.f32 v40, v43;
	(xrf1) =	vsort.ascd.msk.f32 $0xffff, v35, v48  }
0x608: {  	v54 =	vsel vm11, v56, v39;
	v2 =	vsel vm12, v40, v43;
	(xrf1) =	vsort.dscd.msk.f32 $0xffff, v41, v33;
	v62, v60, _ =	vpop (xrf1)  }
0x609: {  	v8 =	vsel vm12, v37, v42;
	(xrf1) =	vsort.ascd.msk.f32 $0xffff, v54, v38;
	vm13 =	vge.f32 v55, v62  }
0x60a: {  	(xrf1) =	vsort.dscd.msk.f32 $0xffff, v2, v8;
	v0 =	vsel vm13, v55, v62;
	v19 =	vsel vm13, v57, v60  }
0x60b: {  	(xrf1) =	vsort.ascd.msk.f32 $0xffff, v0, v19;
	_ =	sdelay $0x1  }
0x60c: {  	v20 =	vperm.xlane v7, v61;
	_ =	sdelay $0x1  }
0x60d: {  	v21 =	vmax.f32 v20, $0.0e+00  }
0x60e: {  	vm14 =	vge.f32 v11, v21;
	vm15 =	vge.f32 v12, v21;
	v23 =	vperm.xlane v7, v50  }
0x60f: {  	v17 =	vnsel vm15, $0x0, v12;
	v16 =	vnsel vm14, $0x0, v11  }
0x610: {  	vm4 =	vge.f32 v31, v21;
	v11 =	vadd.f32 v17, v16;
	v0 =	vmax.f32 v23, $0.0e+00;
	v55, v22, _ =	vpop (xrf1)  }
0x611: {  	v18 =	vnsel vm4, $0x0, v31;
	v26 =	vmin.f32 v0, $2.000000000e+01;
	v2, v35, _ =	vpop (xrf1)  }
0x612: {  	vm5 =	vge.f32 v28, v21;
	v27 =	vadd.f32 v11, v18;
	v19 =	vadd.f32 v26, v26;
	v12, v24, _ =	vpop (xrf1)  }
0x613: {  	v20 =	vnsel vm5, $0x0, v28;
	v30, v37, _ =	vpop (xrf1)  }
0x614: {  	v8 =	vadd.f32 v27, v20;
	v19 =	vmul.f32 $1.442695020e+00, v19;
	v0, v31, _ =	vpop (xrf1)  }
0x615: {  	v42, v11, _ =	vpop (xrf1)  }
0x616: {  	(xrf2) =	vadd.scan.msk.f32 $0xffff, v8;
	(erf) = vpow2.f32 v19;
	v57 =	vperm.xlane v55, v50;
	v43, v54, _ =	vpop (xrf1)  }
0x617: {  	v60, v62, _ =	vpop (xrf1)  }
0x618: {  	v41 =	vperm.xlane v55, v61;
	v27 =	vmax.f32 v57, $0.0e+00;
	vm6 =	vge.f32 v43, v60  }
0x619: {  	v19 =	vmin.f32 v27, $2.000000000e+01;
	v26 =	vsel vm6, v43, v60;
	v40 =	vsel vm6, v54, v62  }
0x61a: {  	v43 =	vadd.f32 v19, v19;
	v54 =	vmax.f32 v41, $0.0e+00;
	(xrf1) =	vsort.dscd.msk.f32 $0xffff, v26, v40  }
0x61b: {  	vm7 =	vge.f32 v1, v54;
	vm8 =	vge.f32 v3, v54  }
0x61c: {  	v8 =	vmul.f32 $1.442695020e+00, v43;
	v60 =	vnsel vm7, $0x0, v1;
	v61 =	vnsel vm8, $0x0, v3  }
0x61d: {  	vm9 =	vge.f32 v4, v54;
	v1 =	vadd.f32 v61, v60  }
0x61e: {  	v23 =	vimm.s32 $0x7;
	v57 =	vnsel vm9, $0x0, v4;
	(erf) = vpow2.f32 v8  }
0x61f: {  	v28 =	vperm.xlane v2, v23;
	vm10 =	vge.f32 v6, v54;
	v4 =	vpop (erf);
	v1 =	vadd.f32 v1, v57  }
0x620: {  	[tilespmem:$0x1F990] =	vst v22;
	v21, _, _ =	vpop (xrf2);
	v26 =	vperm.xlane v52, v23;
	v23 =	vld [tilespmem:$0x1F870];
	v62 =	vnsel vm10, $0x0, v6;
	v22 =	vadd.f32 $1.000000000e+00, v4  }
0x621: {  	v3 =	vadd.f32 $9.999999930e-09, v21;
	v21 =	vld [tilespmem:$0x1F860];
	v1 =	vadd.f32 v1, v62  }
0x622: {  	v54 =	vmax.f32 v28, $0.0e+00;
	(erf) = vrcp.f32 v22;
	v22 =	vld [tilespmem:$0x1F880]  }
0x623: {  	v40 =	vimm.s32 $0x7;
	vm11 =	vge.f32 v9, v54;
	(xrf2) =	vadd.scan.msk.f32 $0xffff, v1  }
0x624: {  	vm12 =	vge.f32 v10, v54;
	vm13 =	vge.f32 v32, v54;
	v27 =	vmax.f32 v26, $0.0e+00  }
0x625: {  	vm7 =	vge.f32 v13, v54;
	v54 =	vperm.xlane v2, v50;
	vm3 =	vge.f32 v53, v27  }
0x626: {  	v9 =	vnsel vm11, $0x0, v9;
	v3 =	vbroadcast v3, $0xF;
	v53 =	vnsel vm3, $0x0, v53  }
0x627: {  	vm2 =	vge.f32 v23, v27;
	vm1 =	vge.f32 v21, v27;
	vm0 =	vge.f32 v22, v27;
	v27 =	vpop (erf)  }
0x628: {  	(erf) = vrcp.f32 v3;
	v3 =	vnsel vm12, $0x0, v10;
	v28 =	vadd.f32 $1.000000000e+00, v27;
	v8, v19, _ =	vpop (xrf1)  }
0x629: {  	v10 =	vmax.f32 v54, $0.0e+00;
	v43 =	vadd.f32 v3, v9;
	v41 =	vperm.xlane v8, v40  }
0x62a: {  	v10 =	vmin.f32 v10, $2.000000000e+01;
	(erf) = vrcp.f32 v28;
	v28 =	vnsel vm13, $0x0, v32  }
0x62b: {  	v32 =	vperm.xlane v8, v50;
	v6 =	vadd.f32 v43, v28;
	v1 =	vmax.f32 v41, $0.0e+00  }
0x62c: {  	v43 =	vnsel vm1, $0x0, v21;
	vm14 =	vge.f32 v5, v1;
	vm15 =	vge.f32 v15, v1  }
0x62d: {  	vm12 =	vge.f32 v36, v1;
	vm8 =	vge.f32 v14, v1;
	v1 =	vnsel vm7, $0x0, v13;
	v26, _, _ =	vpop (xrf2)  }
0x62e: {  	v41 =	vnsel vm2, $0x0, v23;
	v13 =	vadd.f32 $9.999999930e-09, v26;
	v6 =	vadd.f32 v6, v1  }
0x62f: {  	v10 =	vadd.f32 v10, v10;
	v21 =	vadd.f32 v41, v43;
	v15 =	vnsel vm15, $0x0, v15  }
0x630: {  	(xrf2) =	vadd.scan.msk.f32 $0xffff, v6;
	v6 =	vbroadcast v13, $0xF;
	v13 =	vnsel vm14, $0x0, v5;
	v5 =	vmax.f32 v32, $0.0e+00  }
0x631: {  	v10 =	vmul.f32 $1.442695020e+00, v10;
	v26 =	vadd.f32 v15, v13;
	v5 =	vmin.f32 v5, $2.000000000e+01  }
0x632: {  	v23 =	vnsel vm12, $0x0, v36;
	v21 =	vadd.f32 v21, v53;
	v5 =	vadd.f32 v5, v5  }
0x633: {  	v54 =	vnsel vm0, $0x0, v22;
	v14 =	vnsel vm8, $0x0, v14;
	v22 =	vadd.f32 v26, v23  }
0x634: {  	v21 =	vadd.f32 v21, v54;
	(erf) = vrcp.f32 v6;
	v5 =	vmul.f32 $1.442695020e+00, v5  }
0x635: {  	(erf) = vpow2.f32 v10;
	v32 =	vadd.f32 v22, v14  }
0x636: {  	(xrf2) =	vadd.scan.msk.f32 $0xffff, v21;
	(erf) = vpow2.f32 v5  }
0x637: {  	(xrf2) =	vadd.scan.msk.f32 $0xffff, v32;
	_ =	sdelay $0x1  }
0x638: {  	v4 =	vadd.f32 $-1.000000000e+00, v4;
	v36 =	vpop (erf)  }
0x639: {  	v10 =	vpop (erf)  }
0x63a: {  	v5 =	vmul.f32 v36, v4;
	v32 =	vpop (erf)  }
0x63b: {  	v21, _, _ =	vpop (xrf2)  }
0x63c: {  	v5 =	vmul.f32 v10, v5;
	v22 =	vpop (erf)  }
0x63d: {  	v4 =	vpop (erf)  }
0x63e: {  	v6 =	vmul.f32 v5, v16;
	[tilespmem:$0x1F930] =	vst v22;
	v22 =	vpop (erf)  }
0x63f: {  	v17 =	vmul.f32 v5, v17;
	v10, _, _ =	vpop (xrf2);
	v26 =	vadd.f32 $1.000000000e+00, v22  }
0x640: {  	v7 =	vmax.f32 v7, $0.0e+00;
	v36 =	vmul.f32 v5, v18;
	[tilespmem:s19+$0x0] =	vst.add.f32.msk $0xffff, v6;
	v16, _, _ =	vpop (xrf2)  }
0x641: {  	[tilespmem:s20+$0x0] =	vst.add.f32.msk $0xffff, v17;
	v16 =	vadd.f32 $9.999999930e-09, v16;
	(erf) = vrcp.f32 v26;
	v26 =	vmul.f32 v5, v20  }
0x642: {  	[tilespmem:s21+$0x0] =	vst.add.f32.msk $0xffff, v36;
	v5 =	vmul.f32 v5, v7  }
0x643: {  	v16 =	vbroadcast v16, $0xF;
	[tilespmem:s22+$0x0] =	vst.add.f32.msk $0xffff, v26  }
0x644: {  	[tilespmem:v34+s23+$0x0] =	vst.idx.msk $0xff, v5  }
0x645: {  	(erf) = vrcp.f32 v16;
	[tilespmem:v34+s24+$0x0] =	vst.idx.msk $0xff, v29  }
0x646: {  	v5 =	vld [tilespmem:s9+$0x400]  }
0x647: {  	v6 =	vld [tilespmem:s9+$0x410];
	_ =	sdelay $0x1  }
0x648: {  	vm13 =	vge.f32 v12, v30;
	vm14 =	vge.f32 v0, v42  }
0x649: {  	v12 =	vsel vm13, v12, v30;
	v30 =	vsel vm13, v24, v37;
	v0 =	vsel vm14, v0, v42  }
0x64a: {  	(xrf1) =	vsort.dscd.msk.f32 $0xffff, v12, v30;
	v11 =	vsel vm14, v31, v11;
	v29 =	vadd.f32 $-1.000000000e+00, v22;
	vm15 =	vgt.f32 v5, $0.0e+00  }
0x64b: {  	v51 =	vlaneseq.u32;
	(xrf1) =	vsort.ascd.msk.f32 $0xffff, v0, v11;
	v36 =	vpop (erf);
	vm4 =	vgt.f32 v6, $0.0e+00;
	v37 =	vsel vm15, v5, v25  }
0x64c: {  	v7 =	vmul.f32 v36, v29;
	v16 =	vsel vm4, v6, v44;
	(xrf1) =	vsort.dscd.msk.f32 $0xffff, v37, v51  }
0x64d: {  	v42 =	vpop (erf);
	(xrf1) =	vsort.ascd.msk.f32 $0xffff, v16, v48  }
0x64e: {  	v12 =	vmul.f32 v42, v7;
	_ =	sdelay $0x1  }
0x64f: {  	v0 =	vld [tilespmem:s9+$0x420];
	v17 =	vmul.f32 v12, v13  }
0x650: {  	v7 =	vld [tilespmem:s9+$0x430];
	v11 =	vmul.f32 v12, v15  }
0x651: {  	v18 =	vmul.f32 v12, v23;
	[tilespmem:s25+$0x0] =	vst.add.f32.msk $0xffff, v17  }
0x652: {  	v22 =	vmax.f32 v8, $0.0e+00;
	v20 =	vmul.f32 v12, v14;
	[tilespmem:s26+$0x0] =	vst.add.f32.msk $0xffff, v11  }
0x653: {  	v8 =	vmul.f32 v12, v22;
	[tilespmem:s28+$0x0] =	vst.add.f32.msk $0xffff, v18  }
0x654: {  	[tilespmem:s1+$0x0] =	vst.add.f32.msk $0xffff, v20  }
0x655: {  	[tilespmem:v49+s0+$0x0] =	vst.idx.msk $0xff, v8  }
0x656: {  	[tilespmem:v49+s3+$0x0] =	vst.idx.msk $0xff, v19  }
0x657: {  	vm5 =	vgt.f32 v0, $0.0e+00;
	v23, v12, _ =	vpop (xrf1);
	v8 =	vld [tilespmem:s14+$0x440]  }
0x658: {  	v29 =	vsel vm5, v0, v46;
	vm7 =	vgt.f32 v7, $0.0e+00;
	v26, v24, _ =	vpop (xrf1);
	v13 =	vld [tilespmem:s14+$0x450]  }
0x659: {  	(xrf1) =	vsort.dscd.msk.f32 $0xffff, v29, v33;
	v36 =	vsel vm7, v7, v39;
	v17 =	vld [tilespmem:s14+$0x460];
	v30, v31, _ =	vpop (xrf1)  }
0x65a: {  	vm6 =	vge.f32 v23, v26;
	(xrf1) =	vsort.ascd.msk.f32 $0xffff, v36, v38;
	v16 =	vld [tilespmem:s14+$0x470];
	v37, v42, _ =	vpop (xrf1)  }
0x65b: {  	v11 =	vsel vm6, v23, v26;
	v12 =	vsel vm6, v12, v24;
	vm8 =	vge.f32 v30, v37  }
0x65c: {  	(xrf1) =	vsort.dscd.msk.f32 $0xffff, v11, v12;
	v24 =	vsel vm8, v30, v37;
	v26 =	vsel vm8, v31, v42;
	vm9 =	vgt.f32 v8, $0.0e+00  }
0x65d: {  	vm10 =	vgt.f32 v13, $0.0e+00;
	(xrf1) =	vsort.dscd.msk.f32 $0xffff, v24, v26;
	v29 =	vsel vm9, v8, v25  }
0x65e: {  	vm11 =	vgt.f32 v17, $0.0e+00;
	v30 =	vsel vm10, v13, v44;
	(xrf1) =	vsort.dscd.msk.f32 $0xffff, v29, v51  }
0x65f: {  	vm12 =	vgt.f32 v16, $0.0e+00;
	v31 =	vsel vm11, v17, v46;
	(xrf1) =	vsort.ascd.msk.f32 $0xffff, v30, v48  }
0x660: {  	v36 =	vsel vm12, v16, v39;
	(xrf1) =	vsort.dscd.msk.f32 $0xffff, v31, v33  }
0x661: {  	(xrf1) =	vsort.ascd.msk.f32 $0xffff, v36, v38;
	_ =	sdelay $0x6  }
0x662: {  	v11, v14, _ =	vpop (xrf1)  }
0x663: {  	v37, v42, _ =	vpop (xrf1)  }
0x664: {  	v12 =	vmov v46;
	vm13 =	vge.f32 v11, v37;
	v26, v46, _ =	vpop (xrf1)  }
0x665: {  	v14 =	vsel vm13, v14, v42;
	v19, v20, _ =	vpop (xrf1)  }
0x666: {  	v11 =	vsel vm13, v11, v37;
	v22, v23, _ =	vpop (xrf1)  }
0x667: {  	v36, v29, _ =	vpop (xrf1)  }
0x668: {  	v37, v42, _ =	vpop (xrf1)  }
0x669: {  	(xrf1) =	vsort.ascd.msk.f32 $0xffff, v11, v14;
	vm14 =	vge.f32 v22, v36;
	v11, v14, _ =	vpop (xrf1)  }
0x66a: {  	v22 =	vsel vm14, v22, v36;
	v23 =	vsel vm14, v23, v29;
	vm15 =	vge.f32 v37, v11  }
0x66b: {  	(xrf1) =	vsort.dscd.msk.f32 $0xffff, v22, v23;
	v11 =	vsel vm15, v37, v11;
	v14 =	vsel vm15, v42, v14  }
0x66c: {  	(xrf1) =	vsort.ascd.msk.f32 $0xffff, v11, v14;
	_ =	sdelay $0xb  }
0x66d: {  	v11, v14, _ =	vpop (xrf1)  }
0x66e: {  	v30, v31, _ =	vpop (xrf1)  }
0x66f: {  	v22, v23, _ =	vpop (xrf1)  }
0x670: {  	vm4 =	vge.f32 v30, v22  }
0x671: {  	v15 =	vsel vm4, v30, v22;
	v18 =	vsel vm4, v31, v23  }
0x672: {  	(xrf1) =	vsort.dscd.msk.f32 $0xffff, v15, v18;
	_ =	sdelay $0x2  }
0x673: {  	v36 =	vperm.xlane v52, v50;
	_ =	sdelay $0x1  }
0x674: {  	v15 =	vmax.f32 v36, $0.0e+00  }
0x675: {  	v37 =	vadd.f32 $9.999999930e-09, v21;
	v15 =	vmin.f32 v15, $2.000000000e+01  }
0x676: {  	v42 =	vadd.f32 $1.000000000e+00, v4;
	v15 =	vadd.f32 v15, v15  }
0x677: {  	v18 =	vbroadcast v37, $0xF  }
0x678: {  	(erf) = vrcp.f32 v42;
	v15 =	vmul.f32 $1.442695020e+00, v15  }
0x679: {  	vm5 =	vge.f32 v19, v11;
	(erf) = vrcp.f32 v18  }
0x67a: {  	v11 =	vsel vm5, v19, v11;
	v14 =	vsel vm5, v20, v14;
	(erf) = vpow2.f32 v15  }
0x67b: {  	(xrf1) =	vsort.dscd.msk.f32 $0xffff, v11, v14;
	_ =	sdelay $0x1  }
0x67c: {  	v15, v42, _ =	vpop (xrf1)  }
0x67d: {  	v20 =	vperm.xlane v15, v40;
	_ =	sdelay $0x1  }
0x67e: {  	v10 =	vadd.f32 $9.999999930e-09, v10;
	v11 =	vmax.f32 v20, $0.0e+00  }
0x67f: {  	v21 =	vpop (erf);
	v22 =	vperm.xlane v15, v50;
	vm6 =	vge.f32 v8, v11;
	vm7 =	vge.f32 v13, v11  }
0x680: {  	v4 =	vadd.f32 $-1.000000000e+00, v4;
	v24 =	vpop (erf);
	v29 =	vnsel vm6, $0x0, v8;
	v31 =	vnsel vm7, $0x0, v13  }
0x681: {  	v30 =	vpop (erf);
	vm8 =	vge.f32 v17, v11;
	v13 =	vmax.f32 v22, $0.0e+00;
	v23 =	vadd.f32 v31, v29  }
0x682: {  	v37 =	vadd.f32 $1.000000000e+00, v30;
	v14 =	vnsel vm8, $0x0, v17;
	v36 =	vmin.f32 v13, $2.000000000e+01  }
0x683: {  	vm9 =	vge.f32 v16, v11;
	v18 =	vadd.f32 v36, v36;
	v17 =	vadd.f32 v23, v14  }
0x684: {  	v10 =	vbroadcast v10, $0xF;
	v4 =	vmul.f32 v21, v4;
	v13 =	vnsel vm9, $0x0, v16  }
0x685: {  	(erf) = vrcp.f32 v37;
	v18 =	vmul.f32 $1.442695020e+00, v18;
	v17 =	vadd.f32 v17, v13  }
0x686: {  	(erf) = vrcp.f32 v10  }
0x687: {  	v4 =	vmul.f32 v24, v4;
	v8, v16, _ =	vpop (xrf1);
	(erf) = vpow2.f32 v18;
	(xrf2) =	vadd.scan.msk.f32 $0xffff, v17  }
0x688: {  	v19 =	vperm.xlane v8, v40  }
0x689: {  	v2 =	vmax.f32 v2, $0.0e+00;
	v9 =	vmul.f32 v4, v9  }
0x68a: {  	v3 =	vmul.f32 v4, v3;
	v1 =	vmul.f32 v4, v1;
	v10 =	vmax.f32 v19, $0.0e+00  }
0x68b: {  	v2 =	vmul.f32 v4, v2;
	[tilespmem:s25+$0x0] =	vst.add.f32.msk $0xffff, v9;
	vm10 =	vge.f32 v5, v10;
	vm11 =	vge.f32 v6, v10  }
0x68c: {  	[tilespmem:s26+$0x0] =	vst.add.f32.msk $0xffff, v3;
	v11 =	vmul.f32 v4, v28;
	v3 =	vnsel vm10, $0x0, v5;
	v4 =	vnsel vm11, $0x0, v6  }
0x68d: {  	vm12 =	vge.f32 v0, v10;
	v6 =	vadd.f32 v4, v3  }
0x68e: {  	v9 =	vnsel vm12, $0x0, v0;
	v36 =	vpop (erf)  }
0x68f: {  	[tilespmem:s28+$0x0] =	vst.add.f32.msk $0xffff, v11;
	v20 =	vperm.xlane v8, v50;
	vm13 =	vge.f32 v7, v10;
	v37 =	vpop (erf);
	v23 =	vadd.f32 v6, v9  }
0x690: {  	[tilespmem:s1+$0x0] =	vst.add.f32.msk $0xffff, v1;
	v6 =	vnsel vm13, $0x0, v7;
	v10 =	vpop (erf)  }
0x691: {  	[tilespmem:v47+s0+$0x0] =	vst.idx.msk $0xff, v2;
	v22 =	vmax.f32 v20, $0.0e+00;
	v2 =	vadd.f32 v23, v6;
	v21, _, _ =	vpop (xrf2)  }
0x692: {  	[tilespmem:v47+s3+$0x0] =	vst.idx.msk $0xff, v35;
	v1 =	vmin.f32 v22, $2.000000000e+01;
	v24 =	vadd.f32 $1.000000000e+00, v10;
	v0 =	vadd.f32 $9.999999930e-09, v21  }
0x693: {  	v35 =	vadd.f32 v1, v1;
	v1 =	vld [tilespmem:s12+$0x440]  }
0x694: {  	(xrf2) =	vadd.scan.msk.f32 $0xffff, v2;
	(erf) = vrcp.f32 v24;
	v28 =	vbroadcast v0, $0xF;
	v0 =	vld [tilespmem:s12+$0x450]  }
0x695: {  	v17 =	vmul.f32 $1.442695020e+00, v35;
	v24 =	vld [tilespmem:s12+$0x460]  }
0x696: {  	v5 =	vld [tilespmem:s12+$0x470];
	(erf) = vrcp.f32 v28  }
0x697: {  	(erf) = vpow2.f32 v17  }
0x698: {  	vm14 =	vgt.f32 v1, $0.0e+00  }
0x699: {  	v18 =	vsel vm14, v1, v25;
	vm15 =	vgt.f32 v0, $0.0e+00  }
0x69a: {  	(xrf1) =	vsort.dscd.msk.f32 $0xffff, v18, v51;
	vm4 =	vgt.f32 v24, $0.0e+00;
	v19 =	vsel vm15, v0, v44  }
0x69b: {  	vm5 =	vgt.f32 v5, $0.0e+00;
	v20 =	vsel vm4, v24, v12;
	(xrf1) =	vsort.ascd.msk.f32 $0xffff, v19, v48  }
0x69c: {  	v21 =	vsel vm5, v5, v39;
	(xrf1) =	vsort.dscd.msk.f32 $0xffff, v20, v33  }
0x69d: {  	v11 =	vpop (erf);
	(xrf1) =	vsort.ascd.msk.f32 $0xffff, v21, v38  }
0x69e: {  	v22, _, _ =	vpop (xrf2)  }
0x69f: {  	v35 =	vpop (erf)  }
0x6a0: {  	v7 =	vpop (erf)  }
0x6a1: {  	v2 =	vadd.f32 $9.999999930e-09, v22;
	v23 =	vadd.f32 $1.000000000e+00, v7;
	_ =	sdelay $0x1  }
0x6a2: {  	v2 =	vbroadcast v2, $0xF;
	(erf) = vrcp.f32 v23;
	_ =	sdelay $0x1  }
0x6a3: {  	(erf) = vrcp.f32 v2;
	_ =	sdelay $0x2  }
0x6a4: {  	v2, v17, _ =	vpop (xrf1)  }
0x6a5: {  	v28, v19, _ =	vpop (xrf1)  }
0x6a6: {  	vm6 =	vge.f32 v2, v28;
	v20, v21, _ =	vpop (xrf1)  }
0x6a7: {  	v7 =	vadd.f32 $-1.000000000e+00, v7;
	v2 =	vsel vm6, v2, v28;
	v17 =	vsel vm6, v17, v19;
	v23, v28, _ =	vpop (xrf1)  }
0x6a8: {  	(xrf1) =	vsort.dscd.msk.f32 $0xffff, v2, v17;
	vm7 =	vge.f32 v20, v23;
	v22 =	vpop (erf)  }
0x6a9: {  	v23 =	vsel vm7, v20, v23;
	v28 =	vsel vm7, v21, v28;
	v2 =	vmul.f32 v22, v7  }
0x6aa: {  	v21 =	vpop (erf);
	(xrf1) =	vsort.ascd.msk.f32 $0xffff, v23, v28  }
0x6ab: {  	v2 =	vmul.f32 v21, v2;
	_ =	sdelay $0x1  }
0x6ac: {  	v3 =	vmul.f32 v2, v3  }
0x6ad: {  	v4 =	vmul.f32 v2, v4  }
0x6ae: {  	v22 =	vmul.f32 v2, v9;
	[tilespmem:s25+$0x0] =	vst.add.f32.msk $0xffff, v3  }
0x6af: {  	v23 =	vmax.f32 v8, $0.0e+00;
	v6 =	vmul.f32 v2, v6;
	[tilespmem:s26+$0x0] =	vst.add.f32.msk $0xffff, v4  }
0x6b0: {  	v2 =	vmul.f32 v2, v23;
	[tilespmem:s28+$0x0] =	vst.add.f32.msk $0xffff, v22  }
0x6b1: {  	[tilespmem:s1+$0x0] =	vst.add.f32.msk $0xffff, v6  }
0x6b2: {  	[tilespmem:v34+s0+$0x0] =	vst.idx.msk $0xff, v2  }
0x6b3: {  	[tilespmem:v34+s3+$0x0] =	vst.idx.msk $0xff, v16  }
0x6b4: {  	v7 =	vld [tilespmem:s9+$0x440]  }
0x6b5: {  	v2 =	vld [tilespmem:s9+$0x450]  }
0x6b6: {  	v4 =	vld [tilespmem:s9+$0x460];
	v20, v28, _ =	vpop (xrf1)  }
0x6b7: {  	v3 =	vld [tilespmem:s9+$0x470];
	v21, v22, _ =	vpop (xrf1)  }
0x6b8: {  	vm8 =	vge.f32 v20, v21  }
0x6b9: {  	v6 =	vsel vm8, v20, v21;
	v8 =	vsel vm8, v28, v22;
	vm9 =	vgt.f32 v7, $0.0e+00  }
0x6ba: {  	vm10 =	vgt.f32 v2, $0.0e+00;
	(xrf1) =	vsort.dscd.msk.f32 $0xffff, v6, v8;
	v23 =	vsel vm9, v7, v25  }
0x6bb: {  	vm11 =	vgt.f32 v4, $0.0e+00;
	v25 =	vsel vm10, v2, v44;
	(xrf1) =	vsort.dscd.msk.f32 $0xffff, v23, v51  }
0x6bc: {  	vm12 =	vgt.f32 v3, $0.0e+00;
	v28 =	vsel vm11, v4, v12;
	(xrf1) =	vsort.ascd.msk.f32 $0xffff, v25, v48  }
0x6bd: {  	v44 =	vsel vm12, v3, v39;
	(xrf1) =	vsort.dscd.msk.f32 $0xffff, v28, v33  }
0x6be: {  	(xrf1) =	vsort.ascd.msk.f32 $0xffff, v44, v38;
	_ =	sdelay $0x9  }
0x6bf: {  	v6, v28, _ =	vpop (xrf1)  }
0x6c0: {  	v51, v48, _ =	vpop (xrf1)  }
0x6c1: {  	v25, v12, _ =	vpop (xrf1)  }
0x6c2: {  	v33, v19, _ =	vpop (xrf1)  }
0x6c3: {  	vm13 =	vge.f32 v51, v25;
	v38, v39, _ =	vpop (xrf1)  }
0x6c4: {  	v8 =	vsel vm13, v51, v25;
	v9 =	vsel vm13, v48, v12;
	vm14 =	vge.f32 v33, v38  }
0x6c5: {  	(xrf1) =	vsort.dscd.msk.f32 $0xffff, v8, v9;
	v44 =	vsel vm14, v33, v38;
	v48 =	vsel vm14, v19, v39  }
0x6c6: {  	(xrf1) =	vsort.ascd.msk.f32 $0xffff, v44, v48;
	_ =	sdelay $0x4  }
0x6c7: {  	v51 =	vperm.xlane v26, v40;
	_ =	sdelay $0x1  }
0x6c8: {  	v23 =	vld [tilespmem:$0x1F890];
	v8 =	vmax.f32 v51, $0.0e+00  }
0x6c9: {  	vm15 =	vge.f32 v59, v8;
	vm4 =	vge.f32 v63, v8  }
0x6ca: {  	v33 =	vld [tilespmem:$0x1F8A0];
	v9 =	vnsel vm15, $0x0, v59;
	v59 =	vnsel vm4, $0x0, v63  }
0x6cb: {  	vm5 =	vge.f32 v58, v8;
	v20 =	vadd.f32 v59, v9  }
0x6cc: {  	v58 =	vnsel vm5, $0x0, v58  }
0x6cd: {  	v25 =	vadd.f32 $-1.000000000e+00, v23;
	vm6 =	vge.f32 v56, v8;
	v44 =	vld [tilespmem:$0x1F8B0];
	v22 =	vadd.f32 v20, v58  }
0x6ce: {  	v56 =	vnsel vm6, $0x0, v56;
	v39, v38, _ =	vpop (xrf1)  }
0x6cf: {  	v17 =	vmul.f32 v33, v25;
	v25 =	vld [tilespmem:$0x1F8D0];
	v16 =	vadd.f32 v22, v56;
	v51, v63, _ =	vpop (xrf1)  }
0x6d0: {  	v33 =	vld [tilespmem:$0x1F8E0];
	vm7 =	vge.f32 v39, v51  }
0x6d1: {  	(xrf2) =	vadd.scan.msk.f32 $0xffff, v16;
	v16 =	vsel vm7, v39, v51;
	v39 =	vld [tilespmem:$0x1F8F0]  }
0x6d2: {  	v23 =	vld [tilespmem:$0x1F8C0];
	v17 =	vmul.f32 v44, v17  }
0x6d3: {  	v44 =	vld [tilespmem:$0x1F900]  }
0x6d4: {  	v48 =	vadd.f32 $-1.000000000e+00, v45;
	v45 =	vld [tilespmem:$0x1F910];
	v19 =	vmul.f32 v17, v25  }
0x6d5: {  	s15 =	simm.s32 $0xA0C0;
	v20 =	vmul.f32 v17, v33;
	v18 =	vsel vm7, v38, v63;
	v51 =	vld [tilespmem:$0x1F920]  }
0x6d6: {  	v12 =	vperm.xlane v26, v50;
	[tilespmem:s15+$0x0] =	vst.add.f32.msk $0xffff, v19;
	(xrf1) =	vsort.dscd.msk.f32 $0xffff, v16, v18;
	v16 =	vmul.f32 v17, v39  }
0x6d7: {  	v63 =	vadd.f32 $-1.000000000e+00, v27;
	[tilespmem:s4+$0x0] =	vst.add.f32.msk $0xffff, v20  }
0x6d8: {  	v21 =	vmax.f32 v12, $0.0e+00;
	v18 =	vmul.f32 v17, v44;
	[tilespmem:s5+$0x0] =	vst.add.f32.msk $0xffff, v16  }
0x6d9: {  	v8 =	vmin.f32 v21, $2.000000000e+01;
	v25 =	vmul.f32 v32, v63;
	v63 =	vld [tilespmem:$0x1F930]  }
0x6da: {  	v8 =	vadd.f32 v8, v8;
	[tilespmem:s6+$0x0] =	vst.add.f32.msk $0xffff, v18  }
0x6db: {  	v18 =	vld [tilespmem:$0x1FA50]  }
0x6dc: {  	v8 =	vmul.f32 $1.442695020e+00, v8;
	_ =	sdelay $0x1  }
0x6dd: {  	(erf) = vpow2.f32 v8;
	_ =	sdelay $0x1  }
0x6de: {  	v8 =	vmul.f32 v23, v48;
	v48 =	vmax.f32 v45, $0.0e+00;
	v38 =	vperm.xlane v6, v40  }
0x6df: {  	v17 =	vmul.f32 v17, v48  }
0x6e0: {  	v21 =	vmax.f32 v38, $0.0e+00  }
0x6e1: {  	vm8 =	vge.f32 v1, v21;
	[tilespmem:v18+s7+$0x0] =	vst.idx.msk $0xff, v17  }
0x6e2: {  	vm10 =	vge.f32 v24, v21;
	v33 =	vnsel vm8, $0x0, v1;
	v1 =	vmul.f32 v63, v25;
	v25 =	vld [tilespmem:$0x1F940]  }
0x6e3: {  	v12 =	vperm.xlane v6, v50;
	v32 =	vnsel vm10, $0x0, v24;
	v24 =	vld [tilespmem:$0x1FE10]  }
0x6e4: {  	v44, _, _ =	vpop (xrf2);
	vm9 =	vge.f32 v0, v21;
	vm11 =	vge.f32 v5, v21  }
0x6e5: {  	v22 =	vpop (erf);
	v45 =	vadd.f32 $9.999999930e-09, v44;
	v27 =	vnsel vm9, $0x0, v0;
	v0 =	vmax.f32 v12, $0.0e+00  }
0x6e6: {  	v8 =	vmul.f32 v51, v8;
	v39 =	vadd.f32 v27, v33;
	v51 =	vadd.f32 $1.000000000e+00, v22  }
0x6e7: {  	v38 =	vnsel vm11, $0x0, v5;
	v0 =	vmin.f32 v0, $2.000000000e+01;
	v12 =	vbroadcast v45, $0xF;
	[tilespmem:v18+s8+$0x0] =	vst.idx.msk $0xff, v25  }
0x6e8: {  	v48 =	vadd.f32 v39, v32;
	(erf) = vrcp.f32 v51;
	v5 =	vmul.f32 v8, v24;
	v39 =	vld [tilespmem:$0x1FE00]  }
0x6e9: {  	v0 =	vadd.f32 v0, v0;
	(erf) = vrcp.f32 v12;
	v12 =	vld [tilespmem:$0x1F950]  }
0x6ea: {  	[tilespmem:s15+$0x0] =	vst.add.f32.msk $0xffff, v5  }
0x6eb: {  	v0 =	vmul.f32 $1.442695020e+00, v0;
	v5 =	vld [tilespmem:$0x1FE20]  }
0x6ec: {  	v17 =	vld [tilespmem:$0x1FE50]  }
0x6ed: {  	(erf) = vpow2.f32 v0;
	v0 =	vmul.f32 v8, v39;
	_ =	sdelay $0x1  }
0x6ee: {  	[tilespmem:s4+$0x0] =	vst.add.f32.msk $0xffff, v0  }
0x6ef: {  	v5 =	vmul.f32 v8, v5;
	v0 =	vld [tilespmem:$0x1FF70]  }
0x6f0: {  	v17 =	vmul.f32 v8, v17;
	v45 =	vld [tilespmem:$0x1F960]  }
0x6f1: {  	[tilespmem:s5+$0x0] =	vst.add.f32.msk $0xffff, v5  }
0x6f2: {  	[tilespmem:s6+$0x0] =	vst.add.f32.msk $0xffff, v17  }
0x6f3: {  	v18 =	vmul.f32 v1, v60;
	v60 =	vld [tilespmem:$0x1FBD0];
	_ =	sdelay $0x5  }
0x6f4: {  	v8 =	vmul.f32 v8, v0;
	_ =	sdelay $0x1  }
0x6f5: {  	v23 =	vadd.f32 v48, v38;
	v48 =	vld [tilespmem:$0x1F970];
	v0, v5, _ =	vpop (xrf1);
	[tilespmem:v60+s7+$0x0] =	vst.idx.msk $0xff, v8  }
0x6f6: {  	v51 =	vperm.xlane v0, v40;
	v40 =	vld [tilespmem:$0x1FC60];
	_ =	sdelay $0x3  }
0x6f7: {  	v44 =	vadd.f32 $-1.000000000e+00, v12  }
0x6f8: {  	[tilespmem:v60+s8+$0x0] =	vst.idx.msk $0xff, v40  }
0x6f9: {  	v19 =	vmul.f32 v1, v61;
	v16 =	vmul.f32 v45, v44;
	v44 =	vld [tilespmem:$0x1F980]  }
0x6fa: {  	v61 =	vmul.f32 v1, v57;
	[tilespmem:s15+$0x0] =	vst.add.f32.msk $0xffff, v18  }
0x6fb: {  	v63 =	vmul.f32 v1, v62;
	[tilespmem:s4+$0x0] =	vst.add.f32.msk $0xffff, v19  }
0x6fc: {  	[tilespmem:s5+$0x0] =	vst.add.f32.msk $0xffff, v61  }
0x6fd: {  	[tilespmem:s6+$0x0] =	vst.add.f32.msk $0xffff, v63  }
0x6fe: {  	v62 =	vld [tilespmem:$0x1FD20];
	_ =	sdelay $0x4  }
0x6ff: {  	v39 =	vmax.f32 v55, $0.0e+00  }
0x700: {  	v1 =	vmul.f32 v1, v39;
	_ =	sdelay $0x1  }
0x701: {  	[tilespmem:v62+s7+$0x0] =	vst.idx.msk $0xff, v1  }
0x702: {  	v16 =	vmul.f32 v48, v16;
	v25 =	vld [tilespmem:$0x1F990];
	_ =	sdelay $0x1  }
0x703: {  	v45 =	vmul.f32 v16, v44;
	_ =	sdelay $0x1  }
0x704: {  	[tilespmem:s15+$0x0] =	vst.add.f32.msk $0xffff, v45  }
0x705: {  	[tilespmem:v62+s8+$0x0] =	vst.idx.msk $0xff, v25  }
0x706: {  	v40 =	vld [tilespmem:$0x1F9A0]  }
0x707: {  	(xrf2) =	vadd.scan.msk.f32 $0xffff, v23;
	_ =	sdelay $0x3  }
0x708: {  	v12 =	vld [tilespmem:$0x1F9B0];
	v1 =	vmul.f32 v16, v40  }
0x709: {  	v45 =	vld [tilespmem:$0x1F9C0]  }
0x70a: {  	[tilespmem:s4+$0x0] =	vst.add.f32.msk $0xffff, v1  }
0x70b: {  	v1 =	vld [tilespmem:$0x1F9D0];
	_ =	sdelay $0x2  }
0x70c: {  	v48, _, _ =	vpop (xrf2)  }
0x70d: {  	v57 =	vadd.f32 $9.999999930e-09, v48;
	v48 =	vmul.f32 v16, v45  }
0x70e: {  	v1 =	vmul.f32 v16, v1  }
0x70f: {  	[tilespmem:s5+$0x0] =	vst.add.f32.msk $0xffff, v48  }
0x710: {  	v10 =	vadd.f32 $-1.000000000e+00, v10;
	[tilespmem:s6+$0x0] =	vst.add.f32.msk $0xffff, v1  }
0x711: {  	v17 =	vmax.f32 v51, $0.0e+00;
	v51 =	vperm.xlane v0, v50;
	v50 =	vld [tilespmem:$0x1FC90]  }
0x712: {  	v10 =	vmul.f32 v11, v10;
	vm12 =	vge.f32 v7, v17;
	vm13 =	vge.f32 v2, v17  }
0x713: {  	vm14 =	vge.f32 v4, v17;
	v7 =	vnsel vm12, $0x0, v7;
	v2 =	vnsel vm13, $0x0, v2  }
0x714: {  	v23 =	vpop (erf);
	v55 =	vadd.f32 v2, v7;
	v19 =	vmax.f32 v51, $0.0e+00;
	v51 =	vadd.f32 $-1.000000000e+00, v30  }
0x715: {  	v10 =	vmul.f32 v35, v10;
	v11 =	vpop (erf);
	vm15 =	vge.f32 v3, v17;
	v4 =	vnsel vm14, $0x0, v4  }
0x716: {  	v17 =	vpop (erf);
	v61 =	vadd.f32 v55, v4;
	v44 =	vmax.f32 v12, $0.0e+00;
	v1 =	vmul.f32 v36, v51  }
0x717: {  	v3 =	vnsel vm15, $0x0, v3;
	v60 =	vadd.f32 $1.000000000e+00, v17;
	v16 =	vmul.f32 v16, v44  }
0x718: {  	v24 =	vmin.f32 v19, $2.000000000e+01;
	v39 =	vadd.f32 v61, v3;
	v1 =	vmul.f32 v37, v1  }
0x719: {  	(erf) = vrcp.f32 v60;
	v55 =	vmul.f32 v10, v29;
	v8 =	vadd.f32 v24, v24;
	[tilespmem:v50+s7+$0x0] =	vst.idx.msk $0xff, v16  }
0x71a: {  	v63 =	vbroadcast v57, $0xF;
	(xrf2) =	vadd.scan.msk.f32 $0xffff, v39;
	v29 =	vmul.f32 v1, v43;
	v16 =	vld [tilespmem:$0x1F9E0]  }
0x71b: {  	v57 =	vmul.f32 v10, v31;
	v8 =	vmul.f32 $1.442695020e+00, v8;
	[tilespmem:s15+$0x0] =	vst.add.f32.msk $0xffff, v55  }
0x71c: {  	(erf) = vrcp.f32 v63;
	v30 =	vmul.f32 v1, v41;
	[tilespmem:s15+$0x0] =	vst.add.f32.msk $0xffff, v29  }
0x71d: {  	v60 =	vmul.f32 v10, v14;
	(erf) = vpow2.f32 v8;
	[tilespmem:s4+$0x0] =	vst.add.f32.msk $0xffff, v57  }
0x71e: {  	v36 =	vmul.f32 v1, v53;
	[tilespmem:s4+$0x0] =	vst.add.f32.msk $0xffff, v30  }
0x71f: {  	v13 =	vmul.f32 v10, v13;
	[tilespmem:s5+$0x0] =	vst.add.f32.msk $0xffff, v60  }
0x720: {  	v61 =	vmax.f32 v15, $0.0e+00;
	v39 =	vmul.f32 v1, v54;
	[tilespmem:s5+$0x0] =	vst.add.f32.msk $0xffff, v36  }
0x721: {  	v62 =	vmul.f32 v10, v61;
	[tilespmem:s6+$0x0] =	vst.add.f32.msk $0xffff, v13  }
0x722: {  	[tilespmem:s6+$0x0] =	vst.add.f32.msk $0xffff, v39  }
0x723: {  	v63 =	vpop (erf);
	[tilespmem:v49+s7+$0x0] =	vst.idx.msk $0xff, v62  }
0x724: {  	v31, _, _ =	vpop (xrf2);
	[tilespmem:v50+s8+$0x0] =	vst.idx.msk $0xff, v16  }
0x725: {  	v25 =	vpop (erf);
	[tilespmem:v49+s8+$0x0] =	vst.idx.msk $0xff, v42  }
0x726: {  	v37 =	vpop (erf);
	v15 =	vld [tilespmem:$0x1FC40]  }
0x727: {  	v40 =	vadd.f32 $1.000000000e+00, v37;
	v16 =	vadd.f32 $9.999999930e-09, v31  }
0x728: {  	v24 =	vadd.f32 $-1.000000000e+00, v22  }
0x729: {  	(erf) = vrcp.f32 v40;
	v41 =	vbroadcast v16, $0xF  }
0x72a: {  	v13 =	vmul.f32 v23, v24  }
0x72b: {  	v35 =	vmax.f32 v52, $0.0e+00;
	(erf) = vrcp.f32 v41  }
0x72c: {  	v1 =	vmul.f32 v1, v35;
	v11 =	vmul.f32 v11, v13;
	_ =	sdelay $0x1  }
0x72d: {  	v43 =	vadd.f32 $-1.000000000e+00, v17;
	v42 =	vmul.f32 v11, v9;
	[tilespmem:v15+s7+$0x0] =	vst.idx.msk $0xff, v1  }
0x72e: {  	v45 =	vmul.f32 v11, v59;
	v44 =	vld [tilespmem:$0x1F9F0]  }
0x72f: {  	v48 =	vmul.f32 v63, v43;
	v49 =	vmul.f32 v11, v58;
	[tilespmem:s15+$0x0] =	vst.add.f32.msk $0xffff, v42  }
0x730: {  	v53 =	vadd.f32 $-1.000000000e+00, v37;
	v51 =	vmul.f32 v11, v56;
	[tilespmem:s4+$0x0] =	vst.add.f32.msk $0xffff, v45  }
0x731: {  	v55 =	vpop (erf);
	v1 =	vmul.f32 v25, v48;
	[tilespmem:s5+$0x0] =	vst.add.f32.msk $0xffff, v49  }
0x732: {  	v56 =	vmul.f32 v55, v53;
	[tilespmem:s6+$0x0] =	vst.add.f32.msk $0xffff, v51  }
0x733: {  	v52 =	vmul.f32 v1, v33;
	v59 =	vpop (erf);
	[tilespmem:v15+s8+$0x0] =	vst.idx.msk $0xff, v44  }
0x734: {  	v54 =	vmul.f32 v1, v27;
	v60 =	vmul.f32 v59, v56;
	v10 =	vld [tilespmem:$0x1FD00]  }
0x735: {  	v57 =	vmul.f32 v1, v32;
	[tilespmem:s15+$0x0] =	vst.add.f32.msk $0xffff, v52  }
0x736: {  	v61 =	vmul.f32 v60, v7;
	[tilespmem:s4+$0x0] =	vst.add.f32.msk $0xffff, v54  }
0x737: {  	v58 =	vmul.f32 v1, v38;
	[tilespmem:s5+$0x0] =	vst.add.f32.msk $0xffff, v57  }
0x738: {  	v6 =	vmax.f32 v6, $0.0e+00;
	v2 =	vmul.f32 v60, v2;
	[tilespmem:s15+$0x0] =	vst.add.f32.msk $0xffff, v61  }
0x739: {  	v1 =	vmul.f32 v1, v6;
	[tilespmem:s6+$0x0] =	vst.add.f32.msk $0xffff, v58  }
0x73a: {  	v62 =	vmul.f32 v60, v4;
	[tilespmem:s4+$0x0] =	vst.add.f32.msk $0xffff, v2  }
0x73b: {  	[tilespmem:v47+s7+$0x0] =	vst.idx.msk $0xff, v1  }
0x73c: {  	v0 =	vmax.f32 v0, $0.0e+00;
	v63 =	vmul.f32 v60, v3;
	[tilespmem:s5+$0x0] =	vst.add.f32.msk $0xffff, v62  }
0x73d: {  	v0 =	vmul.f32 v60, v0;
	[tilespmem:v47+s8+$0x0] =	vst.idx.msk $0xff, v28  }
0x73e: {  	v50 =	vmax.f32 v26, $0.0e+00;
	[tilespmem:s6+$0x0] =	vst.add.f32.msk $0xffff, v63  }
0x73f: {  	v9 =	vmul.f32 v11, v50;
	[tilespmem:v34+s7+$0x0] =	vst.idx.msk $0xff, v0  }
0x740: {  	[tilespmem:v34+s8+$0x0] =	vst.idx.msk $0xff, v5  }
0x741: {  	[tilespmem:v10+s7+$0x0] =	vst.idx.msk $0xff, v9  }
0x742: {  	[tilespmem:v10+s8+$0x0] =	vst.idx.msk $0xff, v46  }
0x743: {  	s9 =	simm.s32 $0x1;
	s15 =	simm.s32 $0x0;
	s16 =	rddreg [dreg:$0xb]  }
0x744: {  	[hbm4b:s16+s15] =	stream.linear.scatter [tilespmem:s17], [sflag:$0x1], $0x400, $0x38;
	[tilespmem:$0xA100] =	vst v63  }
0x745: {  	_ =	swait.ge [sflag:s9], $0x400  }
0x746: {  	[sflag:s9] =	ssyncset.done $0x0  }
0x747: {  	s19 =	rddreg [dreg:$0xc];
	[sflag:s9] =	ssyncadd.s32 $0xFFFFFC00  }
0x748: {  	[hbm4b:s19+s15] =	stream.linear.scatter [tilespmem:s23], [sflag:$0x1], $0x400, $0x38;
	[tilespmem:$0xA100] =	vst v63  }
0x749: {  	_ =	swait.ge [sflag:s9], $0x400  }
0x74a: {  	[sflag:s9] =	ssyncset.done $0x0  }
0x74b: {  	s20 =	rddreg [dreg:$0xd];
	[sflag:s9] =	ssyncadd.s32 $0xFFFFFC00  }
0x74c: {  	[hbm4b:s20+s15] =	stream.linear.scatter [tilespmem:s0], [sflag:$0x1], $0x400, $0x38;
	[tilespmem:$0xA100] =	vst v63  }
0x74d: {  	_ =	swait.ge [sflag:s9], $0x400  }
0x74e: {  	[sflag:s9] =	ssyncset.done $0x0  }
0x74f: {  	s21 =	rddreg [dreg:$0xe];
	[sflag:s9] =	ssyncadd.s32 $0xFFFFFC00  }
0x750: {  	[hbm4b:s21+s15] =	stream.linear.scatter [tilespmem:s7], [sflag:$0x1], $0x400, $0x38;
	[tilespmem:$0xA100] =	vst v63  }
0x751: {  	_ =	swait.ge [sflag:s9], $0x400  }
0x752: {  	[sflag:s9] =	ssyncset.done $0x0  }
0x753: {  	s22 =	rddreg [dreg:$0xf];
	[sflag:s9] =	ssyncadd.s32 $0xFFFFFC00  }
0x754: {  	[hbm4b:s22+s15] =	stream.linear.scatter [tilespmem:s18], [sflag:$0x1], $0x400, $0x38;
	[tilespmem:$0xA100] =	vst v63  }
0x755: {  	_ =	swait.ge [sflag:s9], $0x400  }
0x756: {  	[sflag:s9] =	ssyncset.done $0x0  }
0x757: {  	s23 =	rddreg [dreg:$0x10];
	[sflag:s9] =	ssyncadd.s32 $0xFFFFFC00  }
0x758: {  	[hbm4b:s23+s15] =	stream.linear.scatter [tilespmem:s24], [sflag:$0x1], $0x400, $0x38;
	[tilespmem:$0xA100] =	vst v63  }
0x759: {  	_ =	swait.ge [sflag:s9], $0x400  }
0x75a: {  	[sflag:s9] =	ssyncset.done $0x0  }
0x75b: {  	s25 =	rddreg [dreg:$0x11];
	[sflag:s9] =	ssyncadd.s32 $0xFFFFFC00  }
0x75c: {  	[hbm4b:s25+s15] =	stream.linear.scatter [tilespmem:s3], [sflag:$0x1], $0x400, $0x38;
	[tilespmem:$0xA100] =	vst v63  }
0x75d: {  	_ =	swait.ge [sflag:s9], $0x400  }
0x75e: {  	[sflag:s9] =	ssyncset.done $0x0  }
0x75f: {  	s26 =	rddreg [dreg:$0x12];
	[sflag:s9] =	ssyncadd.s32 $0xFFFFFC00  }
0x760: {  	[hbm4b:s26+s15] =	stream.linear.scatter [tilespmem:s8], [sflag:$0x1], $0x400, $0x38;
	[tilespmem:$0xA100] =	vst v63  }
0x761: {  	_ =	swait.ge [sflag:s9], $0x400  }
0x762: {  	s29 =	simm.s32 $0x400;
	[sflag:s9] =	ssyncset.done $0x0  }
0x763: {  	s0 =	simm.s32 $0x80;
	s28 =	rddreg [dreg:$0x13];
	[sflag:s9] =	ssyncadd.s32 $0xFFFFFC00  }
0x764: {  	[hbm4b:s28+s0] =	stream.strided.scatter [tilespmem:s10], [sflag:$0x1], $0x100, s29, s0, $0x38;
	[tilespmem:$0xA100] =	vst v63  }
0x765: {  	_ =	swait.ge [sflag:s9], $0x100  }
0x766: {  	s30 =	rddreg [dreg:$0x15]  }
0x767: {  	s31 =	rddreg [dreg:$0x14];
	s1 =	sadd.s32 $0x1, s30  }
0x768: {  	p0 =	sne.s32 s1, s31  }
.Ltmp1:
0x769: {  	_ = 	snop;
	(pc) =	sbr.rel @p0 .LBB2_1-.Ltmp1, $3  }
0x76a: {  	_ =	sdelay $0x1  }
0x76b: {  	[sflag:s9] =	ssyncset.done $0x0  }
0x76c: {  	[sflag:s9] =	ssyncadd.s32 $0xFFFFFF00  }
0x76d: {  	_ =	sfence.sel $0x180000  }
0x76e: {  	[bflag:$0x0] =	sbarrier.arrive $0xFFFF  }
0x76f: {  	_ =	strace $0x90000047  }
0x770: {  	s0 =	stileid.u32;
	[bflag:$0x2] =	sbarrier.arrive $0xFFFF  }
0x771: {  	p0 =	sne.s32 s0, $0x0;
	s0 =	rddreg [dreg:$0x9]  }
0x772: {  	s0 =	sadd.s32 @!p0 $0x100000, s0  }
0x773: {  	[sflag:s0] =	ssyncadd.tile.s32 @!p0 $0x1;
	_ =	shalt  }
.Lfunc_end2:
_tile_overlayer_lowered:
.L_overlay_start_2:
0x774: {  	(tag) =	ssettag $0x2  }
0x775: {  	s0 =	rddreg [dreg:$0x0];
	s2 =	stileid.u32  }
0x776: {  	s1 =	rddreg [dreg:$0x1];
	p0 =	sne.s32 s2, $0x0  }
0x777: {  	s3 =	rddreg [dreg:$0x2];
	[bflag:$0x3] =	sbarrier.arrive $0xFFFF;
	s2 =	simm.s32 @!p0 $0x1C01  }
0x778: {  	[timem:s3], [sflag:s2] =	dma.local @!p0 [hbm:s0], s1  }
0x779: {  	s0 =	simm.s32 @!p0 $0x1  }
0x77a: {  	_ =	swait.ge @!p0 [sflag:s0], s1  }
0x77b: {  	s1 =	ssub.s32 @!p0 $0x0, s1;
	[sflag:s0] =	ssyncset.done @!p0 $0x0  }
0x77c: {  	[sflag:s0] =	ssyncadd.s32 @!p0 s1  }
0x77d: {  	[bflag:$0x3] =	sbarrier.arrive $0xFFFF  }
0x77e: {  	_ =	shalt  }

</sc_bundles>
